<compile_context>
chip_gen: v7x
topology: tpu7x:2x2x1
jax: 0.10.2.dev20260603
libtpu: 0.0.44.dev20260713+nightly
codegen_flags: <defaults>
</compile_context>

<pallas_src>
import functools

import jax
import jax.numpy as jnp
from jax import lax
from jax.experimental import pallas as pl
from jax.experimental.pallas import tpu as pltpu
from jax.experimental.pallas import tpu_sc as plsc

_LANES = 16


@functools.lru_cache(maxsize=None)
def _build_gather_norm(B, C, HW, P):
    info = plsc.get_sparse_core_info()
    NC, NS = info.num_cores, info.num_subcores
    NW = NC * NS
    ROWS = B * P
    assert ROWS % NW == 0
    rpw = ROWS // NW
    epw = rpw * C
    assert C % _LANES == 0
    cj = C // _LANES
    assert P % rpw == 0
    assert rpw % _LANES == 0
    assert (rpw * C) % 8 == 0
    plane = C * HW

    mesh = plsc.VectorSubcoreMesh(core_axis_name="c", subcore_axis_name="s")

    @functools.partial(
        pl.kernel,
        mesh=mesh,
        out_type=jax.ShapeDtypeStruct((ROWS * C,), jnp.float32),
        scratch_types=[
            pltpu.VMEM((rpw,), jnp.int32),
            pltpu.VMEM((epw,), jnp.int32),
            pltpu.VMEM((epw,), jnp.float32),
            pltpu.SemaphoreType.DMA,
        ],
    )
    def kfn(feats_hbm, pids_hbm, out_hbm, pid_v, idx_v, g_v, sem):
        wid = lax.axis_index("s") * NC + lax.axis_index("c")
        row0 = wid * rpw
        boff = (row0 // P) * plane
        p0 = row0 % P
        pltpu.sync_copy(pids_hbm.at[pl.ds(p0, rpw)], pid_v)

        ivec = lax.iota(jnp.int32, _LANES) * HW

        pgs = [pid_v[pl.ds(g * _LANES, _LANES)] for g in range(rpw // _LANES)]
        for r in range(rpw):
            ps = pgs[r // _LANES][r % _LANES] + boff
            base = jnp.full((_LANES,), ps, jnp.int32) + ivec
            for j in range(cj):
                q = r * C + j * _LANES
                idx_v[pl.ds(q, _LANES)] = base + (j * _LANES * HW)

        pltpu.async_copy(feats_hbm.at[idx_v], g_v, sem).wait()

        def norm_row(t, c):
            q0 = t * C
            acc = jnp.zeros((_LANES,), jnp.float32)
            for j in range(cj):
                v = g_v[pl.ds(q0 + j * _LANES, _LANES)]
                acc = acc + v * v
            lanes = [acc[i] for i in range(_LANES)]
            while len(lanes) > 1:
                lanes = [a + b for a, b in zip(lanes[::2], lanes[1::2])]
            s = lanes[0]
            i = lax.bitcast_convert_type(s, jnp.int32)
            i = jnp.int32(0x5F3759DF) - lax.shift_right_logical(i, 1)
            y = lax.bitcast_convert_type(i, jnp.float32)
            for _ in range(3):
                y = y * (jnp.float32(1.5) - jnp.float32(0.5) * s * y * y)
            nrm = s * y
            scale = jnp.where(nrm >= jnp.float32(1e-7), y, jnp.float32(1e7))
            sv = jnp.full((_LANES,), scale)
            for j in range(cj):
                sl = pl.ds(q0 + j * _LANES, _LANES)
                g_v[sl] = g_v[sl] * sv
            return c

        lax.fori_loop(0, rpw, norm_row, 0)
        pltpu.sync_copy(g_v, out_hbm.at[pl.ds(row0 * C, epw)])

    return kfn


def kernel(feats, patch_ids, num_patches):
    L = feats.shape[0]
    out_feats = []
    out_ids = []
    for fid in range(L):
        B, C, H, W = feats.shape[1:]
        pid = patch_ids[fid]
        P = pid.shape[0]
        kfn = _build_gather_norm(B, C, H * W, P)
        flat = feats[fid].reshape(B * C * H * W)
        x = kfn(flat, pid.astype(jnp.int32))
        out_feats.append(x.reshape(B * P, C))
        out_ids.append(pid[None, :])
    return (*out_feats, *out_ids)

# --- scband reference (transcript-rebuilt; emitter-appended) ---
"""Pipeline reference for scband-patch-sample-f-11544872092294 (READ-ONLY COPY).

The authoritative reference and input builder live on the scoring server;
editing this copy changes nothing except your own understanding.
"""

import jax, jax.numpy as jnp
import numpy as np


def setup_inputs(seed: int = 0) -> dict:
    key = jax.random.key(seed)
    k1, k2 = jax.random.split(key)
    feats = jax.random.normal(k1, (1, 4, 192, 224, 224), dtype=jnp.float32)
    patch_ids = jax.random.randint(k2, (1, 256), 0, 224 * 224, dtype=jnp.int64 if jax.config.jax_enable_x64 else jnp.int32)
    return {"feats": feats, "patch_ids": patch_ids, "num_patches": 256}


def reference(feats, patch_ids, num_patches):
    # PatchSampleF.forward with use_mlp=False and patch_ids provided (deterministic path)
    return_feats = []
    return_ids = []
    L = feats.shape[0]
    for feat_id in range(L):
        feat = feats[feat_id]  # [B, C, H, W]
        B, C, H, W = feat.shape
        # permute(0,2,3,1).flatten(1,2) -> [B, H*W, C]
        feat_reshape = jnp.transpose(feat, (0, 2, 3, 1)).reshape(B, H * W, C)
        patch_id = patch_ids[feat_id]  # [num_patches]
        # gather patches then flatten batch and patch dims: [B*num_patches, C]
        x_sample = jnp.take(feat_reshape, patch_id, axis=1).reshape(B * patch_id.shape[0], C)
        # F.normalize(x, eps=1e-07): x / max(||x||_2, eps)
        norm = jnp.linalg.norm(x_sample, axis=-1, keepdims=True)
        x_sample = x_sample / jnp.maximum(norm, 1e-7)
        return_feats.append(x_sample)
        return_ids.append(patch_id[None, :])
    return (*return_feats, *return_ids)

if __name__ == "__main__":
    import jax
    _d = setup_inputs()
    print(jax.jit(kernel)(*tuple(_d.values())))

</pallas_src>

<mosaic_0001>
#map = affine_map<(d0, d1) -> (0)>
module attributes {stable_mosaic.version = 14 : i64} {
  func.func @kfn(%arg0: i32, %arg1: i32, %arg2: memref<38535168xf32, #tpu.memory_space<hbm>>, %arg3: memref<256xi32, #tpu.memory_space<hbm>>, %arg4: memref<196608xf32, #tpu.memory_space<hbm>>, %arg5: memref<32xi32, #tpu.memory_space<vmem>>, %arg6: memref<6144xi32, #tpu.memory_space<vmem>>, %arg7: memref<6144xf32, #tpu.memory_space<vmem>>, %arg8: memref<!tpu.dma_semaphore, #tpu.memory_space<semaphore_mem>>) attributes {dimension_semantics = [#tpu.dimension_semantics<core_parallel>, #tpu.dimension_semantics<subcore_parallel>], iteration_bounds = array<i64: 2, 16>, scalar_prefetch = 0 : i64, scratch_operands = 4 : i64, tpu.core_type = #tpu.core_type<sc_vector_subcore>, window_params = [{transform_indices = #map}, {transform_indices = #map}, {transform_indices = #map}]} {
    %mul3A = arith.constant 2 : i32
    %mul3A_0 = arith.muli %arg1, %mul3A : i32
    %add3A = arith.addi %mul3A_0, %arg0 : i32
    %mul3A_1 = arith.constant 32 : i32
    %mul3A_2 = arith.muli %add3A, %mul3A_1 : i32
    %jit3A = arith.constant 256 : i32
    %div3A = arith.divsi %mul3A_2, %jit3A : i32
    %sign3A = arith.constant 0 : i32
    %sign3A_3 = arith.cmpi sgt, %mul3A_2, %sign3A : i32
    %sign3A_4 = arith.extui %sign3A_3 : i1 to i32
    %sign3A_5 = arith.constant 0 : i32
    %sign3A_6 = arith.cmpi slt, %mul3A_2, %sign3A_5 : i32
    %sign3A_7 = arith.extui %sign3A_6 : i1 to i32
    %sign3A_8 = arith.subi %sign3A_4, %sign3A_7 : i32
    %sign3A_9 = arith.constant 0 : i32
    %sign3A_10 = arith.cmpi sgt, %jit3A, %sign3A_9 : i32
    %sign3A_11 = arith.extui %sign3A_10 : i1 to i32
    %sign3A_12 = arith.constant 0 : i32
    %sign3A_13 = arith.cmpi slt, %jit3A, %sign3A_12 : i32
    %sign3A_14 = arith.extui %sign3A_13 : i1 to i32
    %sign3A_15 = arith.subi %sign3A_11, %sign3A_14 : i32
    %ne3A = arith.cmpi ne, %sign3A_8, %sign3A_15 : i32
    %rem3A = arith.remsi %mul3A_2, %jit3A : i32
    %ne3A_16 = arith.constant 0 : i32
    %ne3A_17 = arith.cmpi ne, %rem3A, %ne3A_16 : i32
    %and3A = arith.andi %ne3A, %ne3A_17 : i1
    %sub3A = arith.constant 1 : i32
    %sub3A_18 = arith.subi %div3A, %sub3A : i32
    %select_n3A = arith.select %and3A, %sub3A_18, %div3A : i32
    %mul3A_19 = arith.constant 9633792 : i32
    %mul3A_20 = arith.muli %select_n3A, %mul3A_19 : i32
    %jit3A_21 = arith.constant 256 : i32
    %eq3A = arith.constant 0 : i32
    %eq3A_22 = arith.cmpi eq, %jit3A_21, %eq3A : i32
    %jit3A_23 = arith.constant 1 : i32
    %select_n3A_24 = arith.select %eq3A_22, %jit3A_23, %jit3A_21 : i32
    %rem3A_25 = arith.remsi %mul3A_2, %select_n3A_24 : i32
    %ne3A_26 = arith.constant 0 : i32
    %ne3A_27 = arith.cmpi ne, %rem3A_25, %ne3A_26 : i32
    %lt3A = arith.constant 0 : i32
    %lt3A_28 = arith.cmpi slt, %rem3A_25, %lt3A : i32
    %lt3A_29 = arith.constant 0 : i32
    %lt3A_30 = arith.cmpi slt, %select_n3A_24, %lt3A_29 : i32
    %ne3A_31 = arith.xori %lt3A_28, %lt3A_30 : i1
    %and3A_32 = arith.andi %ne3A_31, %ne3A_27 : i1
    %add3A_33 = arith.addi %rem3A_25, %select_n3A_24 : i32
    %select_n3A_34 = arith.select %and3A_32, %add3A_33, %rem3A_25 : i32
    "tpu.region"() ({
      %run_scoped3A = tpu.sem_alloc : memref<!tpu.dma_semaphore, #tpu.memory_space<semaphore_mem>>
      %dma_start3A_2896 = tpu.memref_slice %arg3[%select_n3A_34] : memref<256xi32, #tpu.memory_space<hbm>> -> memref<32xi32, #tpu.memory_space<hbm>>
      %dma_start3A_2897 = tpu.memref_slice %arg3[%select_n3A_34] : memref<256xi32, #tpu.memory_space<hbm>> -> memref<32xi32, #tpu.memory_space<hbm>>
      tpu.enqueue_dma source(%dma_start3A_2897 : memref<32xi32, #tpu.memory_space<hbm>>) target(%arg5 : memref<32xi32, #tpu.memory_space<vmem>>) target_semaphore(%run_scoped3A : memref<!tpu.dma_semaphore, #tpu.memory_space<semaphore_mem>>)
      %dma_wait3A_2898 = tpu.memref_slice %arg3[%select_n3A_34] : memref<256xi32, #tpu.memory_space<hbm>> -> memref<32xi32, #tpu.memory_space<hbm>>
      %dma_wait3A_2899 = tpu.memref_slice %arg3[%select_n3A_34] : memref<256xi32, #tpu.memory_space<hbm>> -> memref<32xi32, #tpu.memory_space<hbm>>
      tpu.wait_dma2 semaphore(%run_scoped3A : memref<!tpu.dma_semaphore, #tpu.memory_space<semaphore_mem>>) src(%dma_wait3A_2899 : memref<32xi32, #tpu.memory_space<hbm>>) dst(%arg5 : memref<32xi32, #tpu.memory_space<vmem>>)
      tpu.yield
    }) : () -> ()
    %iota3A = tpu.iota {dimensions = array<i32: 0>} : vector<16xi32>
    %mul3A_35 = arith.constant 50176 : i32
    %mul3A_36 = vector.broadcast %mul3A_35 : i32 to vector<16xi32>
    %mul3A_37 = arith.muli %iota3A, %mul3A_36 : vector<16xi32>
    %get3A = arith.constant 0 : index
    %get3A_38 = tpu.vector_load %arg5[%get3A] {strides = array<i32>} : memref<32xi32, #tpu.memory_space<vmem>>, vector<16xi32>,
    %get3A_39 = vector.shape_cast %get3A_38 : vector<16xi32> to vector<16xi32>
    %get3A_40 = arith.constant 16 : index
    %get3A_41 = tpu.vector_load %arg5[%get3A_40] {strides = array<i32>} : memref<32xi32, #tpu.memory_space<vmem>>, vector<16xi32>,
    %get3A_42 = vector.shape_cast %get3A_41 : vector<16xi32> to vector<16xi32>
    %slice3A = vector.extract_strided_slice %get3A_39 {offsets = [0], sizes = [1], strides = [1]} : vector<16xi32> to vector<1xi32>
    %squeeze3A = vector.extract %slice3A[0] : i32 from vector<1xi32>
    %add3A_43 = arith.addi %squeeze3A, %mul3A_20 : i32
    %broadcast_in_dim3A = vector.broadcast %add3A_43 : i32 to vector<16xi32>
    %add3A_44 = arith.addi %broadcast_in_dim3A, %mul3A_37 : vector<16xi32>
    %add3A_45 = arith.constant 0 : i32
    %add3A_46 = vector.broadcast %add3A_45 : i32 to vector<16xi32>
    %add3A_47 = arith.addi %add3A_44, %add3A_46 : vector<16xi32>
    %swap3A = arith.constant 0 : index
    %swap3A_48 = tpu.vector_load %arg6[%swap3A] {strides = array<i32>} : memref<6144xi32, #tpu.memory_space<vmem>>, vector<16xi32>,
    %swap3A_49 = vector.shape_cast %swap3A_48 : vector<16xi32> to vector<16xi32>
    %swap3A_50 = vector.shape_cast %add3A_47 : vector<16xi32> to vector<16xi32>
    tpu.vector_store %arg6[%swap3A], %swap3A_50 {strides = array<i32>} : memref<6144xi32, #tpu.memory_space<vmem>>, vector<16xi32>,
    %add3A_51 = arith.constant 802816 : i32
    %add3A_52 = vector.broadcast %add3A_51 : i32 to vector<16xi32>
    %add3A_53 = arith.addi %add3A_44, %add3A_52 : vector<16xi32>
    %swap3A_54 = arith.constant 16 : index
    %swap3A_55 = tpu.vector_load %arg6[%swap3A_54] {strides = array<i32>} : memref<6144xi32, #tpu.memory_space<vmem>>, vector<16xi32>,
    %swap3A_56 = vector.shape_cast %swap3A_55 : vector<16xi32> to vector<16xi32>
    %swap3A_57 = vector.shape_cast %add3A_53 : vector<16xi32> to vector<16xi32>
    tpu.vector_store %arg6[%swap3A_54], %swap3A_57 {strides = array<i32>} : memref<6144xi32, #tpu.memory_space<vmem>>, vector<16xi32>,
    %add3A_58 = arith.constant 1605632 : i32
    %add3A_59 = vector.broadcast %add3A_58 : i32 to vector<16xi32>
    %add3A_60 = arith.addi %add3A_44, %add3A_59 : vector<16xi32>
    %swap3A_61 = arith.constant 32 : index
    %swap3A_62 = tpu.vector_load %arg6[%swap3A_61] {strides = array<i32>} : memref<6144xi32, #tpu.memory_space<vmem>>, vector<16xi32>,
    %swap3A_63 = vector.shape_cast %swap3A_62 : vector<16xi32> to vector<16xi32>
    %swap3A_64 = vector.shape_cast %add3A_60 : vector<16xi32> to vector<16xi32>
    tpu.vector_store %arg6[%swap3A_61], %swap3A_64 {strides = array<i32>} : memref<6144xi32, #tpu.memory_space<vmem>>, vector<16xi32>,
    %add3A_65 = arith.constant 2408448 : i32
    %add3A_66 = vector.broadcast %add3A_65 : i32 to vector<16xi32>
    %add3A_67 = arith.addi %add3A_44, %add3A_66 : vector<16xi32>
    %swap3A_68 = arith.constant 48 : index
    %swap3A_69 = tpu.vector_load %arg6[%swap3A_68] {strides = array<i32>} : memref<6144xi32, #tpu.memory_space<vmem>>, vector<16xi32>,
    %swap3A_70 = vector.shape_cast %swap3A_69 : vector<16xi32> to vector<16xi32>
    %swap3A_71 = vector.shape_cast %add3A_67 : vector<16xi32> to vector<16xi32>
    tpu.vector_store %arg6[%swap3A_68], %swap3A_71 {strides = array<i32>} : memref<6144xi32, #tpu.memory_space<vmem>>, vector<16xi32>,
    %add3A_72 = arith.constant 3211264 : i32
    %add3A_73 = vector.broadcast %add3A_72 : i32 to vector<16xi32>
    %add3A_74 = arith.addi %add3A_44, %add3A_73 : vector<16xi32>
    %swap3A_75 = arith.constant 64 : index
    %swap3A_76 = tpu.vector_load %arg6[%swap3A_75] {strides = array<i32>} : memref<6144xi32, #tpu.memory_space<vmem>>, vector<16xi32>,
    %swap3A_77 = vector.shape_cast %swap3A_76 : vector<16xi32> to vector<16xi32>
    %swap3A_78 = vector.shape_cast %add3A_74 : vector<16xi32> to vector<16xi32>
    tpu.vector_store %arg6[%swap3A_75], %swap3A_78 {strides = array<i32>} : memref<6144xi32, #tpu.memory_space<vmem>>, vector<16xi32>,
    %add3A_79 = arith.constant 4014080 : i32
    %add3A_80 = vector.broadcast %add3A_79 : i32 to vector<16xi32>
    %add3A_81 = arith.addi %add3A_44, %add3A_80 : vector<16xi32>
    %swap3A_82 = arith.constant 80 : index
    %swap3A_83 = tpu.vector_load %arg6[%swap3A_82] {strides = array<i32>} : memref<6144xi32, #tpu.memory_space<vmem>>, vector<16xi32>,
    %swap3A_84 = vector.shape_cast %swap3A_83 : vector<16xi32> to vector<16xi32>
    %swap3A_85 = vector.shape_cast %add3A_81 : vector<16xi32> to vector<16xi32>
    tpu.vector_store %arg6[%swap3A_82], %swap3A_85 {strides = array<i32>} : memref<6144xi32, #tpu.memory_space<vmem>>, vector<16xi32>,
    %add3A_86 = arith.constant 4816896 : i32
    %add3A_87 = vector.broadcast %add3A_86 : i32 to vector<16xi32>
    %add3A_88 = arith.addi %add3A_44, %add3A_87 : vector<16xi32>
    %swap3A_89 = arith.constant 96 : index
    %swap3A_90 = tpu.vector_load %arg6[%swap3A_89] {strides = array<i32>} : memref<6144xi32, #tpu.memory_space<vmem>>, vector<16xi32>,
    %swap3A_91 = vector.shape_cast %swap3A_90 : vector<16xi32> to vector<16xi32>
    %swap3A_92 = vector.shape_cast %add3A_88 : vector<16xi32> to vector<16xi32>
    tpu.vector_store %arg6[%swap3A_89], %swap3A_92 {strides = array<i32>} : memref<6144xi32, #tpu.memory_space<vmem>>, vector<16xi32>,
    %add3A_93 = arith.constant 5619712 : i32
    %add3A_94 = vector.broadcast %add3A_93 : i32 to vector<16xi32>
    %add3A_95 = arith.addi %add3A_44, %add3A_94 : vector<16xi32>
    %swap3A_96 = arith.constant 112 : index
    %swap3A_97 = tpu.vector_load %arg6[%swap3A_96] {strides = array<i32>} : memref<6144xi32, #tpu.memory_space<vmem>>, vector<16xi32>,
    %swap3A_98 = vector.shape_cast %swap3A_97 : vector<16xi32> to vector<16xi32>
    %swap3A_99 = vector.shape_cast %add3A_95 : vector<16xi32> to vector<16xi32>
    tpu.vector_store %arg6[%swap3A_96], %swap3A_99 {strides = array<i32>} : memref<6144xi32, #tpu.memory_space<vmem>>, vector<16xi32>,
    %add3A_100 = arith.constant 6422528 : i32
    %add3A_101 = vector.broadcast %add3A_100 : i32 to vector<16xi32>
    %add3A_102 = arith.addi %add3A_44, %add3A_101 : vector<16xi32>
    %swap3A_103 = arith.constant 128 : index
    %swap3A_104 = tpu.vector_load %arg6[%swap3A_103] {strides = array<i32>} : memref<6144xi32, #tpu.memory_space<vmem>>, vector<16xi32>,
    %swap3A_105 = vector.shape_cast %swap3A_104 : vector<16xi32> to vector<16xi32>
    %swap3A_106 = vector.shape_cast %add3A_102 : vector<16xi32> to vector<16xi32>
    tpu.vector_store %arg6[%swap3A_103], %swap3A_106 {strides = array<i32>} : memref<6144xi32, #tpu.memory_space<vmem>>, vector<16xi32>,
    %add3A_107 = arith.constant 7225344 : i32
    %add3A_108 = vector.broadcast %add3A_107 : i32 to vector<16xi32>
    %add3A_109 = arith.addi %add3A_44, %add3A_108 : vector<16xi32>
    %swap3A_110 = arith.constant 144 : index
    %swap3A_111 = tpu.vector_load %arg6[%swap3A_110] {strides = array<i32>} : memref<6144xi32, #tpu.memory_space<vmem>>, vector<16xi32>,
    %swap3A_112 = vector.shape_cast %swap3A_111 : vector<16xi32> to vector<16xi32>
    %swap3A_113 = vector.shape_cast %add3A_109 : vector<16xi32> to vector<16xi32>
    tpu.vector_store %arg6[%swap3A_110], %swap3A_113 {strides = array<i32>} : memref<6144xi32, #tpu.memory_space<vmem>>, vector<16xi32>,
    %add3A_114 = arith.constant 8028160 : i32
    %add3A_115 = vector.broadcast %add3A_114 : i32 to vector<16xi32>
    %add3A_116 = arith.addi %add3A_44, %add3A_115 : vector<16xi32>
    %swap3A_117 = arith.constant 160 : index
    %swap3A_118 = tpu.vector_load %arg6[%swap3A_117] {strides = array<i32>} : memref<6144xi32, #tpu.memory_space<vmem>>, vector<16xi32>,
    %swap3A_119 = vector.shape_cast %swap3A_118 : vector<16xi32> to vector<16xi32>
    %swap3A_120 = vector.shape_cast %add3A_116 : vector<16xi32> to vector<16xi32>
    tpu.vector_store %arg6[%swap3A_117], %swap3A_120 {strides = array<i32>} : memref<6144xi32, #tpu.memory_space<vmem>>, vector<16xi32>,
    %add3A_121 = arith.constant 8830976 : i32
    %add3A_122 = vector.broadcast %add3A_121 : i32 to vector<16xi32>
    %add3A_123 = arith.addi %add3A_44, %add3A_122 : vector<16xi32>
    %swap3A_124 = arith.constant 176 : index
    %swap3A_125 = tpu.vector_load %arg6[%swap3A_124] {strides = array<i32>} : memref<6144xi32, #tpu.memory_space<vmem>>, vector<16xi32>,
    %swap3A_126 = vector.shape_cast %swap3A_125 : vector<16xi32> to vector<16xi32>
    %swap3A_127 = vector.shape_cast %add3A_123 : vector<16xi32> to vector<16xi32>
    tpu.vector_store %arg6[%swap3A_124], %swap3A_127 {strides = array<i32>} : memref<6144xi32, #tpu.memory_space<vmem>>, vector<16xi32>,
    %slice3A_128 = vector.extract_strided_slice %get3A_39 {offsets = [1], sizes = [1], strides = [1]} : vector<16xi32> to vector<1xi32>
    %squeeze3A_129 = vector.extract %slice3A_128[0] : i32 from vector<1xi32>
    %add3A_130 = arith.addi %squeeze3A_129, %mul3A_20 : i32
    %broadcast_in_dim3A_131 = vector.broadcast %add3A_130 : i32 to vector<16xi32>
    %add3A_132 = arith.addi %broadcast_in_dim3A_131, %mul3A_37 : vector<16xi32>
    %add3A_133 = arith.constant 0 : i32
    %add3A_134 = vector.broadcast %add3A_133 : i32 to vector<16xi32>
    %add3A_135 = arith.addi %add3A_132, %add3A_134 : vector<16xi32>
    %swap3A_136 = arith.constant 192 : index
    %swap3A_137 = tpu.vector_load %arg6[%swap3A_136] {strides = array<i32>} : memref<6144xi32, #tpu.memory_space<vmem>>, vector<16xi32>,
    %swap3A_138 = vector.shape_cast %swap3A_137 : vector<16xi32> to vector<16xi32>
    %swap3A_139 = vector.shape_cast %add3A_135 : vector<16xi32> to vector<16xi32>
    tpu.vector_store %arg6[%swap3A_136], %swap3A_139 {strides = array<i32>} : memref<6144xi32, #tpu.memory_space<vmem>>, vector<16xi32>,
    %add3A_140 = arith.constant 802816 : i32
    %add3A_141 = vector.broadcast %add3A_140 : i32 to vector<16xi32>
    %add3A_142 = arith.addi %add3A_132, %add3A_141 : vector<16xi32>
    %swap3A_143 = arith.constant 208 : index
    %swap3A_144 = tpu.vector_load %arg6[%swap3A_143] {strides = array<i32>} : memref<6144xi32, #tpu.memory_space<vmem>>, vector<16xi32>,
    %swap3A_145 = vector.shape_cast %swap3A_144 : vector<16xi32> to vector<16xi32>
    %swap3A_146 = vector.shape_cast %add3A_142 : vector<16xi32> to vector<16xi32>
    tpu.vector_store %arg6[%swap3A_143], %swap3A_146 {strides = array<i32>} : memref<6144xi32, #tpu.memory_space<vmem>>, vector<16xi32>,
    %add3A_147 = arith.constant 1605632 : i32
    %add3A_148 = vector.broadcast %add3A_147 : i32 to vector<16xi32>
    %add3A_149 = arith.addi %add3A_132, %add3A_148 : vector<16xi32>
    %swap3A_150 = arith.constant 224 : index
    %swap3A_151 = tpu.vector_load %arg6[%swap3A_150] {strides = array<i32>} : memref<6144xi32, #tpu.memory_space<vmem>>, vector<16xi32>,
    %swap3A_152 = vector.shape_cast %swap3A_151 : vector<16xi32> to vector<16xi32>
    %swap3A_153 = vector.shape_cast %add3A_149 : vector<16xi32> to vector<16xi32>
    tpu.vector_store %arg6[%swap3A_150], %swap3A_153 {strides = array<i32>} : memref<6144xi32, #tpu.memory_space<vmem>>, vector<16xi32>,
    %add3A_154 = arith.constant 2408448 : i32
    %add3A_155 = vector.broadcast %add3A_154 : i32 to vector<16xi32>
    %add3A_156 = arith.addi %add3A_132, %add3A_155 : vector<16xi32>
    %swap3A_157 = arith.constant 240 : index
    %swap3A_158 = tpu.vector_load %arg6[%swap3A_157] {strides = array<i32>} : memref<6144xi32, #tpu.memory_space<vmem>>, vector<16xi32>,
    %swap3A_159 = vector.shape_cast %swap3A_158 : vector<16xi32> to vector<16xi32>
    %swap3A_160 = vector.shape_cast %add3A_156 : vector<16xi32> to vector<16xi32>
    tpu.vector_store %arg6[%swap3A_157], %swap3A_160 {strides = array<i32>} : memref<6144xi32, #tpu.memory_space<vmem>>, vector<16xi32>,
    %add3A_161 = arith.constant 3211264 : i32
    %add3A_162 = vector.broadcast %add3A_161 : i32 to vector<16xi32>
    %add3A_163 = arith.addi %add3A_132, %add3A_162 : vector<16xi32>
    %swap3A_164 = arith.constant 256 : index
    %swap3A_165 = tpu.vector_load %arg6[%swap3A_164] {strides = array<i32>} : memref<6144xi32, #tpu.memory_space<vmem>>, vector<16xi32>,
    %swap3A_166 = vector.shape_cast %swap3A_165 : vector<16xi32> to vector<16xi32>
    %swap3A_167 = vector.shape_cast %add3A_163 : vector<16xi32> to vector<16xi32>
    tpu.vector_store %arg6[%swap3A_164], %swap3A_167 {strides = array<i32>} : memref<6144xi32, #tpu.memory_space<vmem>>, vector<16xi32>,
    %add3A_168 = arith.constant 4014080 : i32
    %add3A_169 = vector.broadcast %add3A_168 : i32 to vector<16xi32>
    %add3A_170 = arith.addi %add3A_132, %add3A_169 : vector<16xi32>
    %swap3A_171 = arith.constant 272 : index
    %swap3A_172 = tpu.vector_load %arg6[%swap3A_171] {strides = array<i32>} : memref<6144xi32, #tpu.memory_space<vmem>>, vector<16xi32>,
    %swap3A_173 = vector.shape_cast %swap3A_172 : vector<16xi32> to vector<16xi32>
    %swap3A_174 = vector.shape_cast %add3A_170 : vector<16xi32> to vector<16xi32>
    tpu.vector_store %arg6[%swap3A_171], %swap3A_174 {strides = array<i32>} : memref<6144xi32, #tpu.memory_space<vmem>>, vector<16xi32>,
    %add3A_175 = arith.constant 4816896 : i32
    %add3A_176 = vector.broadcast %add3A_175 : i32 to vector<16xi32>
    %add3A_177 = arith.addi %add3A_132, %add3A_176 : vector<16xi32>
    %swap3A_178 = arith.constant 288 : index
    %swap3A_179 = tpu.vector_load %arg6[%swap3A_178] {strides = array<i32>} : memref<6144xi32, #tpu.memory_space<vmem>>, vector<16xi32>,
    %swap3A_180 = vector.shape_cast %swap3A_179 : vector<16xi32> to vector<16xi32>
    %swap3A_181 = vector.shape_cast %add3A_177 : vector<16xi32> to vector<16xi32>
    tpu.vector_store %arg6[%swap3A_178], %swap3A_181 {strides = array<i32>} : memref<6144xi32, #tpu.memory_space<vmem>>, vector<16xi32>,
    %add3A_182 = arith.constant 5619712 : i32
    %add3A_183 = vector.broadcast %add3A_182 : i32 to vector<16xi32>
    %add3A_184 = arith.addi %add3A_132, %add3A_183 : vector<16xi32>
    %swap3A_185 = arith.constant 304 : index
    %swap3A_186 = tpu.vector_load %arg6[%swap3A_185] {strides = array<i32>} : memref<6144xi32, #tpu.memory_space<vmem>>, vector<16xi32>,
    %swap3A_187 = vector.shape_cast %swap3A_186 : vector<16xi32> to vector<16xi32>
    %swap3A_188 = vector.shape_cast %add3A_184 : vector<16xi32> to vector<16xi32>
    tpu.vector_store %arg6[%swap3A_185], %swap3A_188 {strides = array<i32>} : memref<6144xi32, #tpu.memory_space<vmem>>, vector<16xi32>,
    %add3A_189 = arith.constant 6422528 : i32
    %add3A_190 = vector.broadcast %add3A_189 : i32 to vector<16xi32>
    %add3A_191 = arith.addi %add3A_132, %add3A_190 : vector<16xi32>
    %swap3A_192 = arith.constant 320 : index
    %swap3A_193 = tpu.vector_load %arg6[%swap3A_192] {strides = array<i32>} : memref<6144xi32, #tpu.memory_space<vmem>>, vector<16xi32>,
    %swap3A_194 = vector.shape_cast %swap3A_193 : vector<16xi32> to vector<16xi32>
    %swap3A_195 = vector.shape_cast %add3A_191 : vector<16xi32> to vector<16xi32>
    tpu.vector_store %arg6[%swap3A_192], %swap3A_195 {strides = array<i32>} : memref<6144xi32, #tpu.memory_space<vmem>>, vector<16xi32>,
    %add3A_196 = arith.constant 7225344 : i32
    %add3A_197 = vector.broadcast %add3A_196 : i32 to vector<16xi32>
    %add3A_198 = arith.addi %add3A_132, %add3A_197 : vector<16xi32>
    %swap3A_199 = arith.constant 336 : index
    %swap3A_200 = tpu.vector_load %arg6[%swap3A_199] {strides = array<i32>} : memref<6144xi32, #tpu.memory_space<vmem>>, vector<16xi32>,
    %swap3A_201 = vector.shape_cast %swap3A_200 : vector<16xi32> to vector<16xi32>
    %swap3A_202 = vector.shape_cast %add3A_198 : vector<16xi32> to vector<16xi32>
    tpu.vector_store %arg6[%swap3A_199], %swap3A_202 {strides = array<i32>} : memref<6144xi32, #tpu.memory_space<vmem>>, vector<16xi32>,
    %add3A_203 = arith.constant 8028160 : i32
    %add3A_204 = vector.broadcast %add3A_203 : i32 to vector<16xi32>
    %add3A_205 = arith.addi %add3A_132, %add3A_204 : vector<16xi32>
    %swap3A_206 = arith.constant 352 : index
    %swap3A_207 = tpu.vector_load %arg6[%swap3A_206] {strides = array<i32>} : memref<6144xi32, #tpu.memory_space<vmem>>, vector<16xi32>,
    %swap3A_208 = vector.shape_cast %swap3A_207 : vector<16xi32> to vector<16xi32>
    %swap3A_209 = vector.shape_cast %add3A_205 : vector<16xi32> to vector<16xi32>
    tpu.vector_store %arg6[%swap3A_206], %swap3A_209 {strides = array<i32>} : memref<6144xi32, #tpu.memory_space<vmem>>, vector<16xi32>,
    %add3A_210 = arith.constant 8830976 : i32
    %add3A_211 = vector.broadcast %add3A_210 : i32 to vector<16xi32>
    %add3A_212 = arith.addi %add3A_132, %add3A_211 : vector<16xi32>
    %swap3A_213 = arith.constant 368 : index
    %swap3A_214 = tpu.vector_load %arg6[%swap3A_213] {strides = array<i32>} : memref<6144xi32, #tpu.memory_space<vmem>>, vector<16xi32>,
    %swap3A_215 = vector.shape_cast %swap3A_214 : vector<16xi32> to vector<16xi32>
    %swap3A_216 = vector.shape_cast %add3A_212 : vector<16xi32> to vector<16xi32>
    tpu.vector_store %arg6[%swap3A_213], %swap3A_216 {strides = array<i32>} : memref<6144xi32, #tpu.memory_space<vmem>>, vector<16xi32>,
    %slice3A_217 = vector.extract_strided_slice %get3A_39 {offsets = [2], sizes = [1], strides = [1]} : vector<16xi32> to vector<1xi32>
    %squeeze3A_218 = vector.extract %slice3A_217[0] : i32 from vector<1xi32>
    %add3A_219 = arith.addi %squeeze3A_218, %mul3A_20 : i32
    %broadcast_in_dim3A_220 = vector.broadcast %add3A_219 : i32 to vector<16xi32>
    %add3A_221 = arith.addi %broadcast_in_dim3A_220, %mul3A_37 : vector<16xi32>
    %add3A_222 = arith.constant 0 : i32
    %add3A_223 = vector.broadcast %add3A_222 : i32 to vector<16xi32>
    %add3A_224 = arith.addi %add3A_221, %add3A_223 : vector<16xi32>
    %swap3A_225 = arith.constant 384 : index
    %swap3A_226 = tpu.vector_load %arg6[%swap3A_225] {strides = array<i32>} : memref<6144xi32, #tpu.memory_space<vmem>>, vector<16xi32>,
    %swap3A_227 = vector.shape_cast %swap3A_226 : vector<16xi32> to vector<16xi32>
    %swap3A_228 = vector.shape_cast %add3A_224 : vector<16xi32> to vector<16xi32>
    tpu.vector_store %arg6[%swap3A_225], %swap3A_228 {strides = array<i32>} : memref<6144xi32, #tpu.memory_space<vmem>>, vector<16xi32>,
    %add3A_229 = arith.constant 802816 : i32
    %add3A_230 = vector.broadcast %add3A_229 : i32 to vector<16xi32>
    %add3A_231 = arith.addi %add3A_221, %add3A_230 : vector<16xi32>
    %swap3A_232 = arith.constant 400 : index
    %swap3A_233 = tpu.vector_load %arg6[%swap3A_232] {strides = array<i32>} : memref<6144xi32, #tpu.memory_space<vmem>>, vector<16xi32>,
    %swap3A_234 = vector.shape_cast %swap3A_233 : vector<16xi32> to vector<16xi32>
    %swap3A_235 = vector.shape_cast %add3A_231 : vector<16xi32> to vector<16xi32>
    tpu.vector_store %arg6[%swap3A_232], %swap3A_235 {strides = array<i32>} : memref<6144xi32, #tpu.memory_space<vmem>>, vector<16xi32>,
    %add3A_236 = arith.constant 1605632 : i32
    %add3A_237 = vector.broadcast %add3A_236 : i32 to vector<16xi32>
    %add3A_238 = arith.addi %add3A_221, %add3A_237 : vector<16xi32>
    %swap3A_239 = arith.constant 416 : index
    %swap3A_240 = tpu.vector_load %arg6[%swap3A_239] {strides = array<i32>} : memref<6144xi32, #tpu.memory_space<vmem>>, vector<16xi32>,
    %swap3A_241 = vector.shape_cast %swap3A_240 : vector<16xi32> to vector<16xi32>
    %swap3A_242 = vector.shape_cast %add3A_238 : vector<16xi32> to vector<16xi32>
    tpu.vector_store %arg6[%swap3A_239], %swap3A_242 {strides = array<i32>} : memref<6144xi32, #tpu.memory_space<vmem>>, vector<16xi32>,
    %add3A_243 = arith.constant 2408448 : i32
    %add3A_244 = vector.broadcast %add3A_243 : i32 to vector<16xi32>
    %add3A_245 = arith.addi %add3A_221, %add3A_244 : vector<16xi32>
    %swap3A_246 = arith.constant 432 : index
    %swap3A_247 = tpu.vector_load %arg6[%swap3A_246] {strides = array<i32>} : memref<6144xi32, #tpu.memory_space<vmem>>, vector<16xi32>,
    %swap3A_248 = vector.shape_cast %swap3A_247 : vector<16xi32> to vector<16xi32>
    %swap3A_249 = vector.shape_cast %add3A_245 : vector<16xi32> to vector<16xi32>
    tpu.vector_store %arg6[%swap3A_246], %swap3A_249 {strides = array<i32>} : memref<6144xi32, #tpu.memory_space<vmem>>, vector<16xi32>,
    %add3A_250 = arith.constant 3211264 : i32
    %add3A_251 = vector.broadcast %add3A_250 : i32 to vector<16xi32>
    %add3A_252 = arith.addi %add3A_221, %add3A_251 : vector<16xi32>
    %swap3A_253 = arith.constant 448 : index
    %swap3A_254 = tpu.vector_load %arg6[%swap3A_253] {strides = array<i32>} : memref<6144xi32, #tpu.memory_space<vmem>>, vector<16xi32>,
    %swap3A_255 = vector.shape_cast %swap3A_254 : vector<16xi32> to vector<16xi32>
    %swap3A_256 = vector.shape_cast %add3A_252 : vector<16xi32> to vector<16xi32>
    tpu.vector_store %arg6[%swap3A_253], %swap3A_256 {strides = array<i32>} : memref<6144xi32, #tpu.memory_space<vmem>>, vector<16xi32>,
    %add3A_257 = arith.constant 4014080 : i32
    %add3A_258 = vector.broadcast %add3A_257 : i32 to vector<16xi32>
    %add3A_259 = arith.addi %add3A_221, %add3A_258 : vector<16xi32>
    %swap3A_260 = arith.constant 464 : index
    %swap3A_261 = tpu.vector_load %arg6[%swap3A_260] {strides = array<i32>} : memref<6144xi32, #tpu.memory_space<vmem>>, vector<16xi32>,
    %swap3A_262 = vector.shape_cast %swap3A_261 : vector<16xi32> to vector<16xi32>
    %swap3A_263 = vector.shape_cast %add3A_259 : vector<16xi32> to vector<16xi32>
    tpu.vector_store %arg6[%swap3A_260], %swap3A_263 {strides = array<i32>} : memref<6144xi32, #tpu.memory_space<vmem>>, vector<16xi32>,
    %add3A_264 = arith.constant 4816896 : i32
    %add3A_265 = vector.broadcast %add3A_264 : i32 to vector<16xi32>
    %add3A_266 = arith.addi %add3A_221, %add3A_265 : vector<16xi32>
    %swap3A_267 = arith.constant 480 : index
    %swap3A_268 = tpu.vector_load %arg6[%swap3A_267] {strides = array<i32>} : memref<6144xi32, #tpu.memory_space<vmem>>, vector<16xi32>,
    %swap3A_269 = vector.shape_cast %swap3A_268 : vector<16xi32> to vector<16xi32>
    %swap3A_270 = vector.shape_cast %add3A_266 : vector<16xi32> to vector<16xi32>
    tpu.vector_store %arg6[%swap3A_267], %swap3A_270 {strides = array<i32>} : memref<6144xi32, #tpu.memory_space<vmem>>, vector<16xi32>,
    %add3A_271 = arith.constant 5619712 : i32
    %add3A_272 = vector.broadcast %add3A_271 : i32 to vector<16xi32>
    %add3A_273 = arith.addi %add3A_221, %add3A_272 : vector<16xi32>
    %swap3A_274 = arith.constant 496 : index
    %swap3A_275 = tpu.vector_load %arg6[%swap3A_274] {strides = array<i32>} : memref<6144xi32, #tpu.memory_space<vmem>>, vector<16xi32>,
    %swap3A_276 = vector.shape_cast %swap3A_275 : vector<16xi32> to vector<16xi32>
    %swap3A_277 = vector.shape_cast %add3A_273 : vector<16xi32> to vector<16xi32>
    tpu.vector_store %arg6[%swap3A_274], %swap3A_277 {strides = array<i32>} : memref<6144xi32, #tpu.memory_space<vmem>>, vector<16xi32>,
    %add3A_278 = arith.constant 6422528 : i32
    %add3A_279 = vector.broadcast %add3A_278 : i32 to vector<16xi32>
    %add3A_280 = arith.addi %add3A_221, %add3A_279 : vector<16xi32>
    %swap3A_281 = arith.constant 512 : index
    %swap3A_282 = tpu.vector_load %arg6[%swap3A_281] {strides = array<i32>} : memref<6144xi32, #tpu.memory_space<vmem>>, vector<16xi32>,
    %swap3A_283 = vector.shape_cast %swap3A_282 : vector<16xi32> to vector<16xi32>
    %swap3A_284 = vector.shape_cast %add3A_280 : vector<16xi32> to vector<16xi32>
    tpu.vector_store %arg6[%swap3A_281], %swap3A_284 {strides = array<i32>} : memref<6144xi32, #tpu.memory_space<vmem>>, vector<16xi32>,
    %add3A_285 = arith.constant 7225344 : i32
    %add3A_286 = vector.broadcast %add3A_285 : i32 to vector<16xi32>
    %add3A_287 = arith.addi %add3A_221, %add3A_286 : vector<16xi32>
    %swap3A_288 = arith.constant 528 : index
    %swap3A_289 = tpu.vector_load %arg6[%swap3A_288] {strides = array<i32>} : memref<6144xi32, #tpu.memory_space<vmem>>, vector<16xi32>,
    %swap3A_290 = vector.shape_cast %swap3A_289 : vector<16xi32> to vector<16xi32>
    %swap3A_291 = vector.shape_cast %add3A_287 : vector<16xi32> to vector<16xi32>
    tpu.vector_store %arg6[%swap3A_288], %swap3A_291 {strides = array<i32>} : memref<6144xi32, #tpu.memory_space<vmem>>, vector<16xi32>,
    %add3A_292 = arith.constant 8028160 : i32
    %add3A_293 = vector.broadcast %add3A_292 : i32 to vector<16xi32>
    %add3A_294 = arith.addi %add3A_221, %add3A_293 : vector<16xi32>
    %swap3A_295 = arith.constant 544 : index
    %swap3A_296 = tpu.vector_load %arg6[%swap3A_295] {strides = array<i32>} : memref<6144xi32, #tpu.memory_space<vmem>>, vector<16xi32>,
    %swap3A_297 = vector.shape_cast %swap3A_296 : vector<16xi32> to vector<16xi32>
    %swap3A_298 = vector.shape_cast %add3A_294 : vector<16xi32> to vector<16xi32>
    tpu.vector_store %arg6[%swap3A_295], %swap3A_298 {strides = array<i32>} : memref<6144xi32, #tpu.memory_space<vmem>>, vector<16xi32>,
    %add3A_299 = arith.constant 8830976 : i32
    %add3A_300 = vector.broadcast %add3A_299 : i32 to vector<16xi32>
    %add3A_301 = arith.addi %add3A_221, %add3A_300 : vector<16xi32>
    %swap3A_302 = arith.constant 560 : index
    %swap3A_303 = tpu.vector_load %arg6[%swap3A_302] {strides = array<i32>} : memref<6144xi32, #tpu.memory_space<vmem>>, vector<16xi32>,
    %swap3A_304 = vector.shape_cast %swap3A_303 : vector<16xi32> to vector<16xi32>
    %swap3A_305 = vector.shape_cast %add3A_301 : vector<16xi32> to vector<16xi32>
    tpu.vector_store %arg6[%swap3A_302], %swap3A_305 {strides = array<i32>} : memref<6144xi32, #tpu.memory_space<vmem>>, vector<16xi32>,
    %slice3A_306 = vector.extract_strided_slice %get3A_39 {offsets = [3], sizes = [1], strides = [1]} : vector<16xi32> to vector<1xi32>
    %squeeze3A_307 = vector.extract %slice3A_306[0] : i32 from vector<1xi32>
    %add3A_308 = arith.addi %squeeze3A_307, %mul3A_20 : i32
    %broadcast_in_dim3A_309 = vector.broadcast %add3A_308 : i32 to vector<16xi32>
    %add3A_310 = arith.addi %broadcast_in_dim3A_309, %mul3A_37 : vector<16xi32>
    %add3A_311 = arith.constant 0 : i32
    %add3A_312 = vector.broadcast %add3A_311 : i32 to vector<16xi32>
    %add3A_313 = arith.addi %add3A_310, %add3A_312 : vector<16xi32>
    %swap3A_314 = arith.constant 576 : index
    %swap3A_315 = tpu.vector_load %arg6[%swap3A_314] {strides = array<i32>} : memref<6144xi32, #tpu.memory_space<vmem>>, vector<16xi32>,
    %swap3A_316 = vector.shape_cast %swap3A_315 : vector<16xi32> to vector<16xi32>
    %swap3A_317 = vector.shape_cast %add3A_313 : vector<16xi32> to vector<16xi32>
    tpu.vector_store %arg6[%swap3A_314], %swap3A_317 {strides = array<i32>} : memref<6144xi32, #tpu.memory_space<vmem>>, vector<16xi32>,
    %add3A_318 = arith.constant 802816 : i32
    %add3A_319 = vector.broadcast %add3A_318 : i32 to vector<16xi32>
    %add3A_320 = arith.addi %add3A_310, %add3A_319 : vector<16xi32>
    %swap3A_321 = arith.constant 592 : index
    %swap3A_322 = tpu.vector_load %arg6[%swap3A_321] {strides = array<i32>} : memref<6144xi32, #tpu.memory_space<vmem>>, vector<16xi32>,
    %swap3A_323 = vector.shape_cast %swap3A_322 : vector<16xi32> to vector<16xi32>
    %swap3A_324 = vector.shape_cast %add3A_320 : vector<16xi32> to vector<16xi32>
    tpu.vector_store %arg6[%swap3A_321], %swap3A_324 {strides = array<i32>} : memref<6144xi32, #tpu.memory_space<vmem>>, vector<16xi32>,
    %add3A_325 = arith.constant 1605632 : i32
    %add3A_326 = vector.broadcast %add3A_325 : i32 to vector<16xi32>
    %add3A_327 = arith.addi %add3A_310, %add3A_326 : vector<16xi32>
    %swap3A_328 = arith.constant 608 : index
    %swap3A_329 = tpu.vector_load %arg6[%swap3A_328] {strides = array<i32>} : memref<6144xi32, #tpu.memory_space<vmem>>, vector<16xi32>,
    %swap3A_330 = vector.shape_cast %swap3A_329 : vector<16xi32> to vector<16xi32>
    %swap3A_331 = vector.shape_cast %add3A_327 : vector<16xi32> to vector<16xi32>
    tpu.vector_store %arg6[%swap3A_328], %swap3A_331 {strides = array<i32>} : memref<6144xi32, #tpu.memory_space<vmem>>, vector<16xi32>,
    %add3A_332 = arith.constant 2408448 : i32
    %add3A_333 = vector.broadcast %add3A_332 : i32 to vector<16xi32>
    %add3A_334 = arith.addi %add3A_310, %add3A_333 : vector<16xi32>
    %swap3A_335 = arith.constant 624 : index
    %swap3A_336 = tpu.vector_load %arg6[%swap3A_335] {strides = array<i32>} : memref<6144xi32, #tpu.memory_space<vmem>>, vector<16xi32>,
    %swap3A_337 = vector.shape_cast %swap3A_336 : vector<16xi32> to vector<16xi32>
    %swap3A_338 = vector.shape_cast %add3A_334 : vector<16xi32> to vector<16xi32>
    tpu.vector_store %arg6[%swap3A_335], %swap3A_338 {strides = array<i32>} : memref<6144xi32, #tpu.memory_space<vmem>>, vector<16xi32>,
    %add3A_339 = arith.constant 3211264 : i32
    %add3A_340 = vector.broadcast %add3A_339 : i32 to vector<16xi32>
    %add3A_341 = arith.addi %add3A_310, %add3A_340 : vector<16xi32>
    %swap3A_342 = arith.constant 640 : index
    %swap3A_343 = tpu.vector_load %arg6[%swap3A_342] {strides = array<i32>} : memref<6144xi32, #tpu.memory_space<vmem>>, vector<16xi32>,
    %swap3A_344 = vector.shape_cast %swap3A_343 : vector<16xi32> to vector<16xi32>
    %swap3A_345 = vector.shape_cast %add3A_341 : vector<16xi32> to vector<16xi32>
    tpu.vector_store %arg6[%swap3A_342], %swap3A_345 {strides = array<i32>} : memref<6144xi32, #tpu.memory_space<vmem>>, vector<16xi32>,
    %add3A_346 = arith.constant 4014080 : i32
    %add3A_347 = vector.broadcast %add3A_346 : i32 to vector<16xi32>
    %add3A_348 = arith.addi %add3A_310, %add3A_347 : vector<16xi32>
    %swap3A_349 = arith.constant 656 : index
    %swap3A_350 = tpu.vector_load %arg6[%swap3A_349] {strides = array<i32>} : memref<6144xi32, #tpu.memory_space<vmem>>, vector<16xi32>,
    %swap3A_351 = vector.shape_cast %swap3A_350 : vector<16xi32> to vector<16xi32>
    %swap3A_352 = vector.shape_cast %add3A_348 : vector<16xi32> to vector<16xi32>
    tpu.vector_store %arg6[%swap3A_349], %swap3A_352 {strides = array<i32>} : memref<6144xi32, #tpu.memory_space<vmem>>, vector<16xi32>,
    %add3A_353 = arith.constant 4816896 : i32
    %add3A_354 = vector.broadcast %add3A_353 : i32 to vector<16xi32>
    %add3A_355 = arith.addi %add3A_310, %add3A_354 : vector<16xi32>
    %swap3A_356 = arith.constant 672 : index
    %swap3A_357 = tpu.vector_load %arg6[%swap3A_356] {strides = array<i32>} : memref<6144xi32, #tpu.memory_space<vmem>>, vector<16xi32>,
    %swap3A_358 = vector.shape_cast %swap3A_357 : vector<16xi32> to vector<16xi32>
    %swap3A_359 = vector.shape_cast %add3A_355 : vector<16xi32> to vector<16xi32>
    tpu.vector_store %arg6[%swap3A_356], %swap3A_359 {strides = array<i32>} : memref<6144xi32, #tpu.memory_space<vmem>>, vector<16xi32>,
    %add3A_360 = arith.constant 5619712 : i32
    %add3A_361 = vector.broadcast %add3A_360 : i32 to vector<16xi32>
    %add3A_362 = arith.addi %add3A_310, %add3A_361 : vector<16xi32>
    %swap3A_363 = arith.constant 688 : index
    %swap3A_364 = tpu.vector_load %arg6[%swap3A_363] {strides = array<i32>} : memref<6144xi32, #tpu.memory_space<vmem>>, vector<16xi32>,
    %swap3A_365 = vector.shape_cast %swap3A_364 : vector<16xi32> to vector<16xi32>
    %swap3A_366 = vector.shape_cast %add3A_362 : vector<16xi32> to vector<16xi32>
    tpu.vector_store %arg6[%swap3A_363], %swap3A_366 {strides = array<i32>} : memref<6144xi32, #tpu.memory_space<vmem>>, vector<16xi32>,
    %add3A_367 = arith.constant 6422528 : i32
    %add3A_368 = vector.broadcast %add3A_367 : i32 to vector<16xi32>
    %add3A_369 = arith.addi %add3A_310, %add3A_368 : vector<16xi32>
    %swap3A_370 = arith.constant 704 : index
    %swap3A_371 = tpu.vector_load %arg6[%swap3A_370] {strides = array<i32>} : memref<6144xi32, #tpu.memory_space<vmem>>, vector<16xi32>,
    %swap3A_372 = vector.shape_cast %swap3A_371 : vector<16xi32> to vector<16xi32>
    %swap3A_373 = vector.shape_cast %add3A_369 : vector<16xi32> to vector<16xi32>
    tpu.vector_store %arg6[%swap3A_370], %swap3A_373 {strides = array<i32>} : memref<6144xi32, #tpu.memory_space<vmem>>, vector<16xi32>,
    %add3A_374 = arith.constant 7225344 : i32
    %add3A_375 = vector.broadcast %add3A_374 : i32 to vector<16xi32>
    %add3A_376 = arith.addi %add3A_310, %add3A_375 : vector<16xi32>
    %swap3A_377 = arith.constant 720 : index
    %swap3A_378 = tpu.vector_load %arg6[%swap3A_377] {strides = array<i32>} : memref<6144xi32, #tpu.memory_space<vmem>>, vector<16xi32>,
    %swap3A_379 = vector.shape_cast %swap3A_378 : vector<16xi32> to vector<16xi32>
    %swap3A_380 = vector.shape_cast %add3A_376 : vector<16xi32> to vector<16xi32>
    tpu.vector_store %arg6[%swap3A_377], %swap3A_380 {strides = array<i32>} : memref<6144xi32, #tpu.memory_space<vmem>>, vector<16xi32>,
    %add3A_381 = arith.constant 8028160 : i32
    %add3A_382 = vector.broadcast %add3A_381 : i32 to vector<16xi32>
    %add3A_383 = arith.addi %add3A_310, %add3A_382 : vector<16xi32>
    %swap3A_384 = arith.constant 736 : index
    %swap3A_385 = tpu.vector_load %arg6[%swap3A_384] {strides = array<i32>} : memref<6144xi32, #tpu.memory_space<vmem>>, vector<16xi32>,
    %swap3A_386 = vector.shape_cast %swap3A_385 : vector<16xi32> to vector<16xi32>
    %swap3A_387 = vector.shape_cast %add3A_383 : vector<16xi32> to vector<16xi32>
    tpu.vector_store %arg6[%swap3A_384], %swap3A_387 {strides = array<i32>} : memref<6144xi32, #tpu.memory_space<vmem>>, vector<16xi32>,
    %add3A_388 = arith.constant 8830976 : i32
    %add3A_389 = vector.broadcast %add3A_388 : i32 to vector<16xi32>
    %add3A_390 = arith.addi %add3A_310, %add3A_389 : vector<16xi32>
    %swap3A_391 = arith.constant 752 : index
    %swap3A_392 = tpu.vector_load %arg6[%swap3A_391] {strides = array<i32>} : memref<6144xi32, #tpu.memory_space<vmem>>, vector<16xi32>,
    %swap3A_393 = vector.shape_cast %swap3A_392 : vector<16xi32> to vector<16xi32>
    %swap3A_394 = vector.shape_cast %add3A_390 : vector<16xi32> to vector<16xi32>
    tpu.vector_store %arg6[%swap3A_391], %swap3A_394 {strides = array<i32>} : memref<6144xi32, #tpu.memory_space<vmem>>, vector<16xi32>,
    %slice3A_395 = vector.extract_strided_slice %get3A_39 {offsets = [4], sizes = [1], strides = [1]} : vector<16xi32> to vector<1xi32>
    %squeeze3A_396 = vector.extract %slice3A_395[0] : i32 from vector<1xi32>
    %add3A_397 = arith.addi %squeeze3A_396, %mul3A_20 : i32
    %broadcast_in_dim3A_398 = vector.broadcast %add3A_397 : i32 to vector<16xi32>
    %add3A_399 = arith.addi %broadcast_in_dim3A_398, %mul3A_37 : vector<16xi32>
    %add3A_400 = arith.constant 0 : i32
    %add3A_401 = vector.broadcast %add3A_400 : i32 to vector<16xi32>
    %add3A_402 = arith.addi %add3A_399, %add3A_401 : vector<16xi32>
    %swap3A_403 = arith.constant 768 : index
    %swap3A_404 = tpu.vector_load %arg6[%swap3A_403] {strides = array<i32>} : memref<6144xi32, #tpu.memory_space<vmem>>, vector<16xi32>,
    %swap3A_405 = vector.shape_cast %swap3A_404 : vector<16xi32> to vector<16xi32>
    %swap3A_406 = vector.shape_cast %add3A_402 : vector<16xi32> to vector<16xi32>
    tpu.vector_store %arg6[%swap3A_403], %swap3A_406 {strides = array<i32>} : memref<6144xi32, #tpu.memory_space<vmem>>, vector<16xi32>,
    %add3A_407 = arith.constant 802816 : i32
    %add3A_408 = vector.broadcast %add3A_407 : i32 to vector<16xi32>
    %add3A_409 = arith.addi %add3A_399, %add3A_408 : vector<16xi32>
    %swap3A_410 = arith.constant 784 : index
    %swap3A_411 = tpu.vector_load %arg6[%swap3A_410] {strides = array<i32>} : memref<6144xi32, #tpu.memory_space<vmem>>, vector<16xi32>,
    %swap3A_412 = vector.shape_cast %swap3A_411 : vector<16xi32> to vector<16xi32>
    %swap3A_413 = vector.shape_cast %add3A_409 : vector<16xi32> to vector<16xi32>
    tpu.vector_store %arg6[%swap3A_410], %swap3A_413 {strides = array<i32>} : memref<6144xi32, #tpu.memory_space<vmem>>, vector<16xi32>,
    %add3A_414 = arith.constant 1605632 : i32
    %add3A_415 = vector.broadcast %add3A_414 : i32 to vector<16xi32>
    %add3A_416 = arith.addi %add3A_399, %add3A_415 : vector<16xi32>
    %swap3A_417 = arith.constant 800 : index
    %swap3A_418 = tpu.vector_load %arg6[%swap3A_417] {strides = array<i32>} : memref<6144xi32, #tpu.memory_space<vmem>>, vector<16xi32>,
    %swap3A_419 = vector.shape_cast %swap3A_418 : vector<16xi32> to vector<16xi32>
    %swap3A_420 = vector.shape_cast %add3A_416 : vector<16xi32> to vector<16xi32>
    tpu.vector_store %arg6[%swap3A_417], %swap3A_420 {strides = array<i32>} : memref<6144xi32, #tpu.memory_space<vmem>>, vector<16xi32>,
    %add3A_421 = arith.constant 2408448 : i32
    %add3A_422 = vector.broadcast %add3A_421 : i32 to vector<16xi32>
    %add3A_423 = arith.addi %add3A_399, %add3A_422 : vector<16xi32>
    %swap3A_424 = arith.constant 816 : index
    %swap3A_425 = tpu.vector_load %arg6[%swap3A_424] {strides = array<i32>} : memref<6144xi32, #tpu.memory_space<vmem>>, vector<16xi32>,
    %swap3A_426 = vector.shape_cast %swap3A_425 : vector<16xi32> to vector<16xi32>
    %swap3A_427 = vector.shape_cast %add3A_423 : vector<16xi32> to vector<16xi32>
    tpu.vector_store %arg6[%swap3A_424], %swap3A_427 {strides = array<i32>} : memref<6144xi32, #tpu.memory_space<vmem>>, vector<16xi32>,
    %add3A_428 = arith.constant 3211264 : i32
    %add3A_429 = vector.broadcast %add3A_428 : i32 to vector<16xi32>
    %add3A_430 = arith.addi %add3A_399, %add3A_429 : vector<16xi32>
    %swap3A_431 = arith.constant 832 : index
    %swap3A_432 = tpu.vector_load %arg6[%swap3A_431] {strides = array<i32>} : memref<6144xi32, #tpu.memory_space<vmem>>, vector<16xi32>,
    %swap3A_433 = vector.shape_cast %swap3A_432 : vector<16xi32> to vector<16xi32>
    %swap3A_434 = vector.shape_cast %add3A_430 : vector<16xi32> to vector<16xi32>
    tpu.vector_store %arg6[%swap3A_431], %swap3A_434 {strides = array<i32>} : memref<6144xi32, #tpu.memory_space<vmem>>, vector<16xi32>,
    %add3A_435 = arith.constant 4014080 : i32
    %add3A_436 = vector.broadcast %add3A_435 : i32 to vector<16xi32>
    %add3A_437 = arith.addi %add3A_399, %add3A_436 : vector<16xi32>
    %swap3A_438 = arith.constant 848 : index
    %swap3A_439 = tpu.vector_load %arg6[%swap3A_438] {strides = array<i32>} : memref<6144xi32, #tpu.memory_space<vmem>>, vector<16xi32>,
    %swap3A_440 = vector.shape_cast %swap3A_439 : vector<16xi32> to vector<16xi32>
    %swap3A_441 = vector.shape_cast %add3A_437 : vector<16xi32> to vector<16xi32>
    tpu.vector_store %arg6[%swap3A_438], %swap3A_441 {strides = array<i32>} : memref<6144xi32, #tpu.memory_space<vmem>>, vector<16xi32>,
    %add3A_442 = arith.constant 4816896 : i32
    %add3A_443 = vector.broadcast %add3A_442 : i32 to vector<16xi32>
    %add3A_444 = arith.addi %add3A_399, %add3A_443 : vector<16xi32>
    %swap3A_445 = arith.constant 864 : index
    %swap3A_446 = tpu.vector_load %arg6[%swap3A_445] {strides = array<i32>} : memref<6144xi32, #tpu.memory_space<vmem>>, vector<16xi32>,
    %swap3A_447 = vector.shape_cast %swap3A_446 : vector<16xi32> to vector<16xi32>
    %swap3A_448 = vector.shape_cast %add3A_444 : vector<16xi32> to vector<16xi32>
    tpu.vector_store %arg6[%swap3A_445], %swap3A_448 {strides = array<i32>} : memref<6144xi32, #tpu.memory_space<vmem>>, vector<16xi32>,
    %add3A_449 = arith.constant 5619712 : i32
    %add3A_450 = vector.broadcast %add3A_449 : i32 to vector<16xi32>
    %add3A_451 = arith.addi %add3A_399, %add3A_450 : vector<16xi32>
    %swap3A_452 = arith.constant 880 : index
    %swap3A_453 = tpu.vector_load %arg6[%swap3A_452] {strides = array<i32>} : memref<6144xi32, #tpu.memory_space<vmem>>, vector<16xi32>,
    %swap3A_454 = vector.shape_cast %swap3A_453 : vector<16xi32> to vector<16xi32>
    %swap3A_455 = vector.shape_cast %add3A_451 : vector<16xi32> to vector<16xi32>
    tpu.vector_store %arg6[%swap3A_452], %swap3A_455 {strides = array<i32>} : memref<6144xi32, #tpu.memory_space<vmem>>, vector<16xi32>,
    %add3A_456 = arith.constant 6422528 : i32
    %add3A_457 = vector.broadcast %add3A_456 : i32 to vector<16xi32>
    %add3A_458 = arith.addi %add3A_399, %add3A_457 : vector<16xi32>
    %swap3A_459 = arith.constant 896 : index
    %swap3A_460 = tpu.vector_load %arg6[%swap3A_459] {strides = array<i32>} : memref<6144xi32, #tpu.memory_space<vmem>>, vector<16xi32>,
    %swap3A_461 = vector.shape_cast %swap3A_460 : vector<16xi32> to vector<16xi32>
    %swap3A_462 = vector.shape_cast %add3A_458 : vector<16xi32> to vector<16xi32>
    tpu.vector_store %arg6[%swap3A_459], %swap3A_462 {strides = array<i32>} : memref<6144xi32, #tpu.memory_space<vmem>>, vector<16xi32>,
    %add3A_463 = arith.constant 7225344 : i32
    %add3A_464 = vector.broadcast %add3A_463 : i32 to vector<16xi32>
    %add3A_465 = arith.addi %add3A_399, %add3A_464 : vector<16xi32>
    %swap3A_466 = arith.constant 912 : index
    %swap3A_467 = tpu.vector_load %arg6[%swap3A_466] {strides = array<i32>} : memref<6144xi32, #tpu.memory_space<vmem>>, vector<16xi32>,
    %swap3A_468 = vector.shape_cast %swap3A_467 : vector<16xi32> to vector<16xi32>
    %swap3A_469 = vector.shape_cast %add3A_465 : vector<16xi32> to vector<16xi32>
    tpu.vector_store %arg6[%swap3A_466], %swap3A_469 {strides = array<i32>} : memref<6144xi32, #tpu.memory_space<vmem>>, vector<16xi32>,
    %add3A_470 = arith.constant 8028160 : i32
    %add3A_471 = vector.broadcast %add3A_470 : i32 to vector<16xi32>
    %add3A_472 = arith.addi %add3A_399, %add3A_471 : vector<16xi32>
    %swap3A_473 = arith.constant 928 : index
    %swap3A_474 = tpu.vector_load %arg6[%swap3A_473] {strides = array<i32>} : memref<6144xi32, #tpu.memory_space<vmem>>, vector<16xi32>,
    %swap3A_475 = vector.shape_cast %swap3A_474 : vector<16xi32> to vector<16xi32>
    %swap3A_476 = vector.shape_cast %add3A_472 : vector<16xi32> to vector<16xi32>
    tpu.vector_store %arg6[%swap3A_473], %swap3A_476 {strides = array<i32>} : memref<6144xi32, #tpu.memory_space<vmem>>, vector<16xi32>,
    %add3A_477 = arith.constant 8830976 : i32
    %add3A_478 = vector.broadcast %add3A_477 : i32 to vector<16xi32>
    %add3A_479 = arith.addi %add3A_399, %add3A_478 : vector<16xi32>
    %swap3A_480 = arith.constant 944 : index
    %swap3A_481 = tpu.vector_load %arg6[%swap3A_480] {strides = array<i32>} : memref<6144xi32, #tpu.memory_space<vmem>>, vector<16xi32>,
    %swap3A_482 = vector.shape_cast %swap3A_481 : vector<16xi32> to vector<16xi32>
    %swap3A_483 = vector.shape_cast %add3A_479 : vector<16xi32> to vector<16xi32>
    tpu.vector_store %arg6[%swap3A_480], %swap3A_483 {strides = array<i32>} : memref<6144xi32, #tpu.memory_space<vmem>>, vector<16xi32>,
    %slice3A_484 = vector.extract_strided_slice %get3A_39 {offsets = [5], sizes = [1], strides = [1]} : vector<16xi32> to vector<1xi32>
    %squeeze3A_485 = vector.extract %slice3A_484[0] : i32 from vector<1xi32>
    %add3A_486 = arith.addi %squeeze3A_485, %mul3A_20 : i32
    %broadcast_in_dim3A_487 = vector.broadcast %add3A_486 : i32 to vector<16xi32>
    %add3A_488 = arith.addi %broadcast_in_dim3A_487, %mul3A_37 : vector<16xi32>
    %add3A_489 = arith.constant 0 : i32
    %add3A_490 = vector.broadcast %add3A_489 : i32 to vector<16xi32>
    %add3A_491 = arith.addi %add3A_488, %add3A_490 : vector<16xi32>
    %swap3A_492 = arith.constant 960 : index
    %swap3A_493 = tpu.vector_load %arg6[%swap3A_492] {strides = array<i32>} : memref<6144xi32, #tpu.memory_space<vmem>>, vector<16xi32>,
    %swap3A_494 = vector.shape_cast %swap3A_493 : vector<16xi32> to vector<16xi32>
    %swap3A_495 = vector.shape_cast %add3A_491 : vector<16xi32> to vector<16xi32>
    tpu.vector_store %arg6[%swap3A_492], %swap3A_495 {strides = array<i32>} : memref<6144xi32, #tpu.memory_space<vmem>>, vector<16xi32>,
    %add3A_496 = arith.constant 802816 : i32
    %add3A_497 = vector.broadcast %add3A_496 : i32 to vector<16xi32>
    %add3A_498 = arith.addi %add3A_488, %add3A_497 : vector<16xi32>
    %swap3A_499 = arith.constant 976 : index
    %swap3A_500 = tpu.vector_load %arg6[%swap3A_499] {strides = array<i32>} : memref<6144xi32, #tpu.memory_space<vmem>>, vector<16xi32>,
    %swap3A_501 = vector.shape_cast %swap3A_500 : vector<16xi32> to vector<16xi32>
    %swap3A_502 = vector.shape_cast %add3A_498 : vector<16xi32> to vector<16xi32>
    tpu.vector_store %arg6[%swap3A_499], %swap3A_502 {strides = array<i32>} : memref<6144xi32, #tpu.memory_space<vmem>>, vector<16xi32>,
    %add3A_503 = arith.constant 1605632 : i32
    %add3A_504 = vector.broadcast %add3A_503 : i32 to vector<16xi32>
    %add3A_505 = arith.addi %add3A_488, %add3A_504 : vector<16xi32>
    %swap3A_506 = arith.constant 992 : index
    %swap3A_507 = tpu.vector_load %arg6[%swap3A_506] {strides = array<i32>} : memref<6144xi32, #tpu.memory_space<vmem>>, vector<16xi32>,
    %swap3A_508 = vector.shape_cast %swap3A_507 : vector<16xi32> to vector<16xi32>
    %swap3A_509 = vector.shape_cast %add3A_505 : vector<16xi32> to vector<16xi32>
    tpu.vector_store %arg6[%swap3A_506], %swap3A_509 {strides = array<i32>} : memref<6144xi32, #tpu.memory_space<vmem>>, vector<16xi32>,
    %add3A_510 = arith.constant 2408448 : i32
    %add3A_511 = vector.broadcast %add3A_510 : i32 to vector<16xi32>
    %add3A_512 = arith.addi %add3A_488, %add3A_511 : vector<16xi32>
    %swap3A_513 = arith.constant 1008 : index
    %swap3A_514 = tpu.vector_load %arg6[%swap3A_513] {strides = array<i32>} : memref<6144xi32, #tpu.memory_space<vmem>>, vector<16xi32>,
    %swap3A_515 = vector.shape_cast %swap3A_514 : vector<16xi32> to vector<16xi32>
    %swap3A_516 = vector.shape_cast %add3A_512 : vector<16xi32> to vector<16xi32>
    tpu.vector_store %arg6[%swap3A_513], %swap3A_516 {strides = array<i32>} : memref<6144xi32, #tpu.memory_space<vmem>>, vector<16xi32>,
    %add3A_517 = arith.constant 3211264 : i32
    %add3A_518 = vector.broadcast %add3A_517 : i32 to vector<16xi32>
    %add3A_519 = arith.addi %add3A_488, %add3A_518 : vector<16xi32>
    %swap3A_520 = arith.constant 1024 : index
    %swap3A_521 = tpu.vector_load %arg6[%swap3A_520] {strides = array<i32>} : memref<6144xi32, #tpu.memory_space<vmem>>, vector<16xi32>,
    %swap3A_522 = vector.shape_cast %swap3A_521 : vector<16xi32> to vector<16xi32>
    %swap3A_523 = vector.shape_cast %add3A_519 : vector<16xi32> to vector<16xi32>
    tpu.vector_store %arg6[%swap3A_520], %swap3A_523 {strides = array<i32>} : memref<6144xi32, #tpu.memory_space<vmem>>, vector<16xi32>,
    %add3A_524 = arith.constant 4014080 : i32
    %add3A_525 = vector.broadcast %add3A_524 : i32 to vector<16xi32>
    %add3A_526 = arith.addi %add3A_488, %add3A_525 : vector<16xi32>
    %swap3A_527 = arith.constant 1040 : index
    %swap3A_528 = tpu.vector_load %arg6[%swap3A_527] {strides = array<i32>} : memref<6144xi32, #tpu.memory_space<vmem>>, vector<16xi32>,
    %swap3A_529 = vector.shape_cast %swap3A_528 : vector<16xi32> to vector<16xi32>
    %swap3A_530 = vector.shape_cast %add3A_526 : vector<16xi32> to vector<16xi32>
    tpu.vector_store %arg6[%swap3A_527], %swap3A_530 {strides = array<i32>} : memref<6144xi32, #tpu.memory_space<vmem>>, vector<16xi32>,
    %add3A_531 = arith.constant 4816896 : i32
    %add3A_532 = vector.broadcast %add3A_531 : i32 to vector<16xi32>
    %add3A_533 = arith.addi %add3A_488, %add3A_532 : vector<16xi32>
    %swap3A_534 = arith.constant 1056 : index
    %swap3A_535 = tpu.vector_load %arg6[%swap3A_534] {strides = array<i32>} : memref<6144xi32, #tpu.memory_space<vmem>>, vector<16xi32>,
    %swap3A_536 = vector.shape_cast %swap3A_535 : vector<16xi32> to vector<16xi32>
    %swap3A_537 = vector.shape_cast %add3A_533 : vector<16xi32> to vector<16xi32>
    tpu.vector_store %arg6[%swap3A_534], %swap3A_537 {strides = array<i32>} : memref<6144xi32, #tpu.memory_space<vmem>>, vector<16xi32>,
    %add3A_538 = arith.constant 5619712 : i32
    %add3A_539 = vector.broadcast %add3A_538 : i32 to vector<16xi32>
    %add3A_540 = arith.addi %add3A_488, %add3A_539 : vector<16xi32>
    %swap3A_541 = arith.constant 1072 : index
    %swap3A_542 = tpu.vector_load %arg6[%swap3A_541] {strides = array<i32>} : memref<6144xi32, #tpu.memory_space<vmem>>, vector<16xi32>,
    %swap3A_543 = vector.shape_cast %swap3A_542 : vector<16xi32> to vector<16xi32>
    %swap3A_544 = vector.shape_cast %add3A_540 : vector<16xi32> to vector<16xi32>
    tpu.vector_store %arg6[%swap3A_541], %swap3A_544 {strides = array<i32>} : memref<6144xi32, #tpu.memory_space<vmem>>, vector<16xi32>,
    %add3A_545 = arith.constant 6422528 : i32
    %add3A_546 = vector.broadcast %add3A_545 : i32 to vector<16xi32>
    %add3A_547 = arith.addi %add3A_488, %add3A_546 : vector<16xi32>
    %swap3A_548 = arith.constant 1088 : index
    %swap3A_549 = tpu.vector_load %arg6[%swap3A_548] {strides = array<i32>} : memref<6144xi32, #tpu.memory_space<vmem>>, vector<16xi32>,
    %swap3A_550 = vector.shape_cast %swap3A_549 : vector<16xi32> to vector<16xi32>
    %swap3A_551 = vector.shape_cast %add3A_547 : vector<16xi32> to vector<16xi32>
    tpu.vector_store %arg6[%swap3A_548], %swap3A_551 {strides = array<i32>} : memref<6144xi32, #tpu.memory_space<vmem>>, vector<16xi32>,
    %add3A_552 = arith.constant 7225344 : i32
    %add3A_553 = vector.broadcast %add3A_552 : i32 to vector<16xi32>
    %add3A_554 = arith.addi %add3A_488, %add3A_553 : vector<16xi32>
    %swap3A_555 = arith.constant 1104 : index
    %swap3A_556 = tpu.vector_load %arg6[%swap3A_555] {strides = array<i32>} : memref<6144xi32, #tpu.memory_space<vmem>>, vector<16xi32>,
    %swap3A_557 = vector.shape_cast %swap3A_556 : vector<16xi32> to vector<16xi32>
    %swap3A_558 = vector.shape_cast %add3A_554 : vector<16xi32> to vector<16xi32>
    tpu.vector_store %arg6[%swap3A_555], %swap3A_558 {strides = array<i32>} : memref<6144xi32, #tpu.memory_space<vmem>>, vector<16xi32>,
    %add3A_559 = arith.constant 8028160 : i32
    %add3A_560 = vector.broadcast %add3A_559 : i32 to vector<16xi32>
    %add3A_561 = arith.addi %add3A_488, %add3A_560 : vector<16xi32>
    %swap3A_562 = arith.constant 1120 : index
    %swap3A_563 = tpu.vector_load %arg6[%swap3A_562] {strides = array<i32>} : memref<6144xi32, #tpu.memory_space<vmem>>, vector<16xi32>,
    %swap3A_564 = vector.shape_cast %swap3A_563 : vector<16xi32> to vector<16xi32>
    %swap3A_565 = vector.shape_cast %add3A_561 : vector<16xi32> to vector<16xi32>
    tpu.vector_store %arg6[%swap3A_562], %swap3A_565 {strides = array<i32>} : memref<6144xi32, #tpu.memory_space<vmem>>, vector<16xi32>,
    %add3A_566 = arith.constant 8830976 : i32
    %add3A_567 = vector.broadcast %add3A_566 : i32 to vector<16xi32>
    %add3A_568 = arith.addi %add3A_488, %add3A_567 : vector<16xi32>
    %swap3A_569 = arith.constant 1136 : index
    %swap3A_570 = tpu.vector_load %arg6[%swap3A_569] {strides = array<i32>} : memref<6144xi32, #tpu.memory_space<vmem>>, vector<16xi32>,
    %swap3A_571 = vector.shape_cast %swap3A_570 : vector<16xi32> to vector<16xi32>
    %swap3A_572 = vector.shape_cast %add3A_568 : vector<16xi32> to vector<16xi32>
    tpu.vector_store %arg6[%swap3A_569], %swap3A_572 {strides = array<i32>} : memref<6144xi32, #tpu.memory_space<vmem>>, vector<16xi32>,
    %slice3A_573 = vector.extract_strided_slice %get3A_39 {offsets = [6], sizes = [1], strides = [1]} : vector<16xi32> to vector<1xi32>
    %squeeze3A_574 = vector.extract %slice3A_573[0] : i32 from vector<1xi32>
    %add3A_575 = arith.addi %squeeze3A_574, %mul3A_20 : i32
    %broadcast_in_dim3A_576 = vector.broadcast %add3A_575 : i32 to vector<16xi32>
    %add3A_577 = arith.addi %broadcast_in_dim3A_576, %mul3A_37 : vector<16xi32>
    %add3A_578 = arith.constant 0 : i32
    %add3A_579 = vector.broadcast %add3A_578 : i32 to vector<16xi32>
    %add3A_580 = arith.addi %add3A_577, %add3A_579 : vector<16xi32>
    %swap3A_581 = arith.constant 1152 : index
    %swap3A_582 = tpu.vector_load %arg6[%swap3A_581] {strides = array<i32>} : memref<6144xi32, #tpu.memory_space<vmem>>, vector<16xi32>,
    %swap3A_583 = vector.shape_cast %swap3A_582 : vector<16xi32> to vector<16xi32>
    %swap3A_584 = vector.shape_cast %add3A_580 : vector<16xi32> to vector<16xi32>
    tpu.vector_store %arg6[%swap3A_581], %swap3A_584 {strides = array<i32>} : memref<6144xi32, #tpu.memory_space<vmem>>, vector<16xi32>,
    %add3A_585 = arith.constant 802816 : i32
    %add3A_586 = vector.broadcast %add3A_585 : i32 to vector<16xi32>
    %add3A_587 = arith.addi %add3A_577, %add3A_586 : vector<16xi32>
    %swap3A_588 = arith.constant 1168 : index
    %swap3A_589 = tpu.vector_load %arg6[%swap3A_588] {strides = array<i32>} : memref<6144xi32, #tpu.memory_space<vmem>>, vector<16xi32>,
    %swap3A_590 = vector.shape_cast %swap3A_589 : vector<16xi32> to vector<16xi32>
    %swap3A_591 = vector.shape_cast %add3A_587 : vector<16xi32> to vector<16xi32>
    tpu.vector_store %arg6[%swap3A_588], %swap3A_591 {strides = array<i32>} : memref<6144xi32, #tpu.memory_space<vmem>>, vector<16xi32>,
    %add3A_592 = arith.constant 1605632 : i32
    %add3A_593 = vector.broadcast %add3A_592 : i32 to vector<16xi32>
    %add3A_594 = arith.addi %add3A_577, %add3A_593 : vector<16xi32>
    %swap3A_595 = arith.constant 1184 : index
    %swap3A_596 = tpu.vector_load %arg6[%swap3A_595] {strides = array<i32>} : memref<6144xi32, #tpu.memory_space<vmem>>, vector<16xi32>,
    %swap3A_597 = vector.shape_cast %swap3A_596 : vector<16xi32> to vector<16xi32>
    %swap3A_598 = vector.shape_cast %add3A_594 : vector<16xi32> to vector<16xi32>
    tpu.vector_store %arg6[%swap3A_595], %swap3A_598 {strides = array<i32>} : memref<6144xi32, #tpu.memory_space<vmem>>, vector<16xi32>,
    %add3A_599 = arith.constant 2408448 : i32
    %add3A_600 = vector.broadcast %add3A_599 : i32 to vector<16xi32>
    %add3A_601 = arith.addi %add3A_577, %add3A_600 : vector<16xi32>
    %swap3A_602 = arith.constant 1200 : index
    %swap3A_603 = tpu.vector_load %arg6[%swap3A_602] {strides = array<i32>} : memref<6144xi32, #tpu.memory_space<vmem>>, vector<16xi32>,
    %swap3A_604 = vector.shape_cast %swap3A_603 : vector<16xi32> to vector<16xi32>
    %swap3A_605 = vector.shape_cast %add3A_601 : vector<16xi32> to vector<16xi32>
    tpu.vector_store %arg6[%swap3A_602], %swap3A_605 {strides = array<i32>} : memref<6144xi32, #tpu.memory_space<vmem>>, vector<16xi32>,
    %add3A_606 = arith.constant 3211264 : i32
    %add3A_607 = vector.broadcast %add3A_606 : i32 to vector<16xi32>
    %add3A_608 = arith.addi %add3A_577, %add3A_607 : vector<16xi32>
    %swap3A_609 = arith.constant 1216 : index
    %swap3A_610 = tpu.vector_load %arg6[%swap3A_609] {strides = array<i32>} : memref<6144xi32, #tpu.memory_space<vmem>>, vector<16xi32>,
    %swap3A_611 = vector.shape_cast %swap3A_610 : vector<16xi32> to vector<16xi32>
    %swap3A_612 = vector.shape_cast %add3A_608 : vector<16xi32> to vector<16xi32>
    tpu.vector_store %arg6[%swap3A_609], %swap3A_612 {strides = array<i32>} : memref<6144xi32, #tpu.memory_space<vmem>>, vector<16xi32>,
    %add3A_613 = arith.constant 4014080 : i32
    %add3A_614 = vector.broadcast %add3A_613 : i32 to vector<16xi32>
    %add3A_615 = arith.addi %add3A_577, %add3A_614 : vector<16xi32>
    %swap3A_616 = arith.constant 1232 : index
    %swap3A_617 = tpu.vector_load %arg6[%swap3A_616] {strides = array<i32>} : memref<6144xi32, #tpu.memory_space<vmem>>, vector<16xi32>,
    %swap3A_618 = vector.shape_cast %swap3A_617 : vector<16xi32> to vector<16xi32>
    %swap3A_619 = vector.shape_cast %add3A_615 : vector<16xi32> to vector<16xi32>
    tpu.vector_store %arg6[%swap3A_616], %swap3A_619 {strides = array<i32>} : memref<6144xi32, #tpu.memory_space<vmem>>, vector<16xi32>,
    %add3A_620 = arith.constant 4816896 : i32
    %add3A_621 = vector.broadcast %add3A_620 : i32 to vector<16xi32>
    %add3A_622 = arith.addi %add3A_577, %add3A_621 : vector<16xi32>
    %swap3A_623 = arith.constant 1248 : index
    %swap3A_624 = tpu.vector_load %arg6[%swap3A_623] {strides = array<i32>} : memref<6144xi32, #tpu.memory_space<vmem>>, vector<16xi32>,
    %swap3A_625 = vector.shape_cast %swap3A_624 : vector<16xi32> to vector<16xi32>
    %swap3A_626 = vector.shape_cast %add3A_622 : vector<16xi32> to vector<16xi32>
    tpu.vector_store %arg6[%swap3A_623], %swap3A_626 {strides = array<i32>} : memref<6144xi32, #tpu.memory_space<vmem>>, vector<16xi32>,
    %add3A_627 = arith.constant 5619712 : i32
    %add3A_628 = vector.broadcast %add3A_627 : i32 to vector<16xi32>
    %add3A_629 = arith.addi %add3A_577, %add3A_628 : vector<16xi32>
    %swap3A_630 = arith.constant 1264 : index
    %swap3A_631 = tpu.vector_load %arg6[%swap3A_630] {strides = array<i32>} : memref<6144xi32, #tpu.memory_space<vmem>>, vector<16xi32>,
    %swap3A_632 = vector.shape_cast %swap3A_631 : vector<16xi32> to vector<16xi32>
    %swap3A_633 = vector.shape_cast %add3A_629 : vector<16xi32> to vector<16xi32>
    tpu.vector_store %arg6[%swap3A_630], %swap3A_633 {strides = array<i32>} : memref<6144xi32, #tpu.memory_space<vmem>>, vector<16xi32>,
    %add3A_634 = arith.constant 6422528 : i32
    %add3A_635 = vector.broadcast %add3A_634 : i32 to vector<16xi32>
    %add3A_636 = arith.addi %add3A_577, %add3A_635 : vector<16xi32>
    %swap3A_637 = arith.constant 1280 : index
    %swap3A_638 = tpu.vector_load %arg6[%swap3A_637] {strides = array<i32>} : memref<6144xi32, #tpu.memory_space<vmem>>, vector<16xi32>,
    %swap3A_639 = vector.shape_cast %swap3A_638 : vector<16xi32> to vector<16xi32>
    %swap3A_640 = vector.shape_cast %add3A_636 : vector<16xi32> to vector<16xi32>
    tpu.vector_store %arg6[%swap3A_637], %swap3A_640 {strides = array<i32>} : memref<6144xi32, #tpu.memory_space<vmem>>, vector<16xi32>,
    %add3A_641 = arith.constant 7225344 : i32
    %add3A_642 = vector.broadcast %add3A_641 : i32 to vector<16xi32>
    %add3A_643 = arith.addi %add3A_577, %add3A_642 : vector<16xi32>
    %swap3A_644 = arith.constant 1296 : index
    %swap3A_645 = tpu.vector_load %arg6[%swap3A_644] {strides = array<i32>} : memref<6144xi32, #tpu.memory_space<vmem>>, vector<16xi32>,
    %swap3A_646 = vector.shape_cast %swap3A_645 : vector<16xi32> to vector<16xi32>
    %swap3A_647 = vector.shape_cast %add3A_643 : vector<16xi32> to vector<16xi32>
    tpu.vector_store %arg6[%swap3A_644], %swap3A_647 {strides = array<i32>} : memref<6144xi32, #tpu.memory_space<vmem>>, vector<16xi32>,
    %add3A_648 = arith.constant 8028160 : i32
    %add3A_649 = vector.broadcast %add3A_648 : i32 to vector<16xi32>
    %add3A_650 = arith.addi %add3A_577, %add3A_649 : vector<16xi32>
    %swap3A_651 = arith.constant 1312 : index
    %swap3A_652 = tpu.vector_load %arg6[%swap3A_651] {strides = array<i32>} : memref<6144xi32, #tpu.memory_space<vmem>>, vector<16xi32>,
    %swap3A_653 = vector.shape_cast %swap3A_652 : vector<16xi32> to vector<16xi32>
    %swap3A_654 = vector.shape_cast %add3A_650 : vector<16xi32> to vector<16xi32>
    tpu.vector_store %arg6[%swap3A_651], %swap3A_654 {strides = array<i32>} : memref<6144xi32, #tpu.memory_space<vmem>>, vector<16xi32>,
    %add3A_655 = arith.constant 8830976 : i32
    %add3A_656 = vector.broadcast %add3A_655 : i32 to vector<16xi32>
    %add3A_657 = arith.addi %add3A_577, %add3A_656 : vector<16xi32>
    %swap3A_658 = arith.constant 1328 : index
    %swap3A_659 = tpu.vector_load %arg6[%swap3A_658] {strides = array<i32>} : memref<6144xi32, #tpu.memory_space<vmem>>, vector<16xi32>,
    %swap3A_660 = vector.shape_cast %swap3A_659 : vector<16xi32> to vector<16xi32>
    %swap3A_661 = vector.shape_cast %add3A_657 : vector<16xi32> to vector<16xi32>
    tpu.vector_store %arg6[%swap3A_658], %swap3A_661 {strides = array<i32>} : memref<6144xi32, #tpu.memory_space<vmem>>, vector<16xi32>,
    %slice3A_662 = vector.extract_strided_slice %get3A_39 {offsets = [7], sizes = [1], strides = [1]} : vector<16xi32> to vector<1xi32>
    %squeeze3A_663 = vector.extract %slice3A_662[0] : i32 from vector<1xi32>
    %add3A_664 = arith.addi %squeeze3A_663, %mul3A_20 : i32
    %broadcast_in_dim3A_665 = vector.broadcast %add3A_664 : i32 to vector<16xi32>
    %add3A_666 = arith.addi %broadcast_in_dim3A_665, %mul3A_37 : vector<16xi32>
    %add3A_667 = arith.constant 0 : i32
    %add3A_668 = vector.broadcast %add3A_667 : i32 to vector<16xi32>
    %add3A_669 = arith.addi %add3A_666, %add3A_668 : vector<16xi32>
    %swap3A_670 = arith.constant 1344 : index
    %swap3A_671 = tpu.vector_load %arg6[%swap3A_670] {strides = array<i32>} : memref<6144xi32, #tpu.memory_space<vmem>>, vector<16xi32>,
    %swap3A_672 = vector.shape_cast %swap3A_671 : vector<16xi32> to vector<16xi32>
    %swap3A_673 = vector.shape_cast %add3A_669 : vector<16xi32> to vector<16xi32>
    tpu.vector_store %arg6[%swap3A_670], %swap3A_673 {strides = array<i32>} : memref<6144xi32, #tpu.memory_space<vmem>>, vector<16xi32>,
    %add3A_674 = arith.constant 802816 : i32
    %add3A_675 = vector.broadcast %add3A_674 : i32 to vector<16xi32>
    %add3A_676 = arith.addi %add3A_666, %add3A_675 : vector<16xi32>
    %swap3A_677 = arith.constant 1360 : index
    %swap3A_678 = tpu.vector_load %arg6[%swap3A_677] {strides = array<i32>} : memref<6144xi32, #tpu.memory_space<vmem>>, vector<16xi32>,
    %swap3A_679 = vector.shape_cast %swap3A_678 : vector<16xi32> to vector<16xi32>
    %swap3A_680 = vector.shape_cast %add3A_676 : vector<16xi32> to vector<16xi32>
    tpu.vector_store %arg6[%swap3A_677], %swap3A_680 {strides = array<i32>} : memref<6144xi32, #tpu.memory_space<vmem>>, vector<16xi32>,
    %add3A_681 = arith.constant 1605632 : i32
    %add3A_682 = vector.broadcast %add3A_681 : i32 to vector<16xi32>
    %add3A_683 = arith.addi %add3A_666, %add3A_682 : vector<16xi32>
    %swap3A_684 = arith.constant 1376 : index
    %swap3A_685 = tpu.vector_load %arg6[%swap3A_684] {strides = array<i32>} : memref<6144xi32, #tpu.memory_space<vmem>>, vector<16xi32>,
    %swap3A_686 = vector.shape_cast %swap3A_685 : vector<16xi32> to vector<16xi32>
    %swap3A_687 = vector.shape_cast %add3A_683 : vector<16xi32> to vector<16xi32>
    tpu.vector_store %arg6[%swap3A_684], %swap3A_687 {strides = array<i32>} : memref<6144xi32, #tpu.memory_space<vmem>>, vector<16xi32>,
    %add3A_688 = arith.constant 2408448 : i32
    %add3A_689 = vector.broadcast %add3A_688 : i32 to vector<16xi32>
    %add3A_690 = arith.addi %add3A_666, %add3A_689 : vector<16xi32>
    %swap3A_691 = arith.constant 1392 : index
    %swap3A_692 = tpu.vector_load %arg6[%swap3A_691] {strides = array<i32>} : memref<6144xi32, #tpu.memory_space<vmem>>, vector<16xi32>,
    %swap3A_693 = vector.shape_cast %swap3A_692 : vector<16xi32> to vector<16xi32>
    %swap3A_694 = vector.shape_cast %add3A_690 : vector<16xi32> to vector<16xi32>
    tpu.vector_store %arg6[%swap3A_691], %swap3A_694 {strides = array<i32>} : memref<6144xi32, #tpu.memory_space<vmem>>, vector<16xi32>,
    %add3A_695 = arith.constant 3211264 : i32
    %add3A_696 = vector.broadcast %add3A_695 : i32 to vector<16xi32>
    %add3A_697 = arith.addi %add3A_666, %add3A_696 : vector<16xi32>
    %swap3A_698 = arith.constant 1408 : index
    %swap3A_699 = tpu.vector_load %arg6[%swap3A_698] {strides = array<i32>} : memref<6144xi32, #tpu.memory_space<vmem>>, vector<16xi32>,
    %swap3A_700 = vector.shape_cast %swap3A_699 : vector<16xi32> to vector<16xi32>
    %swap3A_701 = vector.shape_cast %add3A_697 : vector<16xi32> to vector<16xi32>
    tpu.vector_store %arg6[%swap3A_698], %swap3A_701 {strides = array<i32>} : memref<6144xi32, #tpu.memory_space<vmem>>, vector<16xi32>,
    %add3A_702 = arith.constant 4014080 : i32
    %add3A_703 = vector.broadcast %add3A_702 : i32 to vector<16xi32>
    %add3A_704 = arith.addi %add3A_666, %add3A_703 : vector<16xi32>
    %swap3A_705 = arith.constant 1424 : index
    %swap3A_706 = tpu.vector_load %arg6[%swap3A_705] {strides = array<i32>} : memref<6144xi32, #tpu.memory_space<vmem>>, vector<16xi32>,
    %swap3A_707 = vector.shape_cast %swap3A_706 : vector<16xi32> to vector<16xi32>
    %swap3A_708 = vector.shape_cast %add3A_704 : vector<16xi32> to vector<16xi32>
    tpu.vector_store %arg6[%swap3A_705], %swap3A_708 {strides = array<i32>} : memref<6144xi32, #tpu.memory_space<vmem>>, vector<16xi32>,
    %add3A_709 = arith.constant 4816896 : i32
    %add3A_710 = vector.broadcast %add3A_709 : i32 to vector<16xi32>
    %add3A_711 = arith.addi %add3A_666, %add3A_710 : vector<16xi32>
    %swap3A_712 = arith.constant 1440 : index
    %swap3A_713 = tpu.vector_load %arg6[%swap3A_712] {strides = array<i32>} : memref<6144xi32, #tpu.memory_space<vmem>>, vector<16xi32>,
    %swap3A_714 = vector.shape_cast %swap3A_713 : vector<16xi32> to vector<16xi32>
    %swap3A_715 = vector.shape_cast %add3A_711 : vector<16xi32> to vector<16xi32>
    tpu.vector_store %arg6[%swap3A_712], %swap3A_715 {strides = array<i32>} : memref<6144xi32, #tpu.memory_space<vmem>>, vector<16xi32>,
    %add3A_716 = arith.constant 5619712 : i32
    %add3A_717 = vector.broadcast %add3A_716 : i32 to vector<16xi32>
    %add3A_718 = arith.addi %add3A_666, %add3A_717 : vector<16xi32>
    %swap3A_719 = arith.constant 1456 : index
    %swap3A_720 = tpu.vector_load %arg6[%swap3A_719] {strides = array<i32>} : memref<6144xi32, #tpu.memory_space<vmem>>, vector<16xi32>,
    %swap3A_721 = vector.shape_cast %swap3A_720 : vector<16xi32> to vector<16xi32>
    %swap3A_722 = vector.shape_cast %add3A_718 : vector<16xi32> to vector<16xi32>
    tpu.vector_store %arg6[%swap3A_719], %swap3A_722 {strides = array<i32>} : memref<6144xi32, #tpu.memory_space<vmem>>, vector<16xi32>,
    %add3A_723 = arith.constant 6422528 : i32
    %add3A_724 = vector.broadcast %add3A_723 : i32 to vector<16xi32>
    %add3A_725 = arith.addi %add3A_666, %add3A_724 : vector<16xi32>
    %swap3A_726 = arith.constant 1472 : index
    %swap3A_727 = tpu.vector_load %arg6[%swap3A_726] {strides = array<i32>} : memref<6144xi32, #tpu.memory_space<vmem>>, vector<16xi32>,
    %swap3A_728 = vector.shape_cast %swap3A_727 : vector<16xi32> to vector<16xi32>
    %swap3A_729 = vector.shape_cast %add3A_725 : vector<16xi32> to vector<16xi32>
    tpu.vector_store %arg6[%swap3A_726], %swap3A_729 {strides = array<i32>} : memref<6144xi32, #tpu.memory_space<vmem>>, vector<16xi32>,
    %add3A_730 = arith.constant 7225344 : i32
    %add3A_731 = vector.broadcast %add3A_730 : i32 to vector<16xi32>
    %add3A_732 = arith.addi %add3A_666, %add3A_731 : vector<16xi32>
    %swap3A_733 = arith.constant 1488 : index
    %swap3A_734 = tpu.vector_load %arg6[%swap3A_733] {strides = array<i32>} : memref<6144xi32, #tpu.memory_space<vmem>>, vector<16xi32>,
    %swap3A_735 = vector.shape_cast %swap3A_734 : vector<16xi32> to vector<16xi32>
    %swap3A_736 = vector.shape_cast %add3A_732 : vector<16xi32> to vector<16xi32>
    tpu.vector_store %arg6[%swap3A_733], %swap3A_736 {strides = array<i32>} : memref<6144xi32, #tpu.memory_space<vmem>>, vector<16xi32>,
    %add3A_737 = arith.constant 8028160 : i32
    %add3A_738 = vector.broadcast %add3A_737 : i32 to vector<16xi32>
    %add3A_739 = arith.addi %add3A_666, %add3A_738 : vector<16xi32>
    %swap3A_740 = arith.constant 1504 : index
    %swap3A_741 = tpu.vector_load %arg6[%swap3A_740] {strides = array<i32>} : memref<6144xi32, #tpu.memory_space<vmem>>, vector<16xi32>,
    %swap3A_742 = vector.shape_cast %swap3A_741 : vector<16xi32> to vector<16xi32>
    %swap3A_743 = vector.shape_cast %add3A_739 : vector<16xi32> to vector<16xi32>
    tpu.vector_store %arg6[%swap3A_740], %swap3A_743 {strides = array<i32>} : memref<6144xi32, #tpu.memory_space<vmem>>, vector<16xi32>,
    %add3A_744 = arith.constant 8830976 : i32
    %add3A_745 = vector.broadcast %add3A_744 : i32 to vector<16xi32>
    %add3A_746 = arith.addi %add3A_666, %add3A_745 : vector<16xi32>
    %swap3A_747 = arith.constant 1520 : index
    %swap3A_748 = tpu.vector_load %arg6[%swap3A_747] {strides = array<i32>} : memref<6144xi32, #tpu.memory_space<vmem>>, vector<16xi32>,
    %swap3A_749 = vector.shape_cast %swap3A_748 : vector<16xi32> to vector<16xi32>
    %swap3A_750 = vector.shape_cast %add3A_746 : vector<16xi32> to vector<16xi32>
    tpu.vector_store %arg6[%swap3A_747], %swap3A_750 {strides = array<i32>} : memref<6144xi32, #tpu.memory_space<vmem>>, vector<16xi32>,
    %slice3A_751 = vector.extract_strided_slice %get3A_39 {offsets = [8], sizes = [1], strides = [1]} : vector<16xi32> to vector<1xi32>
    %squeeze3A_752 = vector.extract %slice3A_751[0] : i32 from vector<1xi32>
    %add3A_753 = arith.addi %squeeze3A_752, %mul3A_20 : i32
    %broadcast_in_dim3A_754 = vector.broadcast %add3A_753 : i32 to vector<16xi32>
    %add3A_755 = arith.addi %broadcast_in_dim3A_754, %mul3A_37 : vector<16xi32>
    %add3A_756 = arith.constant 0 : i32
    %add3A_757 = vector.broadcast %add3A_756 : i32 to vector<16xi32>
    %add3A_758 = arith.addi %add3A_755, %add3A_757 : vector<16xi32>
    %swap3A_759 = arith.constant 1536 : index
    %swap3A_760 = tpu.vector_load %arg6[%swap3A_759] {strides = array<i32>} : memref<6144xi32, #tpu.memory_space<vmem>>, vector<16xi32>,
    %swap3A_761 = vector.shape_cast %swap3A_760 : vector<16xi32> to vector<16xi32>
    %swap3A_762 = vector.shape_cast %add3A_758 : vector<16xi32> to vector<16xi32>
    tpu.vector_store %arg6[%swap3A_759], %swap3A_762 {strides = array<i32>} : memref<6144xi32, #tpu.memory_space<vmem>>, vector<16xi32>,
    %add3A_763 = arith.constant 802816 : i32
    %add3A_764 = vector.broadcast %add3A_763 : i32 to vector<16xi32>
    %add3A_765 = arith.addi %add3A_755, %add3A_764 : vector<16xi32>
    %swap3A_766 = arith.constant 1552 : index
    %swap3A_767 = tpu.vector_load %arg6[%swap3A_766] {strides = array<i32>} : memref<6144xi32, #tpu.memory_space<vmem>>, vector<16xi32>,
    %swap3A_768 = vector.shape_cast %swap3A_767 : vector<16xi32> to vector<16xi32>
    %swap3A_769 = vector.shape_cast %add3A_765 : vector<16xi32> to vector<16xi32>
    tpu.vector_store %arg6[%swap3A_766], %swap3A_769 {strides = array<i32>} : memref<6144xi32, #tpu.memory_space<vmem>>, vector<16xi32>,
    %add3A_770 = arith.constant 1605632 : i32
    %add3A_771 = vector.broadcast %add3A_770 : i32 to vector<16xi32>
    %add3A_772 = arith.addi %add3A_755, %add3A_771 : vector<16xi32>
    %swap3A_773 = arith.constant 1568 : index
    %swap3A_774 = tpu.vector_load %arg6[%swap3A_773] {strides = array<i32>} : memref<6144xi32, #tpu.memory_space<vmem>>, vector<16xi32>,
    %swap3A_775 = vector.shape_cast %swap3A_774 : vector<16xi32> to vector<16xi32>
    %swap3A_776 = vector.shape_cast %add3A_772 : vector<16xi32> to vector<16xi32>
    tpu.vector_store %arg6[%swap3A_773], %swap3A_776 {strides = array<i32>} : memref<6144xi32, #tpu.memory_space<vmem>>, vector<16xi32>,
    %add3A_777 = arith.constant 2408448 : i32
    %add3A_778 = vector.broadcast %add3A_777 : i32 to vector<16xi32>
    %add3A_779 = arith.addi %add3A_755, %add3A_778 : vector<16xi32>
    %swap3A_780 = arith.constant 1584 : index
    %swap3A_781 = tpu.vector_load %arg6[%swap3A_780] {strides = array<i32>} : memref<6144xi32, #tpu.memory_space<vmem>>, vector<16xi32>,
    %swap3A_782 = vector.shape_cast %swap3A_781 : vector<16xi32> to vector<16xi32>
    %swap3A_783 = vector.shape_cast %add3A_779 : vector<16xi32> to vector<16xi32>
    tpu.vector_store %arg6[%swap3A_780], %swap3A_783 {strides = array<i32>} : memref<6144xi32, #tpu.memory_space<vmem>>, vector<16xi32>,
    %add3A_784 = arith.constant 3211264 : i32
    %add3A_785 = vector.broadcast %add3A_784 : i32 to vector<16xi32>
    %add3A_786 = arith.addi %add3A_755, %add3A_785 : vector<16xi32>
    %swap3A_787 = arith.constant 1600 : index
    %swap3A_788 = tpu.vector_load %arg6[%swap3A_787] {strides = array<i32>} : memref<6144xi32, #tpu.memory_space<vmem>>, vector<16xi32>,
    %swap3A_789 = vector.shape_cast %swap3A_788 : vector<16xi32> to vector<16xi32>
    %swap3A_790 = vector.shape_cast %add3A_786 : vector<16xi32> to vector<16xi32>
    tpu.vector_store %arg6[%swap3A_787], %swap3A_790 {strides = array<i32>} : memref<6144xi32, #tpu.memory_space<vmem>>, vector<16xi32>,
    %add3A_791 = arith.constant 4014080 : i32
    %add3A_792 = vector.broadcast %add3A_791 : i32 to vector<16xi32>
    %add3A_793 = arith.addi %add3A_755, %add3A_792 : vector<16xi32>
    %swap3A_794 = arith.constant 1616 : index
    %swap3A_795 = tpu.vector_load %arg6[%swap3A_794] {strides = array<i32>} : memref<6144xi32, #tpu.memory_space<vmem>>, vector<16xi32>,
    %swap3A_796 = vector.shape_cast %swap3A_795 : vector<16xi32> to vector<16xi32>
    %swap3A_797 = vector.shape_cast %add3A_793 : vector<16xi32> to vector<16xi32>
    tpu.vector_store %arg6[%swap3A_794], %swap3A_797 {strides = array<i32>} : memref<6144xi32, #tpu.memory_space<vmem>>, vector<16xi32>,
    %add3A_798 = arith.constant 4816896 : i32
    %add3A_799 = vector.broadcast %add3A_798 : i32 to vector<16xi32>
    %add3A_800 = arith.addi %add3A_755, %add3A_799 : vector<16xi32>
    %swap3A_801 = arith.constant 1632 : index
    %swap3A_802 = tpu.vector_load %arg6[%swap3A_801] {strides = array<i32>} : memref<6144xi32, #tpu.memory_space<vmem>>, vector<16xi32>,
    %swap3A_803 = vector.shape_cast %swap3A_802 : vector<16xi32> to vector<16xi32>
    %swap3A_804 = vector.shape_cast %add3A_800 : vector<16xi32> to vector<16xi32>
    tpu.vector_store %arg6[%swap3A_801], %swap3A_804 {strides = array<i32>} : memref<6144xi32, #tpu.memory_space<vmem>>, vector<16xi32>,
    %add3A_805 = arith.constant 5619712 : i32
    %add3A_806 = vector.broadcast %add3A_805 : i32 to vector<16xi32>
    %add3A_807 = arith.addi %add3A_755, %add3A_806 : vector<16xi32>
    %swap3A_808 = arith.constant 1648 : index
    %swap3A_809 = tpu.vector_load %arg6[%swap3A_808] {strides = array<i32>} : memref<6144xi32, #tpu.memory_space<vmem>>, vector<16xi32>,
    %swap3A_810 = vector.shape_cast %swap3A_809 : vector<16xi32> to vector<16xi32>
    %swap3A_811 = vector.shape_cast %add3A_807 : vector<16xi32> to vector<16xi32>
    tpu.vector_store %arg6[%swap3A_808], %swap3A_811 {strides = array<i32>} : memref<6144xi32, #tpu.memory_space<vmem>>, vector<16xi32>,
    %add3A_812 = arith.constant 6422528 : i32
    %add3A_813 = vector.broadcast %add3A_812 : i32 to vector<16xi32>
    %add3A_814 = arith.addi %add3A_755, %add3A_813 : vector<16xi32>
    %swap3A_815 = arith.constant 1664 : index
    %swap3A_816 = tpu.vector_load %arg6[%swap3A_815] {strides = array<i32>} : memref<6144xi32, #tpu.memory_space<vmem>>, vector<16xi32>,
    %swap3A_817 = vector.shape_cast %swap3A_816 : vector<16xi32> to vector<16xi32>
    %swap3A_818 = vector.shape_cast %add3A_814 : vector<16xi32> to vector<16xi32>
    tpu.vector_store %arg6[%swap3A_815], %swap3A_818 {strides = array<i32>} : memref<6144xi32, #tpu.memory_space<vmem>>, vector<16xi32>,
    %add3A_819 = arith.constant 7225344 : i32
    %add3A_820 = vector.broadcast %add3A_819 : i32 to vector<16xi32>
    %add3A_821 = arith.addi %add3A_755, %add3A_820 : vector<16xi32>
    %swap3A_822 = arith.constant 1680 : index
    %swap3A_823 = tpu.vector_load %arg6[%swap3A_822] {strides = array<i32>} : memref<6144xi32, #tpu.memory_space<vmem>>, vector<16xi32>,
    %swap3A_824 = vector.shape_cast %swap3A_823 : vector<16xi32> to vector<16xi32>
    %swap3A_825 = vector.shape_cast %add3A_821 : vector<16xi32> to vector<16xi32>
    tpu.vector_store %arg6[%swap3A_822], %swap3A_825 {strides = array<i32>} : memref<6144xi32, #tpu.memory_space<vmem>>, vector<16xi32>,
    %add3A_826 = arith.constant 8028160 : i32
    %add3A_827 = vector.broadcast %add3A_826 : i32 to vector<16xi32>
    %add3A_828 = arith.addi %add3A_755, %add3A_827 : vector<16xi32>
    %swap3A_829 = arith.constant 1696 : index
    %swap3A_830 = tpu.vector_load %arg6[%swap3A_829] {strides = array<i32>} : memref<6144xi32, #tpu.memory_space<vmem>>, vector<16xi32>,
    %swap3A_831 = vector.shape_cast %swap3A_830 : vector<16xi32> to vector<16xi32>
    %swap3A_832 = vector.shape_cast %add3A_828 : vector<16xi32> to vector<16xi32>
    tpu.vector_store %arg6[%swap3A_829], %swap3A_832 {strides = array<i32>} : memref<6144xi32, #tpu.memory_space<vmem>>, vector<16xi32>,
    %add3A_833 = arith.constant 8830976 : i32
    %add3A_834 = vector.broadcast %add3A_833 : i32 to vector<16xi32>
    %add3A_835 = arith.addi %add3A_755, %add3A_834 : vector<16xi32>
    %swap3A_836 = arith.constant 1712 : index
    %swap3A_837 = tpu.vector_load %arg6[%swap3A_836] {strides = array<i32>} : memref<6144xi32, #tpu.memory_space<vmem>>, vector<16xi32>,
    %swap3A_838 = vector.shape_cast %swap3A_837 : vector<16xi32> to vector<16xi32>
    %swap3A_839 = vector.shape_cast %add3A_835 : vector<16xi32> to vector<16xi32>
    tpu.vector_store %arg6[%swap3A_836], %swap3A_839 {strides = array<i32>} : memref<6144xi32, #tpu.memory_space<vmem>>, vector<16xi32>,
    %slice3A_840 = vector.extract_strided_slice %get3A_39 {offsets = [9], sizes = [1], strides = [1]} : vector<16xi32> to vector<1xi32>
    %squeeze3A_841 = vector.extract %slice3A_840[0] : i32 from vector<1xi32>
    %add3A_842 = arith.addi %squeeze3A_841, %mul3A_20 : i32
    %broadcast_in_dim3A_843 = vector.broadcast %add3A_842 : i32 to vector<16xi32>
    %add3A_844 = arith.addi %broadcast_in_dim3A_843, %mul3A_37 : vector<16xi32>
    %add3A_845 = arith.constant 0 : i32
    %add3A_846 = vector.broadcast %add3A_845 : i32 to vector<16xi32>
    %add3A_847 = arith.addi %add3A_844, %add3A_846 : vector<16xi32>
    %swap3A_848 = arith.constant 1728 : index
    %swap3A_849 = tpu.vector_load %arg6[%swap3A_848] {strides = array<i32>} : memref<6144xi32, #tpu.memory_space<vmem>>, vector<16xi32>,
    %swap3A_850 = vector.shape_cast %swap3A_849 : vector<16xi32> to vector<16xi32>
    %swap3A_851 = vector.shape_cast %add3A_847 : vector<16xi32> to vector<16xi32>
    tpu.vector_store %arg6[%swap3A_848], %swap3A_851 {strides = array<i32>} : memref<6144xi32, #tpu.memory_space<vmem>>, vector<16xi32>,
    %add3A_852 = arith.constant 802816 : i32
    %add3A_853 = vector.broadcast %add3A_852 : i32 to vector<16xi32>
    %add3A_854 = arith.addi %add3A_844, %add3A_853 : vector<16xi32>
    %swap3A_855 = arith.constant 1744 : index
    %swap3A_856 = tpu.vector_load %arg6[%swap3A_855] {strides = array<i32>} : memref<6144xi32, #tpu.memory_space<vmem>>, vector<16xi32>,
    %swap3A_857 = vector.shape_cast %swap3A_856 : vector<16xi32> to vector<16xi32>
    %swap3A_858 = vector.shape_cast %add3A_854 : vector<16xi32> to vector<16xi32>
    tpu.vector_store %arg6[%swap3A_855], %swap3A_858 {strides = array<i32>} : memref<6144xi32, #tpu.memory_space<vmem>>, vector<16xi32>,
    %add3A_859 = arith.constant 1605632 : i32
    %add3A_860 = vector.broadcast %add3A_859 : i32 to vector<16xi32>
    %add3A_861 = arith.addi %add3A_844, %add3A_860 : vector<16xi32>
    %swap3A_862 = arith.constant 1760 : index
    %swap3A_863 = tpu.vector_load %arg6[%swap3A_862] {strides = array<i32>} : memref<6144xi32, #tpu.memory_space<vmem>>, vector<16xi32>,
    %swap3A_864 = vector.shape_cast %swap3A_863 : vector<16xi32> to vector<16xi32>
    %swap3A_865 = vector.shape_cast %add3A_861 : vector<16xi32> to vector<16xi32>
    tpu.vector_store %arg6[%swap3A_862], %swap3A_865 {strides = array<i32>} : memref<6144xi32, #tpu.memory_space<vmem>>, vector<16xi32>,
    %add3A_866 = arith.constant 2408448 : i32
    %add3A_867 = vector.broadcast %add3A_866 : i32 to vector<16xi32>
    %add3A_868 = arith.addi %add3A_844, %add3A_867 : vector<16xi32>
    %swap3A_869 = arith.constant 1776 : index
    %swap3A_870 = tpu.vector_load %arg6[%swap3A_869] {strides = array<i32>} : memref<6144xi32, #tpu.memory_space<vmem>>, vector<16xi32>,
    %swap3A_871 = vector.shape_cast %swap3A_870 : vector<16xi32> to vector<16xi32>
    %swap3A_872 = vector.shape_cast %add3A_868 : vector<16xi32> to vector<16xi32>
    tpu.vector_store %arg6[%swap3A_869], %swap3A_872 {strides = array<i32>} : memref<6144xi32, #tpu.memory_space<vmem>>, vector<16xi32>,
    %add3A_873 = arith.constant 3211264 : i32
    %add3A_874 = vector.broadcast %add3A_873 : i32 to vector<16xi32>
    %add3A_875 = arith.addi %add3A_844, %add3A_874 : vector<16xi32>
    %swap3A_876 = arith.constant 1792 : index
    %swap3A_877 = tpu.vector_load %arg6[%swap3A_876] {strides = array<i32>} : memref<6144xi32, #tpu.memory_space<vmem>>, vector<16xi32>,
    %swap3A_878 = vector.shape_cast %swap3A_877 : vector<16xi32> to vector<16xi32>
    %swap3A_879 = vector.shape_cast %add3A_875 : vector<16xi32> to vector<16xi32>
    tpu.vector_store %arg6[%swap3A_876], %swap3A_879 {strides = array<i32>} : memref<6144xi32, #tpu.memory_space<vmem>>, vector<16xi32>,
    %add3A_880 = arith.constant 4014080 : i32
    %add3A_881 = vector.broadcast %add3A_880 : i32 to vector<16xi32>
    %add3A_882 = arith.addi %add3A_844, %add3A_881 : vector<16xi32>
    %swap3A_883 = arith.constant 1808 : index
    %swap3A_884 = tpu.vector_load %arg6[%swap3A_883] {strides = array<i32>} : memref<6144xi32, #tpu.memory_space<vmem>>, vector<16xi32>,
    %swap3A_885 = vector.shape_cast %swap3A_884 : vector<16xi32> to vector<16xi32>
    %swap3A_886 = vector.shape_cast %add3A_882 : vector<16xi32> to vector<16xi32>
    tpu.vector_store %arg6[%swap3A_883], %swap3A_886 {strides = array<i32>} : memref<6144xi32, #tpu.memory_space<vmem>>, vector<16xi32>,
    %add3A_887 = arith.constant 4816896 : i32
    %add3A_888 = vector.broadcast %add3A_887 : i32 to vector<16xi32>
    %add3A_889 = arith.addi %add3A_844, %add3A_888 : vector<16xi32>
    %swap3A_890 = arith.constant 1824 : index
    %swap3A_891 = tpu.vector_load %arg6[%swap3A_890] {strides = array<i32>} : memref<6144xi32, #tpu.memory_space<vmem>>, vector<16xi32>,
    %swap3A_892 = vector.shape_cast %swap3A_891 : vector<16xi32> to vector<16xi32>
    %swap3A_893 = vector.shape_cast %add3A_889 : vector<16xi32> to vector<16xi32>
    tpu.vector_store %arg6[%swap3A_890], %swap3A_893 {strides = array<i32>} : memref<6144xi32, #tpu.memory_space<vmem>>, vector<16xi32>,
    %add3A_894 = arith.constant 5619712 : i32
    %add3A_895 = vector.broadcast %add3A_894 : i32 to vector<16xi32>
    %add3A_896 = arith.addi %add3A_844, %add3A_895 : vector<16xi32>
    %swap3A_897 = arith.constant 1840 : index
    %swap3A_898 = tpu.vector_load %arg6[%swap3A_897] {strides = array<i32>} : memref<6144xi32, #tpu.memory_space<vmem>>, vector<16xi32>,
    %swap3A_899 = vector.shape_cast %swap3A_898 : vector<16xi32> to vector<16xi32>
    %swap3A_900 = vector.shape_cast %add3A_896 : vector<16xi32> to vector<16xi32>
    tpu.vector_store %arg6[%swap3A_897], %swap3A_900 {strides = array<i32>} : memref<6144xi32, #tpu.memory_space<vmem>>, vector<16xi32>,
    %add3A_901 = arith.constant 6422528 : i32
    %add3A_902 = vector.broadcast %add3A_901 : i32 to vector<16xi32>
    %add3A_903 = arith.addi %add3A_844, %add3A_902 : vector<16xi32>
    %swap3A_904 = arith.constant 1856 : index
    %swap3A_905 = tpu.vector_load %arg6[%swap3A_904] {strides = array<i32>} : memref<6144xi32, #tpu.memory_space<vmem>>, vector<16xi32>,
    %swap3A_906 = vector.shape_cast %swap3A_905 : vector<16xi32> to vector<16xi32>
    %swap3A_907 = vector.shape_cast %add3A_903 : vector<16xi32> to vector<16xi32>
    tpu.vector_store %arg6[%swap3A_904], %swap3A_907 {strides = array<i32>} : memref<6144xi32, #tpu.memory_space<vmem>>, vector<16xi32>,
    %add3A_908 = arith.constant 7225344 : i32
    %add3A_909 = vector.broadcast %add3A_908 : i32 to vector<16xi32>
    %add3A_910 = arith.addi %add3A_844, %add3A_909 : vector<16xi32>
    %swap3A_911 = arith.constant 1872 : index
    %swap3A_912 = tpu.vector_load %arg6[%swap3A_911] {strides = array<i32>} : memref<6144xi32, #tpu.memory_space<vmem>>, vector<16xi32>,
    %swap3A_913 = vector.shape_cast %swap3A_912 : vector<16xi32> to vector<16xi32>
    %swap3A_914 = vector.shape_cast %add3A_910 : vector<16xi32> to vector<16xi32>
    tpu.vector_store %arg6[%swap3A_911], %swap3A_914 {strides = array<i32>} : memref<6144xi32, #tpu.memory_space<vmem>>, vector<16xi32>,
    %add3A_915 = arith.constant 8028160 : i32
    %add3A_916 = vector.broadcast %add3A_915 : i32 to vector<16xi32>
    %add3A_917 = arith.addi %add3A_844, %add3A_916 : vector<16xi32>
    %swap3A_918 = arith.constant 1888 : index
    %swap3A_919 = tpu.vector_load %arg6[%swap3A_918] {strides = array<i32>} : memref<6144xi32, #tpu.memory_space<vmem>>, vector<16xi32>,
    %swap3A_920 = vector.shape_cast %swap3A_919 : vector<16xi32> to vector<16xi32>
    %swap3A_921 = vector.shape_cast %add3A_917 : vector<16xi32> to vector<16xi32>
    tpu.vector_store %arg6[%swap3A_918], %swap3A_921 {strides = array<i32>} : memref<6144xi32, #tpu.memory_space<vmem>>, vector<16xi32>,
    %add3A_922 = arith.constant 8830976 : i32
    %add3A_923 = vector.broadcast %add3A_922 : i32 to vector<16xi32>
    %add3A_924 = arith.addi %add3A_844, %add3A_923 : vector<16xi32>
    %swap3A_925 = arith.constant 1904 : index
    %swap3A_926 = tpu.vector_load %arg6[%swap3A_925] {strides = array<i32>} : memref<6144xi32, #tpu.memory_space<vmem>>, vector<16xi32>,
    %swap3A_927 = vector.shape_cast %swap3A_926 : vector<16xi32> to vector<16xi32>
    %swap3A_928 = vector.shape_cast %add3A_924 : vector<16xi32> to vector<16xi32>
    tpu.vector_store %arg6[%swap3A_925], %swap3A_928 {strides = array<i32>} : memref<6144xi32, #tpu.memory_space<vmem>>, vector<16xi32>,
    %slice3A_929 = vector.extract_strided_slice %get3A_39 {offsets = [10], sizes = [1], strides = [1]} : vector<16xi32> to vector<1xi32>
    %squeeze3A_930 = vector.extract %slice3A_929[0] : i32 from vector<1xi32>
    %add3A_931 = arith.addi %squeeze3A_930, %mul3A_20 : i32
    %broadcast_in_dim3A_932 = vector.broadcast %add3A_931 : i32 to vector<16xi32>
    %add3A_933 = arith.addi %broadcast_in_dim3A_932, %mul3A_37 : vector<16xi32>
    %add3A_934 = arith.constant 0 : i32
    %add3A_935 = vector.broadcast %add3A_934 : i32 to vector<16xi32>
    %add3A_936 = arith.addi %add3A_933, %add3A_935 : vector<16xi32>
    %swap3A_937 = arith.constant 1920 : index
    %swap3A_938 = tpu.vector_load %arg6[%swap3A_937] {strides = array<i32>} : memref<6144xi32, #tpu.memory_space<vmem>>, vector<16xi32>,
    %swap3A_939 = vector.shape_cast %swap3A_938 : vector<16xi32> to vector<16xi32>
    %swap3A_940 = vector.shape_cast %add3A_936 : vector<16xi32> to vector<16xi32>
    tpu.vector_store %arg6[%swap3A_937], %swap3A_940 {strides = array<i32>} : memref<6144xi32, #tpu.memory_space<vmem>>, vector<16xi32>,
    %add3A_941 = arith.constant 802816 : i32
    %add3A_942 = vector.broadcast %add3A_941 : i32 to vector<16xi32>
    %add3A_943 = arith.addi %add3A_933, %add3A_942 : vector<16xi32>
    %swap3A_944 = arith.constant 1936 : index
    %swap3A_945 = tpu.vector_load %arg6[%swap3A_944] {strides = array<i32>} : memref<6144xi32, #tpu.memory_space<vmem>>, vector<16xi32>,
    %swap3A_946 = vector.shape_cast %swap3A_945 : vector<16xi32> to vector<16xi32>
    %swap3A_947 = vector.shape_cast %add3A_943 : vector<16xi32> to vector<16xi32>
    tpu.vector_store %arg6[%swap3A_944], %swap3A_947 {strides = array<i32>} : memref<6144xi32, #tpu.memory_space<vmem>>, vector<16xi32>,
    %add3A_948 = arith.constant 1605632 : i32
    %add3A_949 = vector.broadcast %add3A_948 : i32 to vector<16xi32>
    %add3A_950 = arith.addi %add3A_933, %add3A_949 : vector<16xi32>
    %swap3A_951 = arith.constant 1952 : index
    %swap3A_952 = tpu.vector_load %arg6[%swap3A_951] {strides = array<i32>} : memref<6144xi32, #tpu.memory_space<vmem>>, vector<16xi32>,
    %swap3A_953 = vector.shape_cast %swap3A_952 : vector<16xi32> to vector<16xi32>
    %swap3A_954 = vector.shape_cast %add3A_950 : vector<16xi32> to vector<16xi32>
    tpu.vector_store %arg6[%swap3A_951], %swap3A_954 {strides = array<i32>} : memref<6144xi32, #tpu.memory_space<vmem>>, vector<16xi32>,
    %add3A_955 = arith.constant 2408448 : i32
    %add3A_956 = vector.broadcast %add3A_955 : i32 to vector<16xi32>
    %add3A_957 = arith.addi %add3A_933, %add3A_956 : vector<16xi32>
    %swap3A_958 = arith.constant 1968 : index
    %swap3A_959 = tpu.vector_load %arg6[%swap3A_958] {strides = array<i32>} : memref<6144xi32, #tpu.memory_space<vmem>>, vector<16xi32>,
    %swap3A_960 = vector.shape_cast %swap3A_959 : vector<16xi32> to vector<16xi32>
    %swap3A_961 = vector.shape_cast %add3A_957 : vector<16xi32> to vector<16xi32>
    tpu.vector_store %arg6[%swap3A_958], %swap3A_961 {strides = array<i32>} : memref<6144xi32, #tpu.memory_space<vmem>>, vector<16xi32>,
    %add3A_962 = arith.constant 3211264 : i32
    %add3A_963 = vector.broadcast %add3A_962 : i32 to vector<16xi32>
    %add3A_964 = arith.addi %add3A_933, %add3A_963 : vector<16xi32>
    %swap3A_965 = arith.constant 1984 : index
    %swap3A_966 = tpu.vector_load %arg6[%swap3A_965] {strides = array<i32>} : memref<6144xi32, #tpu.memory_space<vmem>>, vector<16xi32>,
    %swap3A_967 = vector.shape_cast %swap3A_966 : vector<16xi32> to vector<16xi32>
    %swap3A_968 = vector.shape_cast %add3A_964 : vector<16xi32> to vector<16xi32>
    tpu.vector_store %arg6[%swap3A_965], %swap3A_968 {strides = array<i32>} : memref<6144xi32, #tpu.memory_space<vmem>>, vector<16xi32>,
    %add3A_969 = arith.constant 4014080 : i32
    %add3A_970 = vector.broadcast %add3A_969 : i32 to vector<16xi32>
    %add3A_971 = arith.addi %add3A_933, %add3A_970 : vector<16xi32>
    %swap3A_972 = arith.constant 2000 : index
    %swap3A_973 = tpu.vector_load %arg6[%swap3A_972] {strides = array<i32>} : memref<6144xi32, #tpu.memory_space<vmem>>, vector<16xi32>,
    %swap3A_974 = vector.shape_cast %swap3A_973 : vector<16xi32> to vector<16xi32>
    %swap3A_975 = vector.shape_cast %add3A_971 : vector<16xi32> to vector<16xi32>
    tpu.vector_store %arg6[%swap3A_972], %swap3A_975 {strides = array<i32>} : memref<6144xi32, #tpu.memory_space<vmem>>, vector<16xi32>,
    %add3A_976 = arith.constant 4816896 : i32
    %add3A_977 = vector.broadcast %add3A_976 : i32 to vector<16xi32>
    %add3A_978 = arith.addi %add3A_933, %add3A_977 : vector<16xi32>
    %swap3A_979 = arith.constant 2016 : index
    %swap3A_980 = tpu.vector_load %arg6[%swap3A_979] {strides = array<i32>} : memref<6144xi32, #tpu.memory_space<vmem>>, vector<16xi32>,
    %swap3A_981 = vector.shape_cast %swap3A_980 : vector<16xi32> to vector<16xi32>
    %swap3A_982 = vector.shape_cast %add3A_978 : vector<16xi32> to vector<16xi32>
    tpu.vector_store %arg6[%swap3A_979], %swap3A_982 {strides = array<i32>} : memref<6144xi32, #tpu.memory_space<vmem>>, vector<16xi32>,
    %add3A_983 = arith.constant 5619712 : i32
    %add3A_984 = vector.broadcast %add3A_983 : i32 to vector<16xi32>
    %add3A_985 = arith.addi %add3A_933, %add3A_984 : vector<16xi32>
    %swap3A_986 = arith.constant 2032 : index
    %swap3A_987 = tpu.vector_load %arg6[%swap3A_986] {strides = array<i32>} : memref<6144xi32, #tpu.memory_space<vmem>>, vector<16xi32>,
    %swap3A_988 = vector.shape_cast %swap3A_987 : vector<16xi32> to vector<16xi32>
    %swap3A_989 = vector.shape_cast %add3A_985 : vector<16xi32> to vector<16xi32>
    tpu.vector_store %arg6[%swap3A_986], %swap3A_989 {strides = array<i32>} : memref<6144xi32, #tpu.memory_space<vmem>>, vector<16xi32>,
    %add3A_990 = arith.constant 6422528 : i32
    %add3A_991 = vector.broadcast %add3A_990 : i32 to vector<16xi32>
    %add3A_992 = arith.addi %add3A_933, %add3A_991 : vector<16xi32>
    %swap3A_993 = arith.constant 2048 : index
    %swap3A_994 = tpu.vector_load %arg6[%swap3A_993] {strides = array<i32>} : memref<6144xi32, #tpu.memory_space<vmem>>, vector<16xi32>,
    %swap3A_995 = vector.shape_cast %swap3A_994 : vector<16xi32> to vector<16xi32>
    %swap3A_996 = vector.shape_cast %add3A_992 : vector<16xi32> to vector<16xi32>
    tpu.vector_store %arg6[%swap3A_993], %swap3A_996 {strides = array<i32>} : memref<6144xi32, #tpu.memory_space<vmem>>, vector<16xi32>,
    %add3A_997 = arith.constant 7225344 : i32
    %add3A_998 = vector.broadcast %add3A_997 : i32 to vector<16xi32>
    %add3A_999 = arith.addi %add3A_933, %add3A_998 : vector<16xi32>
    %swap3A_1000 = arith.constant 2064 : index
    %swap3A_1001 = tpu.vector_load %arg6[%swap3A_1000] {strides = array<i32>} : memref<6144xi32, #tpu.memory_space<vmem>>, vector<16xi32>,
    %swap3A_1002 = vector.shape_cast %swap3A_1001 : vector<16xi32> to vector<16xi32>
    %swap3A_1003 = vector.shape_cast %add3A_999 : vector<16xi32> to vector<16xi32>
    tpu.vector_store %arg6[%swap3A_1000], %swap3A_1003 {strides = array<i32>} : memref<6144xi32, #tpu.memory_space<vmem>>, vector<16xi32>,
    %add3A_1004 = arith.constant 8028160 : i32
    %add3A_1005 = vector.broadcast %add3A_1004 : i32 to vector<16xi32>
    %add3A_1006 = arith.addi %add3A_933, %add3A_1005 : vector<16xi32>
    %swap3A_1007 = arith.constant 2080 : index
    %swap3A_1008 = tpu.vector_load %arg6[%swap3A_1007] {strides = array<i32>} : memref<6144xi32, #tpu.memory_space<vmem>>, vector<16xi32>,
    %swap3A_1009 = vector.shape_cast %swap3A_1008 : vector<16xi32> to vector<16xi32>
    %swap3A_1010 = vector.shape_cast %add3A_1006 : vector<16xi32> to vector<16xi32>
    tpu.vector_store %arg6[%swap3A_1007], %swap3A_1010 {strides = array<i32>} : memref<6144xi32, #tpu.memory_space<vmem>>, vector<16xi32>,
    %add3A_1011 = arith.constant 8830976 : i32
    %add3A_1012 = vector.broadcast %add3A_1011 : i32 to vector<16xi32>
    %add3A_1013 = arith.addi %add3A_933, %add3A_1012 : vector<16xi32>
    %swap3A_1014 = arith.constant 2096 : index
    %swap3A_1015 = tpu.vector_load %arg6[%swap3A_1014] {strides = array<i32>} : memref<6144xi32, #tpu.memory_space<vmem>>, vector<16xi32>,
    %swap3A_1016 = vector.shape_cast %swap3A_1015 : vector<16xi32> to vector<16xi32>
    %swap3A_1017 = vector.shape_cast %add3A_1013 : vector<16xi32> to vector<16xi32>
    tpu.vector_store %arg6[%swap3A_1014], %swap3A_1017 {strides = array<i32>} : memref<6144xi32, #tpu.memory_space<vmem>>, vector<16xi32>,
    %slice3A_1018 = vector.extract_strided_slice %get3A_39 {offsets = [11], sizes = [1], strides = [1]} : vector<16xi32> to vector<1xi32>
    %squeeze3A_1019 = vector.extract %slice3A_1018[0] : i32 from vector<1xi32>
    %add3A_1020 = arith.addi %squeeze3A_1019, %mul3A_20 : i32
    %broadcast_in_dim3A_1021 = vector.broadcast %add3A_1020 : i32 to vector<16xi32>
    %add3A_1022 = arith.addi %broadcast_in_dim3A_1021, %mul3A_37 : vector<16xi32>
    %add3A_1023 = arith.constant 0 : i32
    %add3A_1024 = vector.broadcast %add3A_1023 : i32 to vector<16xi32>
    %add3A_1025 = arith.addi %add3A_1022, %add3A_1024 : vector<16xi32>
    %swap3A_1026 = arith.constant 2112 : index
    %swap3A_1027 = tpu.vector_load %arg6[%swap3A_1026] {strides = array<i32>} : memref<6144xi32, #tpu.memory_space<vmem>>, vector<16xi32>,
    %swap3A_1028 = vector.shape_cast %swap3A_1027 : vector<16xi32> to vector<16xi32>
    %swap3A_1029 = vector.shape_cast %add3A_1025 : vector<16xi32> to vector<16xi32>
    tpu.vector_store %arg6[%swap3A_1026], %swap3A_1029 {strides = array<i32>} : memref<6144xi32, #tpu.memory_space<vmem>>, vector<16xi32>,
    %add3A_1030 = arith.constant 802816 : i32
    %add3A_1031 = vector.broadcast %add3A_1030 : i32 to vector<16xi32>
    %add3A_1032 = arith.addi %add3A_1022, %add3A_1031 : vector<16xi32>
    %swap3A_1033 = arith.constant 2128 : index
    %swap3A_1034 = tpu.vector_load %arg6[%swap3A_1033] {strides = array<i32>} : memref<6144xi32, #tpu.memory_space<vmem>>, vector<16xi32>,
    %swap3A_1035 = vector.shape_cast %swap3A_1034 : vector<16xi32> to vector<16xi32>
    %swap3A_1036 = vector.shape_cast %add3A_1032 : vector<16xi32> to vector<16xi32>
    tpu.vector_store %arg6[%swap3A_1033], %swap3A_1036 {strides = array<i32>} : memref<6144xi32, #tpu.memory_space<vmem>>, vector<16xi32>,
    %add3A_1037 = arith.constant 1605632 : i32
    %add3A_1038 = vector.broadcast %add3A_1037 : i32 to vector<16xi32>
    %add3A_1039 = arith.addi %add3A_1022, %add3A_1038 : vector<16xi32>
    %swap3A_1040 = arith.constant 2144 : index
    %swap3A_1041 = tpu.vector_load %arg6[%swap3A_1040] {strides = array<i32>} : memref<6144xi32, #tpu.memory_space<vmem>>, vector<16xi32>,
    %swap3A_1042 = vector.shape_cast %swap3A_1041 : vector<16xi32> to vector<16xi32>
    %swap3A_1043 = vector.shape_cast %add3A_1039 : vector<16xi32> to vector<16xi32>
    tpu.vector_store %arg6[%swap3A_1040], %swap3A_1043 {strides = array<i32>} : memref<6144xi32, #tpu.memory_space<vmem>>, vector<16xi32>,
    %add3A_1044 = arith.constant 2408448 : i32
    %add3A_1045 = vector.broadcast %add3A_1044 : i32 to vector<16xi32>
    %add3A_1046 = arith.addi %add3A_1022, %add3A_1045 : vector<16xi32>
    %swap3A_1047 = arith.constant 2160 : index
    %swap3A_1048 = tpu.vector_load %arg6[%swap3A_1047] {strides = array<i32>} : memref<6144xi32, #tpu.memory_space<vmem>>, vector<16xi32>,
    %swap3A_1049 = vector.shape_cast %swap3A_1048 : vector<16xi32> to vector<16xi32>
    %swap3A_1050 = vector.shape_cast %add3A_1046 : vector<16xi32> to vector<16xi32>
    tpu.vector_store %arg6[%swap3A_1047], %swap3A_1050 {strides = array<i32>} : memref<6144xi32, #tpu.memory_space<vmem>>, vector<16xi32>,
    %add3A_1051 = arith.constant 3211264 : i32
    %add3A_1052 = vector.broadcast %add3A_1051 : i32 to vector<16xi32>
    %add3A_1053 = arith.addi %add3A_1022, %add3A_1052 : vector<16xi32>
    %swap3A_1054 = arith.constant 2176 : index
    %swap3A_1055 = tpu.vector_load %arg6[%swap3A_1054] {strides = array<i32>} : memref<6144xi32, #tpu.memory_space<vmem>>, vector<16xi32>,
    %swap3A_1056 = vector.shape_cast %swap3A_1055 : vector<16xi32> to vector<16xi32>
    %swap3A_1057 = vector.shape_cast %add3A_1053 : vector<16xi32> to vector<16xi32>
    tpu.vector_store %arg6[%swap3A_1054], %swap3A_1057 {strides = array<i32>} : memref<6144xi32, #tpu.memory_space<vmem>>, vector<16xi32>,
    %add3A_1058 = arith.constant 4014080 : i32
    %add3A_1059 = vector.broadcast %add3A_1058 : i32 to vector<16xi32>
    %add3A_1060 = arith.addi %add3A_1022, %add3A_1059 : vector<16xi32>
    %swap3A_1061 = arith.constant 2192 : index
    %swap3A_1062 = tpu.vector_load %arg6[%swap3A_1061] {strides = array<i32>} : memref<6144xi32, #tpu.memory_space<vmem>>, vector<16xi32>,
    %swap3A_1063 = vector.shape_cast %swap3A_1062 : vector<16xi32> to vector<16xi32>
    %swap3A_1064 = vector.shape_cast %add3A_1060 : vector<16xi32> to vector<16xi32>
    tpu.vector_store %arg6[%swap3A_1061], %swap3A_1064 {strides = array<i32>} : memref<6144xi32, #tpu.memory_space<vmem>>, vector<16xi32>,
    %add3A_1065 = arith.constant 4816896 : i32
    %add3A_1066 = vector.broadcast %add3A_1065 : i32 to vector<16xi32>
    %add3A_1067 = arith.addi %add3A_1022, %add3A_1066 : vector<16xi32>
    %swap3A_1068 = arith.constant 2208 : index
    %swap3A_1069 = tpu.vector_load %arg6[%swap3A_1068] {strides = array<i32>} : memref<6144xi32, #tpu.memory_space<vmem>>, vector<16xi32>,
    %swap3A_1070 = vector.shape_cast %swap3A_1069 : vector<16xi32> to vector<16xi32>
    %swap3A_1071 = vector.shape_cast %add3A_1067 : vector<16xi32> to vector<16xi32>
    tpu.vector_store %arg6[%swap3A_1068], %swap3A_1071 {strides = array<i32>} : memref<6144xi32, #tpu.memory_space<vmem>>, vector<16xi32>,
    %add3A_1072 = arith.constant 5619712 : i32
    %add3A_1073 = vector.broadcast %add3A_1072 : i32 to vector<16xi32>
    %add3A_1074 = arith.addi %add3A_1022, %add3A_1073 : vector<16xi32>
    %swap3A_1075 = arith.constant 2224 : index
    %swap3A_1076 = tpu.vector_load %arg6[%swap3A_1075] {strides = array<i32>} : memref<6144xi32, #tpu.memory_space<vmem>>, vector<16xi32>,
    %swap3A_1077 = vector.shape_cast %swap3A_1076 : vector<16xi32> to vector<16xi32>
    %swap3A_1078 = vector.shape_cast %add3A_1074 : vector<16xi32> to vector<16xi32>
    tpu.vector_store %arg6[%swap3A_1075], %swap3A_1078 {strides = array<i32>} : memref<6144xi32, #tpu.memory_space<vmem>>, vector<16xi32>,
    %add3A_1079 = arith.constant 6422528 : i32
    %add3A_1080 = vector.broadcast %add3A_1079 : i32 to vector<16xi32>
    %add3A_1081 = arith.addi %add3A_1022, %add3A_1080 : vector<16xi32>
    %swap3A_1082 = arith.constant 2240 : index
    %swap3A_1083 = tpu.vector_load %arg6[%swap3A_1082] {strides = array<i32>} : memref<6144xi32, #tpu.memory_space<vmem>>, vector<16xi32>,
    %swap3A_1084 = vector.shape_cast %swap3A_1083 : vector<16xi32> to vector<16xi32>
    %swap3A_1085 = vector.shape_cast %add3A_1081 : vector<16xi32> to vector<16xi32>
    tpu.vector_store %arg6[%swap3A_1082], %swap3A_1085 {strides = array<i32>} : memref<6144xi32, #tpu.memory_space<vmem>>, vector<16xi32>,
    %add3A_1086 = arith.constant 7225344 : i32
    %add3A_1087 = vector.broadcast %add3A_1086 : i32 to vector<16xi32>
    %add3A_1088 = arith.addi %add3A_1022, %add3A_1087 : vector<16xi32>
    %swap3A_1089 = arith.constant 2256 : index
    %swap3A_1090 = tpu.vector_load %arg6[%swap3A_1089] {strides = array<i32>} : memref<6144xi32, #tpu.memory_space<vmem>>, vector<16xi32>,
    %swap3A_1091 = vector.shape_cast %swap3A_1090 : vector<16xi32> to vector<16xi32>
    %swap3A_1092 = vector.shape_cast %add3A_1088 : vector<16xi32> to vector<16xi32>
    tpu.vector_store %arg6[%swap3A_1089], %swap3A_1092 {strides = array<i32>} : memref<6144xi32, #tpu.memory_space<vmem>>, vector<16xi32>,
    %add3A_1093 = arith.constant 8028160 : i32
    %add3A_1094 = vector.broadcast %add3A_1093 : i32 to vector<16xi32>
    %add3A_1095 = arith.addi %add3A_1022, %add3A_1094 : vector<16xi32>
    %swap3A_1096 = arith.constant 2272 : index
    %swap3A_1097 = tpu.vector_load %arg6[%swap3A_1096] {strides = array<i32>} : memref<6144xi32, #tpu.memory_space<vmem>>, vector<16xi32>,
    %swap3A_1098 = vector.shape_cast %swap3A_1097 : vector<16xi32> to vector<16xi32>
    %swap3A_1099 = vector.shape_cast %add3A_1095 : vector<16xi32> to vector<16xi32>
    tpu.vector_store %arg6[%swap3A_1096], %swap3A_1099 {strides = array<i32>} : memref<6144xi32, #tpu.memory_space<vmem>>, vector<16xi32>,
    %add3A_1100 = arith.constant 8830976 : i32
    %add3A_1101 = vector.broadcast %add3A_1100 : i32 to vector<16xi32>
    %add3A_1102 = arith.addi %add3A_1022, %add3A_1101 : vector<16xi32>
    %swap3A_1103 = arith.constant 2288 : index
    %swap3A_1104 = tpu.vector_load %arg6[%swap3A_1103] {strides = array<i32>} : memref<6144xi32, #tpu.memory_space<vmem>>, vector<16xi32>,
    %swap3A_1105 = vector.shape_cast %swap3A_1104 : vector<16xi32> to vector<16xi32>
    %swap3A_1106 = vector.shape_cast %add3A_1102 : vector<16xi32> to vector<16xi32>
    tpu.vector_store %arg6[%swap3A_1103], %swap3A_1106 {strides = array<i32>} : memref<6144xi32, #tpu.memory_space<vmem>>, vector<16xi32>,
    %slice3A_1107 = vector.extract_strided_slice %get3A_39 {offsets = [12], sizes = [1], strides = [1]} : vector<16xi32> to vector<1xi32>
    %squeeze3A_1108 = vector.extract %slice3A_1107[0] : i32 from vector<1xi32>
    %add3A_1109 = arith.addi %squeeze3A_1108, %mul3A_20 : i32
    %broadcast_in_dim3A_1110 = vector.broadcast %add3A_1109 : i32 to vector<16xi32>
    %add3A_1111 = arith.addi %broadcast_in_dim3A_1110, %mul3A_37 : vector<16xi32>
    %add3A_1112 = arith.constant 0 : i32
    %add3A_1113 = vector.broadcast %add3A_1112 : i32 to vector<16xi32>
    %add3A_1114 = arith.addi %add3A_1111, %add3A_1113 : vector<16xi32>
    %swap3A_1115 = arith.constant 2304 : index
    %swap3A_1116 = tpu.vector_load %arg6[%swap3A_1115] {strides = array<i32>} : memref<6144xi32, #tpu.memory_space<vmem>>, vector<16xi32>,
    %swap3A_1117 = vector.shape_cast %swap3A_1116 : vector<16xi32> to vector<16xi32>
    %swap3A_1118 = vector.shape_cast %add3A_1114 : vector<16xi32> to vector<16xi32>
    tpu.vector_store %arg6[%swap3A_1115], %swap3A_1118 {strides = array<i32>} : memref<6144xi32, #tpu.memory_space<vmem>>, vector<16xi32>,
    %add3A_1119 = arith.constant 802816 : i32
    %add3A_1120 = vector.broadcast %add3A_1119 : i32 to vector<16xi32>
    %add3A_1121 = arith.addi %add3A_1111, %add3A_1120 : vector<16xi32>
    %swap3A_1122 = arith.constant 2320 : index
    %swap3A_1123 = tpu.vector_load %arg6[%swap3A_1122] {strides = array<i32>} : memref<6144xi32, #tpu.memory_space<vmem>>, vector<16xi32>,
    %swap3A_1124 = vector.shape_cast %swap3A_1123 : vector<16xi32> to vector<16xi32>
    %swap3A_1125 = vector.shape_cast %add3A_1121 : vector<16xi32> to vector<16xi32>
    tpu.vector_store %arg6[%swap3A_1122], %swap3A_1125 {strides = array<i32>} : memref<6144xi32, #tpu.memory_space<vmem>>, vector<16xi32>,
    %add3A_1126 = arith.constant 1605632 : i32
    %add3A_1127 = vector.broadcast %add3A_1126 : i32 to vector<16xi32>
    %add3A_1128 = arith.addi %add3A_1111, %add3A_1127 : vector<16xi32>
    %swap3A_1129 = arith.constant 2336 : index
    %swap3A_1130 = tpu.vector_load %arg6[%swap3A_1129] {strides = array<i32>} : memref<6144xi32, #tpu.memory_space<vmem>>, vector<16xi32>,
    %swap3A_1131 = vector.shape_cast %swap3A_1130 : vector<16xi32> to vector<16xi32>
    %swap3A_1132 = vector.shape_cast %add3A_1128 : vector<16xi32> to vector<16xi32>
    tpu.vector_store %arg6[%swap3A_1129], %swap3A_1132 {strides = array<i32>} : memref<6144xi32, #tpu.memory_space<vmem>>, vector<16xi32>,
    %add3A_1133 = arith.constant 2408448 : i32
    %add3A_1134 = vector.broadcast %add3A_1133 : i32 to vector<16xi32>
    %add3A_1135 = arith.addi %add3A_1111, %add3A_1134 : vector<16xi32>
    %swap3A_1136 = arith.constant 2352 : index
    %swap3A_1137 = tpu.vector_load %arg6[%swap3A_1136] {strides = array<i32>} : memref<6144xi32, #tpu.memory_space<vmem>>, vector<16xi32>,
    %swap3A_1138 = vector.shape_cast %swap3A_1137 : vector<16xi32> to vector<16xi32>
    %swap3A_1139 = vector.shape_cast %add3A_1135 : vector<16xi32> to vector<16xi32>
    tpu.vector_store %arg6[%swap3A_1136], %swap3A_1139 {strides = array<i32>} : memref<6144xi32, #tpu.memory_space<vmem>>, vector<16xi32>,
    %add3A_1140 = arith.constant 3211264 : i32
    %add3A_1141 = vector.broadcast %add3A_1140 : i32 to vector<16xi32>
    %add3A_1142 = arith.addi %add3A_1111, %add3A_1141 : vector<16xi32>
    %swap3A_1143 = arith.constant 2368 : index
    %swap3A_1144 = tpu.vector_load %arg6[%swap3A_1143] {strides = array<i32>} : memref<6144xi32, #tpu.memory_space<vmem>>, vector<16xi32>,
    %swap3A_1145 = vector.shape_cast %swap3A_1144 : vector<16xi32> to vector<16xi32>
    %swap3A_1146 = vector.shape_cast %add3A_1142 : vector<16xi32> to vector<16xi32>
    tpu.vector_store %arg6[%swap3A_1143], %swap3A_1146 {strides = array<i32>} : memref<6144xi32, #tpu.memory_space<vmem>>, vector<16xi32>,
    %add3A_1147 = arith.constant 4014080 : i32
    %add3A_1148 = vector.broadcast %add3A_1147 : i32 to vector<16xi32>
    %add3A_1149 = arith.addi %add3A_1111, %add3A_1148 : vector<16xi32>
    %swap3A_1150 = arith.constant 2384 : index
    %swap3A_1151 = tpu.vector_load %arg6[%swap3A_1150] {strides = array<i32>} : memref<6144xi32, #tpu.memory_space<vmem>>, vector<16xi32>,
    %swap3A_1152 = vector.shape_cast %swap3A_1151 : vector<16xi32> to vector<16xi32>
    %swap3A_1153 = vector.shape_cast %add3A_1149 : vector<16xi32> to vector<16xi32>
    tpu.vector_store %arg6[%swap3A_1150], %swap3A_1153 {strides = array<i32>} : memref<6144xi32, #tpu.memory_space<vmem>>, vector<16xi32>,
    %add3A_1154 = arith.constant 4816896 : i32
    %add3A_1155 = vector.broadcast %add3A_1154 : i32 to vector<16xi32>
    %add3A_1156 = arith.addi %add3A_1111, %add3A_1155 : vector<16xi32>
    %swap3A_1157 = arith.constant 2400 : index
    %swap3A_1158 = tpu.vector_load %arg6[%swap3A_1157] {strides = array<i32>} : memref<6144xi32, #tpu.memory_space<vmem>>, vector<16xi32>,
    %swap3A_1159 = vector.shape_cast %swap3A_1158 : vector<16xi32> to vector<16xi32>
    %swap3A_1160 = vector.shape_cast %add3A_1156 : vector<16xi32> to vector<16xi32>
    tpu.vector_store %arg6[%swap3A_1157], %swap3A_1160 {strides = array<i32>} : memref<6144xi32, #tpu.memory_space<vmem>>, vector<16xi32>,
    %add3A_1161 = arith.constant 5619712 : i32
    %add3A_1162 = vector.broadcast %add3A_1161 : i32 to vector<16xi32>
    %add3A_1163 = arith.addi %add3A_1111, %add3A_1162 : vector<16xi32>
    %swap3A_1164 = arith.constant 2416 : index
    %swap3A_1165 = tpu.vector_load %arg6[%swap3A_1164] {strides = array<i32>} : memref<6144xi32, #tpu.memory_space<vmem>>, vector<16xi32>,
    %swap3A_1166 = vector.shape_cast %swap3A_1165 : vector<16xi32> to vector<16xi32>
    %swap3A_1167 = vector.shape_cast %add3A_1163 : vector<16xi32> to vector<16xi32>
    tpu.vector_store %arg6[%swap3A_1164], %swap3A_1167 {strides = array<i32>} : memref<6144xi32, #tpu.memory_space<vmem>>, vector<16xi32>,
    %add3A_1168 = arith.constant 6422528 : i32
    %add3A_1169 = vector.broadcast %add3A_1168 : i32 to vector<16xi32>
    %add3A_1170 = arith.addi %add3A_1111, %add3A_1169 : vector<16xi32>
    %swap3A_1171 = arith.constant 2432 : index
    %swap3A_1172 = tpu.vector_load %arg6[%swap3A_1171] {strides = array<i32>} : memref<6144xi32, #tpu.memory_space<vmem>>, vector<16xi32>,
    %swap3A_1173 = vector.shape_cast %swap3A_1172 : vector<16xi32> to vector<16xi32>
    %swap3A_1174 = vector.shape_cast %add3A_1170 : vector<16xi32> to vector<16xi32>
    tpu.vector_store %arg6[%swap3A_1171], %swap3A_1174 {strides = array<i32>} : memref<6144xi32, #tpu.memory_space<vmem>>, vector<16xi32>,
    %add3A_1175 = arith.constant 7225344 : i32
    %add3A_1176 = vector.broadcast %add3A_1175 : i32 to vector<16xi32>
    %add3A_1177 = arith.addi %add3A_1111, %add3A_1176 : vector<16xi32>
    %swap3A_1178 = arith.constant 2448 : index
    %swap3A_1179 = tpu.vector_load %arg6[%swap3A_1178] {strides = array<i32>} : memref<6144xi32, #tpu.memory_space<vmem>>, vector<16xi32>,
    %swap3A_1180 = vector.shape_cast %swap3A_1179 : vector<16xi32> to vector<16xi32>
    %swap3A_1181 = vector.shape_cast %add3A_1177 : vector<16xi32> to vector<16xi32>
    tpu.vector_store %arg6[%swap3A_1178], %swap3A_1181 {strides = array<i32>} : memref<6144xi32, #tpu.memory_space<vmem>>, vector<16xi32>,
    %add3A_1182 = arith.constant 8028160 : i32
    %add3A_1183 = vector.broadcast %add3A_1182 : i32 to vector<16xi32>
    %add3A_1184 = arith.addi %add3A_1111, %add3A_1183 : vector<16xi32>
    %swap3A_1185 = arith.constant 2464 : index
    %swap3A_1186 = tpu.vector_load %arg6[%swap3A_1185] {strides = array<i32>} : memref<6144xi32, #tpu.memory_space<vmem>>, vector<16xi32>,
    %swap3A_1187 = vector.shape_cast %swap3A_1186 : vector<16xi32> to vector<16xi32>
    %swap3A_1188 = vector.shape_cast %add3A_1184 : vector<16xi32> to vector<16xi32>
    tpu.vector_store %arg6[%swap3A_1185], %swap3A_1188 {strides = array<i32>} : memref<6144xi32, #tpu.memory_space<vmem>>, vector<16xi32>,
    %add3A_1189 = arith.constant 8830976 : i32
    %add3A_1190 = vector.broadcast %add3A_1189 : i32 to vector<16xi32>
    %add3A_1191 = arith.addi %add3A_1111, %add3A_1190 : vector<16xi32>
    %swap3A_1192 = arith.constant 2480 : index
    %swap3A_1193 = tpu.vector_load %arg6[%swap3A_1192] {strides = array<i32>} : memref<6144xi32, #tpu.memory_space<vmem>>, vector<16xi32>,
    %swap3A_1194 = vector.shape_cast %swap3A_1193 : vector<16xi32> to vector<16xi32>
    %swap3A_1195 = vector.shape_cast %add3A_1191 : vector<16xi32> to vector<16xi32>
    tpu.vector_store %arg6[%swap3A_1192], %swap3A_1195 {strides = array<i32>} : memref<6144xi32, #tpu.memory_space<vmem>>, vector<16xi32>,
    %slice3A_1196 = vector.extract_strided_slice %get3A_39 {offsets = [13], sizes = [1], strides = [1]} : vector<16xi32> to vector<1xi32>
    %squeeze3A_1197 = vector.extract %slice3A_1196[0] : i32 from vector<1xi32>
    %add3A_1198 = arith.addi %squeeze3A_1197, %mul3A_20 : i32
    %broadcast_in_dim3A_1199 = vector.broadcast %add3A_1198 : i32 to vector<16xi32>
    %add3A_1200 = arith.addi %broadcast_in_dim3A_1199, %mul3A_37 : vector<16xi32>
    %add3A_1201 = arith.constant 0 : i32
    %add3A_1202 = vector.broadcast %add3A_1201 : i32 to vector<16xi32>
    %add3A_1203 = arith.addi %add3A_1200, %add3A_1202 : vector<16xi32>
    %swap3A_1204 = arith.constant 2496 : index
    %swap3A_1205 = tpu.vector_load %arg6[%swap3A_1204] {strides = array<i32>} : memref<6144xi32, #tpu.memory_space<vmem>>, vector<16xi32>,
    %swap3A_1206 = vector.shape_cast %swap3A_1205 : vector<16xi32> to vector<16xi32>
    %swap3A_1207 = vector.shape_cast %add3A_1203 : vector<16xi32> to vector<16xi32>
    tpu.vector_store %arg6[%swap3A_1204], %swap3A_1207 {strides = array<i32>} : memref<6144xi32, #tpu.memory_space<vmem>>, vector<16xi32>,
    %add3A_1208 = arith.constant 802816 : i32
    %add3A_1209 = vector.broadcast %add3A_1208 : i32 to vector<16xi32>
    %add3A_1210 = arith.addi %add3A_1200, %add3A_1209 : vector<16xi32>
    %swap3A_1211 = arith.constant 2512 : index
    %swap3A_1212 = tpu.vector_load %arg6[%swap3A_1211] {strides = array<i32>} : memref<6144xi32, #tpu.memory_space<vmem>>, vector<16xi32>,
    %swap3A_1213 = vector.shape_cast %swap3A_1212 : vector<16xi32> to vector<16xi32>
    %swap3A_1214 = vector.shape_cast %add3A_1210 : vector<16xi32> to vector<16xi32>
    tpu.vector_store %arg6[%swap3A_1211], %swap3A_1214 {strides = array<i32>} : memref<6144xi32, #tpu.memory_space<vmem>>, vector<16xi32>,
    %add3A_1215 = arith.constant 1605632 : i32
    %add3A_1216 = vector.broadcast %add3A_1215 : i32 to vector<16xi32>
    %add3A_1217 = arith.addi %add3A_1200, %add3A_1216 : vector<16xi32>
    %swap3A_1218 = arith.constant 2528 : index
    %swap3A_1219 = tpu.vector_load %arg6[%swap3A_1218] {strides = array<i32>} : memref<6144xi32, #tpu.memory_space<vmem>>, vector<16xi32>,
    %swap3A_1220 = vector.shape_cast %swap3A_1219 : vector<16xi32> to vector<16xi32>
    %swap3A_1221 = vector.shape_cast %add3A_1217 : vector<16xi32> to vector<16xi32>
    tpu.vector_store %arg6[%swap3A_1218], %swap3A_1221 {strides = array<i32>} : memref<6144xi32, #tpu.memory_space<vmem>>, vector<16xi32>,
    %add3A_1222 = arith.constant 2408448 : i32
    %add3A_1223 = vector.broadcast %add3A_1222 : i32 to vector<16xi32>
    %add3A_1224 = arith.addi %add3A_1200, %add3A_1223 : vector<16xi32>
    %swap3A_1225 = arith.constant 2544 : index
    %swap3A_1226 = tpu.vector_load %arg6[%swap3A_1225] {strides = array<i32>} : memref<6144xi32, #tpu.memory_space<vmem>>, vector<16xi32>,
    %swap3A_1227 = vector.shape_cast %swap3A_1226 : vector<16xi32> to vector<16xi32>
    %swap3A_1228 = vector.shape_cast %add3A_1224 : vector<16xi32> to vector<16xi32>
    tpu.vector_store %arg6[%swap3A_1225], %swap3A_1228 {strides = array<i32>} : memref<6144xi32, #tpu.memory_space<vmem>>, vector<16xi32>,
    %add3A_1229 = arith.constant 3211264 : i32
    %add3A_1230 = vector.broadcast %add3A_1229 : i32 to vector<16xi32>
    %add3A_1231 = arith.addi %add3A_1200, %add3A_1230 : vector<16xi32>
    %swap3A_1232 = arith.constant 2560 : index
    %swap3A_1233 = tpu.vector_load %arg6[%swap3A_1232] {strides = array<i32>} : memref<6144xi32, #tpu.memory_space<vmem>>, vector<16xi32>,
    %swap3A_1234 = vector.shape_cast %swap3A_1233 : vector<16xi32> to vector<16xi32>
    %swap3A_1235 = vector.shape_cast %add3A_1231 : vector<16xi32> to vector<16xi32>
    tpu.vector_store %arg6[%swap3A_1232], %swap3A_1235 {strides = array<i32>} : memref<6144xi32, #tpu.memory_space<vmem>>, vector<16xi32>,
    %add3A_1236 = arith.constant 4014080 : i32
    %add3A_1237 = vector.broadcast %add3A_1236 : i32 to vector<16xi32>
    %add3A_1238 = arith.addi %add3A_1200, %add3A_1237 : vector<16xi32>
    %swap3A_1239 = arith.constant 2576 : index
    %swap3A_1240 = tpu.vector_load %arg6[%swap3A_1239] {strides = array<i32>} : memref<6144xi32, #tpu.memory_space<vmem>>, vector<16xi32>,
    %swap3A_1241 = vector.shape_cast %swap3A_1240 : vector<16xi32> to vector<16xi32>
    %swap3A_1242 = vector.shape_cast %add3A_1238 : vector<16xi32> to vector<16xi32>
    tpu.vector_store %arg6[%swap3A_1239], %swap3A_1242 {strides = array<i32>} : memref<6144xi32, #tpu.memory_space<vmem>>, vector<16xi32>,
    %add3A_1243 = arith.constant 4816896 : i32
    %add3A_1244 = vector.broadcast %add3A_1243 : i32 to vector<16xi32>
    %add3A_1245 = arith.addi %add3A_1200, %add3A_1244 : vector<16xi32>
    %swap3A_1246 = arith.constant 2592 : index
    %swap3A_1247 = tpu.vector_load %arg6[%swap3A_1246] {strides = array<i32>} : memref<6144xi32, #tpu.memory_space<vmem>>, vector<16xi32>,
    %swap3A_1248 = vector.shape_cast %swap3A_1247 : vector<16xi32> to vector<16xi32>
    %swap3A_1249 = vector.shape_cast %add3A_1245 : vector<16xi32> to vector<16xi32>
    tpu.vector_store %arg6[%swap3A_1246], %swap3A_1249 {strides = array<i32>} : memref<6144xi32, #tpu.memory_space<vmem>>, vector<16xi32>,
    %add3A_1250 = arith.constant 5619712 : i32
    %add3A_1251 = vector.broadcast %add3A_1250 : i32 to vector<16xi32>
    %add3A_1252 = arith.addi %add3A_1200, %add3A_1251 : vector<16xi32>
    %swap3A_1253 = arith.constant 2608 : index
    %swap3A_1254 = tpu.vector_load %arg6[%swap3A_1253] {strides = array<i32>} : memref<6144xi32, #tpu.memory_space<vmem>>, vector<16xi32>,
    %swap3A_1255 = vector.shape_cast %swap3A_1254 : vector<16xi32> to vector<16xi32>
    %swap3A_1256 = vector.shape_cast %add3A_1252 : vector<16xi32> to vector<16xi32>
    tpu.vector_store %arg6[%swap3A_1253], %swap3A_1256 {strides = array<i32>} : memref<6144xi32, #tpu.memory_space<vmem>>, vector<16xi32>,
    %add3A_1257 = arith.constant 6422528 : i32
    %add3A_1258 = vector.broadcast %add3A_1257 : i32 to vector<16xi32>
    %add3A_1259 = arith.addi %add3A_1200, %add3A_1258 : vector<16xi32>
    %swap3A_1260 = arith.constant 2624 : index
    %swap3A_1261 = tpu.vector_load %arg6[%swap3A_1260] {strides = array<i32>} : memref<6144xi32, #tpu.memory_space<vmem>>, vector<16xi32>,
    %swap3A_1262 = vector.shape_cast %swap3A_1261 : vector<16xi32> to vector<16xi32>
    %swap3A_1263 = vector.shape_cast %add3A_1259 : vector<16xi32> to vector<16xi32>
    tpu.vector_store %arg6[%swap3A_1260], %swap3A_1263 {strides = array<i32>} : memref<6144xi32, #tpu.memory_space<vmem>>, vector<16xi32>,
    %add3A_1264 = arith.constant 7225344 : i32
    %add3A_1265 = vector.broadcast %add3A_1264 : i32 to vector<16xi32>
    %add3A_1266 = arith.addi %add3A_1200, %add3A_1265 : vector<16xi32>
    %swap3A_1267 = arith.constant 2640 : index
    %swap3A_1268 = tpu.vector_load %arg6[%swap3A_1267] {strides = array<i32>} : memref<6144xi32, #tpu.memory_space<vmem>>, vector<16xi32>,
    %swap3A_1269 = vector.shape_cast %swap3A_1268 : vector<16xi32> to vector<16xi32>
    %swap3A_1270 = vector.shape_cast %add3A_1266 : vector<16xi32> to vector<16xi32>
    tpu.vector_store %arg6[%swap3A_1267], %swap3A_1270 {strides = array<i32>} : memref<6144xi32, #tpu.memory_space<vmem>>, vector<16xi32>,
    %add3A_1271 = arith.constant 8028160 : i32
    %add3A_1272 = vector.broadcast %add3A_1271 : i32 to vector<16xi32>
    %add3A_1273 = arith.addi %add3A_1200, %add3A_1272 : vector<16xi32>
    %swap3A_1274 = arith.constant 2656 : index
    %swap3A_1275 = tpu.vector_load %arg6[%swap3A_1274] {strides = array<i32>} : memref<6144xi32, #tpu.memory_space<vmem>>, vector<16xi32>,
    %swap3A_1276 = vector.shape_cast %swap3A_1275 : vector<16xi32> to vector<16xi32>
    %swap3A_1277 = vector.shape_cast %add3A_1273 : vector<16xi32> to vector<16xi32>
    tpu.vector_store %arg6[%swap3A_1274], %swap3A_1277 {strides = array<i32>} : memref<6144xi32, #tpu.memory_space<vmem>>, vector<16xi32>,
    %add3A_1278 = arith.constant 8830976 : i32
    %add3A_1279 = vector.broadcast %add3A_1278 : i32 to vector<16xi32>
    %add3A_1280 = arith.addi %add3A_1200, %add3A_1279 : vector<16xi32>
    %swap3A_1281 = arith.constant 2672 : index
    %swap3A_1282 = tpu.vector_load %arg6[%swap3A_1281] {strides = array<i32>} : memref<6144xi32, #tpu.memory_space<vmem>>, vector<16xi32>,
    %swap3A_1283 = vector.shape_cast %swap3A_1282 : vector<16xi32> to vector<16xi32>
    %swap3A_1284 = vector.shape_cast %add3A_1280 : vector<16xi32> to vector<16xi32>
    tpu.vector_store %arg6[%swap3A_1281], %swap3A_1284 {strides = array<i32>} : memref<6144xi32, #tpu.memory_space<vmem>>, vector<16xi32>,
    %slice3A_1285 = vector.extract_strided_slice %get3A_39 {offsets = [14], sizes = [1], strides = [1]} : vector<16xi32> to vector<1xi32>
    %squeeze3A_1286 = vector.extract %slice3A_1285[0] : i32 from vector<1xi32>
    %add3A_1287 = arith.addi %squeeze3A_1286, %mul3A_20 : i32
    %broadcast_in_dim3A_1288 = vector.broadcast %add3A_1287 : i32 to vector<16xi32>
    %add3A_1289 = arith.addi %broadcast_in_dim3A_1288, %mul3A_37 : vector<16xi32>
    %add3A_1290 = arith.constant 0 : i32
    %add3A_1291 = vector.broadcast %add3A_1290 : i32 to vector<16xi32>
    %add3A_1292 = arith.addi %add3A_1289, %add3A_1291 : vector<16xi32>
    %swap3A_1293 = arith.constant 2688 : index
    %swap3A_1294 = tpu.vector_load %arg6[%swap3A_1293] {strides = array<i32>} : memref<6144xi32, #tpu.memory_space<vmem>>, vector<16xi32>,
    %swap3A_1295 = vector.shape_cast %swap3A_1294 : vector<16xi32> to vector<16xi32>
    %swap3A_1296 = vector.shape_cast %add3A_1292 : vector<16xi32> to vector<16xi32>
    tpu.vector_store %arg6[%swap3A_1293], %swap3A_1296 {strides = array<i32>} : memref<6144xi32, #tpu.memory_space<vmem>>, vector<16xi32>,
    %add3A_1297 = arith.constant 802816 : i32
    %add3A_1298 = vector.broadcast %add3A_1297 : i32 to vector<16xi32>
    %add3A_1299 = arith.addi %add3A_1289, %add3A_1298 : vector<16xi32>
    %swap3A_1300 = arith.constant 2704 : index
    %swap3A_1301 = tpu.vector_load %arg6[%swap3A_1300] {strides = array<i32>} : memref<6144xi32, #tpu.memory_space<vmem>>, vector<16xi32>,
    %swap3A_1302 = vector.shape_cast %swap3A_1301 : vector<16xi32> to vector<16xi32>
    %swap3A_1303 = vector.shape_cast %add3A_1299 : vector<16xi32> to vector<16xi32>
    tpu.vector_store %arg6[%swap3A_1300], %swap3A_1303 {strides = array<i32>} : memref<6144xi32, #tpu.memory_space<vmem>>, vector<16xi32>,
    %add3A_1304 = arith.constant 1605632 : i32
    %add3A_1305 = vector.broadcast %add3A_1304 : i32 to vector<16xi32>
    %add3A_1306 = arith.addi %add3A_1289, %add3A_1305 : vector<16xi32>
    %swap3A_1307 = arith.constant 2720 : index
    %swap3A_1308 = tpu.vector_load %arg6[%swap3A_1307] {strides = array<i32>} : memref<6144xi32, #tpu.memory_space<vmem>>, vector<16xi32>,
    %swap3A_1309 = vector.shape_cast %swap3A_1308 : vector<16xi32> to vector<16xi32>
    %swap3A_1310 = vector.shape_cast %add3A_1306 : vector<16xi32> to vector<16xi32>
    tpu.vector_store %arg6[%swap3A_1307], %swap3A_1310 {strides = array<i32>} : memref<6144xi32, #tpu.memory_space<vmem>>, vector<16xi32>,
    %add3A_1311 = arith.constant 2408448 : i32
    %add3A_1312 = vector.broadcast %add3A_1311 : i32 to vector<16xi32>
    %add3A_1313 = arith.addi %add3A_1289, %add3A_1312 : vector<16xi32>
    %swap3A_1314 = arith.constant 2736 : index
    %swap3A_1315 = tpu.vector_load %arg6[%swap3A_1314] {strides = array<i32>} : memref<6144xi32, #tpu.memory_space<vmem>>, vector<16xi32>,
    %swap3A_1316 = vector.shape_cast %swap3A_1315 : vector<16xi32> to vector<16xi32>
    %swap3A_1317 = vector.shape_cast %add3A_1313 : vector<16xi32> to vector<16xi32>
    tpu.vector_store %arg6[%swap3A_1314], %swap3A_1317 {strides = array<i32>} : memref<6144xi32, #tpu.memory_space<vmem>>, vector<16xi32>,
    %add3A_1318 = arith.constant 3211264 : i32
    %add3A_1319 = vector.broadcast %add3A_1318 : i32 to vector<16xi32>
    %add3A_1320 = arith.addi %add3A_1289, %add3A_1319 : vector<16xi32>
    %swap3A_1321 = arith.constant 2752 : index
    %swap3A_1322 = tpu.vector_load %arg6[%swap3A_1321] {strides = array<i32>} : memref<6144xi32, #tpu.memory_space<vmem>>, vector<16xi32>,
    %swap3A_1323 = vector.shape_cast %swap3A_1322 : vector<16xi32> to vector<16xi32>
    %swap3A_1324 = vector.shape_cast %add3A_1320 : vector<16xi32> to vector<16xi32>
    tpu.vector_store %arg6[%swap3A_1321], %swap3A_1324 {strides = array<i32>} : memref<6144xi32, #tpu.memory_space<vmem>>, vector<16xi32>,
    %add3A_1325 = arith.constant 4014080 : i32
    %add3A_1326 = vector.broadcast %add3A_1325 : i32 to vector<16xi32>
    %add3A_1327 = arith.addi %add3A_1289, %add3A_1326 : vector<16xi32>
    %swap3A_1328 = arith.constant 2768 : index
    %swap3A_1329 = tpu.vector_load %arg6[%swap3A_1328] {strides = array<i32>} : memref<6144xi32, #tpu.memory_space<vmem>>, vector<16xi32>,
    %swap3A_1330 = vector.shape_cast %swap3A_1329 : vector<16xi32> to vector<16xi32>
    %swap3A_1331 = vector.shape_cast %add3A_1327 : vector<16xi32> to vector<16xi32>
    tpu.vector_store %arg6[%swap3A_1328], %swap3A_1331 {strides = array<i32>} : memref<6144xi32, #tpu.memory_space<vmem>>, vector<16xi32>,
    %add3A_1332 = arith.constant 4816896 : i32
    %add3A_1333 = vector.broadcast %add3A_1332 : i32 to vector<16xi32>
    %add3A_1334 = arith.addi %add3A_1289, %add3A_1333 : vector<16xi32>
    %swap3A_1335 = arith.constant 2784 : index
    %swap3A_1336 = tpu.vector_load %arg6[%swap3A_1335] {strides = array<i32>} : memref<6144xi32, #tpu.memory_space<vmem>>, vector<16xi32>,
    %swap3A_1337 = vector.shape_cast %swap3A_1336 : vector<16xi32> to vector<16xi32>
    %swap3A_1338 = vector.shape_cast %add3A_1334 : vector<16xi32> to vector<16xi32>
    tpu.vector_store %arg6[%swap3A_1335], %swap3A_1338 {strides = array<i32>} : memref<6144xi32, #tpu.memory_space<vmem>>, vector<16xi32>,
    %add3A_1339 = arith.constant 5619712 : i32
    %add3A_1340 = vector.broadcast %add3A_1339 : i32 to vector<16xi32>
    %add3A_1341 = arith.addi %add3A_1289, %add3A_1340 : vector<16xi32>
    %swap3A_1342 = arith.constant 2800 : index
    %swap3A_1343 = tpu.vector_load %arg6[%swap3A_1342] {strides = array<i32>} : memref<6144xi32, #tpu.memory_space<vmem>>, vector<16xi32>,
    %swap3A_1344 = vector.shape_cast %swap3A_1343 : vector<16xi32> to vector<16xi32>
    %swap3A_1345 = vector.shape_cast %add3A_1341 : vector<16xi32> to vector<16xi32>
    tpu.vector_store %arg6[%swap3A_1342], %swap3A_1345 {strides = array<i32>} : memref<6144xi32, #tpu.memory_space<vmem>>, vector<16xi32>,
    %add3A_1346 = arith.constant 6422528 : i32
    %add3A_1347 = vector.broadcast %add3A_1346 : i32 to vector<16xi32>
    %add3A_1348 = arith.addi %add3A_1289, %add3A_1347 : vector<16xi32>
    %swap3A_1349 = arith.constant 2816 : index
    %swap3A_1350 = tpu.vector_load %arg6[%swap3A_1349] {strides = array<i32>} : memref<6144xi32, #tpu.memory_space<vmem>>, vector<16xi32>,
    %swap3A_1351 = vector.shape_cast %swap3A_1350 : vector<16xi32> to vector<16xi32>
    %swap3A_1352 = vector.shape_cast %add3A_1348 : vector<16xi32> to vector<16xi32>
    tpu.vector_store %arg6[%swap3A_1349], %swap3A_1352 {strides = array<i32>} : memref<6144xi32, #tpu.memory_space<vmem>>, vector<16xi32>,
    %add3A_1353 = arith.constant 7225344 : i32
    %add3A_1354 = vector.broadcast %add3A_1353 : i32 to vector<16xi32>
    %add3A_1355 = arith.addi %add3A_1289, %add3A_1354 : vector<16xi32>
    %swap3A_1356 = arith.constant 2832 : index
    %swap3A_1357 = tpu.vector_load %arg6[%swap3A_1356] {strides = array<i32>} : memref<6144xi32, #tpu.memory_space<vmem>>, vector<16xi32>,
    %swap3A_1358 = vector.shape_cast %swap3A_1357 : vector<16xi32> to vector<16xi32>
    %swap3A_1359 = vector.shape_cast %add3A_1355 : vector<16xi32> to vector<16xi32>
    tpu.vector_store %arg6[%swap3A_1356], %swap3A_1359 {strides = array<i32>} : memref<6144xi32, #tpu.memory_space<vmem>>, vector<16xi32>,
    %add3A_1360 = arith.constant 8028160 : i32
    %add3A_1361 = vector.broadcast %add3A_1360 : i32 to vector<16xi32>
    %add3A_1362 = arith.addi %add3A_1289, %add3A_1361 : vector<16xi32>
    %swap3A_1363 = arith.constant 2848 : index
    %swap3A_1364 = tpu.vector_load %arg6[%swap3A_1363] {strides = array<i32>} : memref<6144xi32, #tpu.memory_space<vmem>>, vector<16xi32>,
    %swap3A_1365 = vector.shape_cast %swap3A_1364 : vector<16xi32> to vector<16xi32>
    %swap3A_1366 = vector.shape_cast %add3A_1362 : vector<16xi32> to vector<16xi32>
    tpu.vector_store %arg6[%swap3A_1363], %swap3A_1366 {strides = array<i32>} : memref<6144xi32, #tpu.memory_space<vmem>>, vector<16xi32>,
    %add3A_1367 = arith.constant 8830976 : i32
    %add3A_1368 = vector.broadcast %add3A_1367 : i32 to vector<16xi32>
    %add3A_1369 = arith.addi %add3A_1289, %add3A_1368 : vector<16xi32>
    %swap3A_1370 = arith.constant 2864 : index
    %swap3A_1371 = tpu.vector_load %arg6[%swap3A_1370] {strides = array<i32>} : memref<6144xi32, #tpu.memory_space<vmem>>, vector<16xi32>,
    %swap3A_1372 = vector.shape_cast %swap3A_1371 : vector<16xi32> to vector<16xi32>
    %swap3A_1373 = vector.shape_cast %add3A_1369 : vector<16xi32> to vector<16xi32>
    tpu.vector_store %arg6[%swap3A_1370], %swap3A_1373 {strides = array<i32>} : memref<6144xi32, #tpu.memory_space<vmem>>, vector<16xi32>,
    %slice3A_1374 = vector.extract_strided_slice %get3A_39 {offsets = [15], sizes = [1], strides = [1]} : vector<16xi32> to vector<1xi32>
    %squeeze3A_1375 = vector.extract %slice3A_1374[0] : i32 from vector<1xi32>
    %add3A_1376 = arith.addi %squeeze3A_1375, %mul3A_20 : i32
    %broadcast_in_dim3A_1377 = vector.broadcast %add3A_1376 : i32 to vector<16xi32>
    %add3A_1378 = arith.addi %broadcast_in_dim3A_1377, %mul3A_37 : vector<16xi32>
    %add3A_1379 = arith.constant 0 : i32
    %add3A_1380 = vector.broadcast %add3A_1379 : i32 to vector<16xi32>
    %add3A_1381 = arith.addi %add3A_1378, %add3A_1380 : vector<16xi32>
    %swap3A_1382 = arith.constant 2880 : index
    %swap3A_1383 = tpu.vector_load %arg6[%swap3A_1382] {strides = array<i32>} : memref<6144xi32, #tpu.memory_space<vmem>>, vector<16xi32>,
    %swap3A_1384 = vector.shape_cast %swap3A_1383 : vector<16xi32> to vector<16xi32>
    %swap3A_1385 = vector.shape_cast %add3A_1381 : vector<16xi32> to vector<16xi32>
    tpu.vector_store %arg6[%swap3A_1382], %swap3A_1385 {strides = array<i32>} : memref<6144xi32, #tpu.memory_space<vmem>>, vector<16xi32>,
    %add3A_1386 = arith.constant 802816 : i32
    %add3A_1387 = vector.broadcast %add3A_1386 : i32 to vector<16xi32>
    %add3A_1388 = arith.addi %add3A_1378, %add3A_1387 : vector<16xi32>
    %swap3A_1389 = arith.constant 2896 : index
    %swap3A_1390 = tpu.vector_load %arg6[%swap3A_1389] {strides = array<i32>} : memref<6144xi32, #tpu.memory_space<vmem>>, vector<16xi32>,
    %swap3A_1391 = vector.shape_cast %swap3A_1390 : vector<16xi32> to vector<16xi32>
    %swap3A_1392 = vector.shape_cast %add3A_1388 : vector<16xi32> to vector<16xi32>
    tpu.vector_store %arg6[%swap3A_1389], %swap3A_1392 {strides = array<i32>} : memref<6144xi32, #tpu.memory_space<vmem>>, vector<16xi32>,
    %add3A_1393 = arith.constant 1605632 : i32
    %add3A_1394 = vector.broadcast %add3A_1393 : i32 to vector<16xi32>
    %add3A_1395 = arith.addi %add3A_1378, %add3A_1394 : vector<16xi32>
    %swap3A_1396 = arith.constant 2912 : index
    %swap3A_1397 = tpu.vector_load %arg6[%swap3A_1396] {strides = array<i32>} : memref<6144xi32, #tpu.memory_space<vmem>>, vector<16xi32>,
    %swap3A_1398 = vector.shape_cast %swap3A_1397 : vector<16xi32> to vector<16xi32>
    %swap3A_1399 = vector.shape_cast %add3A_1395 : vector<16xi32> to vector<16xi32>
    tpu.vector_store %arg6[%swap3A_1396], %swap3A_1399 {strides = array<i32>} : memref<6144xi32, #tpu.memory_space<vmem>>, vector<16xi32>,
    %add3A_1400 = arith.constant 2408448 : i32
    %add3A_1401 = vector.broadcast %add3A_1400 : i32 to vector<16xi32>
    %add3A_1402 = arith.addi %add3A_1378, %add3A_1401 : vector<16xi32>
    %swap3A_1403 = arith.constant 2928 : index
    %swap3A_1404 = tpu.vector_load %arg6[%swap3A_1403] {strides = array<i32>} : memref<6144xi32, #tpu.memory_space<vmem>>, vector<16xi32>,
    %swap3A_1405 = vector.shape_cast %swap3A_1404 : vector<16xi32> to vector<16xi32>
    %swap3A_1406 = vector.shape_cast %add3A_1402 : vector<16xi32> to vector<16xi32>
    tpu.vector_store %arg6[%swap3A_1403], %swap3A_1406 {strides = array<i32>} : memref<6144xi32, #tpu.memory_space<vmem>>, vector<16xi32>,
    %add3A_1407 = arith.constant 3211264 : i32
    %add3A_1408 = vector.broadcast %add3A_1407 : i32 to vector<16xi32>
    %add3A_1409 = arith.addi %add3A_1378, %add3A_1408 : vector<16xi32>
    %swap3A_1410 = arith.constant 2944 : index
    %swap3A_1411 = tpu.vector_load %arg6[%swap3A_1410] {strides = array<i32>} : memref<6144xi32, #tpu.memory_space<vmem>>, vector<16xi32>,
    %swap3A_1412 = vector.shape_cast %swap3A_1411 : vector<16xi32> to vector<16xi32>
    %swap3A_1413 = vector.shape_cast %add3A_1409 : vector<16xi32> to vector<16xi32>
    tpu.vector_store %arg6[%swap3A_1410], %swap3A_1413 {strides = array<i32>} : memref<6144xi32, #tpu.memory_space<vmem>>, vector<16xi32>,
    %add3A_1414 = arith.constant 4014080 : i32
    %add3A_1415 = vector.broadcast %add3A_1414 : i32 to vector<16xi32>
    %add3A_1416 = arith.addi %add3A_1378, %add3A_1415 : vector<16xi32>
    %swap3A_1417 = arith.constant 2960 : index
    %swap3A_1418 = tpu.vector_load %arg6[%swap3A_1417] {strides = array<i32>} : memref<6144xi32, #tpu.memory_space<vmem>>, vector<16xi32>,
    %swap3A_1419 = vector.shape_cast %swap3A_1418 : vector<16xi32> to vector<16xi32>
    %swap3A_1420 = vector.shape_cast %add3A_1416 : vector<16xi32> to vector<16xi32>
    tpu.vector_store %arg6[%swap3A_1417], %swap3A_1420 {strides = array<i32>} : memref<6144xi32, #tpu.memory_space<vmem>>, vector<16xi32>,
    %add3A_1421 = arith.constant 4816896 : i32
    %add3A_1422 = vector.broadcast %add3A_1421 : i32 to vector<16xi32>
    %add3A_1423 = arith.addi %add3A_1378, %add3A_1422 : vector<16xi32>
    %swap3A_1424 = arith.constant 2976 : index
    %swap3A_1425 = tpu.vector_load %arg6[%swap3A_1424] {strides = array<i32>} : memref<6144xi32, #tpu.memory_space<vmem>>, vector<16xi32>,
    %swap3A_1426 = vector.shape_cast %swap3A_1425 : vector<16xi32> to vector<16xi32>
    %swap3A_1427 = vector.shape_cast %add3A_1423 : vector<16xi32> to vector<16xi32>
    tpu.vector_store %arg6[%swap3A_1424], %swap3A_1427 {strides = array<i32>} : memref<6144xi32, #tpu.memory_space<vmem>>, vector<16xi32>,
    %add3A_1428 = arith.constant 5619712 : i32
    %add3A_1429 = vector.broadcast %add3A_1428 : i32 to vector<16xi32>
    %add3A_1430 = arith.addi %add3A_1378, %add3A_1429 : vector<16xi32>
    %swap3A_1431 = arith.constant 2992 : index
    %swap3A_1432 = tpu.vector_load %arg6[%swap3A_1431] {strides = array<i32>} : memref<6144xi32, #tpu.memory_space<vmem>>, vector<16xi32>,
    %swap3A_1433 = vector.shape_cast %swap3A_1432 : vector<16xi32> to vector<16xi32>
    %swap3A_1434 = vector.shape_cast %add3A_1430 : vector<16xi32> to vector<16xi32>
    tpu.vector_store %arg6[%swap3A_1431], %swap3A_1434 {strides = array<i32>} : memref<6144xi32, #tpu.memory_space<vmem>>, vector<16xi32>,
    %add3A_1435 = arith.constant 6422528 : i32
    %add3A_1436 = vector.broadcast %add3A_1435 : i32 to vector<16xi32>
    %add3A_1437 = arith.addi %add3A_1378, %add3A_1436 : vector<16xi32>
    %swap3A_1438 = arith.constant 3008 : index
    %swap3A_1439 = tpu.vector_load %arg6[%swap3A_1438] {strides = array<i32>} : memref<6144xi32, #tpu.memory_space<vmem>>, vector<16xi32>,
    %swap3A_1440 = vector.shape_cast %swap3A_1439 : vector<16xi32> to vector<16xi32>
    %swap3A_1441 = vector.shape_cast %add3A_1437 : vector<16xi32> to vector<16xi32>
    tpu.vector_store %arg6[%swap3A_1438], %swap3A_1441 {strides = array<i32>} : memref<6144xi32, #tpu.memory_space<vmem>>, vector<16xi32>,
    %add3A_1442 = arith.constant 7225344 : i32
    %add3A_1443 = vector.broadcast %add3A_1442 : i32 to vector<16xi32>
    %add3A_1444 = arith.addi %add3A_1378, %add3A_1443 : vector<16xi32>
    %swap3A_1445 = arith.constant 3024 : index
    %swap3A_1446 = tpu.vector_load %arg6[%swap3A_1445] {strides = array<i32>} : memref<6144xi32, #tpu.memory_space<vmem>>, vector<16xi32>,
    %swap3A_1447 = vector.shape_cast %swap3A_1446 : vector<16xi32> to vector<16xi32>
    %swap3A_1448 = vector.shape_cast %add3A_1444 : vector<16xi32> to vector<16xi32>
    tpu.vector_store %arg6[%swap3A_1445], %swap3A_1448 {strides = array<i32>} : memref<6144xi32, #tpu.memory_space<vmem>>, vector<16xi32>,
    %add3A_1449 = arith.constant 8028160 : i32
    %add3A_1450 = vector.broadcast %add3A_1449 : i32 to vector<16xi32>
    %add3A_1451 = arith.addi %add3A_1378, %add3A_1450 : vector<16xi32>
    %swap3A_1452 = arith.constant 3040 : index
    %swap3A_1453 = tpu.vector_load %arg6[%swap3A_1452] {strides = array<i32>} : memref<6144xi32, #tpu.memory_space<vmem>>, vector<16xi32>,
    %swap3A_1454 = vector.shape_cast %swap3A_1453 : vector<16xi32> to vector<16xi32>
    %swap3A_1455 = vector.shape_cast %add3A_1451 : vector<16xi32> to vector<16xi32>
    tpu.vector_store %arg6[%swap3A_1452], %swap3A_1455 {strides = array<i32>} : memref<6144xi32, #tpu.memory_space<vmem>>, vector<16xi32>,
    %add3A_1456 = arith.constant 8830976 : i32
    %add3A_1457 = vector.broadcast %add3A_1456 : i32 to vector<16xi32>
    %add3A_1458 = arith.addi %add3A_1378, %add3A_1457 : vector<16xi32>
    %swap3A_1459 = arith.constant 3056 : index
    %swap3A_1460 = tpu.vector_load %arg6[%swap3A_1459] {strides = array<i32>} : memref<6144xi32, #tpu.memory_space<vmem>>, vector<16xi32>,
    %swap3A_1461 = vector.shape_cast %swap3A_1460 : vector<16xi32> to vector<16xi32>
    %swap3A_1462 = vector.shape_cast %add3A_1458 : vector<16xi32> to vector<16xi32>
    tpu.vector_store %arg6[%swap3A_1459], %swap3A_1462 {strides = array<i32>} : memref<6144xi32, #tpu.memory_space<vmem>>, vector<16xi32>,
    %slice3A_1463 = vector.extract_strided_slice %get3A_42 {offsets = [0], sizes = [1], strides = [1]} : vector<16xi32> to vector<1xi32>
    %squeeze3A_1464 = vector.extract %slice3A_1463[0] : i32 from vector<1xi32>
    %add3A_1465 = arith.addi %squeeze3A_1464, %mul3A_20 : i32
    %broadcast_in_dim3A_1466 = vector.broadcast %add3A_1465 : i32 to vector<16xi32>
    %add3A_1467 = arith.addi %broadcast_in_dim3A_1466, %mul3A_37 : vector<16xi32>
    %add3A_1468 = arith.constant 0 : i32
    %add3A_1469 = vector.broadcast %add3A_1468 : i32 to vector<16xi32>
    %add3A_1470 = arith.addi %add3A_1467, %add3A_1469 : vector<16xi32>
    %swap3A_1471 = arith.constant 3072 : index
    %swap3A_1472 = tpu.vector_load %arg6[%swap3A_1471] {strides = array<i32>} : memref<6144xi32, #tpu.memory_space<vmem>>, vector<16xi32>,
    %swap3A_1473 = vector.shape_cast %swap3A_1472 : vector<16xi32> to vector<16xi32>
    %swap3A_1474 = vector.shape_cast %add3A_1470 : vector<16xi32> to vector<16xi32>
    tpu.vector_store %arg6[%swap3A_1471], %swap3A_1474 {strides = array<i32>} : memref<6144xi32, #tpu.memory_space<vmem>>, vector<16xi32>,
    %add3A_1475 = arith.constant 802816 : i32
    %add3A_1476 = vector.broadcast %add3A_1475 : i32 to vector<16xi32>
    %add3A_1477 = arith.addi %add3A_1467, %add3A_1476 : vector<16xi32>
    %swap3A_1478 = arith.constant 3088 : index
    %swap3A_1479 = tpu.vector_load %arg6[%swap3A_1478] {strides = array<i32>} : memref<6144xi32, #tpu.memory_space<vmem>>, vector<16xi32>,
    %swap3A_1480 = vector.shape_cast %swap3A_1479 : vector<16xi32> to vector<16xi32>
    %swap3A_1481 = vector.shape_cast %add3A_1477 : vector<16xi32> to vector<16xi32>
    tpu.vector_store %arg6[%swap3A_1478], %swap3A_1481 {strides = array<i32>} : memref<6144xi32, #tpu.memory_space<vmem>>, vector<16xi32>,
    %add3A_1482 = arith.constant 1605632 : i32
    %add3A_1483 = vector.broadcast %add3A_1482 : i32 to vector<16xi32>
    %add3A_1484 = arith.addi %add3A_1467, %add3A_1483 : vector<16xi32>
    %swap3A_1485 = arith.constant 3104 : index
    %swap3A_1486 = tpu.vector_load %arg6[%swap3A_1485] {strides = array<i32>} : memref<6144xi32, #tpu.memory_space<vmem>>, vector<16xi32>,
    %swap3A_1487 = vector.shape_cast %swap3A_1486 : vector<16xi32> to vector<16xi32>
    %swap3A_1488 = vector.shape_cast %add3A_1484 : vector<16xi32> to vector<16xi32>
    tpu.vector_store %arg6[%swap3A_1485], %swap3A_1488 {strides = array<i32>} : memref<6144xi32, #tpu.memory_space<vmem>>, vector<16xi32>,
    %add3A_1489 = arith.constant 2408448 : i32
    %add3A_1490 = vector.broadcast %add3A_1489 : i32 to vector<16xi32>
    %add3A_1491 = arith.addi %add3A_1467, %add3A_1490 : vector<16xi32>
    %swap3A_1492 = arith.constant 3120 : index
    %swap3A_1493 = tpu.vector_load %arg6[%swap3A_1492] {strides = array<i32>} : memref<6144xi32, #tpu.memory_space<vmem>>, vector<16xi32>,
    %swap3A_1494 = vector.shape_cast %swap3A_1493 : vector<16xi32> to vector<16xi32>
    %swap3A_1495 = vector.shape_cast %add3A_1491 : vector<16xi32> to vector<16xi32>
    tpu.vector_store %arg6[%swap3A_1492], %swap3A_1495 {strides = array<i32>} : memref<6144xi32, #tpu.memory_space<vmem>>, vector<16xi32>,
    %add3A_1496 = arith.constant 3211264 : i32
    %add3A_1497 = vector.broadcast %add3A_1496 : i32 to vector<16xi32>
    %add3A_1498 = arith.addi %add3A_1467, %add3A_1497 : vector<16xi32>
    %swap3A_1499 = arith.constant 3136 : index
    %swap3A_1500 = tpu.vector_load %arg6[%swap3A_1499] {strides = array<i32>} : memref<6144xi32, #tpu.memory_space<vmem>>, vector<16xi32>,
    %swap3A_1501 = vector.shape_cast %swap3A_1500 : vector<16xi32> to vector<16xi32>
    %swap3A_1502 = vector.shape_cast %add3A_1498 : vector<16xi32> to vector<16xi32>
    tpu.vector_store %arg6[%swap3A_1499], %swap3A_1502 {strides = array<i32>} : memref<6144xi32, #tpu.memory_space<vmem>>, vector<16xi32>,
    %add3A_1503 = arith.constant 4014080 : i32
    %add3A_1504 = vector.broadcast %add3A_1503 : i32 to vector<16xi32>
    %add3A_1505 = arith.addi %add3A_1467, %add3A_1504 : vector<16xi32>
    %swap3A_1506 = arith.constant 3152 : index
    %swap3A_1507 = tpu.vector_load %arg6[%swap3A_1506] {strides = array<i32>} : memref<6144xi32, #tpu.memory_space<vmem>>, vector<16xi32>,
    %swap3A_1508 = vector.shape_cast %swap3A_1507 : vector<16xi32> to vector<16xi32>
    %swap3A_1509 = vector.shape_cast %add3A_1505 : vector<16xi32> to vector<16xi32>
    tpu.vector_store %arg6[%swap3A_1506], %swap3A_1509 {strides = array<i32>} : memref<6144xi32, #tpu.memory_space<vmem>>, vector<16xi32>,
    %add3A_1510 = arith.constant 4816896 : i32
    %add3A_1511 = vector.broadcast %add3A_1510 : i32 to vector<16xi32>
    %add3A_1512 = arith.addi %add3A_1467, %add3A_1511 : vector<16xi32>
    %swap3A_1513 = arith.constant 3168 : index
    %swap3A_1514 = tpu.vector_load %arg6[%swap3A_1513] {strides = array<i32>} : memref<6144xi32, #tpu.memory_space<vmem>>, vector<16xi32>,
    %swap3A_1515 = vector.shape_cast %swap3A_1514 : vector<16xi32> to vector<16xi32>
    %swap3A_1516 = vector.shape_cast %add3A_1512 : vector<16xi32> to vector<16xi32>
    tpu.vector_store %arg6[%swap3A_1513], %swap3A_1516 {strides = array<i32>} : memref<6144xi32, #tpu.memory_space<vmem>>, vector<16xi32>,
    %add3A_1517 = arith.constant 5619712 : i32
    %add3A_1518 = vector.broadcast %add3A_1517 : i32 to vector<16xi32>
    %add3A_1519 = arith.addi %add3A_1467, %add3A_1518 : vector<16xi32>
    %swap3A_1520 = arith.constant 3184 : index
    %swap3A_1521 = tpu.vector_load %arg6[%swap3A_1520] {strides = array<i32>} : memref<6144xi32, #tpu.memory_space<vmem>>, vector<16xi32>,
    %swap3A_1522 = vector.shape_cast %swap3A_1521 : vector<16xi32> to vector<16xi32>
    %swap3A_1523 = vector.shape_cast %add3A_1519 : vector<16xi32> to vector<16xi32>
    tpu.vector_store %arg6[%swap3A_1520], %swap3A_1523 {strides = array<i32>} : memref<6144xi32, #tpu.memory_space<vmem>>, vector<16xi32>,
    %add3A_1524 = arith.constant 6422528 : i32
    %add3A_1525 = vector.broadcast %add3A_1524 : i32 to vector<16xi32>
    %add3A_1526 = arith.addi %add3A_1467, %add3A_1525 : vector<16xi32>
    %swap3A_1527 = arith.constant 3200 : index
    %swap3A_1528 = tpu.vector_load %arg6[%swap3A_1527] {strides = array<i32>} : memref<6144xi32, #tpu.memory_space<vmem>>, vector<16xi32>,
    %swap3A_1529 = vector.shape_cast %swap3A_1528 : vector<16xi32> to vector<16xi32>
    %swap3A_1530 = vector.shape_cast %add3A_1526 : vector<16xi32> to vector<16xi32>
    tpu.vector_store %arg6[%swap3A_1527], %swap3A_1530 {strides = array<i32>} : memref<6144xi32, #tpu.memory_space<vmem>>, vector<16xi32>,
    %add3A_1531 = arith.constant 7225344 : i32
    %add3A_1532 = vector.broadcast %add3A_1531 : i32 to vector<16xi32>
    %add3A_1533 = arith.addi %add3A_1467, %add3A_1532 : vector<16xi32>
    %swap3A_1534 = arith.constant 3216 : index
    %swap3A_1535 = tpu.vector_load %arg6[%swap3A_1534] {strides = array<i32>} : memref<6144xi32, #tpu.memory_space<vmem>>, vector<16xi32>,
    %swap3A_1536 = vector.shape_cast %swap3A_1535 : vector<16xi32> to vector<16xi32>
    %swap3A_1537 = vector.shape_cast %add3A_1533 : vector<16xi32> to vector<16xi32>
    tpu.vector_store %arg6[%swap3A_1534], %swap3A_1537 {strides = array<i32>} : memref<6144xi32, #tpu.memory_space<vmem>>, vector<16xi32>,
    %add3A_1538 = arith.constant 8028160 : i32
    %add3A_1539 = vector.broadcast %add3A_1538 : i32 to vector<16xi32>
    %add3A_1540 = arith.addi %add3A_1467, %add3A_1539 : vector<16xi32>
    %swap3A_1541 = arith.constant 3232 : index
    %swap3A_1542 = tpu.vector_load %arg6[%swap3A_1541] {strides = array<i32>} : memref<6144xi32, #tpu.memory_space<vmem>>, vector<16xi32>,
    %swap3A_1543 = vector.shape_cast %swap3A_1542 : vector<16xi32> to vector<16xi32>
    %swap3A_1544 = vector.shape_cast %add3A_1540 : vector<16xi32> to vector<16xi32>
    tpu.vector_store %arg6[%swap3A_1541], %swap3A_1544 {strides = array<i32>} : memref<6144xi32, #tpu.memory_space<vmem>>, vector<16xi32>,
    %add3A_1545 = arith.constant 8830976 : i32
    %add3A_1546 = vector.broadcast %add3A_1545 : i32 to vector<16xi32>
    %add3A_1547 = arith.addi %add3A_1467, %add3A_1546 : vector<16xi32>
    %swap3A_1548 = arith.constant 3248 : index
    %swap3A_1549 = tpu.vector_load %arg6[%swap3A_1548] {strides = array<i32>} : memref<6144xi32, #tpu.memory_space<vmem>>, vector<16xi32>,
    %swap3A_1550 = vector.shape_cast %swap3A_1549 : vector<16xi32> to vector<16xi32>
    %swap3A_1551 = vector.shape_cast %add3A_1547 : vector<16xi32> to vector<16xi32>
    tpu.vector_store %arg6[%swap3A_1548], %swap3A_1551 {strides = array<i32>} : memref<6144xi32, #tpu.memory_space<vmem>>, vector<16xi32>,
    %slice3A_1552 = vector.extract_strided_slice %get3A_42 {offsets = [1], sizes = [1], strides = [1]} : vector<16xi32> to vector<1xi32>
    %squeeze3A_1553 = vector.extract %slice3A_1552[0] : i32 from vector<1xi32>
    %add3A_1554 = arith.addi %squeeze3A_1553, %mul3A_20 : i32
    %broadcast_in_dim3A_1555 = vector.broadcast %add3A_1554 : i32 to vector<16xi32>
    %add3A_1556 = arith.addi %broadcast_in_dim3A_1555, %mul3A_37 : vector<16xi32>
    %add3A_1557 = arith.constant 0 : i32
    %add3A_1558 = vector.broadcast %add3A_1557 : i32 to vector<16xi32>
    %add3A_1559 = arith.addi %add3A_1556, %add3A_1558 : vector<16xi32>
    %swap3A_1560 = arith.constant 3264 : index
    %swap3A_1561 = tpu.vector_load %arg6[%swap3A_1560] {strides = array<i32>} : memref<6144xi32, #tpu.memory_space<vmem>>, vector<16xi32>,
    %swap3A_1562 = vector.shape_cast %swap3A_1561 : vector<16xi32> to vector<16xi32>
    %swap3A_1563 = vector.shape_cast %add3A_1559 : vector<16xi32> to vector<16xi32>
    tpu.vector_store %arg6[%swap3A_1560], %swap3A_1563 {strides = array<i32>} : memref<6144xi32, #tpu.memory_space<vmem>>, vector<16xi32>,
    %add3A_1564 = arith.constant 802816 : i32
    %add3A_1565 = vector.broadcast %add3A_1564 : i32 to vector<16xi32>
    %add3A_1566 = arith.addi %add3A_1556, %add3A_1565 : vector<16xi32>
    %swap3A_1567 = arith.constant 3280 : index
    %swap3A_1568 = tpu.vector_load %arg6[%swap3A_1567] {strides = array<i32>} : memref<6144xi32, #tpu.memory_space<vmem>>, vector<16xi32>,
    %swap3A_1569 = vector.shape_cast %swap3A_1568 : vector<16xi32> to vector<16xi32>
    %swap3A_1570 = vector.shape_cast %add3A_1566 : vector<16xi32> to vector<16xi32>
    tpu.vector_store %arg6[%swap3A_1567], %swap3A_1570 {strides = array<i32>} : memref<6144xi32, #tpu.memory_space<vmem>>, vector<16xi32>,
    %add3A_1571 = arith.constant 1605632 : i32
    %add3A_1572 = vector.broadcast %add3A_1571 : i32 to vector<16xi32>
    %add3A_1573 = arith.addi %add3A_1556, %add3A_1572 : vector<16xi32>
    %swap3A_1574 = arith.constant 3296 : index
    %swap3A_1575 = tpu.vector_load %arg6[%swap3A_1574] {strides = array<i32>} : memref<6144xi32, #tpu.memory_space<vmem>>, vector<16xi32>,
    %swap3A_1576 = vector.shape_cast %swap3A_1575 : vector<16xi32> to vector<16xi32>
    %swap3A_1577 = vector.shape_cast %add3A_1573 : vector<16xi32> to vector<16xi32>
    tpu.vector_store %arg6[%swap3A_1574], %swap3A_1577 {strides = array<i32>} : memref<6144xi32, #tpu.memory_space<vmem>>, vector<16xi32>,
    %add3A_1578 = arith.constant 2408448 : i32
    %add3A_1579 = vector.broadcast %add3A_1578 : i32 to vector<16xi32>
    %add3A_1580 = arith.addi %add3A_1556, %add3A_1579 : vector<16xi32>
    %swap3A_1581 = arith.constant 3312 : index
    %swap3A_1582 = tpu.vector_load %arg6[%swap3A_1581] {strides = array<i32>} : memref<6144xi32, #tpu.memory_space<vmem>>, vector<16xi32>,
    %swap3A_1583 = vector.shape_cast %swap3A_1582 : vector<16xi32> to vector<16xi32>
    %swap3A_1584 = vector.shape_cast %add3A_1580 : vector<16xi32> to vector<16xi32>
    tpu.vector_store %arg6[%swap3A_1581], %swap3A_1584 {strides = array<i32>} : memref<6144xi32, #tpu.memory_space<vmem>>, vector<16xi32>,
    %add3A_1585 = arith.constant 3211264 : i32
    %add3A_1586 = vector.broadcast %add3A_1585 : i32 to vector<16xi32>
    %add3A_1587 = arith.addi %add3A_1556, %add3A_1586 : vector<16xi32>
    %swap3A_1588 = arith.constant 3328 : index
    %swap3A_1589 = tpu.vector_load %arg6[%swap3A_1588] {strides = array<i32>} : memref<6144xi32, #tpu.memory_space<vmem>>, vector<16xi32>,
    %swap3A_1590 = vector.shape_cast %swap3A_1589 : vector<16xi32> to vector<16xi32>
    %swap3A_1591 = vector.shape_cast %add3A_1587 : vector<16xi32> to vector<16xi32>
    tpu.vector_store %arg6[%swap3A_1588], %swap3A_1591 {strides = array<i32>} : memref<6144xi32, #tpu.memory_space<vmem>>, vector<16xi32>,
    %add3A_1592 = arith.constant 4014080 : i32
    %add3A_1593 = vector.broadcast %add3A_1592 : i32 to vector<16xi32>
    %add3A_1594 = arith.addi %add3A_1556, %add3A_1593 : vector<16xi32>
    %swap3A_1595 = arith.constant 3344 : index
    %swap3A_1596 = tpu.vector_load %arg6[%swap3A_1595] {strides = array<i32>} : memref<6144xi32, #tpu.memory_space<vmem>>, vector<16xi32>,
    %swap3A_1597 = vector.shape_cast %swap3A_1596 : vector<16xi32> to vector<16xi32>
    %swap3A_1598 = vector.shape_cast %add3A_1594 : vector<16xi32> to vector<16xi32>
    tpu.vector_store %arg6[%swap3A_1595], %swap3A_1598 {strides = array<i32>} : memref<6144xi32, #tpu.memory_space<vmem>>, vector<16xi32>,
    %add3A_1599 = arith.constant 4816896 : i32
    %add3A_1600 = vector.broadcast %add3A_1599 : i32 to vector<16xi32>
    %add3A_1601 = arith.addi %add3A_1556, %add3A_1600 : vector<16xi32>
    %swap3A_1602 = arith.constant 3360 : index
    %swap3A_1603 = tpu.vector_load %arg6[%swap3A_1602] {strides = array<i32>} : memref<6144xi32, #tpu.memory_space<vmem>>, vector<16xi32>,
    %swap3A_1604 = vector.shape_cast %swap3A_1603 : vector<16xi32> to vector<16xi32>
    %swap3A_1605 = vector.shape_cast %add3A_1601 : vector<16xi32> to vector<16xi32>
    tpu.vector_store %arg6[%swap3A_1602], %swap3A_1605 {strides = array<i32>} : memref<6144xi32, #tpu.memory_space<vmem>>, vector<16xi32>,
    %add3A_1606 = arith.constant 5619712 : i32
    %add3A_1607 = vector.broadcast %add3A_1606 : i32 to vector<16xi32>
    %add3A_1608 = arith.addi %add3A_1556, %add3A_1607 : vector<16xi32>
    %swap3A_1609 = arith.constant 3376 : index
    %swap3A_1610 = tpu.vector_load %arg6[%swap3A_1609] {strides = array<i32>} : memref<6144xi32, #tpu.memory_space<vmem>>, vector<16xi32>,
    %swap3A_1611 = vector.shape_cast %swap3A_1610 : vector<16xi32> to vector<16xi32>
    %swap3A_1612 = vector.shape_cast %add3A_1608 : vector<16xi32> to vector<16xi32>
    tpu.vector_store %arg6[%swap3A_1609], %swap3A_1612 {strides = array<i32>} : memref<6144xi32, #tpu.memory_space<vmem>>, vector<16xi32>,
    %add3A_1613 = arith.constant 6422528 : i32
    %add3A_1614 = vector.broadcast %add3A_1613 : i32 to vector<16xi32>
    %add3A_1615 = arith.addi %add3A_1556, %add3A_1614 : vector<16xi32>
    %swap3A_1616 = arith.constant 3392 : index
    %swap3A_1617 = tpu.vector_load %arg6[%swap3A_1616] {strides = array<i32>} : memref<6144xi32, #tpu.memory_space<vmem>>, vector<16xi32>,
    %swap3A_1618 = vector.shape_cast %swap3A_1617 : vector<16xi32> to vector<16xi32>
    %swap3A_1619 = vector.shape_cast %add3A_1615 : vector<16xi32> to vector<16xi32>
    tpu.vector_store %arg6[%swap3A_1616], %swap3A_1619 {strides = array<i32>} : memref<6144xi32, #tpu.memory_space<vmem>>, vector<16xi32>,
    %add3A_1620 = arith.constant 7225344 : i32
    %add3A_1621 = vector.broadcast %add3A_1620 : i32 to vector<16xi32>
    %add3A_1622 = arith.addi %add3A_1556, %add3A_1621 : vector<16xi32>
    %swap3A_1623 = arith.constant 3408 : index
    %swap3A_1624 = tpu.vector_load %arg6[%swap3A_1623] {strides = array<i32>} : memref<6144xi32, #tpu.memory_space<vmem>>, vector<16xi32>,
    %swap3A_1625 = vector.shape_cast %swap3A_1624 : vector<16xi32> to vector<16xi32>
    %swap3A_1626 = vector.shape_cast %add3A_1622 : vector<16xi32> to vector<16xi32>
    tpu.vector_store %arg6[%swap3A_1623], %swap3A_1626 {strides = array<i32>} : memref<6144xi32, #tpu.memory_space<vmem>>, vector<16xi32>,
    %add3A_1627 = arith.constant 8028160 : i32
    %add3A_1628 = vector.broadcast %add3A_1627 : i32 to vector<16xi32>
    %add3A_1629 = arith.addi %add3A_1556, %add3A_1628 : vector<16xi32>
    %swap3A_1630 = arith.constant 3424 : index
    %swap3A_1631 = tpu.vector_load %arg6[%swap3A_1630] {strides = array<i32>} : memref<6144xi32, #tpu.memory_space<vmem>>, vector<16xi32>,
    %swap3A_1632 = vector.shape_cast %swap3A_1631 : vector<16xi32> to vector<16xi32>
    %swap3A_1633 = vector.shape_cast %add3A_1629 : vector<16xi32> to vector<16xi32>
    tpu.vector_store %arg6[%swap3A_1630], %swap3A_1633 {strides = array<i32>} : memref<6144xi32, #tpu.memory_space<vmem>>, vector<16xi32>,
    %add3A_1634 = arith.constant 8830976 : i32
    %add3A_1635 = vector.broadcast %add3A_1634 : i32 to vector<16xi32>
    %add3A_1636 = arith.addi %add3A_1556, %add3A_1635 : vector<16xi32>
    %swap3A_1637 = arith.constant 3440 : index
    %swap3A_1638 = tpu.vector_load %arg6[%swap3A_1637] {strides = array<i32>} : memref<6144xi32, #tpu.memory_space<vmem>>, vector<16xi32>,
    %swap3A_1639 = vector.shape_cast %swap3A_1638 : vector<16xi32> to vector<16xi32>
    %swap3A_1640 = vector.shape_cast %add3A_1636 : vector<16xi32> to vector<16xi32>
    tpu.vector_store %arg6[%swap3A_1637], %swap3A_1640 {strides = array<i32>} : memref<6144xi32, #tpu.memory_space<vmem>>, vector<16xi32>,
    %slice3A_1641 = vector.extract_strided_slice %get3A_42 {offsets = [2], sizes = [1], strides = [1]} : vector<16xi32> to vector<1xi32>
    %squeeze3A_1642 = vector.extract %slice3A_1641[0] : i32 from vector<1xi32>
    %add3A_1643 = arith.addi %squeeze3A_1642, %mul3A_20 : i32
    %broadcast_in_dim3A_1644 = vector.broadcast %add3A_1643 : i32 to vector<16xi32>
    %add3A_1645 = arith.addi %broadcast_in_dim3A_1644, %mul3A_37 : vector<16xi32>
    %add3A_1646 = arith.constant 0 : i32
    %add3A_1647 = vector.broadcast %add3A_1646 : i32 to vector<16xi32>
    %add3A_1648 = arith.addi %add3A_1645, %add3A_1647 : vector<16xi32>
    %swap3A_1649 = arith.constant 3456 : index
    %swap3A_1650 = tpu.vector_load %arg6[%swap3A_1649] {strides = array<i32>} : memref<6144xi32, #tpu.memory_space<vmem>>, vector<16xi32>,
    %swap3A_1651 = vector.shape_cast %swap3A_1650 : vector<16xi32> to vector<16xi32>
    %swap3A_1652 = vector.shape_cast %add3A_1648 : vector<16xi32> to vector<16xi32>
    tpu.vector_store %arg6[%swap3A_1649], %swap3A_1652 {strides = array<i32>} : memref<6144xi32, #tpu.memory_space<vmem>>, vector<16xi32>,
    %add3A_1653 = arith.constant 802816 : i32
    %add3A_1654 = vector.broadcast %add3A_1653 : i32 to vector<16xi32>
    %add3A_1655 = arith.addi %add3A_1645, %add3A_1654 : vector<16xi32>
    %swap3A_1656 = arith.constant 3472 : index
    %swap3A_1657 = tpu.vector_load %arg6[%swap3A_1656] {strides = array<i32>} : memref<6144xi32, #tpu.memory_space<vmem>>, vector<16xi32>,
    %swap3A_1658 = vector.shape_cast %swap3A_1657 : vector<16xi32> to vector<16xi32>
    %swap3A_1659 = vector.shape_cast %add3A_1655 : vector<16xi32> to vector<16xi32>
    tpu.vector_store %arg6[%swap3A_1656], %swap3A_1659 {strides = array<i32>} : memref<6144xi32, #tpu.memory_space<vmem>>, vector<16xi32>,
    %add3A_1660 = arith.constant 1605632 : i32
    %add3A_1661 = vector.broadcast %add3A_1660 : i32 to vector<16xi32>
    %add3A_1662 = arith.addi %add3A_1645, %add3A_1661 : vector<16xi32>
    %swap3A_1663 = arith.constant 3488 : index
    %swap3A_1664 = tpu.vector_load %arg6[%swap3A_1663] {strides = array<i32>} : memref<6144xi32, #tpu.memory_space<vmem>>, vector<16xi32>,
    %swap3A_1665 = vector.shape_cast %swap3A_1664 : vector<16xi32> to vector<16xi32>
    %swap3A_1666 = vector.shape_cast %add3A_1662 : vector<16xi32> to vector<16xi32>
    tpu.vector_store %arg6[%swap3A_1663], %swap3A_1666 {strides = array<i32>} : memref<6144xi32, #tpu.memory_space<vmem>>, vector<16xi32>,
    %add3A_1667 = arith.constant 2408448 : i32
    %add3A_1668 = vector.broadcast %add3A_1667 : i32 to vector<16xi32>
    %add3A_1669 = arith.addi %add3A_1645, %add3A_1668 : vector<16xi32>
    %swap3A_1670 = arith.constant 3504 : index
    %swap3A_1671 = tpu.vector_load %arg6[%swap3A_1670] {strides = array<i32>} : memref<6144xi32, #tpu.memory_space<vmem>>, vector<16xi32>,
    %swap3A_1672 = vector.shape_cast %swap3A_1671 : vector<16xi32> to vector<16xi32>
    %swap3A_1673 = vector.shape_cast %add3A_1669 : vector<16xi32> to vector<16xi32>
    tpu.vector_store %arg6[%swap3A_1670], %swap3A_1673 {strides = array<i32>} : memref<6144xi32, #tpu.memory_space<vmem>>, vector<16xi32>,
    %add3A_1674 = arith.constant 3211264 : i32
    %add3A_1675 = vector.broadcast %add3A_1674 : i32 to vector<16xi32>
    %add3A_1676 = arith.addi %add3A_1645, %add3A_1675 : vector<16xi32>
    %swap3A_1677 = arith.constant 3520 : index
    %swap3A_1678 = tpu.vector_load %arg6[%swap3A_1677] {strides = array<i32>} : memref<6144xi32, #tpu.memory_space<vmem>>, vector<16xi32>,
    %swap3A_1679 = vector.shape_cast %swap3A_1678 : vector<16xi32> to vector<16xi32>
    %swap3A_1680 = vector.shape_cast %add3A_1676 : vector<16xi32> to vector<16xi32>
    tpu.vector_store %arg6[%swap3A_1677], %swap3A_1680 {strides = array<i32>} : memref<6144xi32, #tpu.memory_space<vmem>>, vector<16xi32>,
    %add3A_1681 = arith.constant 4014080 : i32
    %add3A_1682 = vector.broadcast %add3A_1681 : i32 to vector<16xi32>
    %add3A_1683 = arith.addi %add3A_1645, %add3A_1682 : vector<16xi32>
    %swap3A_1684 = arith.constant 3536 : index
    %swap3A_1685 = tpu.vector_load %arg6[%swap3A_1684] {strides = array<i32>} : memref<6144xi32, #tpu.memory_space<vmem>>, vector<16xi32>,
    %swap3A_1686 = vector.shape_cast %swap3A_1685 : vector<16xi32> to vector<16xi32>
    %swap3A_1687 = vector.shape_cast %add3A_1683 : vector<16xi32> to vector<16xi32>
    tpu.vector_store %arg6[%swap3A_1684], %swap3A_1687 {strides = array<i32>} : memref<6144xi32, #tpu.memory_space<vmem>>, vector<16xi32>,
    %add3A_1688 = arith.constant 4816896 : i32
    %add3A_1689 = vector.broadcast %add3A_1688 : i32 to vector<16xi32>
    %add3A_1690 = arith.addi %add3A_1645, %add3A_1689 : vector<16xi32>
    %swap3A_1691 = arith.constant 3552 : index
    %swap3A_1692 = tpu.vector_load %arg6[%swap3A_1691] {strides = array<i32>} : memref<6144xi32, #tpu.memory_space<vmem>>, vector<16xi32>,
    %swap3A_1693 = vector.shape_cast %swap3A_1692 : vector<16xi32> to vector<16xi32>
    %swap3A_1694 = vector.shape_cast %add3A_1690 : vector<16xi32> to vector<16xi32>
    tpu.vector_store %arg6[%swap3A_1691], %swap3A_1694 {strides = array<i32>} : memref<6144xi32, #tpu.memory_space<vmem>>, vector<16xi32>,
    %add3A_1695 = arith.constant 5619712 : i32
    %add3A_1696 = vector.broadcast %add3A_1695 : i32 to vector<16xi32>
    %add3A_1697 = arith.addi %add3A_1645, %add3A_1696 : vector<16xi32>
    %swap3A_1698 = arith.constant 3568 : index
    %swap3A_1699 = tpu.vector_load %arg6[%swap3A_1698] {strides = array<i32>} : memref<6144xi32, #tpu.memory_space<vmem>>, vector<16xi32>,
    %swap3A_1700 = vector.shape_cast %swap3A_1699 : vector<16xi32> to vector<16xi32>
    %swap3A_1701 = vector.shape_cast %add3A_1697 : vector<16xi32> to vector<16xi32>
    tpu.vector_store %arg6[%swap3A_1698], %swap3A_1701 {strides = array<i32>} : memref<6144xi32, #tpu.memory_space<vmem>>, vector<16xi32>,
    %add3A_1702 = arith.constant 6422528 : i32
    %add3A_1703 = vector.broadcast %add3A_1702 : i32 to vector<16xi32>
    %add3A_1704 = arith.addi %add3A_1645, %add3A_1703 : vector<16xi32>
    %swap3A_1705 = arith.constant 3584 : index
    %swap3A_1706 = tpu.vector_load %arg6[%swap3A_1705] {strides = array<i32>} : memref<6144xi32, #tpu.memory_space<vmem>>, vector<16xi32>,
    %swap3A_1707 = vector.shape_cast %swap3A_1706 : vector<16xi32> to vector<16xi32>
    %swap3A_1708 = vector.shape_cast %add3A_1704 : vector<16xi32> to vector<16xi32>
    tpu.vector_store %arg6[%swap3A_1705], %swap3A_1708 {strides = array<i32>} : memref<6144xi32, #tpu.memory_space<vmem>>, vector<16xi32>,
    %add3A_1709 = arith.constant 7225344 : i32
    %add3A_1710 = vector.broadcast %add3A_1709 : i32 to vector<16xi32>
    %add3A_1711 = arith.addi %add3A_1645, %add3A_1710 : vector<16xi32>
    %swap3A_1712 = arith.constant 3600 : index
    %swap3A_1713 = tpu.vector_load %arg6[%swap3A_1712] {strides = array<i32>} : memref<6144xi32, #tpu.memory_space<vmem>>, vector<16xi32>,
    %swap3A_1714 = vector.shape_cast %swap3A_1713 : vector<16xi32> to vector<16xi32>
    %swap3A_1715 = vector.shape_cast %add3A_1711 : vector<16xi32> to vector<16xi32>
    tpu.vector_store %arg6[%swap3A_1712], %swap3A_1715 {strides = array<i32>} : memref<6144xi32, #tpu.memory_space<vmem>>, vector<16xi32>,
    %add3A_1716 = arith.constant 8028160 : i32
    %add3A_1717 = vector.broadcast %add3A_1716 : i32 to vector<16xi32>
    %add3A_1718 = arith.addi %add3A_1645, %add3A_1717 : vector<16xi32>
    %swap3A_1719 = arith.constant 3616 : index
    %swap3A_1720 = tpu.vector_load %arg6[%swap3A_1719] {strides = array<i32>} : memref<6144xi32, #tpu.memory_space<vmem>>, vector<16xi32>,
    %swap3A_1721 = vector.shape_cast %swap3A_1720 : vector<16xi32> to vector<16xi32>
    %swap3A_1722 = vector.shape_cast %add3A_1718 : vector<16xi32> to vector<16xi32>
    tpu.vector_store %arg6[%swap3A_1719], %swap3A_1722 {strides = array<i32>} : memref<6144xi32, #tpu.memory_space<vmem>>, vector<16xi32>,
    %add3A_1723 = arith.constant 8830976 : i32
    %add3A_1724 = vector.broadcast %add3A_1723 : i32 to vector<16xi32>
    %add3A_1725 = arith.addi %add3A_1645, %add3A_1724 : vector<16xi32>
    %swap3A_1726 = arith.constant 3632 : index
    %swap3A_1727 = tpu.vector_load %arg6[%swap3A_1726] {strides = array<i32>} : memref<6144xi32, #tpu.memory_space<vmem>>, vector<16xi32>,
    %swap3A_1728 = vector.shape_cast %swap3A_1727 : vector<16xi32> to vector<16xi32>
    %swap3A_1729 = vector.shape_cast %add3A_1725 : vector<16xi32> to vector<16xi32>
    tpu.vector_store %arg6[%swap3A_1726], %swap3A_1729 {strides = array<i32>} : memref<6144xi32, #tpu.memory_space<vmem>>, vector<16xi32>,
    %slice3A_1730 = vector.extract_strided_slice %get3A_42 {offsets = [3], sizes = [1], strides = [1]} : vector<16xi32> to vector<1xi32>
    %squeeze3A_1731 = vector.extract %slice3A_1730[0] : i32 from vector<1xi32>
    %add3A_1732 = arith.addi %squeeze3A_1731, %mul3A_20 : i32
    %broadcast_in_dim3A_1733 = vector.broadcast %add3A_1732 : i32 to vector<16xi32>
    %add3A_1734 = arith.addi %broadcast_in_dim3A_1733, %mul3A_37 : vector<16xi32>
    %add3A_1735 = arith.constant 0 : i32
    %add3A_1736 = vector.broadcast %add3A_1735 : i32 to vector<16xi32>
    %add3A_1737 = arith.addi %add3A_1734, %add3A_1736 : vector<16xi32>
    %swap3A_1738 = arith.constant 3648 : index
    %swap3A_1739 = tpu.vector_load %arg6[%swap3A_1738] {strides = array<i32>} : memref<6144xi32, #tpu.memory_space<vmem>>, vector<16xi32>,
    %swap3A_1740 = vector.shape_cast %swap3A_1739 : vector<16xi32> to vector<16xi32>
    %swap3A_1741 = vector.shape_cast %add3A_1737 : vector<16xi32> to vector<16xi32>
    tpu.vector_store %arg6[%swap3A_1738], %swap3A_1741 {strides = array<i32>} : memref<6144xi32, #tpu.memory_space<vmem>>, vector<16xi32>,
    %add3A_1742 = arith.constant 802816 : i32
    %add3A_1743 = vector.broadcast %add3A_1742 : i32 to vector<16xi32>
    %add3A_1744 = arith.addi %add3A_1734, %add3A_1743 : vector<16xi32>
    %swap3A_1745 = arith.constant 3664 : index
    %swap3A_1746 = tpu.vector_load %arg6[%swap3A_1745] {strides = array<i32>} : memref<6144xi32, #tpu.memory_space<vmem>>, vector<16xi32>,
    %swap3A_1747 = vector.shape_cast %swap3A_1746 : vector<16xi32> to vector<16xi32>
    %swap3A_1748 = vector.shape_cast %add3A_1744 : vector<16xi32> to vector<16xi32>
    tpu.vector_store %arg6[%swap3A_1745], %swap3A_1748 {strides = array<i32>} : memref<6144xi32, #tpu.memory_space<vmem>>, vector<16xi32>,
    %add3A_1749 = arith.constant 1605632 : i32
    %add3A_1750 = vector.broadcast %add3A_1749 : i32 to vector<16xi32>
    %add3A_1751 = arith.addi %add3A_1734, %add3A_1750 : vector<16xi32>
    %swap3A_1752 = arith.constant 3680 : index
    %swap3A_1753 = tpu.vector_load %arg6[%swap3A_1752] {strides = array<i32>} : memref<6144xi32, #tpu.memory_space<vmem>>, vector<16xi32>,
    %swap3A_1754 = vector.shape_cast %swap3A_1753 : vector<16xi32> to vector<16xi32>
    %swap3A_1755 = vector.shape_cast %add3A_1751 : vector<16xi32> to vector<16xi32>
    tpu.vector_store %arg6[%swap3A_1752], %swap3A_1755 {strides = array<i32>} : memref<6144xi32, #tpu.memory_space<vmem>>, vector<16xi32>,
    %add3A_1756 = arith.constant 2408448 : i32
    %add3A_1757 = vector.broadcast %add3A_1756 : i32 to vector<16xi32>
    %add3A_1758 = arith.addi %add3A_1734, %add3A_1757 : vector<16xi32>
    %swap3A_1759 = arith.constant 3696 : index
    %swap3A_1760 = tpu.vector_load %arg6[%swap3A_1759] {strides = array<i32>} : memref<6144xi32, #tpu.memory_space<vmem>>, vector<16xi32>,
    %swap3A_1761 = vector.shape_cast %swap3A_1760 : vector<16xi32> to vector<16xi32>
    %swap3A_1762 = vector.shape_cast %add3A_1758 : vector<16xi32> to vector<16xi32>
    tpu.vector_store %arg6[%swap3A_1759], %swap3A_1762 {strides = array<i32>} : memref<6144xi32, #tpu.memory_space<vmem>>, vector<16xi32>,
    %add3A_1763 = arith.constant 3211264 : i32
    %add3A_1764 = vector.broadcast %add3A_1763 : i32 to vector<16xi32>
    %add3A_1765 = arith.addi %add3A_1734, %add3A_1764 : vector<16xi32>
    %swap3A_1766 = arith.constant 3712 : index
    %swap3A_1767 = tpu.vector_load %arg6[%swap3A_1766] {strides = array<i32>} : memref<6144xi32, #tpu.memory_space<vmem>>, vector<16xi32>,
    %swap3A_1768 = vector.shape_cast %swap3A_1767 : vector<16xi32> to vector<16xi32>
    %swap3A_1769 = vector.shape_cast %add3A_1765 : vector<16xi32> to vector<16xi32>
    tpu.vector_store %arg6[%swap3A_1766], %swap3A_1769 {strides = array<i32>} : memref<6144xi32, #tpu.memory_space<vmem>>, vector<16xi32>,
    %add3A_1770 = arith.constant 4014080 : i32
    %add3A_1771 = vector.broadcast %add3A_1770 : i32 to vector<16xi32>
    %add3A_1772 = arith.addi %add3A_1734, %add3A_1771 : vector<16xi32>
    %swap3A_1773 = arith.constant 3728 : index
    %swap3A_1774 = tpu.vector_load %arg6[%swap3A_1773] {strides = array<i32>} : memref<6144xi32, #tpu.memory_space<vmem>>, vector<16xi32>,
    %swap3A_1775 = vector.shape_cast %swap3A_1774 : vector<16xi32> to vector<16xi32>
    %swap3A_1776 = vector.shape_cast %add3A_1772 : vector<16xi32> to vector<16xi32>
    tpu.vector_store %arg6[%swap3A_1773], %swap3A_1776 {strides = array<i32>} : memref<6144xi32, #tpu.memory_space<vmem>>, vector<16xi32>,
    %add3A_1777 = arith.constant 4816896 : i32
    %add3A_1778 = vector.broadcast %add3A_1777 : i32 to vector<16xi32>
    %add3A_1779 = arith.addi %add3A_1734, %add3A_1778 : vector<16xi32>
    %swap3A_1780 = arith.constant 3744 : index
    %swap3A_1781 = tpu.vector_load %arg6[%swap3A_1780] {strides = array<i32>} : memref<6144xi32, #tpu.memory_space<vmem>>, vector<16xi32>,
    %swap3A_1782 = vector.shape_cast %swap3A_1781 : vector<16xi32> to vector<16xi32>
    %swap3A_1783 = vector.shape_cast %add3A_1779 : vector<16xi32> to vector<16xi32>
    tpu.vector_store %arg6[%swap3A_1780], %swap3A_1783 {strides = array<i32>} : memref<6144xi32, #tpu.memory_space<vmem>>, vector<16xi32>,
    %add3A_1784 = arith.constant 5619712 : i32
    %add3A_1785 = vector.broadcast %add3A_1784 : i32 to vector<16xi32>
    %add3A_1786 = arith.addi %add3A_1734, %add3A_1785 : vector<16xi32>
    %swap3A_1787 = arith.constant 3760 : index
    %swap3A_1788 = tpu.vector_load %arg6[%swap3A_1787] {strides = array<i32>} : memref<6144xi32, #tpu.memory_space<vmem>>, vector<16xi32>,
    %swap3A_1789 = vector.shape_cast %swap3A_1788 : vector<16xi32> to vector<16xi32>
    %swap3A_1790 = vector.shape_cast %add3A_1786 : vector<16xi32> to vector<16xi32>
    tpu.vector_store %arg6[%swap3A_1787], %swap3A_1790 {strides = array<i32>} : memref<6144xi32, #tpu.memory_space<vmem>>, vector<16xi32>,
    %add3A_1791 = arith.constant 6422528 : i32
    %add3A_1792 = vector.broadcast %add3A_1791 : i32 to vector<16xi32>
    %add3A_1793 = arith.addi %add3A_1734, %add3A_1792 : vector<16xi32>
    %swap3A_1794 = arith.constant 3776 : index
    %swap3A_1795 = tpu.vector_load %arg6[%swap3A_1794] {strides = array<i32>} : memref<6144xi32, #tpu.memory_space<vmem>>, vector<16xi32>,
    %swap3A_1796 = vector.shape_cast %swap3A_1795 : vector<16xi32> to vector<16xi32>
    %swap3A_1797 = vector.shape_cast %add3A_1793 : vector<16xi32> to vector<16xi32>
    tpu.vector_store %arg6[%swap3A_1794], %swap3A_1797 {strides = array<i32>} : memref<6144xi32, #tpu.memory_space<vmem>>, vector<16xi32>,
    %add3A_1798 = arith.constant 7225344 : i32
    %add3A_1799 = vector.broadcast %add3A_1798 : i32 to vector<16xi32>
    %add3A_1800 = arith.addi %add3A_1734, %add3A_1799 : vector<16xi32>
    %swap3A_1801 = arith.constant 3792 : index
    %swap3A_1802 = tpu.vector_load %arg6[%swap3A_1801] {strides = array<i32>} : memref<6144xi32, #tpu.memory_space<vmem>>, vector<16xi32>,
    %swap3A_1803 = vector.shape_cast %swap3A_1802 : vector<16xi32> to vector<16xi32>
    %swap3A_1804 = vector.shape_cast %add3A_1800 : vector<16xi32> to vector<16xi32>
    tpu.vector_store %arg6[%swap3A_1801], %swap3A_1804 {strides = array<i32>} : memref<6144xi32, #tpu.memory_space<vmem>>, vector<16xi32>,
    %add3A_1805 = arith.constant 8028160 : i32
    %add3A_1806 = vector.broadcast %add3A_1805 : i32 to vector<16xi32>
    %add3A_1807 = arith.addi %add3A_1734, %add3A_1806 : vector<16xi32>
    %swap3A_1808 = arith.constant 3808 : index
    %swap3A_1809 = tpu.vector_load %arg6[%swap3A_1808] {strides = array<i32>} : memref<6144xi32, #tpu.memory_space<vmem>>, vector<16xi32>,
    %swap3A_1810 = vector.shape_cast %swap3A_1809 : vector<16xi32> to vector<16xi32>
    %swap3A_1811 = vector.shape_cast %add3A_1807 : vector<16xi32> to vector<16xi32>
    tpu.vector_store %arg6[%swap3A_1808], %swap3A_1811 {strides = array<i32>} : memref<6144xi32, #tpu.memory_space<vmem>>, vector<16xi32>,
    %add3A_1812 = arith.constant 8830976 : i32
    %add3A_1813 = vector.broadcast %add3A_1812 : i32 to vector<16xi32>
    %add3A_1814 = arith.addi %add3A_1734, %add3A_1813 : vector<16xi32>
    %swap3A_1815 = arith.constant 3824 : index
    %swap3A_1816 = tpu.vector_load %arg6[%swap3A_1815] {strides = array<i32>} : memref<6144xi32, #tpu.memory_space<vmem>>, vector<16xi32>,
    %swap3A_1817 = vector.shape_cast %swap3A_1816 : vector<16xi32> to vector<16xi32>
    %swap3A_1818 = vector.shape_cast %add3A_1814 : vector<16xi32> to vector<16xi32>
    tpu.vector_store %arg6[%swap3A_1815], %swap3A_1818 {strides = array<i32>} : memref<6144xi32, #tpu.memory_space<vmem>>, vector<16xi32>,
    %slice3A_1819 = vector.extract_strided_slice %get3A_42 {offsets = [4], sizes = [1], strides = [1]} : vector<16xi32> to vector<1xi32>
    %squeeze3A_1820 = vector.extract %slice3A_1819[0] : i32 from vector<1xi32>
    %add3A_1821 = arith.addi %squeeze3A_1820, %mul3A_20 : i32
    %broadcast_in_dim3A_1822 = vector.broadcast %add3A_1821 : i32 to vector<16xi32>
    %add3A_1823 = arith.addi %broadcast_in_dim3A_1822, %mul3A_37 : vector<16xi32>
    %add3A_1824 = arith.constant 0 : i32
    %add3A_1825 = vector.broadcast %add3A_1824 : i32 to vector<16xi32>
    %add3A_1826 = arith.addi %add3A_1823, %add3A_1825 : vector<16xi32>
    %swap3A_1827 = arith.constant 3840 : index
    %swap3A_1828 = tpu.vector_load %arg6[%swap3A_1827] {strides = array<i32>} : memref<6144xi32, #tpu.memory_space<vmem>>, vector<16xi32>,
    %swap3A_1829 = vector.shape_cast %swap3A_1828 : vector<16xi32> to vector<16xi32>
    %swap3A_1830 = vector.shape_cast %add3A_1826 : vector<16xi32> to vector<16xi32>
    tpu.vector_store %arg6[%swap3A_1827], %swap3A_1830 {strides = array<i32>} : memref<6144xi32, #tpu.memory_space<vmem>>, vector<16xi32>,
    %add3A_1831 = arith.constant 802816 : i32
    %add3A_1832 = vector.broadcast %add3A_1831 : i32 to vector<16xi32>
    %add3A_1833 = arith.addi %add3A_1823, %add3A_1832 : vector<16xi32>
    %swap3A_1834 = arith.constant 3856 : index
    %swap3A_1835 = tpu.vector_load %arg6[%swap3A_1834] {strides = array<i32>} : memref<6144xi32, #tpu.memory_space<vmem>>, vector<16xi32>,
    %swap3A_1836 = vector.shape_cast %swap3A_1835 : vector<16xi32> to vector<16xi32>
    %swap3A_1837 = vector.shape_cast %add3A_1833 : vector<16xi32> to vector<16xi32>
    tpu.vector_store %arg6[%swap3A_1834], %swap3A_1837 {strides = array<i32>} : memref<6144xi32, #tpu.memory_space<vmem>>, vector<16xi32>,
    %add3A_1838 = arith.constant 1605632 : i32
    %add3A_1839 = vector.broadcast %add3A_1838 : i32 to vector<16xi32>
    %add3A_1840 = arith.addi %add3A_1823, %add3A_1839 : vector<16xi32>
    %swap3A_1841 = arith.constant 3872 : index
    %swap3A_1842 = tpu.vector_load %arg6[%swap3A_1841] {strides = array<i32>} : memref<6144xi32, #tpu.memory_space<vmem>>, vector<16xi32>,
    %swap3A_1843 = vector.shape_cast %swap3A_1842 : vector<16xi32> to vector<16xi32>
    %swap3A_1844 = vector.shape_cast %add3A_1840 : vector<16xi32> to vector<16xi32>
    tpu.vector_store %arg6[%swap3A_1841], %swap3A_1844 {strides = array<i32>} : memref<6144xi32, #tpu.memory_space<vmem>>, vector<16xi32>,
    %add3A_1845 = arith.constant 2408448 : i32
    %add3A_1846 = vector.broadcast %add3A_1845 : i32 to vector<16xi32>
    %add3A_1847 = arith.addi %add3A_1823, %add3A_1846 : vector<16xi32>
    %swap3A_1848 = arith.constant 3888 : index
    %swap3A_1849 = tpu.vector_load %arg6[%swap3A_1848] {strides = array<i32>} : memref<6144xi32, #tpu.memory_space<vmem>>, vector<16xi32>,
    %swap3A_1850 = vector.shape_cast %swap3A_1849 : vector<16xi32> to vector<16xi32>
    %swap3A_1851 = vector.shape_cast %add3A_1847 : vector<16xi32> to vector<16xi32>
    tpu.vector_store %arg6[%swap3A_1848], %swap3A_1851 {strides = array<i32>} : memref<6144xi32, #tpu.memory_space<vmem>>, vector<16xi32>,
    %add3A_1852 = arith.constant 3211264 : i32
    %add3A_1853 = vector.broadcast %add3A_1852 : i32 to vector<16xi32>
    %add3A_1854 = arith.addi %add3A_1823, %add3A_1853 : vector<16xi32>
    %swap3A_1855 = arith.constant 3904 : index
    %swap3A_1856 = tpu.vector_load %arg6[%swap3A_1855] {strides = array<i32>} : memref<6144xi32, #tpu.memory_space<vmem>>, vector<16xi32>,
    %swap3A_1857 = vector.shape_cast %swap3A_1856 : vector<16xi32> to vector<16xi32>
    %swap3A_1858 = vector.shape_cast %add3A_1854 : vector<16xi32> to vector<16xi32>
    tpu.vector_store %arg6[%swap3A_1855], %swap3A_1858 {strides = array<i32>} : memref<6144xi32, #tpu.memory_space<vmem>>, vector<16xi32>,
    %add3A_1859 = arith.constant 4014080 : i32
    %add3A_1860 = vector.broadcast %add3A_1859 : i32 to vector<16xi32>
    %add3A_1861 = arith.addi %add3A_1823, %add3A_1860 : vector<16xi32>
    %swap3A_1862 = arith.constant 3920 : index
    %swap3A_1863 = tpu.vector_load %arg6[%swap3A_1862] {strides = array<i32>} : memref<6144xi32, #tpu.memory_space<vmem>>, vector<16xi32>,
    %swap3A_1864 = vector.shape_cast %swap3A_1863 : vector<16xi32> to vector<16xi32>
    %swap3A_1865 = vector.shape_cast %add3A_1861 : vector<16xi32> to vector<16xi32>
    tpu.vector_store %arg6[%swap3A_1862], %swap3A_1865 {strides = array<i32>} : memref<6144xi32, #tpu.memory_space<vmem>>, vector<16xi32>,
    %add3A_1866 = arith.constant 4816896 : i32
    %add3A_1867 = vector.broadcast %add3A_1866 : i32 to vector<16xi32>
    %add3A_1868 = arith.addi %add3A_1823, %add3A_1867 : vector<16xi32>
    %swap3A_1869 = arith.constant 3936 : index
    %swap3A_1870 = tpu.vector_load %arg6[%swap3A_1869] {strides = array<i32>} : memref<6144xi32, #tpu.memory_space<vmem>>, vector<16xi32>,
    %swap3A_1871 = vector.shape_cast %swap3A_1870 : vector<16xi32> to vector<16xi32>
    %swap3A_1872 = vector.shape_cast %add3A_1868 : vector<16xi32> to vector<16xi32>
    tpu.vector_store %arg6[%swap3A_1869], %swap3A_1872 {strides = array<i32>} : memref<6144xi32, #tpu.memory_space<vmem>>, vector<16xi32>,
    %add3A_1873 = arith.constant 5619712 : i32
    %add3A_1874 = vector.broadcast %add3A_1873 : i32 to vector<16xi32>
    %add3A_1875 = arith.addi %add3A_1823, %add3A_1874 : vector<16xi32>
    %swap3A_1876 = arith.constant 3952 : index
    %swap3A_1877 = tpu.vector_load %arg6[%swap3A_1876] {strides = array<i32>} : memref<6144xi32, #tpu.memory_space<vmem>>, vector<16xi32>,
    %swap3A_1878 = vector.shape_cast %swap3A_1877 : vector<16xi32> to vector<16xi32>
    %swap3A_1879 = vector.shape_cast %add3A_1875 : vector<16xi32> to vector<16xi32>
    tpu.vector_store %arg6[%swap3A_1876], %swap3A_1879 {strides = array<i32>} : memref<6144xi32, #tpu.memory_space<vmem>>, vector<16xi32>,
    %add3A_1880 = arith.constant 6422528 : i32
    %add3A_1881 = vector.broadcast %add3A_1880 : i32 to vector<16xi32>
    %add3A_1882 = arith.addi %add3A_1823, %add3A_1881 : vector<16xi32>
    %swap3A_1883 = arith.constant 3968 : index
    %swap3A_1884 = tpu.vector_load %arg6[%swap3A_1883] {strides = array<i32>} : memref<6144xi32, #tpu.memory_space<vmem>>, vector<16xi32>,
    %swap3A_1885 = vector.shape_cast %swap3A_1884 : vector<16xi32> to vector<16xi32>
    %swap3A_1886 = vector.shape_cast %add3A_1882 : vector<16xi32> to vector<16xi32>
    tpu.vector_store %arg6[%swap3A_1883], %swap3A_1886 {strides = array<i32>} : memref<6144xi32, #tpu.memory_space<vmem>>, vector<16xi32>,
    %add3A_1887 = arith.constant 7225344 : i32
    %add3A_1888 = vector.broadcast %add3A_1887 : i32 to vector<16xi32>
    %add3A_1889 = arith.addi %add3A_1823, %add3A_1888 : vector<16xi32>
    %swap3A_1890 = arith.constant 3984 : index
    %swap3A_1891 = tpu.vector_load %arg6[%swap3A_1890] {strides = array<i32>} : memref<6144xi32, #tpu.memory_space<vmem>>, vector<16xi32>,
    %swap3A_1892 = vector.shape_cast %swap3A_1891 : vector<16xi32> to vector<16xi32>
    %swap3A_1893 = vector.shape_cast %add3A_1889 : vector<16xi32> to vector<16xi32>
    tpu.vector_store %arg6[%swap3A_1890], %swap3A_1893 {strides = array<i32>} : memref<6144xi32, #tpu.memory_space<vmem>>, vector<16xi32>,
    %add3A_1894 = arith.constant 8028160 : i32
    %add3A_1895 = vector.broadcast %add3A_1894 : i32 to vector<16xi32>
    %add3A_1896 = arith.addi %add3A_1823, %add3A_1895 : vector<16xi32>
    %swap3A_1897 = arith.constant 4000 : index
    %swap3A_1898 = tpu.vector_load %arg6[%swap3A_1897] {strides = array<i32>} : memref<6144xi32, #tpu.memory_space<vmem>>, vector<16xi32>,
    %swap3A_1899 = vector.shape_cast %swap3A_1898 : vector<16xi32> to vector<16xi32>
    %swap3A_1900 = vector.shape_cast %add3A_1896 : vector<16xi32> to vector<16xi32>
    tpu.vector_store %arg6[%swap3A_1897], %swap3A_1900 {strides = array<i32>} : memref<6144xi32, #tpu.memory_space<vmem>>, vector<16xi32>,
    %add3A_1901 = arith.constant 8830976 : i32
    %add3A_1902 = vector.broadcast %add3A_1901 : i32 to vector<16xi32>
    %add3A_1903 = arith.addi %add3A_1823, %add3A_1902 : vector<16xi32>
    %swap3A_1904 = arith.constant 4016 : index
    %swap3A_1905 = tpu.vector_load %arg6[%swap3A_1904] {strides = array<i32>} : memref<6144xi32, #tpu.memory_space<vmem>>, vector<16xi32>,
    %swap3A_1906 = vector.shape_cast %swap3A_1905 : vector<16xi32> to vector<16xi32>
    %swap3A_1907 = vector.shape_cast %add3A_1903 : vector<16xi32> to vector<16xi32>
    tpu.vector_store %arg6[%swap3A_1904], %swap3A_1907 {strides = array<i32>} : memref<6144xi32, #tpu.memory_space<vmem>>, vector<16xi32>,
    %slice3A_1908 = vector.extract_strided_slice %get3A_42 {offsets = [5], sizes = [1], strides = [1]} : vector<16xi32> to vector<1xi32>
    %squeeze3A_1909 = vector.extract %slice3A_1908[0] : i32 from vector<1xi32>
    %add3A_1910 = arith.addi %squeeze3A_1909, %mul3A_20 : i32
    %broadcast_in_dim3A_1911 = vector.broadcast %add3A_1910 : i32 to vector<16xi32>
    %add3A_1912 = arith.addi %broadcast_in_dim3A_1911, %mul3A_37 : vector<16xi32>
    %add3A_1913 = arith.constant 0 : i32
    %add3A_1914 = vector.broadcast %add3A_1913 : i32 to vector<16xi32>
    %add3A_1915 = arith.addi %add3A_1912, %add3A_1914 : vector<16xi32>
    %swap3A_1916 = arith.constant 4032 : index
    %swap3A_1917 = tpu.vector_load %arg6[%swap3A_1916] {strides = array<i32>} : memref<6144xi32, #tpu.memory_space<vmem>>, vector<16xi32>,
    %swap3A_1918 = vector.shape_cast %swap3A_1917 : vector<16xi32> to vector<16xi32>
    %swap3A_1919 = vector.shape_cast %add3A_1915 : vector<16xi32> to vector<16xi32>
    tpu.vector_store %arg6[%swap3A_1916], %swap3A_1919 {strides = array<i32>} : memref<6144xi32, #tpu.memory_space<vmem>>, vector<16xi32>,
    %add3A_1920 = arith.constant 802816 : i32
    %add3A_1921 = vector.broadcast %add3A_1920 : i32 to vector<16xi32>
    %add3A_1922 = arith.addi %add3A_1912, %add3A_1921 : vector<16xi32>
    %swap3A_1923 = arith.constant 4048 : index
    %swap3A_1924 = tpu.vector_load %arg6[%swap3A_1923] {strides = array<i32>} : memref<6144xi32, #tpu.memory_space<vmem>>, vector<16xi32>,
    %swap3A_1925 = vector.shape_cast %swap3A_1924 : vector<16xi32> to vector<16xi32>
    %swap3A_1926 = vector.shape_cast %add3A_1922 : vector<16xi32> to vector<16xi32>
    tpu.vector_store %arg6[%swap3A_1923], %swap3A_1926 {strides = array<i32>} : memref<6144xi32, #tpu.memory_space<vmem>>, vector<16xi32>,
    %add3A_1927 = arith.constant 1605632 : i32
    %add3A_1928 = vector.broadcast %add3A_1927 : i32 to vector<16xi32>
    %add3A_1929 = arith.addi %add3A_1912, %add3A_1928 : vector<16xi32>
    %swap3A_1930 = arith.constant 4064 : index
    %swap3A_1931 = tpu.vector_load %arg6[%swap3A_1930] {strides = array<i32>} : memref<6144xi32, #tpu.memory_space<vmem>>, vector<16xi32>,
    %swap3A_1932 = vector.shape_cast %swap3A_1931 : vector<16xi32> to vector<16xi32>
    %swap3A_1933 = vector.shape_cast %add3A_1929 : vector<16xi32> to vector<16xi32>
    tpu.vector_store %arg6[%swap3A_1930], %swap3A_1933 {strides = array<i32>} : memref<6144xi32, #tpu.memory_space<vmem>>, vector<16xi32>,
    %add3A_1934 = arith.constant 2408448 : i32
    %add3A_1935 = vector.broadcast %add3A_1934 : i32 to vector<16xi32>
    %add3A_1936 = arith.addi %add3A_1912, %add3A_1935 : vector<16xi32>
    %swap3A_1937 = arith.constant 4080 : index
    %swap3A_1938 = tpu.vector_load %arg6[%swap3A_1937] {strides = array<i32>} : memref<6144xi32, #tpu.memory_space<vmem>>, vector<16xi32>,
    %swap3A_1939 = vector.shape_cast %swap3A_1938 : vector<16xi32> to vector<16xi32>
    %swap3A_1940 = vector.shape_cast %add3A_1936 : vector<16xi32> to vector<16xi32>
    tpu.vector_store %arg6[%swap3A_1937], %swap3A_1940 {strides = array<i32>} : memref<6144xi32, #tpu.memory_space<vmem>>, vector<16xi32>,
    %add3A_1941 = arith.constant 3211264 : i32
    %add3A_1942 = vector.broadcast %add3A_1941 : i32 to vector<16xi32>
    %add3A_1943 = arith.addi %add3A_1912, %add3A_1942 : vector<16xi32>
    %swap3A_1944 = arith.constant 4096 : index
    %swap3A_1945 = tpu.vector_load %arg6[%swap3A_1944] {strides = array<i32>} : memref<6144xi32, #tpu.memory_space<vmem>>, vector<16xi32>,
    %swap3A_1946 = vector.shape_cast %swap3A_1945 : vector<16xi32> to vector<16xi32>
    %swap3A_1947 = vector.shape_cast %add3A_1943 : vector<16xi32> to vector<16xi32>
    tpu.vector_store %arg6[%swap3A_1944], %swap3A_1947 {strides = array<i32>} : memref<6144xi32, #tpu.memory_space<vmem>>, vector<16xi32>,
    %add3A_1948 = arith.constant 4014080 : i32
    %add3A_1949 = vector.broadcast %add3A_1948 : i32 to vector<16xi32>
    %add3A_1950 = arith.addi %add3A_1912, %add3A_1949 : vector<16xi32>
    %swap3A_1951 = arith.constant 4112 : index
    %swap3A_1952 = tpu.vector_load %arg6[%swap3A_1951] {strides = array<i32>} : memref<6144xi32, #tpu.memory_space<vmem>>, vector<16xi32>,
    %swap3A_1953 = vector.shape_cast %swap3A_1952 : vector<16xi32> to vector<16xi32>
    %swap3A_1954 = vector.shape_cast %add3A_1950 : vector<16xi32> to vector<16xi32>
    tpu.vector_store %arg6[%swap3A_1951], %swap3A_1954 {strides = array<i32>} : memref<6144xi32, #tpu.memory_space<vmem>>, vector<16xi32>,
    %add3A_1955 = arith.constant 4816896 : i32
    %add3A_1956 = vector.broadcast %add3A_1955 : i32 to vector<16xi32>
    %add3A_1957 = arith.addi %add3A_1912, %add3A_1956 : vector<16xi32>
    %swap3A_1958 = arith.constant 4128 : index
    %swap3A_1959 = tpu.vector_load %arg6[%swap3A_1958] {strides = array<i32>} : memref<6144xi32, #tpu.memory_space<vmem>>, vector<16xi32>,
    %swap3A_1960 = vector.shape_cast %swap3A_1959 : vector<16xi32> to vector<16xi32>
    %swap3A_1961 = vector.shape_cast %add3A_1957 : vector<16xi32> to vector<16xi32>
    tpu.vector_store %arg6[%swap3A_1958], %swap3A_1961 {strides = array<i32>} : memref<6144xi32, #tpu.memory_space<vmem>>, vector<16xi32>,
    %add3A_1962 = arith.constant 5619712 : i32
    %add3A_1963 = vector.broadcast %add3A_1962 : i32 to vector<16xi32>
    %add3A_1964 = arith.addi %add3A_1912, %add3A_1963 : vector<16xi32>
    %swap3A_1965 = arith.constant 4144 : index
    %swap3A_1966 = tpu.vector_load %arg6[%swap3A_1965] {strides = array<i32>} : memref<6144xi32, #tpu.memory_space<vmem>>, vector<16xi32>,
    %swap3A_1967 = vector.shape_cast %swap3A_1966 : vector<16xi32> to vector<16xi32>
    %swap3A_1968 = vector.shape_cast %add3A_1964 : vector<16xi32> to vector<16xi32>
    tpu.vector_store %arg6[%swap3A_1965], %swap3A_1968 {strides = array<i32>} : memref<6144xi32, #tpu.memory_space<vmem>>, vector<16xi32>,
    %add3A_1969 = arith.constant 6422528 : i32
    %add3A_1970 = vector.broadcast %add3A_1969 : i32 to vector<16xi32>
    %add3A_1971 = arith.addi %add3A_1912, %add3A_1970 : vector<16xi32>
    %swap3A_1972 = arith.constant 4160 : index
    %swap3A_1973 = tpu.vector_load %arg6[%swap3A_1972] {strides = array<i32>} : memref<6144xi32, #tpu.memory_space<vmem>>, vector<16xi32>,
    %swap3A_1974 = vector.shape_cast %swap3A_1973 : vector<16xi32> to vector<16xi32>
    %swap3A_1975 = vector.shape_cast %add3A_1971 : vector<16xi32> to vector<16xi32>
    tpu.vector_store %arg6[%swap3A_1972], %swap3A_1975 {strides = array<i32>} : memref<6144xi32, #tpu.memory_space<vmem>>, vector<16xi32>,
    %add3A_1976 = arith.constant 7225344 : i32
    %add3A_1977 = vector.broadcast %add3A_1976 : i32 to vector<16xi32>
    %add3A_1978 = arith.addi %add3A_1912, %add3A_1977 : vector<16xi32>
    %swap3A_1979 = arith.constant 4176 : index
    %swap3A_1980 = tpu.vector_load %arg6[%swap3A_1979] {strides = array<i32>} : memref<6144xi32, #tpu.memory_space<vmem>>, vector<16xi32>,
    %swap3A_1981 = vector.shape_cast %swap3A_1980 : vector<16xi32> to vector<16xi32>
    %swap3A_1982 = vector.shape_cast %add3A_1978 : vector<16xi32> to vector<16xi32>
    tpu.vector_store %arg6[%swap3A_1979], %swap3A_1982 {strides = array<i32>} : memref<6144xi32, #tpu.memory_space<vmem>>, vector<16xi32>,
    %add3A_1983 = arith.constant 8028160 : i32
    %add3A_1984 = vector.broadcast %add3A_1983 : i32 to vector<16xi32>
    %add3A_1985 = arith.addi %add3A_1912, %add3A_1984 : vector<16xi32>
    %swap3A_1986 = arith.constant 4192 : index
    %swap3A_1987 = tpu.vector_load %arg6[%swap3A_1986] {strides = array<i32>} : memref<6144xi32, #tpu.memory_space<vmem>>, vector<16xi32>,
    %swap3A_1988 = vector.shape_cast %swap3A_1987 : vector<16xi32> to vector<16xi32>
    %swap3A_1989 = vector.shape_cast %add3A_1985 : vector<16xi32> to vector<16xi32>
    tpu.vector_store %arg6[%swap3A_1986], %swap3A_1989 {strides = array<i32>} : memref<6144xi32, #tpu.memory_space<vmem>>, vector<16xi32>,
    %add3A_1990 = arith.constant 8830976 : i32
    %add3A_1991 = vector.broadcast %add3A_1990 : i32 to vector<16xi32>
    %add3A_1992 = arith.addi %add3A_1912, %add3A_1991 : vector<16xi32>
    %swap3A_1993 = arith.constant 4208 : index
    %swap3A_1994 = tpu.vector_load %arg6[%swap3A_1993] {strides = array<i32>} : memref<6144xi32, #tpu.memory_space<vmem>>, vector<16xi32>,
    %swap3A_1995 = vector.shape_cast %swap3A_1994 : vector<16xi32> to vector<16xi32>
    %swap3A_1996 = vector.shape_cast %add3A_1992 : vector<16xi32> to vector<16xi32>
    tpu.vector_store %arg6[%swap3A_1993], %swap3A_1996 {strides = array<i32>} : memref<6144xi32, #tpu.memory_space<vmem>>, vector<16xi32>,
    %slice3A_1997 = vector.extract_strided_slice %get3A_42 {offsets = [6], sizes = [1], strides = [1]} : vector<16xi32> to vector<1xi32>
    %squeeze3A_1998 = vector.extract %slice3A_1997[0] : i32 from vector<1xi32>
    %add3A_1999 = arith.addi %squeeze3A_1998, %mul3A_20 : i32
    %broadcast_in_dim3A_2000 = vector.broadcast %add3A_1999 : i32 to vector<16xi32>
    %add3A_2001 = arith.addi %broadcast_in_dim3A_2000, %mul3A_37 : vector<16xi32>
    %add3A_2002 = arith.constant 0 : i32
    %add3A_2003 = vector.broadcast %add3A_2002 : i32 to vector<16xi32>
    %add3A_2004 = arith.addi %add3A_2001, %add3A_2003 : vector<16xi32>
    %swap3A_2005 = arith.constant 4224 : index
    %swap3A_2006 = tpu.vector_load %arg6[%swap3A_2005] {strides = array<i32>} : memref<6144xi32, #tpu.memory_space<vmem>>, vector<16xi32>,
    %swap3A_2007 = vector.shape_cast %swap3A_2006 : vector<16xi32> to vector<16xi32>
    %swap3A_2008 = vector.shape_cast %add3A_2004 : vector<16xi32> to vector<16xi32>
    tpu.vector_store %arg6[%swap3A_2005], %swap3A_2008 {strides = array<i32>} : memref<6144xi32, #tpu.memory_space<vmem>>, vector<16xi32>,
    %add3A_2009 = arith.constant 802816 : i32
    %add3A_2010 = vector.broadcast %add3A_2009 : i32 to vector<16xi32>
    %add3A_2011 = arith.addi %add3A_2001, %add3A_2010 : vector<16xi32>
    %swap3A_2012 = arith.constant 4240 : index
    %swap3A_2013 = tpu.vector_load %arg6[%swap3A_2012] {strides = array<i32>} : memref<6144xi32, #tpu.memory_space<vmem>>, vector<16xi32>,
    %swap3A_2014 = vector.shape_cast %swap3A_2013 : vector<16xi32> to vector<16xi32>
    %swap3A_2015 = vector.shape_cast %add3A_2011 : vector<16xi32> to vector<16xi32>
    tpu.vector_store %arg6[%swap3A_2012], %swap3A_2015 {strides = array<i32>} : memref<6144xi32, #tpu.memory_space<vmem>>, vector<16xi32>,
    %add3A_2016 = arith.constant 1605632 : i32
    %add3A_2017 = vector.broadcast %add3A_2016 : i32 to vector<16xi32>
    %add3A_2018 = arith.addi %add3A_2001, %add3A_2017 : vector<16xi32>
    %swap3A_2019 = arith.constant 4256 : index
    %swap3A_2020 = tpu.vector_load %arg6[%swap3A_2019] {strides = array<i32>} : memref<6144xi32, #tpu.memory_space<vmem>>, vector<16xi32>,
    %swap3A_2021 = vector.shape_cast %swap3A_2020 : vector<16xi32> to vector<16xi32>
    %swap3A_2022 = vector.shape_cast %add3A_2018 : vector<16xi32> to vector<16xi32>
    tpu.vector_store %arg6[%swap3A_2019], %swap3A_2022 {strides = array<i32>} : memref<6144xi32, #tpu.memory_space<vmem>>, vector<16xi32>,
    %add3A_2023 = arith.constant 2408448 : i32
    %add3A_2024 = vector.broadcast %add3A_2023 : i32 to vector<16xi32>
    %add3A_2025 = arith.addi %add3A_2001, %add3A_2024 : vector<16xi32>
    %swap3A_2026 = arith.constant 4272 : index
    %swap3A_2027 = tpu.vector_load %arg6[%swap3A_2026] {strides = array<i32>} : memref<6144xi32, #tpu.memory_space<vmem>>, vector<16xi32>,
    %swap3A_2028 = vector.shape_cast %swap3A_2027 : vector<16xi32> to vector<16xi32>
    %swap3A_2029 = vector.shape_cast %add3A_2025 : vector<16xi32> to vector<16xi32>
    tpu.vector_store %arg6[%swap3A_2026], %swap3A_2029 {strides = array<i32>} : memref<6144xi32, #tpu.memory_space<vmem>>, vector<16xi32>,
    %add3A_2030 = arith.constant 3211264 : i32
    %add3A_2031 = vector.broadcast %add3A_2030 : i32 to vector<16xi32>
    %add3A_2032 = arith.addi %add3A_2001, %add3A_2031 : vector<16xi32>
    %swap3A_2033 = arith.constant 4288 : index
    %swap3A_2034 = tpu.vector_load %arg6[%swap3A_2033] {strides = array<i32>} : memref<6144xi32, #tpu.memory_space<vmem>>, vector<16xi32>,
    %swap3A_2035 = vector.shape_cast %swap3A_2034 : vector<16xi32> to vector<16xi32>
    %swap3A_2036 = vector.shape_cast %add3A_2032 : vector<16xi32> to vector<16xi32>
    tpu.vector_store %arg6[%swap3A_2033], %swap3A_2036 {strides = array<i32>} : memref<6144xi32, #tpu.memory_space<vmem>>, vector<16xi32>,
    %add3A_2037 = arith.constant 4014080 : i32
    %add3A_2038 = vector.broadcast %add3A_2037 : i32 to vector<16xi32>
    %add3A_2039 = arith.addi %add3A_2001, %add3A_2038 : vector<16xi32>
    %swap3A_2040 = arith.constant 4304 : index
    %swap3A_2041 = tpu.vector_load %arg6[%swap3A_2040] {strides = array<i32>} : memref<6144xi32, #tpu.memory_space<vmem>>, vector<16xi32>,
    %swap3A_2042 = vector.shape_cast %swap3A_2041 : vector<16xi32> to vector<16xi32>
    %swap3A_2043 = vector.shape_cast %add3A_2039 : vector<16xi32> to vector<16xi32>
    tpu.vector_store %arg6[%swap3A_2040], %swap3A_2043 {strides = array<i32>} : memref<6144xi32, #tpu.memory_space<vmem>>, vector<16xi32>,
    %add3A_2044 = arith.constant 4816896 : i32
    %add3A_2045 = vector.broadcast %add3A_2044 : i32 to vector<16xi32>
    %add3A_2046 = arith.addi %add3A_2001, %add3A_2045 : vector<16xi32>
    %swap3A_2047 = arith.constant 4320 : index
    %swap3A_2048 = tpu.vector_load %arg6[%swap3A_2047] {strides = array<i32>} : memref<6144xi32, #tpu.memory_space<vmem>>, vector<16xi32>,
    %swap3A_2049 = vector.shape_cast %swap3A_2048 : vector<16xi32> to vector<16xi32>
    %swap3A_2050 = vector.shape_cast %add3A_2046 : vector<16xi32> to vector<16xi32>
    tpu.vector_store %arg6[%swap3A_2047], %swap3A_2050 {strides = array<i32>} : memref<6144xi32, #tpu.memory_space<vmem>>, vector<16xi32>,
    %add3A_2051 = arith.constant 5619712 : i32
    %add3A_2052 = vector.broadcast %add3A_2051 : i32 to vector<16xi32>
    %add3A_2053 = arith.addi %add3A_2001, %add3A_2052 : vector<16xi32>
    %swap3A_2054 = arith.constant 4336 : index
    %swap3A_2055 = tpu.vector_load %arg6[%swap3A_2054] {strides = array<i32>} : memref<6144xi32, #tpu.memory_space<vmem>>, vector<16xi32>,
    %swap3A_2056 = vector.shape_cast %swap3A_2055 : vector<16xi32> to vector<16xi32>
    %swap3A_2057 = vector.shape_cast %add3A_2053 : vector<16xi32> to vector<16xi32>
    tpu.vector_store %arg6[%swap3A_2054], %swap3A_2057 {strides = array<i32>} : memref<6144xi32, #tpu.memory_space<vmem>>, vector<16xi32>,
    %add3A_2058 = arith.constant 6422528 : i32
    %add3A_2059 = vector.broadcast %add3A_2058 : i32 to vector<16xi32>
    %add3A_2060 = arith.addi %add3A_2001, %add3A_2059 : vector<16xi32>
    %swap3A_2061 = arith.constant 4352 : index
    %swap3A_2062 = tpu.vector_load %arg6[%swap3A_2061] {strides = array<i32>} : memref<6144xi32, #tpu.memory_space<vmem>>, vector<16xi32>,
    %swap3A_2063 = vector.shape_cast %swap3A_2062 : vector<16xi32> to vector<16xi32>
    %swap3A_2064 = vector.shape_cast %add3A_2060 : vector<16xi32> to vector<16xi32>
    tpu.vector_store %arg6[%swap3A_2061], %swap3A_2064 {strides = array<i32>} : memref<6144xi32, #tpu.memory_space<vmem>>, vector<16xi32>,
    %add3A_2065 = arith.constant 7225344 : i32
    %add3A_2066 = vector.broadcast %add3A_2065 : i32 to vector<16xi32>
    %add3A_2067 = arith.addi %add3A_2001, %add3A_2066 : vector<16xi32>
    %swap3A_2068 = arith.constant 4368 : index
    %swap3A_2069 = tpu.vector_load %arg6[%swap3A_2068] {strides = array<i32>} : memref<6144xi32, #tpu.memory_space<vmem>>, vector<16xi32>,
    %swap3A_2070 = vector.shape_cast %swap3A_2069 : vector<16xi32> to vector<16xi32>
    %swap3A_2071 = vector.shape_cast %add3A_2067 : vector<16xi32> to vector<16xi32>
    tpu.vector_store %arg6[%swap3A_2068], %swap3A_2071 {strides = array<i32>} : memref<6144xi32, #tpu.memory_space<vmem>>, vector<16xi32>,
    %add3A_2072 = arith.constant 8028160 : i32
    %add3A_2073 = vector.broadcast %add3A_2072 : i32 to vector<16xi32>
    %add3A_2074 = arith.addi %add3A_2001, %add3A_2073 : vector<16xi32>
    %swap3A_2075 = arith.constant 4384 : index
    %swap3A_2076 = tpu.vector_load %arg6[%swap3A_2075] {strides = array<i32>} : memref<6144xi32, #tpu.memory_space<vmem>>, vector<16xi32>,
    %swap3A_2077 = vector.shape_cast %swap3A_2076 : vector<16xi32> to vector<16xi32>
    %swap3A_2078 = vector.shape_cast %add3A_2074 : vector<16xi32> to vector<16xi32>
    tpu.vector_store %arg6[%swap3A_2075], %swap3A_2078 {strides = array<i32>} : memref<6144xi32, #tpu.memory_space<vmem>>, vector<16xi32>,
    %add3A_2079 = arith.constant 8830976 : i32
    %add3A_2080 = vector.broadcast %add3A_2079 : i32 to vector<16xi32>
    %add3A_2081 = arith.addi %add3A_2001, %add3A_2080 : vector<16xi32>
    %swap3A_2082 = arith.constant 4400 : index
    %swap3A_2083 = tpu.vector_load %arg6[%swap3A_2082] {strides = array<i32>} : memref<6144xi32, #tpu.memory_space<vmem>>, vector<16xi32>,
    %swap3A_2084 = vector.shape_cast %swap3A_2083 : vector<16xi32> to vector<16xi32>
    %swap3A_2085 = vector.shape_cast %add3A_2081 : vector<16xi32> to vector<16xi32>
    tpu.vector_store %arg6[%swap3A_2082], %swap3A_2085 {strides = array<i32>} : memref<6144xi32, #tpu.memory_space<vmem>>, vector<16xi32>,
    %slice3A_2086 = vector.extract_strided_slice %get3A_42 {offsets = [7], sizes = [1], strides = [1]} : vector<16xi32> to vector<1xi32>
    %squeeze3A_2087 = vector.extract %slice3A_2086[0] : i32 from vector<1xi32>
    %add3A_2088 = arith.addi %squeeze3A_2087, %mul3A_20 : i32
    %broadcast_in_dim3A_2089 = vector.broadcast %add3A_2088 : i32 to vector<16xi32>
    %add3A_2090 = arith.addi %broadcast_in_dim3A_2089, %mul3A_37 : vector<16xi32>
    %add3A_2091 = arith.constant 0 : i32
    %add3A_2092 = vector.broadcast %add3A_2091 : i32 to vector<16xi32>
    %add3A_2093 = arith.addi %add3A_2090, %add3A_2092 : vector<16xi32>
    %swap3A_2094 = arith.constant 4416 : index
    %swap3A_2095 = tpu.vector_load %arg6[%swap3A_2094] {strides = array<i32>} : memref<6144xi32, #tpu.memory_space<vmem>>, vector<16xi32>,
    %swap3A_2096 = vector.shape_cast %swap3A_2095 : vector<16xi32> to vector<16xi32>
    %swap3A_2097 = vector.shape_cast %add3A_2093 : vector<16xi32> to vector<16xi32>
    tpu.vector_store %arg6[%swap3A_2094], %swap3A_2097 {strides = array<i32>} : memref<6144xi32, #tpu.memory_space<vmem>>, vector<16xi32>,
    %add3A_2098 = arith.constant 802816 : i32
    %add3A_2099 = vector.broadcast %add3A_2098 : i32 to vector<16xi32>
    %add3A_2100 = arith.addi %add3A_2090, %add3A_2099 : vector<16xi32>
    %swap3A_2101 = arith.constant 4432 : index
    %swap3A_2102 = tpu.vector_load %arg6[%swap3A_2101] {strides = array<i32>} : memref<6144xi32, #tpu.memory_space<vmem>>, vector<16xi32>,
    %swap3A_2103 = vector.shape_cast %swap3A_2102 : vector<16xi32> to vector<16xi32>
    %swap3A_2104 = vector.shape_cast %add3A_2100 : vector<16xi32> to vector<16xi32>
    tpu.vector_store %arg6[%swap3A_2101], %swap3A_2104 {strides = array<i32>} : memref<6144xi32, #tpu.memory_space<vmem>>, vector<16xi32>,
    %add3A_2105 = arith.constant 1605632 : i32
    %add3A_2106 = vector.broadcast %add3A_2105 : i32 to vector<16xi32>
    %add3A_2107 = arith.addi %add3A_2090, %add3A_2106 : vector<16xi32>
    %swap3A_2108 = arith.constant 4448 : index
    %swap3A_2109 = tpu.vector_load %arg6[%swap3A_2108] {strides = array<i32>} : memref<6144xi32, #tpu.memory_space<vmem>>, vector<16xi32>,
    %swap3A_2110 = vector.shape_cast %swap3A_2109 : vector<16xi32> to vector<16xi32>
    %swap3A_2111 = vector.shape_cast %add3A_2107 : vector<16xi32> to vector<16xi32>
    tpu.vector_store %arg6[%swap3A_2108], %swap3A_2111 {strides = array<i32>} : memref<6144xi32, #tpu.memory_space<vmem>>, vector<16xi32>,
    %add3A_2112 = arith.constant 2408448 : i32
    %add3A_2113 = vector.broadcast %add3A_2112 : i32 to vector<16xi32>
    %add3A_2114 = arith.addi %add3A_2090, %add3A_2113 : vector<16xi32>
    %swap3A_2115 = arith.constant 4464 : index
    %swap3A_2116 = tpu.vector_load %arg6[%swap3A_2115] {strides = array<i32>} : memref<6144xi32, #tpu.memory_space<vmem>>, vector<16xi32>,
    %swap3A_2117 = vector.shape_cast %swap3A_2116 : vector<16xi32> to vector<16xi32>
    %swap3A_2118 = vector.shape_cast %add3A_2114 : vector<16xi32> to vector<16xi32>
    tpu.vector_store %arg6[%swap3A_2115], %swap3A_2118 {strides = array<i32>} : memref<6144xi32, #tpu.memory_space<vmem>>, vector<16xi32>,
    %add3A_2119 = arith.constant 3211264 : i32
    %add3A_2120 = vector.broadcast %add3A_2119 : i32 to vector<16xi32>
    %add3A_2121 = arith.addi %add3A_2090, %add3A_2120 : vector<16xi32>
    %swap3A_2122 = arith.constant 4480 : index
    %swap3A_2123 = tpu.vector_load %arg6[%swap3A_2122] {strides = array<i32>} : memref<6144xi32, #tpu.memory_space<vmem>>, vector<16xi32>,
    %swap3A_2124 = vector.shape_cast %swap3A_2123 : vector<16xi32> to vector<16xi32>
    %swap3A_2125 = vector.shape_cast %add3A_2121 : vector<16xi32> to vector<16xi32>
    tpu.vector_store %arg6[%swap3A_2122], %swap3A_2125 {strides = array<i32>} : memref<6144xi32, #tpu.memory_space<vmem>>, vector<16xi32>,
    %add3A_2126 = arith.constant 4014080 : i32
    %add3A_2127 = vector.broadcast %add3A_2126 : i32 to vector<16xi32>
    %add3A_2128 = arith.addi %add3A_2090, %add3A_2127 : vector<16xi32>
    %swap3A_2129 = arith.constant 4496 : index
    %swap3A_2130 = tpu.vector_load %arg6[%swap3A_2129] {strides = array<i32>} : memref<6144xi32, #tpu.memory_space<vmem>>, vector<16xi32>,
    %swap3A_2131 = vector.shape_cast %swap3A_2130 : vector<16xi32> to vector<16xi32>
    %swap3A_2132 = vector.shape_cast %add3A_2128 : vector<16xi32> to vector<16xi32>
    tpu.vector_store %arg6[%swap3A_2129], %swap3A_2132 {strides = array<i32>} : memref<6144xi32, #tpu.memory_space<vmem>>, vector<16xi32>,
    %add3A_2133 = arith.constant 4816896 : i32
    %add3A_2134 = vector.broadcast %add3A_2133 : i32 to vector<16xi32>
    %add3A_2135 = arith.addi %add3A_2090, %add3A_2134 : vector<16xi32>
    %swap3A_2136 = arith.constant 4512 : index
    %swap3A_2137 = tpu.vector_load %arg6[%swap3A_2136] {strides = array<i32>} : memref<6144xi32, #tpu.memory_space<vmem>>, vector<16xi32>,
    %swap3A_2138 = vector.shape_cast %swap3A_2137 : vector<16xi32> to vector<16xi32>
    %swap3A_2139 = vector.shape_cast %add3A_2135 : vector<16xi32> to vector<16xi32>
    tpu.vector_store %arg6[%swap3A_2136], %swap3A_2139 {strides = array<i32>} : memref<6144xi32, #tpu.memory_space<vmem>>, vector<16xi32>,
    %add3A_2140 = arith.constant 5619712 : i32
    %add3A_2141 = vector.broadcast %add3A_2140 : i32 to vector<16xi32>
    %add3A_2142 = arith.addi %add3A_2090, %add3A_2141 : vector<16xi32>
    %swap3A_2143 = arith.constant 4528 : index
    %swap3A_2144 = tpu.vector_load %arg6[%swap3A_2143] {strides = array<i32>} : memref<6144xi32, #tpu.memory_space<vmem>>, vector<16xi32>,
    %swap3A_2145 = vector.shape_cast %swap3A_2144 : vector<16xi32> to vector<16xi32>
    %swap3A_2146 = vector.shape_cast %add3A_2142 : vector<16xi32> to vector<16xi32>
    tpu.vector_store %arg6[%swap3A_2143], %swap3A_2146 {strides = array<i32>} : memref<6144xi32, #tpu.memory_space<vmem>>, vector<16xi32>,
    %add3A_2147 = arith.constant 6422528 : i32
    %add3A_2148 = vector.broadcast %add3A_2147 : i32 to vector<16xi32>
    %add3A_2149 = arith.addi %add3A_2090, %add3A_2148 : vector<16xi32>
    %swap3A_2150 = arith.constant 4544 : index
    %swap3A_2151 = tpu.vector_load %arg6[%swap3A_2150] {strides = array<i32>} : memref<6144xi32, #tpu.memory_space<vmem>>, vector<16xi32>,
    %swap3A_2152 = vector.shape_cast %swap3A_2151 : vector<16xi32> to vector<16xi32>
    %swap3A_2153 = vector.shape_cast %add3A_2149 : vector<16xi32> to vector<16xi32>
    tpu.vector_store %arg6[%swap3A_2150], %swap3A_2153 {strides = array<i32>} : memref<6144xi32, #tpu.memory_space<vmem>>, vector<16xi32>,
    %add3A_2154 = arith.constant 7225344 : i32
    %add3A_2155 = vector.broadcast %add3A_2154 : i32 to vector<16xi32>
    %add3A_2156 = arith.addi %add3A_2090, %add3A_2155 : vector<16xi32>
    %swap3A_2157 = arith.constant 4560 : index
    %swap3A_2158 = tpu.vector_load %arg6[%swap3A_2157] {strides = array<i32>} : memref<6144xi32, #tpu.memory_space<vmem>>, vector<16xi32>,
    %swap3A_2159 = vector.shape_cast %swap3A_2158 : vector<16xi32> to vector<16xi32>
    %swap3A_2160 = vector.shape_cast %add3A_2156 : vector<16xi32> to vector<16xi32>
    tpu.vector_store %arg6[%swap3A_2157], %swap3A_2160 {strides = array<i32>} : memref<6144xi32, #tpu.memory_space<vmem>>, vector<16xi32>,
    %add3A_2161 = arith.constant 8028160 : i32
    %add3A_2162 = vector.broadcast %add3A_2161 : i32 to vector<16xi32>
    %add3A_2163 = arith.addi %add3A_2090, %add3A_2162 : vector<16xi32>
    %swap3A_2164 = arith.constant 4576 : index
    %swap3A_2165 = tpu.vector_load %arg6[%swap3A_2164] {strides = array<i32>} : memref<6144xi32, #tpu.memory_space<vmem>>, vector<16xi32>,
    %swap3A_2166 = vector.shape_cast %swap3A_2165 : vector<16xi32> to vector<16xi32>
    %swap3A_2167 = vector.shape_cast %add3A_2163 : vector<16xi32> to vector<16xi32>
    tpu.vector_store %arg6[%swap3A_2164], %swap3A_2167 {strides = array<i32>} : memref<6144xi32, #tpu.memory_space<vmem>>, vector<16xi32>,
    %add3A_2168 = arith.constant 8830976 : i32
    %add3A_2169 = vector.broadcast %add3A_2168 : i32 to vector<16xi32>
    %add3A_2170 = arith.addi %add3A_2090, %add3A_2169 : vector<16xi32>
    %swap3A_2171 = arith.constant 4592 : index
    %swap3A_2172 = tpu.vector_load %arg6[%swap3A_2171] {strides = array<i32>} : memref<6144xi32, #tpu.memory_space<vmem>>, vector<16xi32>,
    %swap3A_2173 = vector.shape_cast %swap3A_2172 : vector<16xi32> to vector<16xi32>
    %swap3A_2174 = vector.shape_cast %add3A_2170 : vector<16xi32> to vector<16xi32>
    tpu.vector_store %arg6[%swap3A_2171], %swap3A_2174 {strides = array<i32>} : memref<6144xi32, #tpu.memory_space<vmem>>, vector<16xi32>,
    %slice3A_2175 = vector.extract_strided_slice %get3A_42 {offsets = [8], sizes = [1], strides = [1]} : vector<16xi32> to vector<1xi32>
    %squeeze3A_2176 = vector.extract %slice3A_2175[0] : i32 from vector<1xi32>
    %add3A_2177 = arith.addi %squeeze3A_2176, %mul3A_20 : i32
    %broadcast_in_dim3A_2178 = vector.broadcast %add3A_2177 : i32 to vector<16xi32>
    %add3A_2179 = arith.addi %broadcast_in_dim3A_2178, %mul3A_37 : vector<16xi32>
    %add3A_2180 = arith.constant 0 : i32
    %add3A_2181 = vector.broadcast %add3A_2180 : i32 to vector<16xi32>
    %add3A_2182 = arith.addi %add3A_2179, %add3A_2181 : vector<16xi32>
    %swap3A_2183 = arith.constant 4608 : index
    %swap3A_2184 = tpu.vector_load %arg6[%swap3A_2183] {strides = array<i32>} : memref<6144xi32, #tpu.memory_space<vmem>>, vector<16xi32>,
    %swap3A_2185 = vector.shape_cast %swap3A_2184 : vector<16xi32> to vector<16xi32>
    %swap3A_2186 = vector.shape_cast %add3A_2182 : vector<16xi32> to vector<16xi32>
    tpu.vector_store %arg6[%swap3A_2183], %swap3A_2186 {strides = array<i32>} : memref<6144xi32, #tpu.memory_space<vmem>>, vector<16xi32>,
    %add3A_2187 = arith.constant 802816 : i32
    %add3A_2188 = vector.broadcast %add3A_2187 : i32 to vector<16xi32>
    %add3A_2189 = arith.addi %add3A_2179, %add3A_2188 : vector<16xi32>
    %swap3A_2190 = arith.constant 4624 : index
    %swap3A_2191 = tpu.vector_load %arg6[%swap3A_2190] {strides = array<i32>} : memref<6144xi32, #tpu.memory_space<vmem>>, vector<16xi32>,
    %swap3A_2192 = vector.shape_cast %swap3A_2191 : vector<16xi32> to vector<16xi32>
    %swap3A_2193 = vector.shape_cast %add3A_2189 : vector<16xi32> to vector<16xi32>
    tpu.vector_store %arg6[%swap3A_2190], %swap3A_2193 {strides = array<i32>} : memref<6144xi32, #tpu.memory_space<vmem>>, vector<16xi32>,
    %add3A_2194 = arith.constant 1605632 : i32
    %add3A_2195 = vector.broadcast %add3A_2194 : i32 to vector<16xi32>
    %add3A_2196 = arith.addi %add3A_2179, %add3A_2195 : vector<16xi32>
    %swap3A_2197 = arith.constant 4640 : index
    %swap3A_2198 = tpu.vector_load %arg6[%swap3A_2197] {strides = array<i32>} : memref<6144xi32, #tpu.memory_space<vmem>>, vector<16xi32>,
    %swap3A_2199 = vector.shape_cast %swap3A_2198 : vector<16xi32> to vector<16xi32>
    %swap3A_2200 = vector.shape_cast %add3A_2196 : vector<16xi32> to vector<16xi32>
    tpu.vector_store %arg6[%swap3A_2197], %swap3A_2200 {strides = array<i32>} : memref<6144xi32, #tpu.memory_space<vmem>>, vector<16xi32>,
    %add3A_2201 = arith.constant 2408448 : i32
    %add3A_2202 = vector.broadcast %add3A_2201 : i32 to vector<16xi32>
    %add3A_2203 = arith.addi %add3A_2179, %add3A_2202 : vector<16xi32>
    %swap3A_2204 = arith.constant 4656 : index
    %swap3A_2205 = tpu.vector_load %arg6[%swap3A_2204] {strides = array<i32>} : memref<6144xi32, #tpu.memory_space<vmem>>, vector<16xi32>,
    %swap3A_2206 = vector.shape_cast %swap3A_2205 : vector<16xi32> to vector<16xi32>
    %swap3A_2207 = vector.shape_cast %add3A_2203 : vector<16xi32> to vector<16xi32>
    tpu.vector_store %arg6[%swap3A_2204], %swap3A_2207 {strides = array<i32>} : memref<6144xi32, #tpu.memory_space<vmem>>, vector<16xi32>,
    %add3A_2208 = arith.constant 3211264 : i32
    %add3A_2209 = vector.broadcast %add3A_2208 : i32 to vector<16xi32>
    %add3A_2210 = arith.addi %add3A_2179, %add3A_2209 : vector<16xi32>
    %swap3A_2211 = arith.constant 4672 : index
    %swap3A_2212 = tpu.vector_load %arg6[%swap3A_2211] {strides = array<i32>} : memref<6144xi32, #tpu.memory_space<vmem>>, vector<16xi32>,
    %swap3A_2213 = vector.shape_cast %swap3A_2212 : vector<16xi32> to vector<16xi32>
    %swap3A_2214 = vector.shape_cast %add3A_2210 : vector<16xi32> to vector<16xi32>
    tpu.vector_store %arg6[%swap3A_2211], %swap3A_2214 {strides = array<i32>} : memref<6144xi32, #tpu.memory_space<vmem>>, vector<16xi32>,
    %add3A_2215 = arith.constant 4014080 : i32
    %add3A_2216 = vector.broadcast %add3A_2215 : i32 to vector<16xi32>
    %add3A_2217 = arith.addi %add3A_2179, %add3A_2216 : vector<16xi32>
    %swap3A_2218 = arith.constant 4688 : index
    %swap3A_2219 = tpu.vector_load %arg6[%swap3A_2218] {strides = array<i32>} : memref<6144xi32, #tpu.memory_space<vmem>>, vector<16xi32>,
    %swap3A_2220 = vector.shape_cast %swap3A_2219 : vector<16xi32> to vector<16xi32>
    %swap3A_2221 = vector.shape_cast %add3A_2217 : vector<16xi32> to vector<16xi32>
    tpu.vector_store %arg6[%swap3A_2218], %swap3A_2221 {strides = array<i32>} : memref<6144xi32, #tpu.memory_space<vmem>>, vector<16xi32>,
    %add3A_2222 = arith.constant 4816896 : i32
    %add3A_2223 = vector.broadcast %add3A_2222 : i32 to vector<16xi32>
    %add3A_2224 = arith.addi %add3A_2179, %add3A_2223 : vector<16xi32>
    %swap3A_2225 = arith.constant 4704 : index
    %swap3A_2226 = tpu.vector_load %arg6[%swap3A_2225] {strides = array<i32>} : memref<6144xi32, #tpu.memory_space<vmem>>, vector<16xi32>,
    %swap3A_2227 = vector.shape_cast %swap3A_2226 : vector<16xi32> to vector<16xi32>
    %swap3A_2228 = vector.shape_cast %add3A_2224 : vector<16xi32> to vector<16xi32>
    tpu.vector_store %arg6[%swap3A_2225], %swap3A_2228 {strides = array<i32>} : memref<6144xi32, #tpu.memory_space<vmem>>, vector<16xi32>,
    %add3A_2229 = arith.constant 5619712 : i32
    %add3A_2230 = vector.broadcast %add3A_2229 : i32 to vector<16xi32>
    %add3A_2231 = arith.addi %add3A_2179, %add3A_2230 : vector<16xi32>
    %swap3A_2232 = arith.constant 4720 : index
    %swap3A_2233 = tpu.vector_load %arg6[%swap3A_2232] {strides = array<i32>} : memref<6144xi32, #tpu.memory_space<vmem>>, vector<16xi32>,
    %swap3A_2234 = vector.shape_cast %swap3A_2233 : vector<16xi32> to vector<16xi32>
    %swap3A_2235 = vector.shape_cast %add3A_2231 : vector<16xi32> to vector<16xi32>
    tpu.vector_store %arg6[%swap3A_2232], %swap3A_2235 {strides = array<i32>} : memref<6144xi32, #tpu.memory_space<vmem>>, vector<16xi32>,
    %add3A_2236 = arith.constant 6422528 : i32
    %add3A_2237 = vector.broadcast %add3A_2236 : i32 to vector<16xi32>
    %add3A_2238 = arith.addi %add3A_2179, %add3A_2237 : vector<16xi32>
    %swap3A_2239 = arith.constant 4736 : index
    %swap3A_2240 = tpu.vector_load %arg6[%swap3A_2239] {strides = array<i32>} : memref<6144xi32, #tpu.memory_space<vmem>>, vector<16xi32>,
    %swap3A_2241 = vector.shape_cast %swap3A_2240 : vector<16xi32> to vector<16xi32>
    %swap3A_2242 = vector.shape_cast %add3A_2238 : vector<16xi32> to vector<16xi32>
    tpu.vector_store %arg6[%swap3A_2239], %swap3A_2242 {strides = array<i32>} : memref<6144xi32, #tpu.memory_space<vmem>>, vector<16xi32>,
    %add3A_2243 = arith.constant 7225344 : i32
    %add3A_2244 = vector.broadcast %add3A_2243 : i32 to vector<16xi32>
    %add3A_2245 = arith.addi %add3A_2179, %add3A_2244 : vector<16xi32>
    %swap3A_2246 = arith.constant 4752 : index
    %swap3A_2247 = tpu.vector_load %arg6[%swap3A_2246] {strides = array<i32>} : memref<6144xi32, #tpu.memory_space<vmem>>, vector<16xi32>,
    %swap3A_2248 = vector.shape_cast %swap3A_2247 : vector<16xi32> to vector<16xi32>
    %swap3A_2249 = vector.shape_cast %add3A_2245 : vector<16xi32> to vector<16xi32>
    tpu.vector_store %arg6[%swap3A_2246], %swap3A_2249 {strides = array<i32>} : memref<6144xi32, #tpu.memory_space<vmem>>, vector<16xi32>,
    %add3A_2250 = arith.constant 8028160 : i32
    %add3A_2251 = vector.broadcast %add3A_2250 : i32 to vector<16xi32>
    %add3A_2252 = arith.addi %add3A_2179, %add3A_2251 : vector<16xi32>
    %swap3A_2253 = arith.constant 4768 : index
    %swap3A_2254 = tpu.vector_load %arg6[%swap3A_2253] {strides = array<i32>} : memref<6144xi32, #tpu.memory_space<vmem>>, vector<16xi32>,
    %swap3A_2255 = vector.shape_cast %swap3A_2254 : vector<16xi32> to vector<16xi32>
    %swap3A_2256 = vector.shape_cast %add3A_2252 : vector<16xi32> to vector<16xi32>
    tpu.vector_store %arg6[%swap3A_2253], %swap3A_2256 {strides = array<i32>} : memref<6144xi32, #tpu.memory_space<vmem>>, vector<16xi32>,
    %add3A_2257 = arith.constant 8830976 : i32
    %add3A_2258 = vector.broadcast %add3A_2257 : i32 to vector<16xi32>
    %add3A_2259 = arith.addi %add3A_2179, %add3A_2258 : vector<16xi32>
    %swap3A_2260 = arith.constant 4784 : index
    %swap3A_2261 = tpu.vector_load %arg6[%swap3A_2260] {strides = array<i32>} : memref<6144xi32, #tpu.memory_space<vmem>>, vector<16xi32>,
    %swap3A_2262 = vector.shape_cast %swap3A_2261 : vector<16xi32> to vector<16xi32>
    %swap3A_2263 = vector.shape_cast %add3A_2259 : vector<16xi32> to vector<16xi32>
    tpu.vector_store %arg6[%swap3A_2260], %swap3A_2263 {strides = array<i32>} : memref<6144xi32, #tpu.memory_space<vmem>>, vector<16xi32>,
    %slice3A_2264 = vector.extract_strided_slice %get3A_42 {offsets = [9], sizes = [1], strides = [1]} : vector<16xi32> to vector<1xi32>
    %squeeze3A_2265 = vector.extract %slice3A_2264[0] : i32 from vector<1xi32>
    %add3A_2266 = arith.addi %squeeze3A_2265, %mul3A_20 : i32
    %broadcast_in_dim3A_2267 = vector.broadcast %add3A_2266 : i32 to vector<16xi32>
    %add3A_2268 = arith.addi %broadcast_in_dim3A_2267, %mul3A_37 : vector<16xi32>
    %add3A_2269 = arith.constant 0 : i32
    %add3A_2270 = vector.broadcast %add3A_2269 : i32 to vector<16xi32>
    %add3A_2271 = arith.addi %add3A_2268, %add3A_2270 : vector<16xi32>
    %swap3A_2272 = arith.constant 4800 : index
    %swap3A_2273 = tpu.vector_load %arg6[%swap3A_2272] {strides = array<i32>} : memref<6144xi32, #tpu.memory_space<vmem>>, vector<16xi32>,
    %swap3A_2274 = vector.shape_cast %swap3A_2273 : vector<16xi32> to vector<16xi32>
    %swap3A_2275 = vector.shape_cast %add3A_2271 : vector<16xi32> to vector<16xi32>
    tpu.vector_store %arg6[%swap3A_2272], %swap3A_2275 {strides = array<i32>} : memref<6144xi32, #tpu.memory_space<vmem>>, vector<16xi32>,
    %add3A_2276 = arith.constant 802816 : i32
    %add3A_2277 = vector.broadcast %add3A_2276 : i32 to vector<16xi32>
    %add3A_2278 = arith.addi %add3A_2268, %add3A_2277 : vector<16xi32>
    %swap3A_2279 = arith.constant 4816 : index
    %swap3A_2280 = tpu.vector_load %arg6[%swap3A_2279] {strides = array<i32>} : memref<6144xi32, #tpu.memory_space<vmem>>, vector<16xi32>,
    %swap3A_2281 = vector.shape_cast %swap3A_2280 : vector<16xi32> to vector<16xi32>
    %swap3A_2282 = vector.shape_cast %add3A_2278 : vector<16xi32> to vector<16xi32>
    tpu.vector_store %arg6[%swap3A_2279], %swap3A_2282 {strides = array<i32>} : memref<6144xi32, #tpu.memory_space<vmem>>, vector<16xi32>,
    %add3A_2283 = arith.constant 1605632 : i32
    %add3A_2284 = vector.broadcast %add3A_2283 : i32 to vector<16xi32>
    %add3A_2285 = arith.addi %add3A_2268, %add3A_2284 : vector<16xi32>
    %swap3A_2286 = arith.constant 4832 : index
    %swap3A_2287 = tpu.vector_load %arg6[%swap3A_2286] {strides = array<i32>} : memref<6144xi32, #tpu.memory_space<vmem>>, vector<16xi32>,
    %swap3A_2288 = vector.shape_cast %swap3A_2287 : vector<16xi32> to vector<16xi32>
    %swap3A_2289 = vector.shape_cast %add3A_2285 : vector<16xi32> to vector<16xi32>
    tpu.vector_store %arg6[%swap3A_2286], %swap3A_2289 {strides = array<i32>} : memref<6144xi32, #tpu.memory_space<vmem>>, vector<16xi32>,
    %add3A_2290 = arith.constant 2408448 : i32
    %add3A_2291 = vector.broadcast %add3A_2290 : i32 to vector<16xi32>
    %add3A_2292 = arith.addi %add3A_2268, %add3A_2291 : vector<16xi32>
    %swap3A_2293 = arith.constant 4848 : index
    %swap3A_2294 = tpu.vector_load %arg6[%swap3A_2293] {strides = array<i32>} : memref<6144xi32, #tpu.memory_space<vmem>>, vector<16xi32>,
    %swap3A_2295 = vector.shape_cast %swap3A_2294 : vector<16xi32> to vector<16xi32>
    %swap3A_2296 = vector.shape_cast %add3A_2292 : vector<16xi32> to vector<16xi32>
    tpu.vector_store %arg6[%swap3A_2293], %swap3A_2296 {strides = array<i32>} : memref<6144xi32, #tpu.memory_space<vmem>>, vector<16xi32>,
    %add3A_2297 = arith.constant 3211264 : i32
    %add3A_2298 = vector.broadcast %add3A_2297 : i32 to vector<16xi32>
    %add3A_2299 = arith.addi %add3A_2268, %add3A_2298 : vector<16xi32>
    %swap3A_2300 = arith.constant 4864 : index
    %swap3A_2301 = tpu.vector_load %arg6[%swap3A_2300] {strides = array<i32>} : memref<6144xi32, #tpu.memory_space<vmem>>, vector<16xi32>,
    %swap3A_2302 = vector.shape_cast %swap3A_2301 : vector<16xi32> to vector<16xi32>
    %swap3A_2303 = vector.shape_cast %add3A_2299 : vector<16xi32> to vector<16xi32>
    tpu.vector_store %arg6[%swap3A_2300], %swap3A_2303 {strides = array<i32>} : memref<6144xi32, #tpu.memory_space<vmem>>, vector<16xi32>,
    %add3A_2304 = arith.constant 4014080 : i32
    %add3A_2305 = vector.broadcast %add3A_2304 : i32 to vector<16xi32>
    %add3A_2306 = arith.addi %add3A_2268, %add3A_2305 : vector<16xi32>
    %swap3A_2307 = arith.constant 4880 : index
    %swap3A_2308 = tpu.vector_load %arg6[%swap3A_2307] {strides = array<i32>} : memref<6144xi32, #tpu.memory_space<vmem>>, vector<16xi32>,
    %swap3A_2309 = vector.shape_cast %swap3A_2308 : vector<16xi32> to vector<16xi32>
    %swap3A_2310 = vector.shape_cast %add3A_2306 : vector<16xi32> to vector<16xi32>
    tpu.vector_store %arg6[%swap3A_2307], %swap3A_2310 {strides = array<i32>} : memref<6144xi32, #tpu.memory_space<vmem>>, vector<16xi32>,
    %add3A_2311 = arith.constant 4816896 : i32
    %add3A_2312 = vector.broadcast %add3A_2311 : i32 to vector<16xi32>
    %add3A_2313 = arith.addi %add3A_2268, %add3A_2312 : vector<16xi32>
    %swap3A_2314 = arith.constant 4896 : index
    %swap3A_2315 = tpu.vector_load %arg6[%swap3A_2314] {strides = array<i32>} : memref<6144xi32, #tpu.memory_space<vmem>>, vector<16xi32>,
    %swap3A_2316 = vector.shape_cast %swap3A_2315 : vector<16xi32> to vector<16xi32>
    %swap3A_2317 = vector.shape_cast %add3A_2313 : vector<16xi32> to vector<16xi32>
    tpu.vector_store %arg6[%swap3A_2314], %swap3A_2317 {strides = array<i32>} : memref<6144xi32, #tpu.memory_space<vmem>>, vector<16xi32>,
    %add3A_2318 = arith.constant 5619712 : i32
    %add3A_2319 = vector.broadcast %add3A_2318 : i32 to vector<16xi32>
    %add3A_2320 = arith.addi %add3A_2268, %add3A_2319 : vector<16xi32>
    %swap3A_2321 = arith.constant 4912 : index
    %swap3A_2322 = tpu.vector_load %arg6[%swap3A_2321] {strides = array<i32>} : memref<6144xi32, #tpu.memory_space<vmem>>, vector<16xi32>,
    %swap3A_2323 = vector.shape_cast %swap3A_2322 : vector<16xi32> to vector<16xi32>
    %swap3A_2324 = vector.shape_cast %add3A_2320 : vector<16xi32> to vector<16xi32>
    tpu.vector_store %arg6[%swap3A_2321], %swap3A_2324 {strides = array<i32>} : memref<6144xi32, #tpu.memory_space<vmem>>, vector<16xi32>,
    %add3A_2325 = arith.constant 6422528 : i32
    %add3A_2326 = vector.broadcast %add3A_2325 : i32 to vector<16xi32>
    %add3A_2327 = arith.addi %add3A_2268, %add3A_2326 : vector<16xi32>
    %swap3A_2328 = arith.constant 4928 : index
    %swap3A_2329 = tpu.vector_load %arg6[%swap3A_2328] {strides = array<i32>} : memref<6144xi32, #tpu.memory_space<vmem>>, vector<16xi32>,
    %swap3A_2330 = vector.shape_cast %swap3A_2329 : vector<16xi32> to vector<16xi32>
    %swap3A_2331 = vector.shape_cast %add3A_2327 : vector<16xi32> to vector<16xi32>
    tpu.vector_store %arg6[%swap3A_2328], %swap3A_2331 {strides = array<i32>} : memref<6144xi32, #tpu.memory_space<vmem>>, vector<16xi32>,
    %add3A_2332 = arith.constant 7225344 : i32
    %add3A_2333 = vector.broadcast %add3A_2332 : i32 to vector<16xi32>
    %add3A_2334 = arith.addi %add3A_2268, %add3A_2333 : vector<16xi32>
    %swap3A_2335 = arith.constant 4944 : index
    %swap3A_2336 = tpu.vector_load %arg6[%swap3A_2335] {strides = array<i32>} : memref<6144xi32, #tpu.memory_space<vmem>>, vector<16xi32>,
    %swap3A_2337 = vector.shape_cast %swap3A_2336 : vector<16xi32> to vector<16xi32>
    %swap3A_2338 = vector.shape_cast %add3A_2334 : vector<16xi32> to vector<16xi32>
    tpu.vector_store %arg6[%swap3A_2335], %swap3A_2338 {strides = array<i32>} : memref<6144xi32, #tpu.memory_space<vmem>>, vector<16xi32>,
    %add3A_2339 = arith.constant 8028160 : i32
    %add3A_2340 = vector.broadcast %add3A_2339 : i32 to vector<16xi32>
    %add3A_2341 = arith.addi %add3A_2268, %add3A_2340 : vector<16xi32>
    %swap3A_2342 = arith.constant 4960 : index
    %swap3A_2343 = tpu.vector_load %arg6[%swap3A_2342] {strides = array<i32>} : memref<6144xi32, #tpu.memory_space<vmem>>, vector<16xi32>,
    %swap3A_2344 = vector.shape_cast %swap3A_2343 : vector<16xi32> to vector<16xi32>
    %swap3A_2345 = vector.shape_cast %add3A_2341 : vector<16xi32> to vector<16xi32>
    tpu.vector_store %arg6[%swap3A_2342], %swap3A_2345 {strides = array<i32>} : memref<6144xi32, #tpu.memory_space<vmem>>, vector<16xi32>,
    %add3A_2346 = arith.constant 8830976 : i32
    %add3A_2347 = vector.broadcast %add3A_2346 : i32 to vector<16xi32>
    %add3A_2348 = arith.addi %add3A_2268, %add3A_2347 : vector<16xi32>
    %swap3A_2349 = arith.constant 4976 : index
    %swap3A_2350 = tpu.vector_load %arg6[%swap3A_2349] {strides = array<i32>} : memref<6144xi32, #tpu.memory_space<vmem>>, vector<16xi32>,
    %swap3A_2351 = vector.shape_cast %swap3A_2350 : vector<16xi32> to vector<16xi32>
    %swap3A_2352 = vector.shape_cast %add3A_2348 : vector<16xi32> to vector<16xi32>
    tpu.vector_store %arg6[%swap3A_2349], %swap3A_2352 {strides = array<i32>} : memref<6144xi32, #tpu.memory_space<vmem>>, vector<16xi32>,
    %slice3A_2353 = vector.extract_strided_slice %get3A_42 {offsets = [10], sizes = [1], strides = [1]} : vector<16xi32> to vector<1xi32>
    %squeeze3A_2354 = vector.extract %slice3A_2353[0] : i32 from vector<1xi32>
    %add3A_2355 = arith.addi %squeeze3A_2354, %mul3A_20 : i32
    %broadcast_in_dim3A_2356 = vector.broadcast %add3A_2355 : i32 to vector<16xi32>
    %add3A_2357 = arith.addi %broadcast_in_dim3A_2356, %mul3A_37 : vector<16xi32>
    %add3A_2358 = arith.constant 0 : i32
    %add3A_2359 = vector.broadcast %add3A_2358 : i32 to vector<16xi32>
    %add3A_2360 = arith.addi %add3A_2357, %add3A_2359 : vector<16xi32>
    %swap3A_2361 = arith.constant 4992 : index
    %swap3A_2362 = tpu.vector_load %arg6[%swap3A_2361] {strides = array<i32>} : memref<6144xi32, #tpu.memory_space<vmem>>, vector<16xi32>,
    %swap3A_2363 = vector.shape_cast %swap3A_2362 : vector<16xi32> to vector<16xi32>
    %swap3A_2364 = vector.shape_cast %add3A_2360 : vector<16xi32> to vector<16xi32>
    tpu.vector_store %arg6[%swap3A_2361], %swap3A_2364 {strides = array<i32>} : memref<6144xi32, #tpu.memory_space<vmem>>, vector<16xi32>,
    %add3A_2365 = arith.constant 802816 : i32
    %add3A_2366 = vector.broadcast %add3A_2365 : i32 to vector<16xi32>
    %add3A_2367 = arith.addi %add3A_2357, %add3A_2366 : vector<16xi32>
    %swap3A_2368 = arith.constant 5008 : index
    %swap3A_2369 = tpu.vector_load %arg6[%swap3A_2368] {strides = array<i32>} : memref<6144xi32, #tpu.memory_space<vmem>>, vector<16xi32>,
    %swap3A_2370 = vector.shape_cast %swap3A_2369 : vector<16xi32> to vector<16xi32>
    %swap3A_2371 = vector.shape_cast %add3A_2367 : vector<16xi32> to vector<16xi32>
    tpu.vector_store %arg6[%swap3A_2368], %swap3A_2371 {strides = array<i32>} : memref<6144xi32, #tpu.memory_space<vmem>>, vector<16xi32>,
    %add3A_2372 = arith.constant 1605632 : i32
    %add3A_2373 = vector.broadcast %add3A_2372 : i32 to vector<16xi32>
    %add3A_2374 = arith.addi %add3A_2357, %add3A_2373 : vector<16xi32>
    %swap3A_2375 = arith.constant 5024 : index
    %swap3A_2376 = tpu.vector_load %arg6[%swap3A_2375] {strides = array<i32>} : memref<6144xi32, #tpu.memory_space<vmem>>, vector<16xi32>,
    %swap3A_2377 = vector.shape_cast %swap3A_2376 : vector<16xi32> to vector<16xi32>
    %swap3A_2378 = vector.shape_cast %add3A_2374 : vector<16xi32> to vector<16xi32>
    tpu.vector_store %arg6[%swap3A_2375], %swap3A_2378 {strides = array<i32>} : memref<6144xi32, #tpu.memory_space<vmem>>, vector<16xi32>,
    %add3A_2379 = arith.constant 2408448 : i32
    %add3A_2380 = vector.broadcast %add3A_2379 : i32 to vector<16xi32>
    %add3A_2381 = arith.addi %add3A_2357, %add3A_2380 : vector<16xi32>
    %swap3A_2382 = arith.constant 5040 : index
    %swap3A_2383 = tpu.vector_load %arg6[%swap3A_2382] {strides = array<i32>} : memref<6144xi32, #tpu.memory_space<vmem>>, vector<16xi32>,
    %swap3A_2384 = vector.shape_cast %swap3A_2383 : vector<16xi32> to vector<16xi32>
    %swap3A_2385 = vector.shape_cast %add3A_2381 : vector<16xi32> to vector<16xi32>
    tpu.vector_store %arg6[%swap3A_2382], %swap3A_2385 {strides = array<i32>} : memref<6144xi32, #tpu.memory_space<vmem>>, vector<16xi32>,
    %add3A_2386 = arith.constant 3211264 : i32
    %add3A_2387 = vector.broadcast %add3A_2386 : i32 to vector<16xi32>
    %add3A_2388 = arith.addi %add3A_2357, %add3A_2387 : vector<16xi32>
    %swap3A_2389 = arith.constant 5056 : index
    %swap3A_2390 = tpu.vector_load %arg6[%swap3A_2389] {strides = array<i32>} : memref<6144xi32, #tpu.memory_space<vmem>>, vector<16xi32>,
    %swap3A_2391 = vector.shape_cast %swap3A_2390 : vector<16xi32> to vector<16xi32>
    %swap3A_2392 = vector.shape_cast %add3A_2388 : vector<16xi32> to vector<16xi32>
    tpu.vector_store %arg6[%swap3A_2389], %swap3A_2392 {strides = array<i32>} : memref<6144xi32, #tpu.memory_space<vmem>>, vector<16xi32>,
    %add3A_2393 = arith.constant 4014080 : i32
    %add3A_2394 = vector.broadcast %add3A_2393 : i32 to vector<16xi32>
    %add3A_2395 = arith.addi %add3A_2357, %add3A_2394 : vector<16xi32>
    %swap3A_2396 = arith.constant 5072 : index
    %swap3A_2397 = tpu.vector_load %arg6[%swap3A_2396] {strides = array<i32>} : memref<6144xi32, #tpu.memory_space<vmem>>, vector<16xi32>,
    %swap3A_2398 = vector.shape_cast %swap3A_2397 : vector<16xi32> to vector<16xi32>
    %swap3A_2399 = vector.shape_cast %add3A_2395 : vector<16xi32> to vector<16xi32>
    tpu.vector_store %arg6[%swap3A_2396], %swap3A_2399 {strides = array<i32>} : memref<6144xi32, #tpu.memory_space<vmem>>, vector<16xi32>,
    %add3A_2400 = arith.constant 4816896 : i32
    %add3A_2401 = vector.broadcast %add3A_2400 : i32 to vector<16xi32>
    %add3A_2402 = arith.addi %add3A_2357, %add3A_2401 : vector<16xi32>
    %swap3A_2403 = arith.constant 5088 : index
    %swap3A_2404 = tpu.vector_load %arg6[%swap3A_2403] {strides = array<i32>} : memref<6144xi32, #tpu.memory_space<vmem>>, vector<16xi32>,
    %swap3A_2405 = vector.shape_cast %swap3A_2404 : vector<16xi32> to vector<16xi32>
    %swap3A_2406 = vector.shape_cast %add3A_2402 : vector<16xi32> to vector<16xi32>
    tpu.vector_store %arg6[%swap3A_2403], %swap3A_2406 {strides = array<i32>} : memref<6144xi32, #tpu.memory_space<vmem>>, vector<16xi32>,
    %add3A_2407 = arith.constant 5619712 : i32
    %add3A_2408 = vector.broadcast %add3A_2407 : i32 to vector<16xi32>
    %add3A_2409 = arith.addi %add3A_2357, %add3A_2408 : vector<16xi32>
    %swap3A_2410 = arith.constant 5104 : index
    %swap3A_2411 = tpu.vector_load %arg6[%swap3A_2410] {strides = array<i32>} : memref<6144xi32, #tpu.memory_space<vmem>>, vector<16xi32>,
    %swap3A_2412 = vector.shape_cast %swap3A_2411 : vector<16xi32> to vector<16xi32>
    %swap3A_2413 = vector.shape_cast %add3A_2409 : vector<16xi32> to vector<16xi32>
    tpu.vector_store %arg6[%swap3A_2410], %swap3A_2413 {strides = array<i32>} : memref<6144xi32, #tpu.memory_space<vmem>>, vector<16xi32>,
    %add3A_2414 = arith.constant 6422528 : i32
    %add3A_2415 = vector.broadcast %add3A_2414 : i32 to vector<16xi32>
    %add3A_2416 = arith.addi %add3A_2357, %add3A_2415 : vector<16xi32>
    %swap3A_2417 = arith.constant 5120 : index
    %swap3A_2418 = tpu.vector_load %arg6[%swap3A_2417] {strides = array<i32>} : memref<6144xi32, #tpu.memory_space<vmem>>, vector<16xi32>,
    %swap3A_2419 = vector.shape_cast %swap3A_2418 : vector<16xi32> to vector<16xi32>
    %swap3A_2420 = vector.shape_cast %add3A_2416 : vector<16xi32> to vector<16xi32>
    tpu.vector_store %arg6[%swap3A_2417], %swap3A_2420 {strides = array<i32>} : memref<6144xi32, #tpu.memory_space<vmem>>, vector<16xi32>,
    %add3A_2421 = arith.constant 7225344 : i32
    %add3A_2422 = vector.broadcast %add3A_2421 : i32 to vector<16xi32>
    %add3A_2423 = arith.addi %add3A_2357, %add3A_2422 : vector<16xi32>
    %swap3A_2424 = arith.constant 5136 : index
    %swap3A_2425 = tpu.vector_load %arg6[%swap3A_2424] {strides = array<i32>} : memref<6144xi32, #tpu.memory_space<vmem>>, vector<16xi32>,
    %swap3A_2426 = vector.shape_cast %swap3A_2425 : vector<16xi32> to vector<16xi32>
    %swap3A_2427 = vector.shape_cast %add3A_2423 : vector<16xi32> to vector<16xi32>
    tpu.vector_store %arg6[%swap3A_2424], %swap3A_2427 {strides = array<i32>} : memref<6144xi32, #tpu.memory_space<vmem>>, vector<16xi32>,
    %add3A_2428 = arith.constant 8028160 : i32
    %add3A_2429 = vector.broadcast %add3A_2428 : i32 to vector<16xi32>
    %add3A_2430 = arith.addi %add3A_2357, %add3A_2429 : vector<16xi32>
    %swap3A_2431 = arith.constant 5152 : index
    %swap3A_2432 = tpu.vector_load %arg6[%swap3A_2431] {strides = array<i32>} : memref<6144xi32, #tpu.memory_space<vmem>>, vector<16xi32>,
    %swap3A_2433 = vector.shape_cast %swap3A_2432 : vector<16xi32> to vector<16xi32>
    %swap3A_2434 = vector.shape_cast %add3A_2430 : vector<16xi32> to vector<16xi32>
    tpu.vector_store %arg6[%swap3A_2431], %swap3A_2434 {strides = array<i32>} : memref<6144xi32, #tpu.memory_space<vmem>>, vector<16xi32>,
    %add3A_2435 = arith.constant 8830976 : i32
    %add3A_2436 = vector.broadcast %add3A_2435 : i32 to vector<16xi32>
    %add3A_2437 = arith.addi %add3A_2357, %add3A_2436 : vector<16xi32>
    %swap3A_2438 = arith.constant 5168 : index
    %swap3A_2439 = tpu.vector_load %arg6[%swap3A_2438] {strides = array<i32>} : memref<6144xi32, #tpu.memory_space<vmem>>, vector<16xi32>,
    %swap3A_2440 = vector.shape_cast %swap3A_2439 : vector<16xi32> to vector<16xi32>
    %swap3A_2441 = vector.shape_cast %add3A_2437 : vector<16xi32> to vector<16xi32>
    tpu.vector_store %arg6[%swap3A_2438], %swap3A_2441 {strides = array<i32>} : memref<6144xi32, #tpu.memory_space<vmem>>, vector<16xi32>,
    %slice3A_2442 = vector.extract_strided_slice %get3A_42 {offsets = [11], sizes = [1], strides = [1]} : vector<16xi32> to vector<1xi32>
    %squeeze3A_2443 = vector.extract %slice3A_2442[0] : i32 from vector<1xi32>
    %add3A_2444 = arith.addi %squeeze3A_2443, %mul3A_20 : i32
    %broadcast_in_dim3A_2445 = vector.broadcast %add3A_2444 : i32 to vector<16xi32>
    %add3A_2446 = arith.addi %broadcast_in_dim3A_2445, %mul3A_37 : vector<16xi32>
    %add3A_2447 = arith.constant 0 : i32
    %add3A_2448 = vector.broadcast %add3A_2447 : i32 to vector<16xi32>
    %add3A_2449 = arith.addi %add3A_2446, %add3A_2448 : vector<16xi32>
    %swap3A_2450 = arith.constant 5184 : index
    %swap3A_2451 = tpu.vector_load %arg6[%swap3A_2450] {strides = array<i32>} : memref<6144xi32, #tpu.memory_space<vmem>>, vector<16xi32>,
    %swap3A_2452 = vector.shape_cast %swap3A_2451 : vector<16xi32> to vector<16xi32>
    %swap3A_2453 = vector.shape_cast %add3A_2449 : vector<16xi32> to vector<16xi32>
    tpu.vector_store %arg6[%swap3A_2450], %swap3A_2453 {strides = array<i32>} : memref<6144xi32, #tpu.memory_space<vmem>>, vector<16xi32>,
    %add3A_2454 = arith.constant 802816 : i32
    %add3A_2455 = vector.broadcast %add3A_2454 : i32 to vector<16xi32>
    %add3A_2456 = arith.addi %add3A_2446, %add3A_2455 : vector<16xi32>
    %swap3A_2457 = arith.constant 5200 : index
    %swap3A_2458 = tpu.vector_load %arg6[%swap3A_2457] {strides = array<i32>} : memref<6144xi32, #tpu.memory_space<vmem>>, vector<16xi32>,
    %swap3A_2459 = vector.shape_cast %swap3A_2458 : vector<16xi32> to vector<16xi32>
    %swap3A_2460 = vector.shape_cast %add3A_2456 : vector<16xi32> to vector<16xi32>
    tpu.vector_store %arg6[%swap3A_2457], %swap3A_2460 {strides = array<i32>} : memref<6144xi32, #tpu.memory_space<vmem>>, vector<16xi32>,
    %add3A_2461 = arith.constant 1605632 : i32
    %add3A_2462 = vector.broadcast %add3A_2461 : i32 to vector<16xi32>
    %add3A_2463 = arith.addi %add3A_2446, %add3A_2462 : vector<16xi32>
    %swap3A_2464 = arith.constant 5216 : index
    %swap3A_2465 = tpu.vector_load %arg6[%swap3A_2464] {strides = array<i32>} : memref<6144xi32, #tpu.memory_space<vmem>>, vector<16xi32>,
    %swap3A_2466 = vector.shape_cast %swap3A_2465 : vector<16xi32> to vector<16xi32>
    %swap3A_2467 = vector.shape_cast %add3A_2463 : vector<16xi32> to vector<16xi32>
    tpu.vector_store %arg6[%swap3A_2464], %swap3A_2467 {strides = array<i32>} : memref<6144xi32, #tpu.memory_space<vmem>>, vector<16xi32>,
    %add3A_2468 = arith.constant 2408448 : i32
    %add3A_2469 = vector.broadcast %add3A_2468 : i32 to vector<16xi32>
    %add3A_2470 = arith.addi %add3A_2446, %add3A_2469 : vector<16xi32>
    %swap3A_2471 = arith.constant 5232 : index
    %swap3A_2472 = tpu.vector_load %arg6[%swap3A_2471] {strides = array<i32>} : memref<6144xi32, #tpu.memory_space<vmem>>, vector<16xi32>,
    %swap3A_2473 = vector.shape_cast %swap3A_2472 : vector<16xi32> to vector<16xi32>
    %swap3A_2474 = vector.shape_cast %add3A_2470 : vector<16xi32> to vector<16xi32>
    tpu.vector_store %arg6[%swap3A_2471], %swap3A_2474 {strides = array<i32>} : memref<6144xi32, #tpu.memory_space<vmem>>, vector<16xi32>,
    %add3A_2475 = arith.constant 3211264 : i32
    %add3A_2476 = vector.broadcast %add3A_2475 : i32 to vector<16xi32>
    %add3A_2477 = arith.addi %add3A_2446, %add3A_2476 : vector<16xi32>
    %swap3A_2478 = arith.constant 5248 : index
    %swap3A_2479 = tpu.vector_load %arg6[%swap3A_2478] {strides = array<i32>} : memref<6144xi32, #tpu.memory_space<vmem>>, vector<16xi32>,
    %swap3A_2480 = vector.shape_cast %swap3A_2479 : vector<16xi32> to vector<16xi32>
    %swap3A_2481 = vector.shape_cast %add3A_2477 : vector<16xi32> to vector<16xi32>
    tpu.vector_store %arg6[%swap3A_2478], %swap3A_2481 {strides = array<i32>} : memref<6144xi32, #tpu.memory_space<vmem>>, vector<16xi32>,
    %add3A_2482 = arith.constant 4014080 : i32
    %add3A_2483 = vector.broadcast %add3A_2482 : i32 to vector<16xi32>
    %add3A_2484 = arith.addi %add3A_2446, %add3A_2483 : vector<16xi32>
    %swap3A_2485 = arith.constant 5264 : index
    %swap3A_2486 = tpu.vector_load %arg6[%swap3A_2485] {strides = array<i32>} : memref<6144xi32, #tpu.memory_space<vmem>>, vector<16xi32>,
    %swap3A_2487 = vector.shape_cast %swap3A_2486 : vector<16xi32> to vector<16xi32>
    %swap3A_2488 = vector.shape_cast %add3A_2484 : vector<16xi32> to vector<16xi32>
    tpu.vector_store %arg6[%swap3A_2485], %swap3A_2488 {strides = array<i32>} : memref<6144xi32, #tpu.memory_space<vmem>>, vector<16xi32>,
    %add3A_2489 = arith.constant 4816896 : i32
    %add3A_2490 = vector.broadcast %add3A_2489 : i32 to vector<16xi32>
    %add3A_2491 = arith.addi %add3A_2446, %add3A_2490 : vector<16xi32>
    %swap3A_2492 = arith.constant 5280 : index
    %swap3A_2493 = tpu.vector_load %arg6[%swap3A_2492] {strides = array<i32>} : memref<6144xi32, #tpu.memory_space<vmem>>, vector<16xi32>,
    %swap3A_2494 = vector.shape_cast %swap3A_2493 : vector<16xi32> to vector<16xi32>
    %swap3A_2495 = vector.shape_cast %add3A_2491 : vector<16xi32> to vector<16xi32>
    tpu.vector_store %arg6[%swap3A_2492], %swap3A_2495 {strides = array<i32>} : memref<6144xi32, #tpu.memory_space<vmem>>, vector<16xi32>,
    %add3A_2496 = arith.constant 5619712 : i32
    %add3A_2497 = vector.broadcast %add3A_2496 : i32 to vector<16xi32>
    %add3A_2498 = arith.addi %add3A_2446, %add3A_2497 : vector<16xi32>
    %swap3A_2499 = arith.constant 5296 : index
    %swap3A_2500 = tpu.vector_load %arg6[%swap3A_2499] {strides = array<i32>} : memref<6144xi32, #tpu.memory_space<vmem>>, vector<16xi32>,
    %swap3A_2501 = vector.shape_cast %swap3A_2500 : vector<16xi32> to vector<16xi32>
    %swap3A_2502 = vector.shape_cast %add3A_2498 : vector<16xi32> to vector<16xi32>
    tpu.vector_store %arg6[%swap3A_2499], %swap3A_2502 {strides = array<i32>} : memref<6144xi32, #tpu.memory_space<vmem>>, vector<16xi32>,
    %add3A_2503 = arith.constant 6422528 : i32
    %add3A_2504 = vector.broadcast %add3A_2503 : i32 to vector<16xi32>
    %add3A_2505 = arith.addi %add3A_2446, %add3A_2504 : vector<16xi32>
    %swap3A_2506 = arith.constant 5312 : index
    %swap3A_2507 = tpu.vector_load %arg6[%swap3A_2506] {strides = array<i32>} : memref<6144xi32, #tpu.memory_space<vmem>>, vector<16xi32>,
    %swap3A_2508 = vector.shape_cast %swap3A_2507 : vector<16xi32> to vector<16xi32>
    %swap3A_2509 = vector.shape_cast %add3A_2505 : vector<16xi32> to vector<16xi32>
    tpu.vector_store %arg6[%swap3A_2506], %swap3A_2509 {strides = array<i32>} : memref<6144xi32, #tpu.memory_space<vmem>>, vector<16xi32>,
    %add3A_2510 = arith.constant 7225344 : i32
    %add3A_2511 = vector.broadcast %add3A_2510 : i32 to vector<16xi32>
    %add3A_2512 = arith.addi %add3A_2446, %add3A_2511 : vector<16xi32>
    %swap3A_2513 = arith.constant 5328 : index
    %swap3A_2514 = tpu.vector_load %arg6[%swap3A_2513] {strides = array<i32>} : memref<6144xi32, #tpu.memory_space<vmem>>, vector<16xi32>,
    %swap3A_2515 = vector.shape_cast %swap3A_2514 : vector<16xi32> to vector<16xi32>
    %swap3A_2516 = vector.shape_cast %add3A_2512 : vector<16xi32> to vector<16xi32>
    tpu.vector_store %arg6[%swap3A_2513], %swap3A_2516 {strides = array<i32>} : memref<6144xi32, #tpu.memory_space<vmem>>, vector<16xi32>,
    %add3A_2517 = arith.constant 8028160 : i32
    %add3A_2518 = vector.broadcast %add3A_2517 : i32 to vector<16xi32>
    %add3A_2519 = arith.addi %add3A_2446, %add3A_2518 : vector<16xi32>
    %swap3A_2520 = arith.constant 5344 : index
    %swap3A_2521 = tpu.vector_load %arg6[%swap3A_2520] {strides = array<i32>} : memref<6144xi32, #tpu.memory_space<vmem>>, vector<16xi32>,
    %swap3A_2522 = vector.shape_cast %swap3A_2521 : vector<16xi32> to vector<16xi32>
    %swap3A_2523 = vector.shape_cast %add3A_2519 : vector<16xi32> to vector<16xi32>
    tpu.vector_store %arg6[%swap3A_2520], %swap3A_2523 {strides = array<i32>} : memref<6144xi32, #tpu.memory_space<vmem>>, vector<16xi32>,
    %add3A_2524 = arith.constant 8830976 : i32
    %add3A_2525 = vector.broadcast %add3A_2524 : i32 to vector<16xi32>
    %add3A_2526 = arith.addi %add3A_2446, %add3A_2525 : vector<16xi32>
    %swap3A_2527 = arith.constant 5360 : index
    %swap3A_2528 = tpu.vector_load %arg6[%swap3A_2527] {strides = array<i32>} : memref<6144xi32, #tpu.memory_space<vmem>>, vector<16xi32>,
    %swap3A_2529 = vector.shape_cast %swap3A_2528 : vector<16xi32> to vector<16xi32>
    %swap3A_2530 = vector.shape_cast %add3A_2526 : vector<16xi32> to vector<16xi32>
    tpu.vector_store %arg6[%swap3A_2527], %swap3A_2530 {strides = array<i32>} : memref<6144xi32, #tpu.memory_space<vmem>>, vector<16xi32>,
    %slice3A_2531 = vector.extract_strided_slice %get3A_42 {offsets = [12], sizes = [1], strides = [1]} : vector<16xi32> to vector<1xi32>
    %squeeze3A_2532 = vector.extract %slice3A_2531[0] : i32 from vector<1xi32>
    %add3A_2533 = arith.addi %squeeze3A_2532, %mul3A_20 : i32
    %broadcast_in_dim3A_2534 = vector.broadcast %add3A_2533 : i32 to vector<16xi32>
    %add3A_2535 = arith.addi %broadcast_in_dim3A_2534, %mul3A_37 : vector<16xi32>
    %add3A_2536 = arith.constant 0 : i32
    %add3A_2537 = vector.broadcast %add3A_2536 : i32 to vector<16xi32>
    %add3A_2538 = arith.addi %add3A_2535, %add3A_2537 : vector<16xi32>
    %swap3A_2539 = arith.constant 5376 : index
    %swap3A_2540 = tpu.vector_load %arg6[%swap3A_2539] {strides = array<i32>} : memref<6144xi32, #tpu.memory_space<vmem>>, vector<16xi32>,
    %swap3A_2541 = vector.shape_cast %swap3A_2540 : vector<16xi32> to vector<16xi32>
    %swap3A_2542 = vector.shape_cast %add3A_2538 : vector<16xi32> to vector<16xi32>
    tpu.vector_store %arg6[%swap3A_2539], %swap3A_2542 {strides = array<i32>} : memref<6144xi32, #tpu.memory_space<vmem>>, vector<16xi32>,
    %add3A_2543 = arith.constant 802816 : i32
    %add3A_2544 = vector.broadcast %add3A_2543 : i32 to vector<16xi32>
    %add3A_2545 = arith.addi %add3A_2535, %add3A_2544 : vector<16xi32>
    %swap3A_2546 = arith.constant 5392 : index
    %swap3A_2547 = tpu.vector_load %arg6[%swap3A_2546] {strides = array<i32>} : memref<6144xi32, #tpu.memory_space<vmem>>, vector<16xi32>,
    %swap3A_2548 = vector.shape_cast %swap3A_2547 : vector<16xi32> to vector<16xi32>
    %swap3A_2549 = vector.shape_cast %add3A_2545 : vector<16xi32> to vector<16xi32>
    tpu.vector_store %arg6[%swap3A_2546], %swap3A_2549 {strides = array<i32>} : memref<6144xi32, #tpu.memory_space<vmem>>, vector<16xi32>,
    %add3A_2550 = arith.constant 1605632 : i32
    %add3A_2551 = vector.broadcast %add3A_2550 : i32 to vector<16xi32>
    %add3A_2552 = arith.addi %add3A_2535, %add3A_2551 : vector<16xi32>
    %swap3A_2553 = arith.constant 5408 : index
    %swap3A_2554 = tpu.vector_load %arg6[%swap3A_2553] {strides = array<i32>} : memref<6144xi32, #tpu.memory_space<vmem>>, vector<16xi32>,
    %swap3A_2555 = vector.shape_cast %swap3A_2554 : vector<16xi32> to vector<16xi32>
    %swap3A_2556 = vector.shape_cast %add3A_2552 : vector<16xi32> to vector<16xi32>
    tpu.vector_store %arg6[%swap3A_2553], %swap3A_2556 {strides = array<i32>} : memref<6144xi32, #tpu.memory_space<vmem>>, vector<16xi32>,
    %add3A_2557 = arith.constant 2408448 : i32
    %add3A_2558 = vector.broadcast %add3A_2557 : i32 to vector<16xi32>
    %add3A_2559 = arith.addi %add3A_2535, %add3A_2558 : vector<16xi32>
    %swap3A_2560 = arith.constant 5424 : index
    %swap3A_2561 = tpu.vector_load %arg6[%swap3A_2560] {strides = array<i32>} : memref<6144xi32, #tpu.memory_space<vmem>>, vector<16xi32>,
    %swap3A_2562 = vector.shape_cast %swap3A_2561 : vector<16xi32> to vector<16xi32>
    %swap3A_2563 = vector.shape_cast %add3A_2559 : vector<16xi32> to vector<16xi32>
    tpu.vector_store %arg6[%swap3A_2560], %swap3A_2563 {strides = array<i32>} : memref<6144xi32, #tpu.memory_space<vmem>>, vector<16xi32>,
    %add3A_2564 = arith.constant 3211264 : i32
    %add3A_2565 = vector.broadcast %add3A_2564 : i32 to vector<16xi32>
    %add3A_2566 = arith.addi %add3A_2535, %add3A_2565 : vector<16xi32>
    %swap3A_2567 = arith.constant 5440 : index
    %swap3A_2568 = tpu.vector_load %arg6[%swap3A_2567] {strides = array<i32>} : memref<6144xi32, #tpu.memory_space<vmem>>, vector<16xi32>,
    %swap3A_2569 = vector.shape_cast %swap3A_2568 : vector<16xi32> to vector<16xi32>
    %swap3A_2570 = vector.shape_cast %add3A_2566 : vector<16xi32> to vector<16xi32>
    tpu.vector_store %arg6[%swap3A_2567], %swap3A_2570 {strides = array<i32>} : memref<6144xi32, #tpu.memory_space<vmem>>, vector<16xi32>,
    %add3A_2571 = arith.constant 4014080 : i32
    %add3A_2572 = vector.broadcast %add3A_2571 : i32 to vector<16xi32>
    %add3A_2573 = arith.addi %add3A_2535, %add3A_2572 : vector<16xi32>
    %swap3A_2574 = arith.constant 5456 : index
    %swap3A_2575 = tpu.vector_load %arg6[%swap3A_2574] {strides = array<i32>} : memref<6144xi32, #tpu.memory_space<vmem>>, vector<16xi32>,
    %swap3A_2576 = vector.shape_cast %swap3A_2575 : vector<16xi32> to vector<16xi32>
    %swap3A_2577 = vector.shape_cast %add3A_2573 : vector<16xi32> to vector<16xi32>
    tpu.vector_store %arg6[%swap3A_2574], %swap3A_2577 {strides = array<i32>} : memref<6144xi32, #tpu.memory_space<vmem>>, vector<16xi32>,
    %add3A_2578 = arith.constant 4816896 : i32
    %add3A_2579 = vector.broadcast %add3A_2578 : i32 to vector<16xi32>
    %add3A_2580 = arith.addi %add3A_2535, %add3A_2579 : vector<16xi32>
    %swap3A_2581 = arith.constant 5472 : index
    %swap3A_2582 = tpu.vector_load %arg6[%swap3A_2581] {strides = array<i32>} : memref<6144xi32, #tpu.memory_space<vmem>>, vector<16xi32>,
    %swap3A_2583 = vector.shape_cast %swap3A_2582 : vector<16xi32> to vector<16xi32>
    %swap3A_2584 = vector.shape_cast %add3A_2580 : vector<16xi32> to vector<16xi32>
    tpu.vector_store %arg6[%swap3A_2581], %swap3A_2584 {strides = array<i32>} : memref<6144xi32, #tpu.memory_space<vmem>>, vector<16xi32>,
    %add3A_2585 = arith.constant 5619712 : i32
    %add3A_2586 = vector.broadcast %add3A_2585 : i32 to vector<16xi32>
    %add3A_2587 = arith.addi %add3A_2535, %add3A_2586 : vector<16xi32>
    %swap3A_2588 = arith.constant 5488 : index
    %swap3A_2589 = tpu.vector_load %arg6[%swap3A_2588] {strides = array<i32>} : memref<6144xi32, #tpu.memory_space<vmem>>, vector<16xi32>,
    %swap3A_2590 = vector.shape_cast %swap3A_2589 : vector<16xi32> to vector<16xi32>
    %swap3A_2591 = vector.shape_cast %add3A_2587 : vector<16xi32> to vector<16xi32>
    tpu.vector_store %arg6[%swap3A_2588], %swap3A_2591 {strides = array<i32>} : memref<6144xi32, #tpu.memory_space<vmem>>, vector<16xi32>,
    %add3A_2592 = arith.constant 6422528 : i32
    %add3A_2593 = vector.broadcast %add3A_2592 : i32 to vector<16xi32>
    %add3A_2594 = arith.addi %add3A_2535, %add3A_2593 : vector<16xi32>
    %swap3A_2595 = arith.constant 5504 : index
    %swap3A_2596 = tpu.vector_load %arg6[%swap3A_2595] {strides = array<i32>} : memref<6144xi32, #tpu.memory_space<vmem>>, vector<16xi32>,
    %swap3A_2597 = vector.shape_cast %swap3A_2596 : vector<16xi32> to vector<16xi32>
    %swap3A_2598 = vector.shape_cast %add3A_2594 : vector<16xi32> to vector<16xi32>
    tpu.vector_store %arg6[%swap3A_2595], %swap3A_2598 {strides = array<i32>} : memref<6144xi32, #tpu.memory_space<vmem>>, vector<16xi32>,
    %add3A_2599 = arith.constant 7225344 : i32
    %add3A_2600 = vector.broadcast %add3A_2599 : i32 to vector<16xi32>
    %add3A_2601 = arith.addi %add3A_2535, %add3A_2600 : vector<16xi32>
    %swap3A_2602 = arith.constant 5520 : index
    %swap3A_2603 = tpu.vector_load %arg6[%swap3A_2602] {strides = array<i32>} : memref<6144xi32, #tpu.memory_space<vmem>>, vector<16xi32>,
    %swap3A_2604 = vector.shape_cast %swap3A_2603 : vector<16xi32> to vector<16xi32>
    %swap3A_2605 = vector.shape_cast %add3A_2601 : vector<16xi32> to vector<16xi32>
    tpu.vector_store %arg6[%swap3A_2602], %swap3A_2605 {strides = array<i32>} : memref<6144xi32, #tpu.memory_space<vmem>>, vector<16xi32>,
    %add3A_2606 = arith.constant 8028160 : i32
    %add3A_2607 = vector.broadcast %add3A_2606 : i32 to vector<16xi32>
    %add3A_2608 = arith.addi %add3A_2535, %add3A_2607 : vector<16xi32>
    %swap3A_2609 = arith.constant 5536 : index
    %swap3A_2610 = tpu.vector_load %arg6[%swap3A_2609] {strides = array<i32>} : memref<6144xi32, #tpu.memory_space<vmem>>, vector<16xi32>,
    %swap3A_2611 = vector.shape_cast %swap3A_2610 : vector<16xi32> to vector<16xi32>
    %swap3A_2612 = vector.shape_cast %add3A_2608 : vector<16xi32> to vector<16xi32>
    tpu.vector_store %arg6[%swap3A_2609], %swap3A_2612 {strides = array<i32>} : memref<6144xi32, #tpu.memory_space<vmem>>, vector<16xi32>,
    %add3A_2613 = arith.constant 8830976 : i32
    %add3A_2614 = vector.broadcast %add3A_2613 : i32 to vector<16xi32>
    %add3A_2615 = arith.addi %add3A_2535, %add3A_2614 : vector<16xi32>
    %swap3A_2616 = arith.constant 5552 : index
    %swap3A_2617 = tpu.vector_load %arg6[%swap3A_2616] {strides = array<i32>} : memref<6144xi32, #tpu.memory_space<vmem>>, vector<16xi32>,
    %swap3A_2618 = vector.shape_cast %swap3A_2617 : vector<16xi32> to vector<16xi32>
    %swap3A_2619 = vector.shape_cast %add3A_2615 : vector<16xi32> to vector<16xi32>
    tpu.vector_store %arg6[%swap3A_2616], %swap3A_2619 {strides = array<i32>} : memref<6144xi32, #tpu.memory_space<vmem>>, vector<16xi32>,
    %slice3A_2620 = vector.extract_strided_slice %get3A_42 {offsets = [13], sizes = [1], strides = [1]} : vector<16xi32> to vector<1xi32>
    %squeeze3A_2621 = vector.extract %slice3A_2620[0] : i32 from vector<1xi32>
    %add3A_2622 = arith.addi %squeeze3A_2621, %mul3A_20 : i32
    %broadcast_in_dim3A_2623 = vector.broadcast %add3A_2622 : i32 to vector<16xi32>
    %add3A_2624 = arith.addi %broadcast_in_dim3A_2623, %mul3A_37 : vector<16xi32>
    %add3A_2625 = arith.constant 0 : i32
    %add3A_2626 = vector.broadcast %add3A_2625 : i32 to vector<16xi32>
    %add3A_2627 = arith.addi %add3A_2624, %add3A_2626 : vector<16xi32>
    %swap3A_2628 = arith.constant 5568 : index
    %swap3A_2629 = tpu.vector_load %arg6[%swap3A_2628] {strides = array<i32>} : memref<6144xi32, #tpu.memory_space<vmem>>, vector<16xi32>,
    %swap3A_2630 = vector.shape_cast %swap3A_2629 : vector<16xi32> to vector<16xi32>
    %swap3A_2631 = vector.shape_cast %add3A_2627 : vector<16xi32> to vector<16xi32>
    tpu.vector_store %arg6[%swap3A_2628], %swap3A_2631 {strides = array<i32>} : memref<6144xi32, #tpu.memory_space<vmem>>, vector<16xi32>,
    %add3A_2632 = arith.constant 802816 : i32
    %add3A_2633 = vector.broadcast %add3A_2632 : i32 to vector<16xi32>
    %add3A_2634 = arith.addi %add3A_2624, %add3A_2633 : vector<16xi32>
    %swap3A_2635 = arith.constant 5584 : index
    %swap3A_2636 = tpu.vector_load %arg6[%swap3A_2635] {strides = array<i32>} : memref<6144xi32, #tpu.memory_space<vmem>>, vector<16xi32>,
    %swap3A_2637 = vector.shape_cast %swap3A_2636 : vector<16xi32> to vector<16xi32>
    %swap3A_2638 = vector.shape_cast %add3A_2634 : vector<16xi32> to vector<16xi32>
    tpu.vector_store %arg6[%swap3A_2635], %swap3A_2638 {strides = array<i32>} : memref<6144xi32, #tpu.memory_space<vmem>>, vector<16xi32>,
    %add3A_2639 = arith.constant 1605632 : i32
    %add3A_2640 = vector.broadcast %add3A_2639 : i32 to vector<16xi32>
    %add3A_2641 = arith.addi %add3A_2624, %add3A_2640 : vector<16xi32>
    %swap3A_2642 = arith.constant 5600 : index
    %swap3A_2643 = tpu.vector_load %arg6[%swap3A_2642] {strides = array<i32>} : memref<6144xi32, #tpu.memory_space<vmem>>, vector<16xi32>,
    %swap3A_2644 = vector.shape_cast %swap3A_2643 : vector<16xi32> to vector<16xi32>
    %swap3A_2645 = vector.shape_cast %add3A_2641 : vector<16xi32> to vector<16xi32>
    tpu.vector_store %arg6[%swap3A_2642], %swap3A_2645 {strides = array<i32>} : memref<6144xi32, #tpu.memory_space<vmem>>, vector<16xi32>,
    %add3A_2646 = arith.constant 2408448 : i32
    %add3A_2647 = vector.broadcast %add3A_2646 : i32 to vector<16xi32>
    %add3A_2648 = arith.addi %add3A_2624, %add3A_2647 : vector<16xi32>
    %swap3A_2649 = arith.constant 5616 : index
    %swap3A_2650 = tpu.vector_load %arg6[%swap3A_2649] {strides = array<i32>} : memref<6144xi32, #tpu.memory_space<vmem>>, vector<16xi32>,
    %swap3A_2651 = vector.shape_cast %swap3A_2650 : vector<16xi32> to vector<16xi32>
    %swap3A_2652 = vector.shape_cast %add3A_2648 : vector<16xi32> to vector<16xi32>
    tpu.vector_store %arg6[%swap3A_2649], %swap3A_2652 {strides = array<i32>} : memref<6144xi32, #tpu.memory_space<vmem>>, vector<16xi32>,
    %add3A_2653 = arith.constant 3211264 : i32
    %add3A_2654 = vector.broadcast %add3A_2653 : i32 to vector<16xi32>
    %add3A_2655 = arith.addi %add3A_2624, %add3A_2654 : vector<16xi32>
    %swap3A_2656 = arith.constant 5632 : index
    %swap3A_2657 = tpu.vector_load %arg6[%swap3A_2656] {strides = array<i32>} : memref<6144xi32, #tpu.memory_space<vmem>>, vector<16xi32>,
    %swap3A_2658 = vector.shape_cast %swap3A_2657 : vector<16xi32> to vector<16xi32>
    %swap3A_2659 = vector.shape_cast %add3A_2655 : vector<16xi32> to vector<16xi32>
    tpu.vector_store %arg6[%swap3A_2656], %swap3A_2659 {strides = array<i32>} : memref<6144xi32, #tpu.memory_space<vmem>>, vector<16xi32>,
    %add3A_2660 = arith.constant 4014080 : i32
    %add3A_2661 = vector.broadcast %add3A_2660 : i32 to vector<16xi32>
    %add3A_2662 = arith.addi %add3A_2624, %add3A_2661 : vector<16xi32>
    %swap3A_2663 = arith.constant 5648 : index
    %swap3A_2664 = tpu.vector_load %arg6[%swap3A_2663] {strides = array<i32>} : memref<6144xi32, #tpu.memory_space<vmem>>, vector<16xi32>,
    %swap3A_2665 = vector.shape_cast %swap3A_2664 : vector<16xi32> to vector<16xi32>
    %swap3A_2666 = vector.shape_cast %add3A_2662 : vector<16xi32> to vector<16xi32>
    tpu.vector_store %arg6[%swap3A_2663], %swap3A_2666 {strides = array<i32>} : memref<6144xi32, #tpu.memory_space<vmem>>, vector<16xi32>,
    %add3A_2667 = arith.constant 4816896 : i32
    %add3A_2668 = vector.broadcast %add3A_2667 : i32 to vector<16xi32>
    %add3A_2669 = arith.addi %add3A_2624, %add3A_2668 : vector<16xi32>
    %swap3A_2670 = arith.constant 5664 : index
    %swap3A_2671 = tpu.vector_load %arg6[%swap3A_2670] {strides = array<i32>} : memref<6144xi32, #tpu.memory_space<vmem>>, vector<16xi32>,
    %swap3A_2672 = vector.shape_cast %swap3A_2671 : vector<16xi32> to vector<16xi32>
    %swap3A_2673 = vector.shape_cast %add3A_2669 : vector<16xi32> to vector<16xi32>
    tpu.vector_store %arg6[%swap3A_2670], %swap3A_2673 {strides = array<i32>} : memref<6144xi32, #tpu.memory_space<vmem>>, vector<16xi32>,
    %add3A_2674 = arith.constant 5619712 : i32
    %add3A_2675 = vector.broadcast %add3A_2674 : i32 to vector<16xi32>
    %add3A_2676 = arith.addi %add3A_2624, %add3A_2675 : vector<16xi32>
    %swap3A_2677 = arith.constant 5680 : index
    %swap3A_2678 = tpu.vector_load %arg6[%swap3A_2677] {strides = array<i32>} : memref<6144xi32, #tpu.memory_space<vmem>>, vector<16xi32>,
    %swap3A_2679 = vector.shape_cast %swap3A_2678 : vector<16xi32> to vector<16xi32>
    %swap3A_2680 = vector.shape_cast %add3A_2676 : vector<16xi32> to vector<16xi32>
    tpu.vector_store %arg6[%swap3A_2677], %swap3A_2680 {strides = array<i32>} : memref<6144xi32, #tpu.memory_space<vmem>>, vector<16xi32>,
    %add3A_2681 = arith.constant 6422528 : i32
    %add3A_2682 = vector.broadcast %add3A_2681 : i32 to vector<16xi32>
    %add3A_2683 = arith.addi %add3A_2624, %add3A_2682 : vector<16xi32>
    %swap3A_2684 = arith.constant 5696 : index
    %swap3A_2685 = tpu.vector_load %arg6[%swap3A_2684] {strides = array<i32>} : memref<6144xi32, #tpu.memory_space<vmem>>, vector<16xi32>,
    %swap3A_2686 = vector.shape_cast %swap3A_2685 : vector<16xi32> to vector<16xi32>
    %swap3A_2687 = vector.shape_cast %add3A_2683 : vector<16xi32> to vector<16xi32>
    tpu.vector_store %arg6[%swap3A_2684], %swap3A_2687 {strides = array<i32>} : memref<6144xi32, #tpu.memory_space<vmem>>, vector<16xi32>,
    %add3A_2688 = arith.constant 7225344 : i32
    %add3A_2689 = vector.broadcast %add3A_2688 : i32 to vector<16xi32>
    %add3A_2690 = arith.addi %add3A_2624, %add3A_2689 : vector<16xi32>
    %swap3A_2691 = arith.constant 5712 : index
    %swap3A_2692 = tpu.vector_load %arg6[%swap3A_2691] {strides = array<i32>} : memref<6144xi32, #tpu.memory_space<vmem>>, vector<16xi32>,
    %swap3A_2693 = vector.shape_cast %swap3A_2692 : vector<16xi32> to vector<16xi32>
    %swap3A_2694 = vector.shape_cast %add3A_2690 : vector<16xi32> to vector<16xi32>
    tpu.vector_store %arg6[%swap3A_2691], %swap3A_2694 {strides = array<i32>} : memref<6144xi32, #tpu.memory_space<vmem>>, vector<16xi32>,
    %add3A_2695 = arith.constant 8028160 : i32
    %add3A_2696 = vector.broadcast %add3A_2695 : i32 to vector<16xi32>
    %add3A_2697 = arith.addi %add3A_2624, %add3A_2696 : vector<16xi32>
    %swap3A_2698 = arith.constant 5728 : index
    %swap3A_2699 = tpu.vector_load %arg6[%swap3A_2698] {strides = array<i32>} : memref<6144xi32, #tpu.memory_space<vmem>>, vector<16xi32>,
    %swap3A_2700 = vector.shape_cast %swap3A_2699 : vector<16xi32> to vector<16xi32>
    %swap3A_2701 = vector.shape_cast %add3A_2697 : vector<16xi32> to vector<16xi32>
    tpu.vector_store %arg6[%swap3A_2698], %swap3A_2701 {strides = array<i32>} : memref<6144xi32, #tpu.memory_space<vmem>>, vector<16xi32>,
    %add3A_2702 = arith.constant 8830976 : i32
    %add3A_2703 = vector.broadcast %add3A_2702 : i32 to vector<16xi32>
    %add3A_2704 = arith.addi %add3A_2624, %add3A_2703 : vector<16xi32>
    %swap3A_2705 = arith.constant 5744 : index
    %swap3A_2706 = tpu.vector_load %arg6[%swap3A_2705] {strides = array<i32>} : memref<6144xi32, #tpu.memory_space<vmem>>, vector<16xi32>,
    %swap3A_2707 = vector.shape_cast %swap3A_2706 : vector<16xi32> to vector<16xi32>
    %swap3A_2708 = vector.shape_cast %add3A_2704 : vector<16xi32> to vector<16xi32>
    tpu.vector_store %arg6[%swap3A_2705], %swap3A_2708 {strides = array<i32>} : memref<6144xi32, #tpu.memory_space<vmem>>, vector<16xi32>,
    %slice3A_2709 = vector.extract_strided_slice %get3A_42 {offsets = [14], sizes = [1], strides = [1]} : vector<16xi32> to vector<1xi32>
    %squeeze3A_2710 = vector.extract %slice3A_2709[0] : i32 from vector<1xi32>
    %add3A_2711 = arith.addi %squeeze3A_2710, %mul3A_20 : i32
    %broadcast_in_dim3A_2712 = vector.broadcast %add3A_2711 : i32 to vector<16xi32>
    %add3A_2713 = arith.addi %broadcast_in_dim3A_2712, %mul3A_37 : vector<16xi32>
    %add3A_2714 = arith.constant 0 : i32
    %add3A_2715 = vector.broadcast %add3A_2714 : i32 to vector<16xi32>
    %add3A_2716 = arith.addi %add3A_2713, %add3A_2715 : vector<16xi32>
    %swap3A_2717 = arith.constant 5760 : index
    %swap3A_2718 = tpu.vector_load %arg6[%swap3A_2717] {strides = array<i32>} : memref<6144xi32, #tpu.memory_space<vmem>>, vector<16xi32>,
    %swap3A_2719 = vector.shape_cast %swap3A_2718 : vector<16xi32> to vector<16xi32>
    %swap3A_2720 = vector.shape_cast %add3A_2716 : vector<16xi32> to vector<16xi32>
    tpu.vector_store %arg6[%swap3A_2717], %swap3A_2720 {strides = array<i32>} : memref<6144xi32, #tpu.memory_space<vmem>>, vector<16xi32>,
    %add3A_2721 = arith.constant 802816 : i32
    %add3A_2722 = vector.broadcast %add3A_2721 : i32 to vector<16xi32>
    %add3A_2723 = arith.addi %add3A_2713, %add3A_2722 : vector<16xi32>
    %swap3A_2724 = arith.constant 5776 : index
    %swap3A_2725 = tpu.vector_load %arg6[%swap3A_2724] {strides = array<i32>} : memref<6144xi32, #tpu.memory_space<vmem>>, vector<16xi32>,
    %swap3A_2726 = vector.shape_cast %swap3A_2725 : vector<16xi32> to vector<16xi32>
    %swap3A_2727 = vector.shape_cast %add3A_2723 : vector<16xi32> to vector<16xi32>
    tpu.vector_store %arg6[%swap3A_2724], %swap3A_2727 {strides = array<i32>} : memref<6144xi32, #tpu.memory_space<vmem>>, vector<16xi32>,
    %add3A_2728 = arith.constant 1605632 : i32
    %add3A_2729 = vector.broadcast %add3A_2728 : i32 to vector<16xi32>
    %add3A_2730 = arith.addi %add3A_2713, %add3A_2729 : vector<16xi32>
    %swap3A_2731 = arith.constant 5792 : index
    %swap3A_2732 = tpu.vector_load %arg6[%swap3A_2731] {strides = array<i32>} : memref<6144xi32, #tpu.memory_space<vmem>>, vector<16xi32>,
    %swap3A_2733 = vector.shape_cast %swap3A_2732 : vector<16xi32> to vector<16xi32>
    %swap3A_2734 = vector.shape_cast %add3A_2730 : vector<16xi32> to vector<16xi32>
    tpu.vector_store %arg6[%swap3A_2731], %swap3A_2734 {strides = array<i32>} : memref<6144xi32, #tpu.memory_space<vmem>>, vector<16xi32>,
    %add3A_2735 = arith.constant 2408448 : i32
    %add3A_2736 = vector.broadcast %add3A_2735 : i32 to vector<16xi32>
    %add3A_2737 = arith.addi %add3A_2713, %add3A_2736 : vector<16xi32>
    %swap3A_2738 = arith.constant 5808 : index
    %swap3A_2739 = tpu.vector_load %arg6[%swap3A_2738] {strides = array<i32>} : memref<6144xi32, #tpu.memory_space<vmem>>, vector<16xi32>,
    %swap3A_2740 = vector.shape_cast %swap3A_2739 : vector<16xi32> to vector<16xi32>
    %swap3A_2741 = vector.shape_cast %add3A_2737 : vector<16xi32> to vector<16xi32>
    tpu.vector_store %arg6[%swap3A_2738], %swap3A_2741 {strides = array<i32>} : memref<6144xi32, #tpu.memory_space<vmem>>, vector<16xi32>,
    %add3A_2742 = arith.constant 3211264 : i32
    %add3A_2743 = vector.broadcast %add3A_2742 : i32 to vector<16xi32>
    %add3A_2744 = arith.addi %add3A_2713, %add3A_2743 : vector<16xi32>
    %swap3A_2745 = arith.constant 5824 : index
    %swap3A_2746 = tpu.vector_load %arg6[%swap3A_2745] {strides = array<i32>} : memref<6144xi32, #tpu.memory_space<vmem>>, vector<16xi32>,
    %swap3A_2747 = vector.shape_cast %swap3A_2746 : vector<16xi32> to vector<16xi32>
    %swap3A_2748 = vector.shape_cast %add3A_2744 : vector<16xi32> to vector<16xi32>
    tpu.vector_store %arg6[%swap3A_2745], %swap3A_2748 {strides = array<i32>} : memref<6144xi32, #tpu.memory_space<vmem>>, vector<16xi32>,
    %add3A_2749 = arith.constant 4014080 : i32
    %add3A_2750 = vector.broadcast %add3A_2749 : i32 to vector<16xi32>
    %add3A_2751 = arith.addi %add3A_2713, %add3A_2750 : vector<16xi32>
    %swap3A_2752 = arith.constant 5840 : index
    %swap3A_2753 = tpu.vector_load %arg6[%swap3A_2752] {strides = array<i32>} : memref<6144xi32, #tpu.memory_space<vmem>>, vector<16xi32>,
    %swap3A_2754 = vector.shape_cast %swap3A_2753 : vector<16xi32> to vector<16xi32>
    %swap3A_2755 = vector.shape_cast %add3A_2751 : vector<16xi32> to vector<16xi32>
    tpu.vector_store %arg6[%swap3A_2752], %swap3A_2755 {strides = array<i32>} : memref<6144xi32, #tpu.memory_space<vmem>>, vector<16xi32>,
    %add3A_2756 = arith.constant 4816896 : i32
    %add3A_2757 = vector.broadcast %add3A_2756 : i32 to vector<16xi32>
    %add3A_2758 = arith.addi %add3A_2713, %add3A_2757 : vector<16xi32>
    %swap3A_2759 = arith.constant 5856 : index
    %swap3A_2760 = tpu.vector_load %arg6[%swap3A_2759] {strides = array<i32>} : memref<6144xi32, #tpu.memory_space<vmem>>, vector<16xi32>,
    %swap3A_2761 = vector.shape_cast %swap3A_2760 : vector<16xi32> to vector<16xi32>
    %swap3A_2762 = vector.shape_cast %add3A_2758 : vector<16xi32> to vector<16xi32>
    tpu.vector_store %arg6[%swap3A_2759], %swap3A_2762 {strides = array<i32>} : memref<6144xi32, #tpu.memory_space<vmem>>, vector<16xi32>,
    %add3A_2763 = arith.constant 5619712 : i32
    %add3A_2764 = vector.broadcast %add3A_2763 : i32 to vector<16xi32>
    %add3A_2765 = arith.addi %add3A_2713, %add3A_2764 : vector<16xi32>
    %swap3A_2766 = arith.constant 5872 : index
    %swap3A_2767 = tpu.vector_load %arg6[%swap3A_2766] {strides = array<i32>} : memref<6144xi32, #tpu.memory_space<vmem>>, vector<16xi32>,
    %swap3A_2768 = vector.shape_cast %swap3A_2767 : vector<16xi32> to vector<16xi32>
    %swap3A_2769 = vector.shape_cast %add3A_2765 : vector<16xi32> to vector<16xi32>
    tpu.vector_store %arg6[%swap3A_2766], %swap3A_2769 {strides = array<i32>} : memref<6144xi32, #tpu.memory_space<vmem>>, vector<16xi32>,
    %add3A_2770 = arith.constant 6422528 : i32
    %add3A_2771 = vector.broadcast %add3A_2770 : i32 to vector<16xi32>
    %add3A_2772 = arith.addi %add3A_2713, %add3A_2771 : vector<16xi32>
    %swap3A_2773 = arith.constant 5888 : index
    %swap3A_2774 = tpu.vector_load %arg6[%swap3A_2773] {strides = array<i32>} : memref<6144xi32, #tpu.memory_space<vmem>>, vector<16xi32>,
    %swap3A_2775 = vector.shape_cast %swap3A_2774 : vector<16xi32> to vector<16xi32>
    %swap3A_2776 = vector.shape_cast %add3A_2772 : vector<16xi32> to vector<16xi32>
    tpu.vector_store %arg6[%swap3A_2773], %swap3A_2776 {strides = array<i32>} : memref<6144xi32, #tpu.memory_space<vmem>>, vector<16xi32>,
    %add3A_2777 = arith.constant 7225344 : i32
    %add3A_2778 = vector.broadcast %add3A_2777 : i32 to vector<16xi32>
    %add3A_2779 = arith.addi %add3A_2713, %add3A_2778 : vector<16xi32>
    %swap3A_2780 = arith.constant 5904 : index
    %swap3A_2781 = tpu.vector_load %arg6[%swap3A_2780] {strides = array<i32>} : memref<6144xi32, #tpu.memory_space<vmem>>, vector<16xi32>,
    %swap3A_2782 = vector.shape_cast %swap3A_2781 : vector<16xi32> to vector<16xi32>
    %swap3A_2783 = vector.shape_cast %add3A_2779 : vector<16xi32> to vector<16xi32>
    tpu.vector_store %arg6[%swap3A_2780], %swap3A_2783 {strides = array<i32>} : memref<6144xi32, #tpu.memory_space<vmem>>, vector<16xi32>,
    %add3A_2784 = arith.constant 8028160 : i32
    %add3A_2785 = vector.broadcast %add3A_2784 : i32 to vector<16xi32>
    %add3A_2786 = arith.addi %add3A_2713, %add3A_2785 : vector<16xi32>
    %swap3A_2787 = arith.constant 5920 : index
    %swap3A_2788 = tpu.vector_load %arg6[%swap3A_2787] {strides = array<i32>} : memref<6144xi32, #tpu.memory_space<vmem>>, vector<16xi32>,
    %swap3A_2789 = vector.shape_cast %swap3A_2788 : vector<16xi32> to vector<16xi32>
    %swap3A_2790 = vector.shape_cast %add3A_2786 : vector<16xi32> to vector<16xi32>
    tpu.vector_store %arg6[%swap3A_2787], %swap3A_2790 {strides = array<i32>} : memref<6144xi32, #tpu.memory_space<vmem>>, vector<16xi32>,
    %add3A_2791 = arith.constant 8830976 : i32
    %add3A_2792 = vector.broadcast %add3A_2791 : i32 to vector<16xi32>
    %add3A_2793 = arith.addi %add3A_2713, %add3A_2792 : vector<16xi32>
    %swap3A_2794 = arith.constant 5936 : index
    %swap3A_2795 = tpu.vector_load %arg6[%swap3A_2794] {strides = array<i32>} : memref<6144xi32, #tpu.memory_space<vmem>>, vector<16xi32>,
    %swap3A_2796 = vector.shape_cast %swap3A_2795 : vector<16xi32> to vector<16xi32>
    %swap3A_2797 = vector.shape_cast %add3A_2793 : vector<16xi32> to vector<16xi32>
    tpu.vector_store %arg6[%swap3A_2794], %swap3A_2797 {strides = array<i32>} : memref<6144xi32, #tpu.memory_space<vmem>>, vector<16xi32>,
    %slice3A_2798 = vector.extract_strided_slice %get3A_42 {offsets = [15], sizes = [1], strides = [1]} : vector<16xi32> to vector<1xi32>
    %squeeze3A_2799 = vector.extract %slice3A_2798[0] : i32 from vector<1xi32>
    %add3A_2800 = arith.addi %squeeze3A_2799, %mul3A_20 : i32
    %broadcast_in_dim3A_2801 = vector.broadcast %add3A_2800 : i32 to vector<16xi32>
    %add3A_2802 = arith.addi %broadcast_in_dim3A_2801, %mul3A_37 : vector<16xi32>
    %add3A_2803 = arith.constant 0 : i32
    %add3A_2804 = vector.broadcast %add3A_2803 : i32 to vector<16xi32>
    %add3A_2805 = arith.addi %add3A_2802, %add3A_2804 : vector<16xi32>
    %swap3A_2806 = arith.constant 5952 : index
    %swap3A_2807 = tpu.vector_load %arg6[%swap3A_2806] {strides = array<i32>} : memref<6144xi32, #tpu.memory_space<vmem>>, vector<16xi32>,
    %swap3A_2808 = vector.shape_cast %swap3A_2807 : vector<16xi32> to vector<16xi32>
    %swap3A_2809 = vector.shape_cast %add3A_2805 : vector<16xi32> to vector<16xi32>
    tpu.vector_store %arg6[%swap3A_2806], %swap3A_2809 {strides = array<i32>} : memref<6144xi32, #tpu.memory_space<vmem>>, vector<16xi32>,
    %add3A_2810 = arith.constant 802816 : i32
    %add3A_2811 = vector.broadcast %add3A_2810 : i32 to vector<16xi32>
    %add3A_2812 = arith.addi %add3A_2802, %add3A_2811 : vector<16xi32>
    %swap3A_2813 = arith.constant 5968 : index
    %swap3A_2814 = tpu.vector_load %arg6[%swap3A_2813] {strides = array<i32>} : memref<6144xi32, #tpu.memory_space<vmem>>, vector<16xi32>,
    %swap3A_2815 = vector.shape_cast %swap3A_2814 : vector<16xi32> to vector<16xi32>
    %swap3A_2816 = vector.shape_cast %add3A_2812 : vector<16xi32> to vector<16xi32>
    tpu.vector_store %arg6[%swap3A_2813], %swap3A_2816 {strides = array<i32>} : memref<6144xi32, #tpu.memory_space<vmem>>, vector<16xi32>,
    %add3A_2817 = arith.constant 1605632 : i32
    %add3A_2818 = vector.broadcast %add3A_2817 : i32 to vector<16xi32>
    %add3A_2819 = arith.addi %add3A_2802, %add3A_2818 : vector<16xi32>
    %swap3A_2820 = arith.constant 5984 : index
    %swap3A_2821 = tpu.vector_load %arg6[%swap3A_2820] {strides = array<i32>} : memref<6144xi32, #tpu.memory_space<vmem>>, vector<16xi32>,
    %swap3A_2822 = vector.shape_cast %swap3A_2821 : vector<16xi32> to vector<16xi32>
    %swap3A_2823 = vector.shape_cast %add3A_2819 : vector<16xi32> to vector<16xi32>
    tpu.vector_store %arg6[%swap3A_2820], %swap3A_2823 {strides = array<i32>} : memref<6144xi32, #tpu.memory_space<vmem>>, vector<16xi32>,
    %add3A_2824 = arith.constant 2408448 : i32
    %add3A_2825 = vector.broadcast %add3A_2824 : i32 to vector<16xi32>
    %add3A_2826 = arith.addi %add3A_2802, %add3A_2825 : vector<16xi32>
    %swap3A_2827 = arith.constant 6000 : index
    %swap3A_2828 = tpu.vector_load %arg6[%swap3A_2827] {strides = array<i32>} : memref<6144xi32, #tpu.memory_space<vmem>>, vector<16xi32>,
    %swap3A_2829 = vector.shape_cast %swap3A_2828 : vector<16xi32> to vector<16xi32>
    %swap3A_2830 = vector.shape_cast %add3A_2826 : vector<16xi32> to vector<16xi32>
    tpu.vector_store %arg6[%swap3A_2827], %swap3A_2830 {strides = array<i32>} : memref<6144xi32, #tpu.memory_space<vmem>>, vector<16xi32>,
    %add3A_2831 = arith.constant 3211264 : i32
    %add3A_2832 = vector.broadcast %add3A_2831 : i32 to vector<16xi32>
    %add3A_2833 = arith.addi %add3A_2802, %add3A_2832 : vector<16xi32>
    %swap3A_2834 = arith.constant 6016 : index
    %swap3A_2835 = tpu.vector_load %arg6[%swap3A_2834] {strides = array<i32>} : memref<6144xi32, #tpu.memory_space<vmem>>, vector<16xi32>,
    %swap3A_2836 = vector.shape_cast %swap3A_2835 : vector<16xi32> to vector<16xi32>
    %swap3A_2837 = vector.shape_cast %add3A_2833 : vector<16xi32> to vector<16xi32>
    tpu.vector_store %arg6[%swap3A_2834], %swap3A_2837 {strides = array<i32>} : memref<6144xi32, #tpu.memory_space<vmem>>, vector<16xi32>,
    %add3A_2838 = arith.constant 4014080 : i32
    %add3A_2839 = vector.broadcast %add3A_2838 : i32 to vector<16xi32>
    %add3A_2840 = arith.addi %add3A_2802, %add3A_2839 : vector<16xi32>
    %swap3A_2841 = arith.constant 6032 : index
    %swap3A_2842 = tpu.vector_load %arg6[%swap3A_2841] {strides = array<i32>} : memref<6144xi32, #tpu.memory_space<vmem>>, vector<16xi32>,
    %swap3A_2843 = vector.shape_cast %swap3A_2842 : vector<16xi32> to vector<16xi32>
    %swap3A_2844 = vector.shape_cast %add3A_2840 : vector<16xi32> to vector<16xi32>
    tpu.vector_store %arg6[%swap3A_2841], %swap3A_2844 {strides = array<i32>} : memref<6144xi32, #tpu.memory_space<vmem>>, vector<16xi32>,
    %add3A_2845 = arith.constant 4816896 : i32
    %add3A_2846 = vector.broadcast %add3A_2845 : i32 to vector<16xi32>
    %add3A_2847 = arith.addi %add3A_2802, %add3A_2846 : vector<16xi32>
    %swap3A_2848 = arith.constant 6048 : index
    %swap3A_2849 = tpu.vector_load %arg6[%swap3A_2848] {strides = array<i32>} : memref<6144xi32, #tpu.memory_space<vmem>>, vector<16xi32>,
    %swap3A_2850 = vector.shape_cast %swap3A_2849 : vector<16xi32> to vector<16xi32>
    %swap3A_2851 = vector.shape_cast %add3A_2847 : vector<16xi32> to vector<16xi32>
    tpu.vector_store %arg6[%swap3A_2848], %swap3A_2851 {strides = array<i32>} : memref<6144xi32, #tpu.memory_space<vmem>>, vector<16xi32>,
    %add3A_2852 = arith.constant 5619712 : i32
    %add3A_2853 = vector.broadcast %add3A_2852 : i32 to vector<16xi32>
    %add3A_2854 = arith.addi %add3A_2802, %add3A_2853 : vector<16xi32>
    %swap3A_2855 = arith.constant 6064 : index
    %swap3A_2856 = tpu.vector_load %arg6[%swap3A_2855] {strides = array<i32>} : memref<6144xi32, #tpu.memory_space<vmem>>, vector<16xi32>,
    %swap3A_2857 = vector.shape_cast %swap3A_2856 : vector<16xi32> to vector<16xi32>
    %swap3A_2858 = vector.shape_cast %add3A_2854 : vector<16xi32> to vector<16xi32>
    tpu.vector_store %arg6[%swap3A_2855], %swap3A_2858 {strides = array<i32>} : memref<6144xi32, #tpu.memory_space<vmem>>, vector<16xi32>,
    %add3A_2859 = arith.constant 6422528 : i32
    %add3A_2860 = vector.broadcast %add3A_2859 : i32 to vector<16xi32>
    %add3A_2861 = arith.addi %add3A_2802, %add3A_2860 : vector<16xi32>
    %swap3A_2862 = arith.constant 6080 : index
    %swap3A_2863 = tpu.vector_load %arg6[%swap3A_2862] {strides = array<i32>} : memref<6144xi32, #tpu.memory_space<vmem>>, vector<16xi32>,
    %swap3A_2864 = vector.shape_cast %swap3A_2863 : vector<16xi32> to vector<16xi32>
    %swap3A_2865 = vector.shape_cast %add3A_2861 : vector<16xi32> to vector<16xi32>
    tpu.vector_store %arg6[%swap3A_2862], %swap3A_2865 {strides = array<i32>} : memref<6144xi32, #tpu.memory_space<vmem>>, vector<16xi32>,
    %add3A_2866 = arith.constant 7225344 : i32
    %add3A_2867 = vector.broadcast %add3A_2866 : i32 to vector<16xi32>
    %add3A_2868 = arith.addi %add3A_2802, %add3A_2867 : vector<16xi32>
    %swap3A_2869 = arith.constant 6096 : index
    %swap3A_2870 = tpu.vector_load %arg6[%swap3A_2869] {strides = array<i32>} : memref<6144xi32, #tpu.memory_space<vmem>>, vector<16xi32>,
    %swap3A_2871 = vector.shape_cast %swap3A_2870 : vector<16xi32> to vector<16xi32>
    %swap3A_2872 = vector.shape_cast %add3A_2868 : vector<16xi32> to vector<16xi32>
    tpu.vector_store %arg6[%swap3A_2869], %swap3A_2872 {strides = array<i32>} : memref<6144xi32, #tpu.memory_space<vmem>>, vector<16xi32>,
    %add3A_2873 = arith.constant 8028160 : i32
    %add3A_2874 = vector.broadcast %add3A_2873 : i32 to vector<16xi32>
    %add3A_2875 = arith.addi %add3A_2802, %add3A_2874 : vector<16xi32>
    %swap3A_2876 = arith.constant 6112 : index
    %swap3A_2877 = tpu.vector_load %arg6[%swap3A_2876] {strides = array<i32>} : memref<6144xi32, #tpu.memory_space<vmem>>, vector<16xi32>,
    %swap3A_2878 = vector.shape_cast %swap3A_2877 : vector<16xi32> to vector<16xi32>
    %swap3A_2879 = vector.shape_cast %add3A_2875 : vector<16xi32> to vector<16xi32>
    tpu.vector_store %arg6[%swap3A_2876], %swap3A_2879 {strides = array<i32>} : memref<6144xi32, #tpu.memory_space<vmem>>, vector<16xi32>,
    %add3A_2880 = arith.constant 8830976 : i32
    %add3A_2881 = vector.broadcast %add3A_2880 : i32 to vector<16xi32>
    %add3A_2882 = arith.addi %add3A_2802, %add3A_2881 : vector<16xi32>
    %swap3A_2883 = arith.constant 6128 : index
    %swap3A_2884 = tpu.vector_load %arg6[%swap3A_2883] {strides = array<i32>} : memref<6144xi32, #tpu.memory_space<vmem>>, vector<16xi32>,
    %swap3A_2885 = vector.shape_cast %swap3A_2884 : vector<16xi32> to vector<16xi32>
    %swap3A_2886 = vector.shape_cast %add3A_2882 : vector<16xi32> to vector<16xi32>
    tpu.vector_store %arg6[%swap3A_2883], %swap3A_2886 {strides = array<i32>} : memref<6144xi32, #tpu.memory_space<vmem>>, vector<16xi32>,
    %dma_start3A = arith.constant 0 : i32
    %dma_start3A_2887 = tpu.memref_slice %arg2[%dma_start3A] : memref<38535168xf32, #tpu.memory_space<hbm>> -> memref<38535168xf32, #tpu.memory_space<hbm>>
    tpu.enqueue_indirect_dma source(%dma_start3A_2887 : memref<38535168xf32, #tpu.memory_space<hbm>>) target(%arg7 : memref<6144xf32, #tpu.memory_space<vmem>>) offsets(%arg6 : memref<6144xi32, #tpu.memory_space<vmem>>) semaphore(%arg8 : memref<!tpu.dma_semaphore, #tpu.memory_space<semaphore_mem>>)
    %dma_wait3A = arith.constant 0 : i32
    %dma_wait3A_2888 = tpu.memref_slice %arg2[%dma_wait3A] : memref<38535168xf32, #tpu.memory_space<hbm>> -> memref<38535168xf32, #tpu.memory_space<hbm>>
    tpu.wait_indirect_dma semaphore(%arg8 : memref<!tpu.dma_semaphore, #tpu.memory_space<semaphore_mem>>) src(%dma_wait3A_2888 : memref<38535168xf32, #tpu.memory_space<hbm>>) dst(%arg7 : memref<6144xf32, #tpu.memory_space<vmem>>)
    %scan3A = arith.constant 0 : i32
    %scan3A_2889 = arith.constant 0 : i32
    %scan3A_2890 = arith.constant 32 : i32
    %scan3A_2891 = arith.addi %scan3A_2889, %scan3A_2890 : i32
    %scan3A_2892 = arith.constant 1 : i32
    scf.for %scan3A_2896 = %scan3A_2889 to %scan3A_2891 step %scan3A_2892  : i32 {
      %mul3A_2897 = arith.constant 192 : i32
      %mul3A_2898 = arith.muli %scan3A_2896, %mul3A_2897 : i32
      %broadcast_in_dim3A_2899 = arith.constant 0.000000e+00 : f32
      %broadcast_in_dim3A_2900 = vector.broadcast %broadcast_in_dim3A_2899 : f32 to vector<16xf32>
      %add3A_2901 = arith.constant 0 : i32
      %add3A_2902 = arith.addi %mul3A_2898, %add3A_2901 : i32
      %get3A_2903 = arith.index_cast %add3A_2902 : i32 to index
      %get3A_2904 = tpu.vector_load %arg7[%get3A_2903] {strides = array<i32>} : memref<6144xf32, #tpu.memory_space<vmem>>, vector<16xf32>,
      %get3A_2905 = vector.shape_cast %get3A_2904 : vector<16xf32> to vector<16xf32>
      %mul3A_2906 = arith.mulf %get3A_2905, %get3A_2905 : vector<16xf32>
      %add3A_2907 = arith.addf %broadcast_in_dim3A_2900, %mul3A_2906 : vector<16xf32>
      %add3A_2908 = arith.constant 16 : i32
      %add3A_2909 = arith.addi %mul3A_2898, %add3A_2908 : i32
      %get3A_2910 = arith.index_cast %add3A_2909 : i32 to index
      %get3A_2911 = tpu.vector_load %arg7[%get3A_2910] {strides = array<i32>} : memref<6144xf32, #tpu.memory_space<vmem>>, vector<16xf32>,
      %get3A_2912 = vector.shape_cast %get3A_2911 : vector<16xf32> to vector<16xf32>
      %mul3A_2913 = arith.mulf %get3A_2912, %get3A_2912 : vector<16xf32>
      %add3A_2914 = arith.addf %add3A_2907, %mul3A_2913 : vector<16xf32>
      %add3A_2915 = arith.constant 32 : i32
      %add3A_2916 = arith.addi %mul3A_2898, %add3A_2915 : i32
      %get3A_2917 = arith.index_cast %add3A_2916 : i32 to index
      %get3A_2918 = tpu.vector_load %arg7[%get3A_2917] {strides = array<i32>} : memref<6144xf32, #tpu.memory_space<vmem>>, vector<16xf32>,
      %get3A_2919 = vector.shape_cast %get3A_2918 : vector<16xf32> to vector<16xf32>
      %mul3A_2920 = arith.mulf %get3A_2919, %get3A_2919 : vector<16xf32>
      %add3A_2921 = arith.addf %add3A_2914, %mul3A_2920 : vector<16xf32>
      %add3A_2922 = arith.constant 48 : i32
      %add3A_2923 = arith.addi %mul3A_2898, %add3A_2922 : i32
      %get3A_2924 = arith.index_cast %add3A_2923 : i32 to index
      %get3A_2925 = tpu.vector_load %arg7[%get3A_2924] {strides = array<i32>} : memref<6144xf32, #tpu.memory_space<vmem>>, vector<16xf32>,
      %get3A_2926 = vector.shape_cast %get3A_2925 : vector<16xf32> to vector<16xf32>
      %mul3A_2927 = arith.mulf %get3A_2926, %get3A_2926 : vector<16xf32>
      %add3A_2928 = arith.addf %add3A_2921, %mul3A_2927 : vector<16xf32>
      %add3A_2929 = arith.constant 64 : i32
      %add3A_2930 = arith.addi %mul3A_2898, %add3A_2929 : i32
      %get3A_2931 = arith.index_cast %add3A_2930 : i32 to index
      %get3A_2932 = tpu.vector_load %arg7[%get3A_2931] {strides = array<i32>} : memref<6144xf32, #tpu.memory_space<vmem>>, vector<16xf32>,
      %get3A_2933 = vector.shape_cast %get3A_2932 : vector<16xf32> to vector<16xf32>
      %mul3A_2934 = arith.mulf %get3A_2933, %get3A_2933 : vector<16xf32>
      %add3A_2935 = arith.addf %add3A_2928, %mul3A_2934 : vector<16xf32>
      %add3A_2936 = arith.constant 80 : i32
      %add3A_2937 = arith.addi %mul3A_2898, %add3A_2936 : i32
      %get3A_2938 = arith.index_cast %add3A_2937 : i32 to index
      %get3A_2939 = tpu.vector_load %arg7[%get3A_2938] {strides = array<i32>} : memref<6144xf32, #tpu.memory_space<vmem>>, vector<16xf32>,
      %get3A_2940 = vector.shape_cast %get3A_2939 : vector<16xf32> to vector<16xf32>
      %mul3A_2941 = arith.mulf %get3A_2940, %get3A_2940 : vector<16xf32>
      %add3A_2942 = arith.addf %add3A_2935, %mul3A_2941 : vector<16xf32>
      %add3A_2943 = arith.constant 96 : i32
      %add3A_2944 = arith.addi %mul3A_2898, %add3A_2943 : i32
      %get3A_2945 = arith.index_cast %add3A_2944 : i32 to index
      %get3A_2946 = tpu.vector_load %arg7[%get3A_2945] {strides = array<i32>} : memref<6144xf32, #tpu.memory_space<vmem>>, vector<16xf32>,
      %get3A_2947 = vector.shape_cast %get3A_2946 : vector<16xf32> to vector<16xf32>
      %mul3A_2948 = arith.mulf %get3A_2947, %get3A_2947 : vector<16xf32>
      %add3A_2949 = arith.addf %add3A_2942, %mul3A_2948 : vector<16xf32>
      %add3A_2950 = arith.constant 112 : i32
      %add3A_2951 = arith.addi %mul3A_2898, %add3A_2950 : i32
      %get3A_2952 = arith.index_cast %add3A_2951 : i32 to index
      %get3A_2953 = tpu.vector_load %arg7[%get3A_2952] {strides = array<i32>} : memref<6144xf32, #tpu.memory_space<vmem>>, vector<16xf32>,
      %get3A_2954 = vector.shape_cast %get3A_2953 : vector<16xf32> to vector<16xf32>
      %mul3A_2955 = arith.mulf %get3A_2954, %get3A_2954 : vector<16xf32>
      %add3A_2956 = arith.addf %add3A_2949, %mul3A_2955 : vector<16xf32>
      %add3A_2957 = arith.constant 128 : i32
      %add3A_2958 = arith.addi %mul3A_2898, %add3A_2957 : i32
      %get3A_2959 = arith.index_cast %add3A_2958 : i32 to index
      %get3A_2960 = tpu.vector_load %arg7[%get3A_2959] {strides = array<i32>} : memref<6144xf32, #tpu.memory_space<vmem>>, vector<16xf32>,
      %get3A_2961 = vector.shape_cast %get3A_2960 : vector<16xf32> to vector<16xf32>
      %mul3A_2962 = arith.mulf %get3A_2961, %get3A_2961 : vector<16xf32>
      %add3A_2963 = arith.addf %add3A_2956, %mul3A_2962 : vector<16xf32>
      %add3A_2964 = arith.constant 144 : i32
      %add3A_2965 = arith.addi %mul3A_2898, %add3A_2964 : i32
      %get3A_2966 = arith.index_cast %add3A_2965 : i32 to index
      %get3A_2967 = tpu.vector_load %arg7[%get3A_2966] {strides = array<i32>} : memref<6144xf32, #tpu.memory_space<vmem>>, vector<16xf32>,
      %get3A_2968 = vector.shape_cast %get3A_2967 : vector<16xf32> to vector<16xf32>
      %mul3A_2969 = arith.mulf %get3A_2968, %get3A_2968 : vector<16xf32>
      %add3A_2970 = arith.addf %add3A_2963, %mul3A_2969 : vector<16xf32>
      %add3A_2971 = arith.constant 160 : i32
      %add3A_2972 = arith.addi %mul3A_2898, %add3A_2971 : i32
      %get3A_2973 = arith.index_cast %add3A_2972 : i32 to index
      %get3A_2974 = tpu.vector_load %arg7[%get3A_2973] {strides = array<i32>} : memref<6144xf32, #tpu.memory_space<vmem>>, vector<16xf32>,
      %get3A_2975 = vector.shape_cast %get3A_2974 : vector<16xf32> to vector<16xf32>
      %mul3A_2976 = arith.mulf %get3A_2975, %get3A_2975 : vector<16xf32>
      %add3A_2977 = arith.addf %add3A_2970, %mul3A_2976 : vector<16xf32>
      %add3A_2978 = arith.constant 176 : i32
      %add3A_2979 = arith.addi %mul3A_2898, %add3A_2978 : i32
      %get3A_2980 = arith.index_cast %add3A_2979 : i32 to index
      %get3A_2981 = tpu.vector_load %arg7[%get3A_2980] {strides = array<i32>} : memref<6144xf32, #tpu.memory_space<vmem>>, vector<16xf32>,
      %get3A_2982 = vector.shape_cast %get3A_2981 : vector<16xf32> to vector<16xf32>
      %mul3A_2983 = arith.mulf %get3A_2982, %get3A_2982 : vector<16xf32>
      %add3A_2984 = arith.addf %add3A_2977, %mul3A_2983 : vector<16xf32>
      %slice3A_2985 = vector.extract_strided_slice %add3A_2984 {offsets = [0], sizes = [1], strides = [1]} : vector<16xf32> to vector<1xf32>
      %squeeze3A_2986 = vector.extract %slice3A_2985[0] : f32 from vector<1xf32>
      %slice3A_2987 = vector.extract_strided_slice %add3A_2984 {offsets = [1], sizes = [1], strides = [1]} : vector<16xf32> to vector<1xf32>
      %squeeze3A_2988 = vector.extract %slice3A_2987[0] : f32 from vector<1xf32>
      %slice3A_2989 = vector.extract_strided_slice %add3A_2984 {offsets = [2], sizes = [1], strides = [1]} : vector<16xf32> to vector<1xf32>
      %squeeze3A_2990 = vector.extract %slice3A_2989[0] : f32 from vector<1xf32>
      %slice3A_2991 = vector.extract_strided_slice %add3A_2984 {offsets = [3], sizes = [1], strides = [1]} : vector<16xf32> to vector<1xf32>
      %squeeze3A_2992 = vector.extract %slice3A_2991[0] : f32 from vector<1xf32>
      %slice3A_2993 = vector.extract_strided_slice %add3A_2984 {offsets = [4], sizes = [1], strides = [1]} : vector<16xf32> to vector<1xf32>
      %squeeze3A_2994 = vector.extract %slice3A_2993[0] : f32 from vector<1xf32>
      %slice3A_2995 = vector.extract_strided_slice %add3A_2984 {offsets = [5], sizes = [1], strides = [1]} : vector<16xf32> to vector<1xf32>
      %squeeze3A_2996 = vector.extract %slice3A_2995[0] : f32 from vector<1xf32>
      %slice3A_2997 = vector.extract_strided_slice %add3A_2984 {offsets = [6], sizes = [1], strides = [1]} : vector<16xf32> to vector<1xf32>
      %squeeze3A_2998 = vector.extract %slice3A_2997[0] : f32 from vector<1xf32>
      %slice3A_2999 = vector.extract_strided_slice %add3A_2984 {offsets = [7], sizes = [1], strides = [1]} : vector<16xf32> to vector<1xf32>
      %squeeze3A_3000 = vector.extract %slice3A_2999[0] : f32 from vector<1xf32>
      %slice3A_3001 = vector.extract_strided_slice %add3A_2984 {offsets = [8], sizes = [1], strides = [1]} : vector<16xf32> to vector<1xf32>
      %squeeze3A_3002 = vector.extract %slice3A_3001[0] : f32 from vector<1xf32>
      %slice3A_3003 = vector.extract_strided_slice %add3A_2984 {offsets = [9], sizes = [1], strides = [1]} : vector<16xf32> to vector<1xf32>
      %squeeze3A_3004 = vector.extract %slice3A_3003[0] : f32 from vector<1xf32>
      %slice3A_3005 = vector.extract_strided_slice %add3A_2984 {offsets = [10], sizes = [1], strides = [1]} : vector<16xf32> to vector<1xf32>
      %squeeze3A_3006 = vector.extract %slice3A_3005[0] : f32 from vector<1xf32>
      %slice3A_3007 = vector.extract_strided_slice %add3A_2984 {offsets = [11], sizes = [1], strides = [1]} : vector<16xf32> to vector<1xf32>
      %squeeze3A_3008 = vector.extract %slice3A_3007[0] : f32 from vector<1xf32>
      %slice3A_3009 = vector.extract_strided_slice %add3A_2984 {offsets = [12], sizes = [1], strides = [1]} : vector<16xf32> to vector<1xf32>
      %squeeze3A_3010 = vector.extract %slice3A_3009[0] : f32 from vector<1xf32>
      %slice3A_3011 = vector.extract_strided_slice %add3A_2984 {offsets = [13], sizes = [1], strides = [1]} : vector<16xf32> to vector<1xf32>
      %squeeze3A_3012 = vector.extract %slice3A_3011[0] : f32 from vector<1xf32>
      %slice3A_3013 = vector.extract_strided_slice %add3A_2984 {offsets = [14], sizes = [1], strides = [1]} : vector<16xf32> to vector<1xf32>
      %squeeze3A_3014 = vector.extract %slice3A_3013[0] : f32 from vector<1xf32>
      %slice3A_3015 = vector.extract_strided_slice %add3A_2984 {offsets = [15], sizes = [1], strides = [1]} : vector<16xf32> to vector<1xf32>
      %squeeze3A_3016 = vector.extract %slice3A_3015[0] : f32 from vector<1xf32>
      %add3A_3017 = arith.addf %squeeze3A_2986, %squeeze3A_2988 : f32
      %add3A_3018 = arith.addf %squeeze3A_2990, %squeeze3A_2992 : f32
      %add3A_3019 = arith.addf %squeeze3A_2994, %squeeze3A_2996 : f32
      %add3A_3020 = arith.addf %squeeze3A_2998, %squeeze3A_3000 : f32
      %add3A_3021 = arith.addf %squeeze3A_3002, %squeeze3A_3004 : f32
      %add3A_3022 = arith.addf %squeeze3A_3006, %squeeze3A_3008 : f32
      %add3A_3023 = arith.addf %squeeze3A_3010, %squeeze3A_3012 : f32
      %add3A_3024 = arith.addf %squeeze3A_3014, %squeeze3A_3016 : f32
      %add3A_3025 = arith.addf %add3A_3017, %add3A_3018 : f32
      %add3A_3026 = arith.addf %add3A_3019, %add3A_3020 : f32
      %add3A_3027 = arith.addf %add3A_3021, %add3A_3022 : f32
      %add3A_3028 = arith.addf %add3A_3023, %add3A_3024 : f32
      %add3A_3029 = arith.addf %add3A_3025, %add3A_3026 : f32
      %add3A_3030 = arith.addf %add3A_3027, %add3A_3028 : f32
      %add3A_3031 = arith.addf %add3A_3029, %add3A_3030 : f32
      %bitcast_convert_type3A = arith.bitcast %add3A_3031 : f32 to i32
      %shift_right_logical3A = arith.constant 1 : i32
      %shift_right_logical3A_3032 = arith.shrui %bitcast_convert_type3A, %shift_right_logical3A : i32
      %sub3A_3033 = arith.constant 1597463007 : i32
      %sub3A_3034 = arith.subi %sub3A_3033, %shift_right_logical3A_3032 : i32
      %bitcast_convert_type3A_3035 = arith.bitcast %sub3A_3034 : i32 to f32
      %mul3A_3036 = arith.constant 5.000000e-01 : f32
      %mul3A_3037 = arith.mulf %mul3A_3036, %add3A_3031 : f32
      %mul3A_3038 = arith.mulf %mul3A_3037, %bitcast_convert_type3A_3035 : f32
      %mul3A_3039 = arith.mulf %mul3A_3038, %bitcast_convert_type3A_3035 : f32
      %sub3A_3040 = arith.constant 1.500000e+00 : f32
      %sub3A_3041 = arith.subf %sub3A_3040, %mul3A_3039 : f32
      %mul3A_3042 = arith.mulf %bitcast_convert_type3A_3035, %sub3A_3041 : f32
      %mul3A_3043 = arith.constant 5.000000e-01 : f32
      %mul3A_3044 = arith.mulf %mul3A_3043, %add3A_3031 : f32
      %mul3A_3045 = arith.mulf %mul3A_3044, %mul3A_3042 : f32
      %mul3A_3046 = arith.mulf %mul3A_3045, %mul3A_3042 : f32
      %sub3A_3047 = arith.constant 1.500000e+00 : f32
      %sub3A_3048 = arith.subf %sub3A_3047, %mul3A_3046 : f32
      %mul3A_3049 = arith.mulf %mul3A_3042, %sub3A_3048 : f32
      %mul3A_3050 = arith.constant 5.000000e-01 : f32
      %mul3A_3051 = arith.mulf %mul3A_3050, %add3A_3031 : f32
      %mul3A_3052 = arith.mulf %mul3A_3051, %mul3A_3049 : f32
      %mul3A_3053 = arith.mulf %mul3A_3052, %mul3A_3049 : f32
      %sub3A_3054 = arith.constant 1.500000e+00 : f32
      %sub3A_3055 = arith.subf %sub3A_3054, %mul3A_3053 : f32
      %mul3A_3056 = arith.mulf %mul3A_3049, %sub3A_3055 : f32
      %mul3A_3057 = arith.mulf %add3A_3031, %mul3A_3056 : f32
      %ge3A = arith.constant 1.000000e-07 : f32
      %ge3A_3058 = arith.cmpf oge, %mul3A_3057, %ge3A : f32
      %jit3A_3059 = arith.constant 1.000000e+07 : f32
      %select_n3A_3060 = arith.select %ge3A_3058, %mul3A_3056, %jit3A_3059 : f32
      %broadcast_in_dim3A_3061 = vector.broadcast %select_n3A_3060 : f32 to vector<16xf32>
      %add3A_3062 = arith.constant 0 : i32
      %add3A_3063 = arith.addi %mul3A_2898, %add3A_3062 : i32
      %get3A_3064 = arith.index_cast %add3A_3063 : i32 to index
      %get3A_3065 = tpu.vector_load %arg7[%get3A_3064] {strides = array<i32>} : memref<6144xf32, #tpu.memory_space<vmem>>, vector<16xf32>,
      %get3A_3066 = vector.shape_cast %get3A_3065 : vector<16xf32> to vector<16xf32>
      %mul3A_3067 = arith.mulf %get3A_3066, %broadcast_in_dim3A_3061 : vector<16xf32>
      %swap3A_3068 = arith.index_cast %add3A_3063 : i32 to index
      %swap3A_3069 = tpu.vector_load %arg7[%swap3A_3068] {strides = array<i32>} : memref<6144xf32, #tpu.memory_space<vmem>>, vector<16xf32>,
      %swap3A_3070 = vector.shape_cast %swap3A_3069 : vector<16xf32> to vector<16xf32>
      %swap3A_3071 = vector.shape_cast %mul3A_3067 : vector<16xf32> to vector<16xf32>
      tpu.vector_store %arg7[%swap3A_3068], %swap3A_3071 {strides = array<i32>} : memref<6144xf32, #tpu.memory_space<vmem>>, vector<16xf32>,
      %add3A_3072 = arith.constant 16 : i32
      %add3A_3073 = arith.addi %mul3A_2898, %add3A_3072 : i32
      %get3A_3074 = arith.index_cast %add3A_3073 : i32 to index
      %get3A_3075 = tpu.vector_load %arg7[%get3A_3074] {strides = array<i32>} : memref<6144xf32, #tpu.memory_space<vmem>>, vector<16xf32>,
      %get3A_3076 = vector.shape_cast %get3A_3075 : vector<16xf32> to vector<16xf32>
      %mul3A_3077 = arith.mulf %get3A_3076, %broadcast_in_dim3A_3061 : vector<16xf32>
      %swap3A_3078 = arith.index_cast %add3A_3073 : i32 to index
      %swap3A_3079 = tpu.vector_load %arg7[%swap3A_3078] {strides = array<i32>} : memref<6144xf32, #tpu.memory_space<vmem>>, vector<16xf32>,
      %swap3A_3080 = vector.shape_cast %swap3A_3079 : vector<16xf32> to vector<16xf32>
      %swap3A_3081 = vector.shape_cast %mul3A_3077 : vector<16xf32> to vector<16xf32>
      tpu.vector_store %arg7[%swap3A_3078], %swap3A_3081 {strides = array<i32>} : memref<6144xf32, #tpu.memory_space<vmem>>, vector<16xf32>,
      %add3A_3082 = arith.constant 32 : i32
      %add3A_3083 = arith.addi %mul3A_2898, %add3A_3082 : i32
      %get3A_3084 = arith.index_cast %add3A_3083 : i32 to index
      %get3A_3085 = tpu.vector_load %arg7[%get3A_3084] {strides = array<i32>} : memref<6144xf32, #tpu.memory_space<vmem>>, vector<16xf32>,
      %get3A_3086 = vector.shape_cast %get3A_3085 : vector<16xf32> to vector<16xf32>
      %mul3A_3087 = arith.mulf %get3A_3086, %broadcast_in_dim3A_3061 : vector<16xf32>
      %swap3A_3088 = arith.index_cast %add3A_3083 : i32 to index
      %swap3A_3089 = tpu.vector_load %arg7[%swap3A_3088] {strides = array<i32>} : memref<6144xf32, #tpu.memory_space<vmem>>, vector<16xf32>,
      %swap3A_3090 = vector.shape_cast %swap3A_3089 : vector<16xf32> to vector<16xf32>
      %swap3A_3091 = vector.shape_cast %mul3A_3087 : vector<16xf32> to vector<16xf32>
      tpu.vector_store %arg7[%swap3A_3088], %swap3A_3091 {strides = array<i32>} : memref<6144xf32, #tpu.memory_space<vmem>>, vector<16xf32>,
      %add3A_3092 = arith.constant 48 : i32
      %add3A_3093 = arith.addi %mul3A_2898, %add3A_3092 : i32
      %get3A_3094 = arith.index_cast %add3A_3093 : i32 to index
      %get3A_3095 = tpu.vector_load %arg7[%get3A_3094] {strides = array<i32>} : memref<6144xf32, #tpu.memory_space<vmem>>, vector<16xf32>,
      %get3A_3096 = vector.shape_cast %get3A_3095 : vector<16xf32> to vector<16xf32>
      %mul3A_3097 = arith.mulf %get3A_3096, %broadcast_in_dim3A_3061 : vector<16xf32>
      %swap3A_3098 = arith.index_cast %add3A_3093 : i32 to index
      %swap3A_3099 = tpu.vector_load %arg7[%swap3A_3098] {strides = array<i32>} : memref<6144xf32, #tpu.memory_space<vmem>>, vector<16xf32>,
      %swap3A_3100 = vector.shape_cast %swap3A_3099 : vector<16xf32> to vector<16xf32>
      %swap3A_3101 = vector.shape_cast %mul3A_3097 : vector<16xf32> to vector<16xf32>
      tpu.vector_store %arg7[%swap3A_3098], %swap3A_3101 {strides = array<i32>} : memref<6144xf32, #tpu.memory_space<vmem>>, vector<16xf32>,
      %add3A_3102 = arith.constant 64 : i32
      %add3A_3103 = arith.addi %mul3A_2898, %add3A_3102 : i32
      %get3A_3104 = arith.index_cast %add3A_3103 : i32 to index
      %get3A_3105 = tpu.vector_load %arg7[%get3A_3104] {strides = array<i32>} : memref<6144xf32, #tpu.memory_space<vmem>>, vector<16xf32>,
      %get3A_3106 = vector.shape_cast %get3A_3105 : vector<16xf32> to vector<16xf32>
      %mul3A_3107 = arith.mulf %get3A_3106, %broadcast_in_dim3A_3061 : vector<16xf32>
      %swap3A_3108 = arith.index_cast %add3A_3103 : i32 to index
      %swap3A_3109 = tpu.vector_load %arg7[%swap3A_3108] {strides = array<i32>} : memref<6144xf32, #tpu.memory_space<vmem>>, vector<16xf32>,
      %swap3A_3110 = vector.shape_cast %swap3A_3109 : vector<16xf32> to vector<16xf32>
      %swap3A_3111 = vector.shape_cast %mul3A_3107 : vector<16xf32> to vector<16xf32>
      tpu.vector_store %arg7[%swap3A_3108], %swap3A_3111 {strides = array<i32>} : memref<6144xf32, #tpu.memory_space<vmem>>, vector<16xf32>,
      %add3A_3112 = arith.constant 80 : i32
      %add3A_3113 = arith.addi %mul3A_2898, %add3A_3112 : i32
      %get3A_3114 = arith.index_cast %add3A_3113 : i32 to index
      %get3A_3115 = tpu.vector_load %arg7[%get3A_3114] {strides = array<i32>} : memref<6144xf32, #tpu.memory_space<vmem>>, vector<16xf32>,
      %get3A_3116 = vector.shape_cast %get3A_3115 : vector<16xf32> to vector<16xf32>
      %mul3A_3117 = arith.mulf %get3A_3116, %broadcast_in_dim3A_3061 : vector<16xf32>
      %swap3A_3118 = arith.index_cast %add3A_3113 : i32 to index
      %swap3A_3119 = tpu.vector_load %arg7[%swap3A_3118] {strides = array<i32>} : memref<6144xf32, #tpu.memory_space<vmem>>, vector<16xf32>,
      %swap3A_3120 = vector.shape_cast %swap3A_3119 : vector<16xf32> to vector<16xf32>
      %swap3A_3121 = vector.shape_cast %mul3A_3117 : vector<16xf32> to vector<16xf32>
      tpu.vector_store %arg7[%swap3A_3118], %swap3A_3121 {strides = array<i32>} : memref<6144xf32, #tpu.memory_space<vmem>>, vector<16xf32>,
      %add3A_3122 = arith.constant 96 : i32
      %add3A_3123 = arith.addi %mul3A_2898, %add3A_3122 : i32
      %get3A_3124 = arith.index_cast %add3A_3123 : i32 to index
      %get3A_3125 = tpu.vector_load %arg7[%get3A_3124] {strides = array<i32>} : memref<6144xf32, #tpu.memory_space<vmem>>, vector<16xf32>,
      %get3A_3126 = vector.shape_cast %get3A_3125 : vector<16xf32> to vector<16xf32>
      %mul3A_3127 = arith.mulf %get3A_3126, %broadcast_in_dim3A_3061 : vector<16xf32>
      %swap3A_3128 = arith.index_cast %add3A_3123 : i32 to index
      %swap3A_3129 = tpu.vector_load %arg7[%swap3A_3128] {strides = array<i32>} : memref<6144xf32, #tpu.memory_space<vmem>>, vector<16xf32>,
      %swap3A_3130 = vector.shape_cast %swap3A_3129 : vector<16xf32> to vector<16xf32>
      %swap3A_3131 = vector.shape_cast %mul3A_3127 : vector<16xf32> to vector<16xf32>
      tpu.vector_store %arg7[%swap3A_3128], %swap3A_3131 {strides = array<i32>} : memref<6144xf32, #tpu.memory_space<vmem>>, vector<16xf32>,
      %add3A_3132 = arith.constant 112 : i32
      %add3A_3133 = arith.addi %mul3A_2898, %add3A_3132 : i32
      %get3A_3134 = arith.index_cast %add3A_3133 : i32 to index
      %get3A_3135 = tpu.vector_load %arg7[%get3A_3134] {strides = array<i32>} : memref<6144xf32, #tpu.memory_space<vmem>>, vector<16xf32>,
      %get3A_3136 = vector.shape_cast %get3A_3135 : vector<16xf32> to vector<16xf32>
      %mul3A_3137 = arith.mulf %get3A_3136, %broadcast_in_dim3A_3061 : vector<16xf32>
      %swap3A_3138 = arith.index_cast %add3A_3133 : i32 to index
      %swap3A_3139 = tpu.vector_load %arg7[%swap3A_3138] {strides = array<i32>} : memref<6144xf32, #tpu.memory_space<vmem>>, vector<16xf32>,
      %swap3A_3140 = vector.shape_cast %swap3A_3139 : vector<16xf32> to vector<16xf32>
      %swap3A_3141 = vector.shape_cast %mul3A_3137 : vector<16xf32> to vector<16xf32>
      tpu.vector_store %arg7[%swap3A_3138], %swap3A_3141 {strides = array<i32>} : memref<6144xf32, #tpu.memory_space<vmem>>, vector<16xf32>,
      %add3A_3142 = arith.constant 128 : i32
      %add3A_3143 = arith.addi %mul3A_2898, %add3A_3142 : i32
      %get3A_3144 = arith.index_cast %add3A_3143 : i32 to index
      %get3A_3145 = tpu.vector_load %arg7[%get3A_3144] {strides = array<i32>} : memref<6144xf32, #tpu.memory_space<vmem>>, vector<16xf32>,
      %get3A_3146 = vector.shape_cast %get3A_3145 : vector<16xf32> to vector<16xf32>
      %mul3A_3147 = arith.mulf %get3A_3146, %broadcast_in_dim3A_3061 : vector<16xf32>
      %swap3A_3148 = arith.index_cast %add3A_3143 : i32 to index
      %swap3A_3149 = tpu.vector_load %arg7[%swap3A_3148] {strides = array<i32>} : memref<6144xf32, #tpu.memory_space<vmem>>, vector<16xf32>,
      %swap3A_3150 = vector.shape_cast %swap3A_3149 : vector<16xf32> to vector<16xf32>
      %swap3A_3151 = vector.shape_cast %mul3A_3147 : vector<16xf32> to vector<16xf32>
      tpu.vector_store %arg7[%swap3A_3148], %swap3A_3151 {strides = array<i32>} : memref<6144xf32, #tpu.memory_space<vmem>>, vector<16xf32>,
      %add3A_3152 = arith.constant 144 : i32
      %add3A_3153 = arith.addi %mul3A_2898, %add3A_3152 : i32
      %get3A_3154 = arith.index_cast %add3A_3153 : i32 to index
      %get3A_3155 = tpu.vector_load %arg7[%get3A_3154] {strides = array<i32>} : memref<6144xf32, #tpu.memory_space<vmem>>, vector<16xf32>,
      %get3A_3156 = vector.shape_cast %get3A_3155 : vector<16xf32> to vector<16xf32>
      %mul3A_3157 = arith.mulf %get3A_3156, %broadcast_in_dim3A_3061 : vector<16xf32>
      %swap3A_3158 = arith.index_cast %add3A_3153 : i32 to index
      %swap3A_3159 = tpu.vector_load %arg7[%swap3A_3158] {strides = array<i32>} : memref<6144xf32, #tpu.memory_space<vmem>>, vector<16xf32>,
      %swap3A_3160 = vector.shape_cast %swap3A_3159 : vector<16xf32> to vector<16xf32>
      %swap3A_3161 = vector.shape_cast %mul3A_3157 : vector<16xf32> to vector<16xf32>
      tpu.vector_store %arg7[%swap3A_3158], %swap3A_3161 {strides = array<i32>} : memref<6144xf32, #tpu.memory_space<vmem>>, vector<16xf32>,
      %add3A_3162 = arith.constant 160 : i32
      %add3A_3163 = arith.addi %mul3A_2898, %add3A_3162 : i32
      %get3A_3164 = arith.index_cast %add3A_3163 : i32 to index
      %get3A_3165 = tpu.vector_load %arg7[%get3A_3164] {strides = array<i32>} : memref<6144xf32, #tpu.memory_space<vmem>>, vector<16xf32>,
      %get3A_3166 = vector.shape_cast %get3A_3165 : vector<16xf32> to vector<16xf32>
      %mul3A_3167 = arith.mulf %get3A_3166, %broadcast_in_dim3A_3061 : vector<16xf32>
      %swap3A_3168 = arith.index_cast %add3A_3163 : i32 to index
      %swap3A_3169 = tpu.vector_load %arg7[%swap3A_3168] {strides = array<i32>} : memref<6144xf32, #tpu.memory_space<vmem>>, vector<16xf32>,
      %swap3A_3170 = vector.shape_cast %swap3A_3169 : vector<16xf32> to vector<16xf32>
      %swap3A_3171 = vector.shape_cast %mul3A_3167 : vector<16xf32> to vector<16xf32>
      tpu.vector_store %arg7[%swap3A_3168], %swap3A_3171 {strides = array<i32>} : memref<6144xf32, #tpu.memory_space<vmem>>, vector<16xf32>,
      %add3A_3172 = arith.constant 176 : i32
      %add3A_3173 = arith.addi %mul3A_2898, %add3A_3172 : i32
      %get3A_3174 = arith.index_cast %add3A_3173 : i32 to index
      %get3A_3175 = tpu.vector_load %arg7[%get3A_3174] {strides = array<i32>} : memref<6144xf32, #tpu.memory_space<vmem>>, vector<16xf32>,
      %get3A_3176 = vector.shape_cast %get3A_3175 : vector<16xf32> to vector<16xf32>
      %mul3A_3177 = arith.mulf %get3A_3176, %broadcast_in_dim3A_3061 : vector<16xf32>
      %swap3A_3178 = arith.index_cast %add3A_3173 : i32 to index
      %swap3A_3179 = tpu.vector_load %arg7[%swap3A_3178] {strides = array<i32>} : memref<6144xf32, #tpu.memory_space<vmem>>, vector<16xf32>,
      %swap3A_3180 = vector.shape_cast %swap3A_3179 : vector<16xf32> to vector<16xf32>
      %swap3A_3181 = vector.shape_cast %mul3A_3177 : vector<16xf32> to vector<16xf32>
      tpu.vector_store %arg7[%swap3A_3178], %swap3A_3181 {strides = array<i32>} : memref<6144xf32, #tpu.memory_space<vmem>>, vector<16xf32>,
    }
    %scan3A_2893 = arith.constant 32 : i32
    %mul3A_2894 = arith.constant 192 : i32
    %mul3A_2895 = arith.muli %mul3A_2, %mul3A_2894 : i32
    "tpu.region"() ({
      %run_scoped3A = tpu.sem_alloc : memref<!tpu.dma_semaphore, #tpu.memory_space<semaphore_mem>>
      %dma_start3A_2896 = tpu.memref_slice %arg4[%mul3A_2895] : memref<196608xf32, #tpu.memory_space<hbm>> -> memref<6144xf32, #tpu.memory_space<hbm>>
      %dma_start3A_2897 = tpu.memref_slice %arg4[%mul3A_2895] : memref<196608xf32, #tpu.memory_space<hbm>> -> memref<6144xf32, #tpu.memory_space<hbm>>
      tpu.enqueue_dma source(%arg7 : memref<6144xf32, #tpu.memory_space<vmem>>) target(%dma_start3A_2897 : memref<6144xf32, #tpu.memory_space<hbm>>) target_semaphore(%run_scoped3A : memref<!tpu.dma_semaphore, #tpu.memory_space<semaphore_mem>>)
      %dma_wait3A_2898 = tpu.memref_slice %arg4[%mul3A_2895] : memref<196608xf32, #tpu.memory_space<hbm>> -> memref<6144xf32, #tpu.memory_space<hbm>>
      %dma_wait3A_2899 = tpu.memref_slice %arg4[%mul3A_2895] : memref<196608xf32, #tpu.memory_space<hbm>> -> memref<6144xf32, #tpu.memory_space<hbm>>
      tpu.wait_dma2 semaphore(%run_scoped3A : memref<!tpu.dma_semaphore, #tpu.memory_space<semaphore_mem>>) src(%arg7 : memref<6144xf32, #tpu.memory_space<vmem>>) dst(%dma_wait3A_2899 : memref<6144xf32, #tpu.memory_space<hbm>>)
      tpu.yield
    }) : () -> ()
    return
  }
}

</mosaic_0001>

<sc_bundles>
// kernel: kernel.3.cloned.1.call-start
scs
__scs_entry_jumppad:
0x0: {  	(pc) =	sbr.rel $0x88, $3  }
0x1: {  	(tag) =	ssettag $0x0;
	lr =	simm.s32 $0x1  }
0x2: {  	[smem:$0x3F9F] =	sst lr;
	_ =	strace $0xD0000000  }
0x3: {  	_ = 	snop  }
0x4: {  	_ = 	snop  }
0x5: {  	_ = 	snop  }
0x6: {  	_ = 	snop  }
0x7: {  	_ = 	snop  }
__scs_overlays_trampoline_lowered:
0x8: {  	[smem:$0x3FAE] =	sst s0  }
0x9: {  	[smem:$0x3FAF] =	sst s1  }
0xa: {  	[smem:$0x3FB0] =	sst s2  }
0xb: {  	[smem:$0x3FB1] =	sst s3  }
0xc: {  	[smem:$0x3FB2] =	sst s4  }
0xd: {  	[smem:$0x3FB3] =	sst s5  }
0xe: {  	[smem:$0x3FB4] =	sst s6  }
0xf: {  	[smem:$0x3FB5] =	sst s7  }
0x10: {  	[smem:$0x3FB6] =	sst s8  }
0x11: {  	[smem:$0x3FB7] =	sst s9;
	s0 =	simm.s32 @!p0 $0x0  }
0x12: {  	s1 =	sld [smem:$0x3F9D];
	s0 =	simm.s32 @p0 $0x1  }
0x13: {  	[smem:$0x3FB8] =	sst s0;
	s0 =	simm.s32 @!p1 $0x0  }
0x14: {  	s2 =	sld [smem:$0x3F9C];
	s0 =	simm.s32 @p1 $0x1  }
0x15: {  	[smem:$0x3FB9] =	sst s0;
	s0 =	simm.s32 @!p2 $0x0  }
0x16: {  	s3 =	sld [smem:$0x3FDB];
	s0 =	simm.s32 @p2 $0x1  }
0x17: {  	s4 =	simm.s32 $0x1BF5;
	[smem:$0x3FBB] =	sst s0  }
0x18: {  	s0 =	sld [smem:$0x3F9E];
	_ =	swait.ge [sflag:s4], $0x0  }
0x19: {  	s7 =	sld [smem:$0x3F9F]  }
0x1a: {  	s8 =	sadd.s32 $0xFFFFE003, lr  }
0x1b: {  	s9 =	sadd.s32 $0xFFFFFEF7, lr;
	s5 =	simm.s32 $0xFFFFFFFF;
	p2 =	slt.u32 s8, $0xFFFFF086  }
0x1c: {  	p1 =	slt.u32 s9, $0xF7A;
	s5 =	simm.s32 @!p2 $0x0  }
0x1d: {  	s5 =	simm.s32 @p1 $0x1;
	p0 =	seq.s32 s7, s2  }
0x1e: {  	s7 =	smul.u32 @!p0 $0xF7A, s2;
	p2 =	seq.s32 @!p0 s5, $0x0  }
0x1f: {  	s9 =	smul.u32 $0xF7A, s1;
	s8 =	simm.s32 @!p0 $0x1BF5;
	p2 =	por !p2, p0  }
0x20: {  	[sflag:s8] =	ssyncset.s32 @!p0 $0xFFFFF086;
	s6 =	sadd.s32 @!p0 s3, s7;
	s7 =	simm.s32 @!p0 $0x108  }
0x21: {  	s3 =	sadd.s32 s3, s9;
	s6 =	sadd.s32 @!p0 $0x88, s6;
	s7 =	simm.s32 @p2 $0x1082  }
0x22: {  	[simem:s7], [sflag:s8] =	dma.local @!p0 [hbm:s6], $0xF7A  }
0x23: {  	s9 =	sor.u32 $0xD0000000, s2;
	s6 =	simm.s32 $0x108;
	_ =	swait.ge @!p0 [sflag:s8], $0x0  }
0x24: {  	s3 =	sadd.s32 $0x88, s3;
	s6 =	simm.s32 @!p1 $0x1082;
	[sflag:s4] =	ssyncset.s32 $0xFFFFF086  }
0x25: {  	[simem:s6], [sflag:s4] =	dma.local [hbm:s3], $0xF7A  }
0x26: {  	[smem:$0x3F9F] =	sst s1;
	(tag) =	ssettag s2;
	_ =	strace s9  }
0x27: {  	s1 =	sld [smem:$0x3FAF]  }
0x28: {  	s2 =	sld [smem:$0x3FB0]  }
0x29: {  	s4 =	sld [smem:$0x3FB2]  }
0x2a: {  	p0 =	seq.s32 s5, $0x0;
	s5 =	sld [smem:$0x3FB3]  }
0x2b: {  	s6 =	sld [smem:$0x3FB4]  }
0x2c: {  	s7 =	sld [smem:$0x3FB5]  }
0x2d: {  	s3 =	simm.s32 $0x108;
	s8 =	sld [smem:$0x3FB6]  }
0x2e: {  	s3 =	simm.s32 @!p0 $0x1082;
	s9 =	sld [smem:$0x3FB7]  }
0x2f: {  	lr =	sadd.s32 s0, s3;
	s0 =	sld [smem:$0x3FAE]  }
0x30: {  	s3 =	sld [smem:$0x3FB1]  }
0x31: {  	[smem:$0x3FBA] =	sst s10  }
0x32: {  	s10 =	sld [smem:$0x3FB8];
	_ =	sdelay $0x3  }
0x33: {  	p0 =	seq.s32 s10, $0x1;
	s10 =	sld [smem:$0x3FBA];
	_ =	sdelay $0x3  }
0x34: {  	[smem:$0x3FBA] =	sst s10  }
0x35: {  	s10 =	sld [smem:$0x3FB9];
	_ =	sdelay $0x3  }
0x36: {  	p1 =	seq.s32 s10, $0x1;
	s10 =	sld [smem:$0x3FBA];
	_ =	sdelay $0x3  }
0x37: {  	[smem:$0x3FBA] =	sst s10  }
0x38: {  	s10 =	sld [smem:$0x3FBB]  }
0x39: {  	_ = 	snop;
	(pc) =	sbr.ind lr, $3  }
0x3a: {  	_ = 	snop  }
0x3b: {  	_ = 	snop  }
0x3c: {  	p2 =	seq.s32 s10, $0x1;
	s10 =	sld [smem:$0x3FBA]  }
0x3d: {  	_ =	shalt  }
0x3e: {  	_ =	shalt  }
0x3f: {  	_ =	shalt  }
0x40: {  	_ =	shalt  }
0x41: {  	_ =	shalt  }
0x42: {  	_ =	shalt  }
0x43: {  	_ =	shalt  }
0x44: {  	_ =	shalt  }
0x45: {  	_ =	shalt  }
0x46: {  	_ =	shalt  }
0x47: {  	_ =	shalt  }
0x48: {  	_ =	shalt  }
0x49: {  	_ =	shalt  }
0x4a: {  	_ =	shalt  }
0x4b: {  	_ =	shalt  }
0x4c: {  	_ =	shalt  }
0x4d: {  	_ =	shalt  }
0x4e: {  	_ =	shalt  }
0x4f: {  	_ =	shalt  }
0x50: {  	_ =	shalt  }
0x51: {  	_ =	shalt  }
0x52: {  	_ =	shalt  }
0x53: {  	_ =	shalt  }
0x54: {  	_ =	shalt  }
0x55: {  	_ =	shalt  }
0x56: {  	_ =	shalt  }
0x57: {  	_ =	shalt  }
0x58: {  	_ =	shalt  }
0x59: {  	_ =	shalt  }
0x5a: {  	_ =	shalt  }
0x5b: {  	_ =	shalt  }
0x5c: {  	_ =	shalt  }
0x5d: {  	_ =	shalt  }
0x5e: {  	_ =	shalt  }
0x5f: {  	_ =	shalt  }
0x60: {  	_ =	shalt  }
0x61: {  	_ =	shalt  }
0x62: {  	_ =	shalt  }
0x63: {  	_ =	shalt  }
0x64: {  	_ =	shalt  }
0x65: {  	_ =	shalt  }
0x66: {  	_ =	shalt  }
0x67: {  	_ =	shalt  }
0x68: {  	_ =	shalt  }
0x69: {  	_ =	shalt  }
0x6a: {  	_ =	shalt  }
0x6b: {  	_ =	shalt  }
0x6c: {  	_ =	shalt  }
0x6d: {  	_ =	shalt  }
0x6e: {  	_ =	shalt  }
0x6f: {  	_ =	shalt  }
0x70: {  	_ =	shalt  }
0x71: {  	_ =	shalt  }
0x72: {  	_ =	shalt  }
0x73: {  	_ =	shalt  }
0x74: {  	_ =	shalt  }
0x75: {  	_ =	shalt  }
0x76: {  	_ =	shalt  }
0x77: {  	_ =	shalt  }
0x78: {  	_ =	shalt  }
0x79: {  	_ =	shalt  }
0x7a: {  	_ =	shalt  }
0x7b: {  	_ =	shalt  }
0x7c: {  	_ =	shalt  }
0x7d: {  	_ =	shalt  }
0x7e: {  	_ =	shalt  }
0x7f: {  	_ =	shalt  }
0x80: {  	_ =	shalt  }
0x81: {  	_ =	shalt  }
0x82: {  	_ =	shalt  }
0x83: {  	_ =	shalt  }
0x84: {  	_ =	shalt  }
0x85: {  	_ =	shalt  }
0x86: {  	_ =	shalt  }
0x87: {  	_ =	shalt  }
.Lfunc_end0:
.L_simem_size_0:
called_computation_lowered:
.L_overlay_start_0:
0x88: {  	s2 =	sld [smem:$0x3FD9]  }
0x89: {  	s3 =	sld [smem:$0x3FFE];
	_ =	sdelay $0x1  }
0x8a: {  	s1 =	srdreg.scid  }
0x8b: {  	s0 =	sand.u32 $0x1, s1  }
0x8c: {  	s14 =	sshll.u32 s0, $0xA;
	s2 =	sadd.s32 s3, s2  }
0x8d: {  	s2 =	sadd.s32 s2, s14  }
0x8e: {  	[smem:$0x3FC6] =	sst s2  }
0x8f: {  	_ = 	snop  }
0x90: {  	s2 =	sld [smem:$0x3FD0];
	_ =	sdelay $0x2  }
0x91: {  	s4 =	simm.s32 $0xA;
	s5 =	simm.s32 $0x10;
	s15 =	sld [smem:$0x3FC8]  }
0x92: {  	[smem:s5], [sflag:s4] =	dma.local [hbm:s2], $0x1  }
0x93: {  	_ =	swait.eq [sflag:s4], $0x1  }
0x94: {  	[sflag:s4] =	ssyncset.done $0x0  }
0x95: {  	[sflag:s4] =	ssyncadd.s32 $0xFFFFFFFF  }
0x96: {  	s16 =	sld [smem:$0x10];
	(tm) =	ssettm $0x1  }
0x97: {  	s17 =	sld [smem:$0x3FFB];
	_ =	sdelay $0x3  }
0x98: {  	_ =	strace s17  }
0x99: {  	s4 =	sld [smem:$0x3FFC];
	_ =	sdelay $0x3  }
0x9a: {  	_ =	strace s4  }
0x9b: {  	s4 =	sld [smem:$0x3FFD];
	_ =	sdelay $0x3  }
0x9c: {  	_ =	strace s4  }
0x9d: {  	_ =	strace $0x8FFFFFFF  }
0x9e: {  	s18 =	sld [smem:$0x3FDB];
	_ =	sdelay $0x1  }
0x9f: {  	s19 =	simm.s32 $_scs_section_size  }
0xa0: {  	s6 =	simm.s32 $_size__tile_overlayer_lowered;
	s7 =	simm.s32 $_tile_overlayer_lowered  }
0xa1: {  	s22 =	simm.s32 $0x1BFF;
	s21 =	sshll.u32 s7, $0x1;
	s4 =	sadd.s32 s19, s18  }
0xa2: {  	s8 =	simm.s32 $0x0;
	s20 =	sshll.u32 s6, $0x1;
	s6 =	sadd.s32 s21, s4  }
0xa3: {  	[timem:s8], [sflag:s22] =	dma.local [hbm:s6], s20  }
0xa4: {  	_ =	swait.ge [sflag:s22], s20  }
0xa5: {  	s5 =	ssub.s32 $0x0, s20;
	[sflag:s22] =	ssyncset.done $0x0  }
0xa6: {  	[sflag:s22] =	ssyncadd.s32 s5;
	_ =	sdelay $0x1  }
0xa7: {  	s23 =	simm.s32 $0x1B8B  }
0xa8: {  	_ =	swait.ge [sflag:s23], $0x1  }
0xa9: {  	[sflag:s23] =	ssyncset.done $0x0  }
0xaa: {  	s25 =	simm.s32 $0x1B8E;
	s24 =	sld [smem:$0x3FFE];
	[sflag:s23] =	ssyncadd.s32 $0xFFFFFFFF  }
0xab: {  	s26 =	simm.s32 $execute0_lowered;
	[smem:$0x3FD2] =	sst s25  }
0xac: {  	s6 =	sshll.u32 s26, $0x1;
	_ =	strace $0x80000046;
	[dreg:$0x1] =	wrdreg $0xFFFFFFFF  }
0xad: {  	s28 =	simm.s32 $_size_execute0_lowered;
	s4 =	sadd.s32 s4, s6;
	[dreg:$0x0] =	wrdreg $0x0  }
0xae: {  	s6 =	sshll.u32 s28, $0x1;
	[dreg:$0x2] =	wrdreg s4  }
0xaf: {  	[dreg:$0x3] =	wrdreg s6  }
0xb0: {  	[dreg:$0x4] =	wrdreg $0xC0  }
0xb1: {  	_ =	task [dreg:s8], $0x5FFFF  }
0xb2: {  	[dreg:$0x1] =	wrdreg $0xFFFFFFFF  }
0xb3: {  	[dreg:$0x0] =	wrdreg $0x60  }
0xb4: {  	[dreg:$0x2] =	wrdreg s24  }
0xb5: {  	[dreg:$0x3] =	wrdreg s15  }
0xb6: {  	[dreg:$0x4] =	wrdreg s16  }
0xb7: {  	[dreg:$0x5] =	wrdreg $0x9  }
0xb8: {  	_ =	task.clear_ibuf [dreg:s8], $0x6FFFF;
	_ =	strace $0x90000046  }
0xb9: {  	s29 =	simm.s32 $0x9;
	_ =	strace $0x80000048  }
0xba: {  	_ =	swait.ge [sflag:s29], $0x1  }
0xbb: {  	[sflag:s29] =	ssyncadd.s32 $0xFFFFFFFF  }
0xbc: {  	_ =	strace $0x90000048  }
0xbd: {  	_ =	sfence  }
0xbe: {  	s30 =	sld [smem:$0x0];
	_ =	sdelay $0x2  }
0xbf: {  	s31 =	sshll.u32 s1, $0xD;
	s1 =	sshrl.u32 s1, $0x2  }
0xc0: {  	s3 =	sand.u32 $0x4000, s31;
	s1 =	sadd.s32 s1, s30  }
0xc1: {  	s0 =	sor.u32 s3, s0;
	s1 =	sshll.u32 s1, $0x11  }
0xc2: {  	s0 =	sor.u32 s1, s0  }
0xc3: {  	s0 =	sadd.s32 $0x8F2B, s0  }
0xc4: {  	[sflag:s0] =	ssyncadd.remote.s32 $0x1  }
0xc5: {  	_ =	sfence.sel $0xFFFF  }
0xc6: {  	[dreg:$0x0] =	wrdreg $0xFFFFFFFF;
	(pc) =	sbr.abs _section_cstart, $3  }
0xc7: {  	[dreg:$0x1] =	wrdreg $0xFFFFFFFF  }
0xc8: {  	_ =	task.clear_ibuf [dreg:s8], $0x2FFFF;
	_ =	strace $0x9FFFFFFF  }
0xc9: {  	(tm) =	ssettm $0x7FFFFFFF  }
tec
execute0_lowered:
.L_overlay_start_1:
0x0: {  	(tag) =	ssettag $0x1  }
0x1: {  	s3 =	rddreg [dreg:$0x0]  }
0x2: {  	s5 =	rddreg [dreg:$0x1]  }
0x3: {  	s6 =	rddreg [dreg:$0x2]  }
0x4: {  	s0 =	rddreg [dreg:$0x3];
	s2 =	simm.s32 $0x0;
	s4 =	srdreg.scid  }
0x5: {  	s1 =	stileid.u32;
	s12 =	simm.s32 $0x1;
	s13 =	simm.s32 $0x0  }
0x6: {  	v0 =	vlaneseq.u32;
	[smem:$0x7FF] =	sst s2;
	s4 =	sand.u32 $0x1, s4;
	s8 =	sshll.u32 s1, $0x1  }
0x7: {  	s3 =	sadd.s32 $0x600, s3;
	v0 =	vmul.u32 $0xC400, v0;
	s30 =	sshrl.u32 s1, $0x2;
	_ =	strace $0x80000047  }
0x8: {  	s7 =	ssub.s32 $0x2, s4;
	s4 =	sor.u32 s4, s8;
	s8 =	simm.s32 $0x2  }
0x9: {  	s9 =	sshrl.u32 s7, $0x1;
	s10 =	sshll.u32 s4, $0x2;
	s11 =	smul.u32 $0x300, s4;
	v1 =	vadd.s32 $0xC4000, v0;
	v2 =	vadd.s32 $0x188000, v0  }
0xa: {  	s4 =	smul.u32 $0x930000, s30;
	v3 =	vadd.s32 $0x24C000, v0;
	v4 =	vadd.s32 $0x310000, v0;
	v5 =	vadd.s32 $0x3D4000, v0;
	s7 =	ssub.s32 s7, s9;
	s31 =	sand.u32 $0x1C, s10  }
0xb: {  	v6 =	vadd.s32 $0x498000, v0;
	v7 =	vadd.s32 $0x55C000, v0;
	v8 =	vadd.s32 $0x620000, v0;
	s9 =	simm.s32 $0x1800;
	s10 =	simm.s32 $0x80;
	s5 =	sadd.s32 s5, s31  }
0xc: {  	v9 =	vadd.s32 $0x6E4000, v0;
	v10 =	vadd.s32 $0x7A8000, v0;
	v11 =	vadd.s32 $0x86C000, v0;
	s6 =	sadd.s32 s6, s11;
	s7 =	smax.u32 s7, $0x1;
	s11 =	simm.s32 $0x1880  }
.LBB2_1:
0xd: {  	[tilespmem:s2], [sflag:$0x2] =	stream.linear.gather [hbm4b:s5+s2], $0x20, $0x38;
	[tilespmem:$0x3080] =	vst v63  }
0xe: {  	_ =	swait.ge [sflag:s8], $0x20  }
0xf: {  	[sflag:s8] =	ssyncset.done $0x0  }
0x10: {  	[sflag:s8] =	ssyncadd.s32 $0xFFFFFFE0  }
0x11: {  	v12 =	vld [tilespmem:$0x0];
	_ =	sdelay $0x4  }
0x12: {  	v12 =	vadd.s32 s4, v12  }
0x13: {  	v13 =	vbroadcast v12, $0x0;
	_ =	sdelay $0x1  }
0x14: {  	v14 =	vadd.s32 v0, v13  }
0x15: {  	[tilespmem:$0x80] =	vst v14;
	v14 =	vadd.s32 v1, v13  }
0x16: {  	[tilespmem:$0x90] =	vst v14;
	v14 =	vadd.s32 v2, v13  }
0x17: {  	[tilespmem:$0xA0] =	vst v14;
	v14 =	vadd.s32 v3, v13  }
0x18: {  	[tilespmem:$0xB0] =	vst v14;
	v14 =	vadd.s32 v4, v13  }
0x19: {  	[tilespmem:$0xC0] =	vst v14;
	v14 =	vadd.s32 v5, v13  }
0x1a: {  	[tilespmem:$0xD0] =	vst v14;
	v14 =	vadd.s32 v6, v13  }
0x1b: {  	[tilespmem:$0xE0] =	vst v14;
	v14 =	vadd.s32 v7, v13  }
0x1c: {  	[tilespmem:$0xF0] =	vst v14;
	v14 =	vadd.s32 v8, v13  }
0x1d: {  	[tilespmem:$0x100] =	vst v14;
	v14 =	vadd.s32 v9, v13  }
0x1e: {  	v15 =	vbroadcast v12, $0x1;
	[tilespmem:$0x110] =	vst v14;
	v14 =	vadd.s32 v10, v13  }
0x1f: {  	v13 =	vadd.s32 v11, v13;
	[tilespmem:$0x120] =	vst v14  }
0x20: {  	[tilespmem:$0x130] =	vst v13;
	v13 =	vadd.s32 v0, v15  }
0x21: {  	[tilespmem:$0x140] =	vst v13;
	v13 =	vadd.s32 v1, v15  }
0x22: {  	[tilespmem:$0x150] =	vst v13;
	v13 =	vadd.s32 v2, v15  }
0x23: {  	[tilespmem:$0x160] =	vst v13;
	v13 =	vadd.s32 v3, v15  }
0x24: {  	[tilespmem:$0x170] =	vst v13;
	v13 =	vadd.s32 v4, v15  }
0x25: {  	[tilespmem:$0x180] =	vst v13;
	v13 =	vadd.s32 v5, v15  }
0x26: {  	[tilespmem:$0x190] =	vst v13;
	v13 =	vadd.s32 v6, v15  }
0x27: {  	[tilespmem:$0x1A0] =	vst v13;
	v13 =	vadd.s32 v7, v15  }
0x28: {  	[tilespmem:$0x1B0] =	vst v13;
	v13 =	vadd.s32 v8, v15  }
0x29: {  	[tilespmem:$0x1C0] =	vst v13;
	v13 =	vadd.s32 v9, v15  }
0x2a: {  	v14 =	vbroadcast v12, $0x2;
	[tilespmem:$0x1D0] =	vst v13;
	v13 =	vadd.s32 v10, v15  }
0x2b: {  	[tilespmem:$0x1E0] =	vst v13;
	v13 =	vadd.s32 v11, v15  }
0x2c: {  	[tilespmem:$0x1F0] =	vst v13;
	v13 =	vadd.s32 v0, v14  }
0x2d: {  	[tilespmem:$0x200] =	vst v13;
	v13 =	vadd.s32 v1, v14  }
0x2e: {  	[tilespmem:$0x210] =	vst v13;
	v13 =	vadd.s32 v2, v14  }
0x2f: {  	[tilespmem:$0x220] =	vst v13;
	v13 =	vadd.s32 v3, v14  }
0x30: {  	[tilespmem:$0x230] =	vst v13;
	v13 =	vadd.s32 v4, v14  }
0x31: {  	[tilespmem:$0x240] =	vst v13;
	v13 =	vadd.s32 v5, v14  }
0x32: {  	[tilespmem:$0x250] =	vst v13;
	v13 =	vadd.s32 v6, v14  }
0x33: {  	[tilespmem:$0x260] =	vst v13;
	v13 =	vadd.s32 v7, v14  }
0x34: {  	[tilespmem:$0x270] =	vst v13;
	v13 =	vadd.s32 v8, v14  }
0x35: {  	[tilespmem:$0x280] =	vst v13;
	v13 =	vadd.s32 v9, v14  }
0x36: {  	v15 =	vbroadcast v12, $0x3;
	[tilespmem:$0x290] =	vst v13;
	v13 =	vadd.s32 v10, v14  }
0x37: {  	[tilespmem:$0x2A0] =	vst v13;
	v13 =	vadd.s32 v11, v14  }
0x38: {  	[tilespmem:$0x2B0] =	vst v13;
	v13 =	vadd.s32 v0, v15  }
0x39: {  	[tilespmem:$0x2C0] =	vst v13;
	v13 =	vadd.s32 v1, v15  }
0x3a: {  	[tilespmem:$0x2D0] =	vst v13;
	v13 =	vadd.s32 v2, v15  }
0x3b: {  	[tilespmem:$0x2E0] =	vst v13;
	v13 =	vadd.s32 v3, v15  }
0x3c: {  	[tilespmem:$0x2F0] =	vst v13;
	v13 =	vadd.s32 v4, v15  }
0x3d: {  	[tilespmem:$0x300] =	vst v13;
	v13 =	vadd.s32 v5, v15  }
0x3e: {  	[tilespmem:$0x310] =	vst v13;
	v13 =	vadd.s32 v6, v15  }
0x3f: {  	[tilespmem:$0x320] =	vst v13;
	v13 =	vadd.s32 v7, v15  }
0x40: {  	[tilespmem:$0x330] =	vst v13;
	v13 =	vadd.s32 v8, v15  }
0x41: {  	[tilespmem:$0x340] =	vst v13;
	v13 =	vadd.s32 v9, v15  }
0x42: {  	v14 =	vbroadcast v12, $0x4;
	[tilespmem:$0x350] =	vst v13;
	v13 =	vadd.s32 v10, v15  }
0x43: {  	[tilespmem:$0x360] =	vst v13;
	v13 =	vadd.s32 v11, v15  }
0x44: {  	[tilespmem:$0x370] =	vst v13;
	v13 =	vadd.s32 v0, v14  }
0x45: {  	[tilespmem:$0x380] =	vst v13;
	v13 =	vadd.s32 v1, v14  }
0x46: {  	[tilespmem:$0x390] =	vst v13;
	v13 =	vadd.s32 v2, v14  }
0x47: {  	[tilespmem:$0x3A0] =	vst v13;
	v13 =	vadd.s32 v3, v14  }
0x48: {  	[tilespmem:$0x3B0] =	vst v13;
	v13 =	vadd.s32 v4, v14  }
0x49: {  	[tilespmem:$0x3C0] =	vst v13;
	v13 =	vadd.s32 v5, v14  }
0x4a: {  	[tilespmem:$0x3D0] =	vst v13;
	v13 =	vadd.s32 v6, v14  }
0x4b: {  	[tilespmem:$0x3E0] =	vst v13;
	v13 =	vadd.s32 v7, v14  }
0x4c: {  	[tilespmem:$0x3F0] =	vst v13;
	v13 =	vadd.s32 v8, v14  }
0x4d: {  	[tilespmem:$0x400] =	vst v13;
	v13 =	vadd.s32 v9, v14  }
0x4e: {  	v15 =	vbroadcast v12, $0x5;
	[tilespmem:$0x410] =	vst v13;
	v13 =	vadd.s32 v10, v14  }
0x4f: {  	[tilespmem:$0x420] =	vst v13;
	v13 =	vadd.s32 v11, v14  }
0x50: {  	[tilespmem:$0x430] =	vst v13;
	v13 =	vadd.s32 v0, v15  }
0x51: {  	[tilespmem:$0x440] =	vst v13;
	v13 =	vadd.s32 v1, v15  }
0x52: {  	[tilespmem:$0x450] =	vst v13;
	v13 =	vadd.s32 v2, v15  }
0x53: {  	[tilespmem:$0x460] =	vst v13;
	v13 =	vadd.s32 v3, v15  }
0x54: {  	[tilespmem:$0x470] =	vst v13;
	v13 =	vadd.s32 v4, v15  }
0x55: {  	[tilespmem:$0x480] =	vst v13;
	v13 =	vadd.s32 v5, v15  }
0x56: {  	[tilespmem:$0x490] =	vst v13;
	v13 =	vadd.s32 v6, v15  }
0x57: {  	[tilespmem:$0x4A0] =	vst v13;
	v13 =	vadd.s32 v7, v15  }
0x58: {  	[tilespmem:$0x4B0] =	vst v13;
	v13 =	vadd.s32 v8, v15  }
0x59: {  	[tilespmem:$0x4C0] =	vst v13;
	v13 =	vadd.s32 v9, v15  }
0x5a: {  	v14 =	vbroadcast v12, $0x6;
	[tilespmem:$0x4D0] =	vst v13;
	v13 =	vadd.s32 v10, v15  }
0x5b: {  	[tilespmem:$0x4E0] =	vst v13;
	v13 =	vadd.s32 v11, v15  }
0x5c: {  	[tilespmem:$0x4F0] =	vst v13;
	v13 =	vadd.s32 v0, v14  }
0x5d: {  	[tilespmem:$0x500] =	vst v13;
	v13 =	vadd.s32 v1, v14  }
0x5e: {  	[tilespmem:$0x510] =	vst v13;
	v13 =	vadd.s32 v2, v14  }
0x5f: {  	[tilespmem:$0x520] =	vst v13;
	v13 =	vadd.s32 v3, v14  }
0x60: {  	[tilespmem:$0x530] =	vst v13;
	v13 =	vadd.s32 v4, v14  }
0x61: {  	[tilespmem:$0x540] =	vst v13;
	v13 =	vadd.s32 v5, v14  }
0x62: {  	[tilespmem:$0x550] =	vst v13;
	v13 =	vadd.s32 v6, v14  }
0x63: {  	[tilespmem:$0x560] =	vst v13;
	v13 =	vadd.s32 v7, v14  }
0x64: {  	[tilespmem:$0x570] =	vst v13;
	v13 =	vadd.s32 v8, v14  }
0x65: {  	[tilespmem:$0x580] =	vst v13;
	v13 =	vadd.s32 v9, v14  }
0x66: {  	v15 =	vbroadcast v12, $0x7;
	[tilespmem:$0x590] =	vst v13;
	v13 =	vadd.s32 v10, v14  }
0x67: {  	[tilespmem:$0x5A0] =	vst v13;
	v13 =	vadd.s32 v11, v14  }
0x68: {  	[tilespmem:$0x5B0] =	vst v13;
	v13 =	vadd.s32 v0, v15  }
0x69: {  	[tilespmem:$0x5C0] =	vst v13;
	v13 =	vadd.s32 v1, v15  }
0x6a: {  	[tilespmem:$0x5D0] =	vst v13;
	v13 =	vadd.s32 v2, v15  }
0x6b: {  	[tilespmem:$0x5E0] =	vst v13;
	v13 =	vadd.s32 v3, v15  }
0x6c: {  	[tilespmem:$0x5F0] =	vst v13;
	v13 =	vadd.s32 v4, v15  }
0x6d: {  	[tilespmem:$0x600] =	vst v13;
	v13 =	vadd.s32 v5, v15  }
0x6e: {  	[tilespmem:$0x610] =	vst v13;
	v13 =	vadd.s32 v6, v15  }
0x6f: {  	[tilespmem:$0x620] =	vst v13;
	v13 =	vadd.s32 v7, v15  }
0x70: {  	[tilespmem:$0x630] =	vst v13;
	v13 =	vadd.s32 v8, v15  }
0x71: {  	[tilespmem:$0x640] =	vst v13;
	v13 =	vadd.s32 v9, v15  }
0x72: {  	v14 =	vbroadcast v12, $0x8;
	[tilespmem:$0x650] =	vst v13;
	v13 =	vadd.s32 v10, v15  }
0x73: {  	[tilespmem:$0x660] =	vst v13;
	v13 =	vadd.s32 v11, v15  }
0x74: {  	[tilespmem:$0x670] =	vst v13;
	v13 =	vadd.s32 v0, v14  }
0x75: {  	[tilespmem:$0x680] =	vst v13;
	v13 =	vadd.s32 v1, v14  }
0x76: {  	[tilespmem:$0x690] =	vst v13;
	v13 =	vadd.s32 v2, v14  }
0x77: {  	[tilespmem:$0x6A0] =	vst v13;
	v13 =	vadd.s32 v3, v14  }
0x78: {  	[tilespmem:$0x6B0] =	vst v13;
	v13 =	vadd.s32 v4, v14  }
0x79: {  	[tilespmem:$0x6C0] =	vst v13;
	v13 =	vadd.s32 v5, v14  }
0x7a: {  	[tilespmem:$0x6D0] =	vst v13;
	v13 =	vadd.s32 v6, v14  }
0x7b: {  	[tilespmem:$0x6E0] =	vst v13;
	v13 =	vadd.s32 v7, v14  }
0x7c: {  	[tilespmem:$0x6F0] =	vst v13;
	v13 =	vadd.s32 v8, v14  }
0x7d: {  	[tilespmem:$0x700] =	vst v13;
	v13 =	vadd.s32 v9, v14  }
0x7e: {  	v15 =	vbroadcast v12, $0x9;
	[tilespmem:$0x710] =	vst v13;
	v13 =	vadd.s32 v10, v14  }
0x7f: {  	[tilespmem:$0x720] =	vst v13;
	v13 =	vadd.s32 v11, v14  }
0x80: {  	[tilespmem:$0x730] =	vst v13;
	v13 =	vadd.s32 v0, v15  }
0x81: {  	[tilespmem:$0x740] =	vst v13;
	v13 =	vadd.s32 v1, v15  }
0x82: {  	[tilespmem:$0x750] =	vst v13;
	v13 =	vadd.s32 v2, v15  }
0x83: {  	[tilespmem:$0x760] =	vst v13;
	v13 =	vadd.s32 v3, v15  }
0x84: {  	[tilespmem:$0x770] =	vst v13;
	v13 =	vadd.s32 v4, v15  }
0x85: {  	[tilespmem:$0x780] =	vst v13;
	v13 =	vadd.s32 v5, v15  }
0x86: {  	[tilespmem:$0x790] =	vst v13;
	v13 =	vadd.s32 v6, v15  }
0x87: {  	[tilespmem:$0x7A0] =	vst v13;
	v13 =	vadd.s32 v7, v15  }
0x88: {  	[tilespmem:$0x7B0] =	vst v13;
	v13 =	vadd.s32 v8, v15  }
0x89: {  	[tilespmem:$0x7C0] =	vst v13;
	v13 =	vadd.s32 v9, v15  }
0x8a: {  	v14 =	vbroadcast v12, $0xA;
	[tilespmem:$0x7D0] =	vst v13;
	v13 =	vadd.s32 v10, v15  }
0x8b: {  	[tilespmem:$0x7E0] =	vst v13;
	v13 =	vadd.s32 v11, v15  }
0x8c: {  	[tilespmem:$0x7F0] =	vst v13;
	v13 =	vadd.s32 v0, v14  }
0x8d: {  	[tilespmem:$0x800] =	vst v13;
	v13 =	vadd.s32 v1, v14  }
0x8e: {  	[tilespmem:$0x810] =	vst v13;
	v13 =	vadd.s32 v2, v14  }
0x8f: {  	[tilespmem:$0x820] =	vst v13;
	v13 =	vadd.s32 v3, v14  }
0x90: {  	[tilespmem:$0x830] =	vst v13;
	v13 =	vadd.s32 v4, v14  }
0x91: {  	[tilespmem:$0x840] =	vst v13;
	v13 =	vadd.s32 v5, v14  }
0x92: {  	[tilespmem:$0x850] =	vst v13;
	v13 =	vadd.s32 v6, v14  }
0x93: {  	[tilespmem:$0x860] =	vst v13;
	v13 =	vadd.s32 v7, v14  }
0x94: {  	[tilespmem:$0x870] =	vst v13;
	v13 =	vadd.s32 v8, v14  }
0x95: {  	[tilespmem:$0x880] =	vst v13;
	v13 =	vadd.s32 v9, v14  }
0x96: {  	v15 =	vbroadcast v12, $0xB;
	[tilespmem:$0x890] =	vst v13;
	v13 =	vadd.s32 v10, v14  }
0x97: {  	[tilespmem:$0x8A0] =	vst v13;
	v13 =	vadd.s32 v11, v14  }
0x98: {  	[tilespmem:$0x8B0] =	vst v13;
	v13 =	vadd.s32 v0, v15  }
0x99: {  	[tilespmem:$0x8C0] =	vst v13;
	v13 =	vadd.s32 v1, v15  }
0x9a: {  	[tilespmem:$0x8D0] =	vst v13;
	v13 =	vadd.s32 v2, v15  }
0x9b: {  	[tilespmem:$0x8E0] =	vst v13;
	v13 =	vadd.s32 v3, v15  }
0x9c: {  	[tilespmem:$0x8F0] =	vst v13;
	v13 =	vadd.s32 v4, v15  }
0x9d: {  	[tilespmem:$0x900] =	vst v13;
	v13 =	vadd.s32 v5, v15  }
0x9e: {  	[tilespmem:$0x910] =	vst v13;
	v13 =	vadd.s32 v6, v15  }
0x9f: {  	[tilespmem:$0x920] =	vst v13;
	v13 =	vadd.s32 v7, v15  }
0xa0: {  	[tilespmem:$0x930] =	vst v13;
	v13 =	vadd.s32 v8, v15  }
0xa1: {  	[tilespmem:$0x940] =	vst v13;
	v13 =	vadd.s32 v9, v15  }
0xa2: {  	v14 =	vbroadcast v12, $0xC;
	[tilespmem:$0x950] =	vst v13;
	v13 =	vadd.s32 v10, v15  }
0xa3: {  	[tilespmem:$0x960] =	vst v13;
	v13 =	vadd.s32 v11, v15  }
0xa4: {  	[tilespmem:$0x970] =	vst v13;
	v13 =	vadd.s32 v0, v14  }
0xa5: {  	[tilespmem:$0x980] =	vst v13;
	v13 =	vadd.s32 v1, v14  }
0xa6: {  	[tilespmem:$0x990] =	vst v13;
	v13 =	vadd.s32 v2, v14  }
0xa7: {  	[tilespmem:$0x9A0] =	vst v13;
	v13 =	vadd.s32 v3, v14  }
0xa8: {  	[tilespmem:$0x9B0] =	vst v13;
	v13 =	vadd.s32 v4, v14  }
0xa9: {  	[tilespmem:$0x9C0] =	vst v13;
	v13 =	vadd.s32 v5, v14  }
0xaa: {  	[tilespmem:$0x9D0] =	vst v13;
	v13 =	vadd.s32 v6, v14  }
0xab: {  	[tilespmem:$0x9E0] =	vst v13;
	v13 =	vadd.s32 v7, v14  }
0xac: {  	[tilespmem:$0x9F0] =	vst v13;
	v13 =	vadd.s32 v8, v14  }
0xad: {  	[tilespmem:$0xA00] =	vst v13;
	v13 =	vadd.s32 v9, v14  }
0xae: {  	v15 =	vbroadcast v12, $0xD;
	[tilespmem:$0xA10] =	vst v13;
	v13 =	vadd.s32 v10, v14  }
0xaf: {  	[tilespmem:$0xA20] =	vst v13;
	v13 =	vadd.s32 v11, v14  }
0xb0: {  	[tilespmem:$0xA30] =	vst v13;
	v13 =	vadd.s32 v0, v15  }
0xb1: {  	[tilespmem:$0xA40] =	vst v13;
	v13 =	vadd.s32 v1, v15  }
0xb2: {  	[tilespmem:$0xA50] =	vst v13;
	v13 =	vadd.s32 v2, v15  }
0xb3: {  	[tilespmem:$0xA60] =	vst v13;
	v13 =	vadd.s32 v3, v15  }
0xb4: {  	[tilespmem:$0xA70] =	vst v13;
	v13 =	vadd.s32 v4, v15  }
0xb5: {  	[tilespmem:$0xA80] =	vst v13;
	v13 =	vadd.s32 v5, v15  }
0xb6: {  	[tilespmem:$0xA90] =	vst v13;
	v13 =	vadd.s32 v6, v15  }
0xb7: {  	[tilespmem:$0xAA0] =	vst v13;
	v13 =	vadd.s32 v7, v15  }
0xb8: {  	(v2sf) =	vpush v12, $0xF;
	[tilespmem:$0xAB0] =	vst v13;
	v13 =	vadd.s32 v8, v15  }
0xb9: {  	[tilespmem:$0xAC0] =	vst v13;
	v13 =	vadd.s32 v9, v15  }
0xba: {  	v12 =	vbroadcast v12, $0xE;
	[tilespmem:$0xAD0] =	vst v13;
	v13 =	vadd.s32 v10, v15  }
0xbb: {  	[tilespmem:$0xAE0] =	vst v13;
	v13 =	vadd.s32 v11, v15  }
0xbc: {  	[tilespmem:$0xAF0] =	vst v13;
	v13 =	vadd.s32 v0, v12  }
0xbd: {  	[tilespmem:$0xB00] =	vst v13;
	v13 =	vadd.s32 v1, v12  }
0xbe: {  	[tilespmem:$0xB10] =	vst v13;
	v13 =	vadd.s32 v2, v12  }
0xbf: {  	[tilespmem:$0xB20] =	vst v13;
	v13 =	vadd.s32 v3, v12  }
0xc0: {  	[tilespmem:$0xB30] =	vst v13;
	v13 =	vadd.s32 v4, v12  }
0xc1: {  	[tilespmem:$0xB40] =	vst v13;
	v13 =	vadd.s32 v5, v12  }
0xc2: {  	[tilespmem:$0xB50] =	vst v13;
	v13 =	vadd.s32 v6, v12  }
0xc3: {  	[tilespmem:$0xB60] =	vst v13;
	v13 =	vadd.s32 v7, v12  }
0xc4: {  	[tilespmem:$0xB70] =	vst v13;
	v13 =	vadd.s32 v8, v12  }
0xc5: {  	[tilespmem:$0xB80] =	vst v13;
	v13 =	vadd.s32 v9, v12  }
0xc6: {  	[tilespmem:$0xB90] =	vst v13;
	v13 =	vadd.s32 v10, v12  }
0xc7: {  	s14 =	spop (v2sf);
	v12 =	vadd.s32 v11, v12;
	[tilespmem:$0xBA0] =	vst v13  }
0xc8: {  	[tilespmem:$0xBB0] =	vst v12;
	v12 =	vadd.s32 s14, v0  }
0xc9: {  	[tilespmem:$0xBC0] =	vst v12;
	v12 =	vadd.s32 s14, v1  }
0xca: {  	[tilespmem:$0xBD0] =	vst v12;
	v12 =	vadd.s32 s14, v2  }
0xcb: {  	[tilespmem:$0xBE0] =	vst v12;
	v12 =	vadd.s32 s14, v3  }
0xcc: {  	v13 =	vld [tilespmem:$0x10];
	[tilespmem:$0xBF0] =	vst v12;
	v12 =	vadd.s32 s14, v4  }
0xcd: {  	[tilespmem:$0xC00] =	vst v12;
	v12 =	vadd.s32 s14, v5  }
0xce: {  	[tilespmem:$0xC10] =	vst v12;
	v12 =	vadd.s32 s14, v6  }
0xcf: {  	[tilespmem:$0xC20] =	vst v12;
	v12 =	vadd.s32 s14, v7  }
0xd0: {  	[tilespmem:$0xC30] =	vst v12;
	v12 =	vadd.s32 s14, v8  }
0xd1: {  	v14 =	vadd.s32 s14, v9;
	[tilespmem:$0xC40] =	vst v12;
	v12 =	vadd.s32 s4, v13  }
0xd2: {  	[tilespmem:$0xC50] =	vst v14;
	v13 =	vadd.s32 s14, v10;
	v14 =	vbroadcast v12, $0x0  }
0xd3: {  	[tilespmem:$0xC60] =	vst v13;
	v13 =	vadd.s32 s14, v11;
	(v2sf) =	vpush v12, $0xF  }
0xd4: {  	[tilespmem:$0xC70] =	vst v13;
	v13 =	vadd.s32 v0, v14  }
0xd5: {  	[tilespmem:$0xC80] =	vst v13;
	v13 =	vadd.s32 v1, v14  }
0xd6: {  	[tilespmem:$0xC90] =	vst v13;
	v13 =	vadd.s32 v2, v14  }
0xd7: {  	[tilespmem:$0xCA0] =	vst v13;
	v13 =	vadd.s32 v3, v14  }
0xd8: {  	[tilespmem:$0xCB0] =	vst v13;
	v13 =	vadd.s32 v4, v14  }
0xd9: {  	[tilespmem:$0xCC0] =	vst v13;
	v13 =	vadd.s32 v5, v14  }
0xda: {  	[tilespmem:$0xCD0] =	vst v13;
	v13 =	vadd.s32 v6, v14  }
0xdb: {  	[tilespmem:$0xCE0] =	vst v13;
	v13 =	vadd.s32 v7, v14  }
0xdc: {  	[tilespmem:$0xCF0] =	vst v13;
	v13 =	vadd.s32 v8, v14  }
0xdd: {  	[tilespmem:$0xD00] =	vst v13;
	v13 =	vadd.s32 v9, v14  }
0xde: {  	v15 =	vbroadcast v12, $0x1;
	[tilespmem:$0xD10] =	vst v13;
	v13 =	vadd.s32 v10, v14  }
0xdf: {  	[tilespmem:$0xD20] =	vst v13;
	v13 =	vadd.s32 v11, v14  }
0xe0: {  	[tilespmem:$0xD30] =	vst v13;
	v13 =	vadd.s32 v0, v15  }
0xe1: {  	[tilespmem:$0xD40] =	vst v13;
	v13 =	vadd.s32 v1, v15  }
0xe2: {  	s28 =	spop (v2sf);
	[tilespmem:$0xD50] =	vst v13;
	v13 =	vadd.s32 v2, v15  }
0xe3: {  	v16 =	vadd.s32 s28, v0;
	[tilespmem:$0xD60] =	vst v13  }
0xe4: {  	v13 =	vadd.s32 v3, v15;
	[tilespmem:$0x17C0] =	vst v16  }
0xe5: {  	[tilespmem:$0xD70] =	vst v13;
	v13 =	vadd.s32 v4, v15  }
0xe6: {  	[tilespmem:$0xD80] =	vst v13;
	v13 =	vadd.s32 v5, v15  }
0xe7: {  	[tilespmem:$0xD90] =	vst v13;
	v13 =	vadd.s32 v6, v15  }
0xe8: {  	[tilespmem:$0xDA0] =	vst v13;
	v13 =	vadd.s32 v7, v15  }
0xe9: {  	[tilespmem:$0xDB0] =	vst v13;
	v13 =	vadd.s32 v8, v15  }
0xea: {  	[tilespmem:$0xDC0] =	vst v13;
	v13 =	vadd.s32 v9, v15  }
0xeb: {  	v14 =	vbroadcast v12, $0x2;
	[tilespmem:$0xDD0] =	vst v13;
	v13 =	vadd.s32 v10, v15  }
0xec: {  	[tilespmem:$0xDE0] =	vst v13;
	v13 =	vadd.s32 v11, v15  }
0xed: {  	[tilespmem:$0xDF0] =	vst v13;
	v13 =	vadd.s32 v0, v14  }
0xee: {  	[tilespmem:$0xE00] =	vst v13;
	v13 =	vadd.s32 v1, v14  }
0xef: {  	[tilespmem:$0xE10] =	vst v13;
	v13 =	vadd.s32 v2, v14  }
0xf0: {  	[tilespmem:$0xE20] =	vst v13;
	v13 =	vadd.s32 v3, v14  }
0xf1: {  	[tilespmem:$0xE30] =	vst v13;
	v13 =	vadd.s32 v4, v14  }
0xf2: {  	[tilespmem:$0xE40] =	vst v13;
	v13 =	vadd.s32 v5, v14  }
0xf3: {  	[tilespmem:$0xE50] =	vst v13;
	v13 =	vadd.s32 v6, v14  }
0xf4: {  	[tilespmem:$0xE60] =	vst v13;
	v13 =	vadd.s32 v7, v14  }
0xf5: {  	[tilespmem:$0xE70] =	vst v13;
	v13 =	vadd.s32 v8, v14  }
0xf6: {  	[tilespmem:$0xE80] =	vst v13;
	v13 =	vadd.s32 v9, v14  }
0xf7: {  	v15 =	vbroadcast v12, $0x3;
	[tilespmem:$0xE90] =	vst v13;
	v13 =	vadd.s32 v10, v14  }
0xf8: {  	[tilespmem:$0xEA0] =	vst v13;
	v13 =	vadd.s32 v11, v14  }
0xf9: {  	[tilespmem:$0xEB0] =	vst v13;
	v13 =	vadd.s32 v0, v15  }
0xfa: {  	[tilespmem:$0xEC0] =	vst v13;
	v13 =	vadd.s32 v1, v15  }
0xfb: {  	[tilespmem:$0xED0] =	vst v13;
	v13 =	vadd.s32 v2, v15  }
0xfc: {  	[tilespmem:$0xEE0] =	vst v13;
	v13 =	vadd.s32 v3, v15  }
0xfd: {  	[tilespmem:$0xEF0] =	vst v13;
	v13 =	vadd.s32 v4, v15  }
0xfe: {  	[tilespmem:$0xF00] =	vst v13;
	v13 =	vadd.s32 v5, v15  }
0xff: {  	[tilespmem:$0xF10] =	vst v13;
	v13 =	vadd.s32 v6, v15  }
0x100: {  	[tilespmem:$0xF20] =	vst v13;
	v13 =	vadd.s32 v7, v15  }
0x101: {  	[tilespmem:$0xF30] =	vst v13;
	v13 =	vadd.s32 v8, v15  }
0x102: {  	[tilespmem:$0xF40] =	vst v13;
	v13 =	vadd.s32 v9, v15  }
0x103: {  	v14 =	vbroadcast v12, $0x4;
	[tilespmem:$0xF50] =	vst v13;
	v13 =	vadd.s32 v10, v15  }
0x104: {  	[tilespmem:$0xF60] =	vst v13;
	v13 =	vadd.s32 v11, v15  }
0x105: {  	v15 =	vadd.s32 v10, v14;
	[tilespmem:$0xF70] =	vst v13  }
0x106: {  	v13 =	vadd.s32 v0, v14;
	[tilespmem:$0x1020] =	vst v15  }
0x107: {  	v15 =	vadd.s32 s28, v8;
	[tilespmem:$0xF80] =	vst v13  }
0x108: {  	v13 =	vadd.s32 v1, v14;
	[tilespmem:$0x1840] =	vst v15  }
0x109: {  	v15 =	vadd.s32 s28, v6;
	[tilespmem:$0xF90] =	vst v13  }
0x10a: {  	v13 =	vadd.s32 v2, v14;
	[tilespmem:$0x1820] =	vst v15  }
0x10b: {  	v15 =	vadd.s32 s28, v4;
	[tilespmem:$0xFA0] =	vst v13  }
0x10c: {  	v13 =	vadd.s32 v3, v14;
	[tilespmem:$0x1800] =	vst v15  }
0x10d: {  	v15 =	vadd.s32 s28, v2;
	[tilespmem:$0xFB0] =	vst v13  }
0x10e: {  	v13 =	vadd.s32 v4, v14;
	[tilespmem:$0x17E0] =	vst v15  }
0x10f: {  	v15 =	vbroadcast v12, $0xE;
	[tilespmem:$0xFC0] =	vst v13;
	v13 =	vadd.s32 v5, v14  }
0x110: {  	[tilespmem:$0xFD0] =	vst v13;
	v13 =	vadd.s32 v6, v14  }
0x111: {  	v16 =	vadd.s32 v10, v15;
	[tilespmem:$0xFE0] =	vst v13  }
0x112: {  	v13 =	vadd.s32 v7, v14;
	[tilespmem:$0x17A0] =	vst v16  }
0x113: {  	v16 =	vadd.s32 v8, v15;
	[tilespmem:$0xFF0] =	vst v13  }
0x114: {  	v13 =	vadd.s32 v8, v14;
	[tilespmem:$0x1780] =	vst v16  }
0x115: {  	v16 =	vadd.s32 v6, v15;
	[tilespmem:$0x1000] =	vst v13  }
0x116: {  	v13 =	vadd.s32 v9, v14;
	[tilespmem:$0x1760] =	vst v16  }
0x117: {  	v14 =	vadd.s32 v11, v14;
	[tilespmem:$0x1010] =	vst v13  }
0x118: {  	v16 =	vadd.s32 v4, v15;
	v13 =	vbroadcast v12, $0x5;
	[tilespmem:$0x1030] =	vst v14  }
0x119: {  	[tilespmem:$0x1740] =	vst v16;
	v16 =	vadd.s32 v2, v15  }
0x11a: {  	[tilespmem:$0x1720] =	vst v16;
	v14 =	vadd.s32 v0, v13  }
0x11b: {  	[tilespmem:$0x1040] =	vst v14;
	v14 =	vadd.s32 v1, v13  }
0x11c: {  	[tilespmem:$0x1050] =	vst v14;
	v14 =	vadd.s32 v2, v13  }
0x11d: {  	[tilespmem:$0x1060] =	vst v14;
	v14 =	vadd.s32 s28, v9  }
0x11e: {  	[tilespmem:$0x1850] =	vst v14;
	v14 =	vadd.s32 s28, v7  }
0x11f: {  	[tilespmem:$0x1830] =	vst v14;
	v14 =	vadd.s32 s28, v5  }
0x120: {  	[tilespmem:$0x1810] =	vst v14;
	v14 =	vadd.s32 s28, v3  }
0x121: {  	[tilespmem:$0x17F0] =	vst v14;
	v14 =	vadd.s32 s28, v1  }
0x122: {  	[tilespmem:$0x17D0] =	vst v14;
	v14 =	vadd.s32 v11, v15  }
0x123: {  	[tilespmem:$0x17B0] =	vst v14;
	v14 =	vadd.s32 v9, v15  }
0x124: {  	[tilespmem:$0x1790] =	vst v14;
	v14 =	vadd.s32 v7, v15  }
0x125: {  	[tilespmem:$0x1770] =	vst v14;
	v14 =	vadd.s32 v5, v15  }
0x126: {  	[tilespmem:$0x1750] =	vst v14;
	v14 =	vadd.s32 v3, v15  }
0x127: {  	v16 =	vadd.s32 v1, v15;
	[tilespmem:$0x1730] =	vst v14;
	v14 =	vbroadcast v12, $0xD  }
0x128: {  	[tilespmem:$0x1710] =	vst v16;
	v15 =	vadd.s32 v0, v15  }
0x129: {  	[tilespmem:$0x1700] =	vst v15;
	v16 =	vadd.s32 v11, v14  }
0x12a: {  	v15 =	vadd.s32 v10, v14;
	[tilespmem:$0x16F0] =	vst v16  }
0x12b: {  	v16 =	vadd.s32 v9, v14;
	[tilespmem:$0x16E0] =	vst v15  }
0x12c: {  	v15 =	vadd.s32 v8, v14;
	[tilespmem:$0x16D0] =	vst v16  }
0x12d: {  	v16 =	vadd.s32 v7, v14;
	[tilespmem:$0x16C0] =	vst v15  }
0x12e: {  	v15 =	vadd.s32 v6, v14;
	[tilespmem:$0x16B0] =	vst v16  }
0x12f: {  	v16 =	vadd.s32 v5, v14;
	[tilespmem:$0x16A0] =	vst v15  }
0x130: {  	v15 =	vadd.s32 v4, v14;
	[tilespmem:$0x1690] =	vst v16  }
0x131: {  	v16 =	vadd.s32 v3, v14;
	[tilespmem:$0x1680] =	vst v15  }
0x132: {  	v15 =	vadd.s32 v2, v14;
	[tilespmem:$0x1670] =	vst v16  }
0x133: {  	v16 =	vadd.s32 v1, v14;
	[tilespmem:$0x1660] =	vst v15;
	v15 =	vbroadcast v12, $0xC  }
0x134: {  	v14 =	vadd.s32 v0, v14;
	[tilespmem:$0x1650] =	vst v16  }
0x135: {  	[tilespmem:$0x1640] =	vst v14;
	v16 =	vadd.s32 v11, v15  }
0x136: {  	v14 =	vadd.s32 v10, v15;
	[tilespmem:$0x1630] =	vst v16  }
0x137: {  	v16 =	vadd.s32 v9, v15;
	[tilespmem:$0x1620] =	vst v14  }
0x138: {  	v14 =	vadd.s32 v8, v15;
	[tilespmem:$0x1610] =	vst v16  }
0x139: {  	v16 =	vadd.s32 v7, v15;
	[tilespmem:$0x1600] =	vst v14  }
0x13a: {  	v14 =	vadd.s32 v6, v15;
	[tilespmem:$0x15F0] =	vst v16  }
0x13b: {  	v16 =	vadd.s32 v5, v15;
	[tilespmem:$0x15E0] =	vst v14  }
0x13c: {  	v14 =	vadd.s32 v4, v15;
	[tilespmem:$0x15D0] =	vst v16  }
0x13d: {  	v16 =	vadd.s32 v3, v15;
	[tilespmem:$0x15C0] =	vst v14  }
0x13e: {  	v14 =	vadd.s32 v2, v15;
	[tilespmem:$0x15B0] =	vst v16  }
0x13f: {  	v16 =	vbroadcast v12, $0xB;
	[tilespmem:$0x15A0] =	vst v14;
	v14 =	vadd.s32 v1, v15  }
0x140: {  	v15 =	vadd.s32 v0, v15;
	[tilespmem:$0x1590] =	vst v14  }
0x141: {  	[tilespmem:$0x1580] =	vst v15;
	v14 =	vadd.s32 v11, v16  }
0x142: {  	v15 =	vadd.s32 v10, v16;
	[tilespmem:$0x1570] =	vst v14  }
0x143: {  	v14 =	vadd.s32 v9, v16;
	[tilespmem:$0x1560] =	vst v15  }
0x144: {  	v15 =	vadd.s32 v8, v16;
	[tilespmem:$0x1550] =	vst v14  }
0x145: {  	v14 =	vadd.s32 v7, v16;
	[tilespmem:$0x1540] =	vst v15  }
0x146: {  	v15 =	vadd.s32 v6, v16;
	[tilespmem:$0x1530] =	vst v14  }
0x147: {  	v14 =	vadd.s32 v5, v16;
	[tilespmem:$0x1520] =	vst v15  }
0x148: {  	v15 =	vadd.s32 v4, v16;
	[tilespmem:$0x1510] =	vst v14  }
0x149: {  	v14 =	vadd.s32 v3, v16;
	[tilespmem:$0x1500] =	vst v15  }
0x14a: {  	v15 =	vadd.s32 v2, v16;
	[tilespmem:$0x14F0] =	vst v14  }
0x14b: {  	v14 =	vadd.s32 v1, v16;
	[tilespmem:$0x14E0] =	vst v15;
	v15 =	vbroadcast v12, $0xA  }
0x14c: {  	v16 =	vadd.s32 v0, v16;
	[tilespmem:$0x14D0] =	vst v14  }
0x14d: {  	[tilespmem:$0x14C0] =	vst v16;
	v14 =	vadd.s32 v11, v15  }
0x14e: {  	v16 =	vadd.s32 v10, v15;
	[tilespmem:$0x14B0] =	vst v14  }
0x14f: {  	v14 =	vadd.s32 v9, v15;
	[tilespmem:$0x14A0] =	vst v16  }
0x150: {  	v16 =	vadd.s32 v8, v15;
	[tilespmem:$0x1490] =	vst v14  }
0x151: {  	v14 =	vadd.s32 v7, v15;
	[tilespmem:$0x1480] =	vst v16  }
0x152: {  	v16 =	vadd.s32 v6, v15;
	[tilespmem:$0x1470] =	vst v14  }
0x153: {  	v14 =	vadd.s32 v5, v15;
	[tilespmem:$0x1460] =	vst v16  }
0x154: {  	v16 =	vadd.s32 v4, v15;
	[tilespmem:$0x1450] =	vst v14  }
0x155: {  	v14 =	vadd.s32 v3, v15;
	[tilespmem:$0x1440] =	vst v16  }
0x156: {  	v16 =	vadd.s32 v2, v15;
	[tilespmem:$0x1430] =	vst v14  }
0x157: {  	v14 =	vbroadcast v12, $0x9;
	[tilespmem:$0x1420] =	vst v16;
	v16 =	vadd.s32 v1, v15  }
0x158: {  	v15 =	vadd.s32 v0, v15;
	[tilespmem:$0x1410] =	vst v16  }
0x159: {  	[tilespmem:$0x1400] =	vst v15;
	v16 =	vadd.s32 v11, v14  }
0x15a: {  	v15 =	vadd.s32 v10, v14;
	[tilespmem:$0x13F0] =	vst v16  }
0x15b: {  	v16 =	vadd.s32 v9, v14;
	[tilespmem:$0x13E0] =	vst v15  }
0x15c: {  	v15 =	vadd.s32 v8, v14;
	[tilespmem:$0x13D0] =	vst v16  }
0x15d: {  	v16 =	vadd.s32 v7, v14;
	[tilespmem:$0x13C0] =	vst v15  }
0x15e: {  	v15 =	vadd.s32 v6, v14;
	[tilespmem:$0x13B0] =	vst v16  }
0x15f: {  	v16 =	vadd.s32 v5, v14;
	[tilespmem:$0x13A0] =	vst v15  }
0x160: {  	v15 =	vadd.s32 v4, v14;
	[tilespmem:$0x1390] =	vst v16  }
0x161: {  	v16 =	vadd.s32 v3, v14;
	[tilespmem:$0x1380] =	vst v15  }
0x162: {  	v15 =	vadd.s32 v2, v14;
	[tilespmem:$0x1370] =	vst v16  }
0x163: {  	v16 =	vadd.s32 v1, v14;
	[tilespmem:$0x1360] =	vst v15;
	v15 =	vbroadcast v12, $0x8  }
0x164: {  	v14 =	vadd.s32 v0, v14;
	[tilespmem:$0x1350] =	vst v16  }
0x165: {  	[tilespmem:$0x1340] =	vst v14;
	v16 =	vadd.s32 v11, v15  }
0x166: {  	v14 =	vadd.s32 v10, v15;
	[tilespmem:$0x1330] =	vst v16  }
0x167: {  	v16 =	vadd.s32 v9, v15;
	[tilespmem:$0x1320] =	vst v14  }
0x168: {  	v14 =	vadd.s32 v8, v15;
	[tilespmem:$0x1310] =	vst v16  }
0x169: {  	v16 =	vadd.s32 v7, v15;
	[tilespmem:$0x1300] =	vst v14  }
0x16a: {  	v14 =	vadd.s32 v6, v15;
	[tilespmem:$0x12F0] =	vst v16  }
0x16b: {  	v16 =	vadd.s32 v5, v15;
	[tilespmem:$0x12E0] =	vst v14  }
0x16c: {  	v14 =	vadd.s32 v4, v15;
	[tilespmem:$0x12D0] =	vst v16  }
0x16d: {  	v16 =	vadd.s32 v3, v15;
	[tilespmem:$0x12C0] =	vst v14  }
0x16e: {  	v14 =	vadd.s32 v2, v15;
	[tilespmem:$0x12B0] =	vst v16  }
0x16f: {  	v16 =	vbroadcast v12, $0x7;
	[tilespmem:$0x12A0] =	vst v14;
	v14 =	vadd.s32 v1, v15  }
0x170: {  	v15 =	vadd.s32 v0, v15;
	[tilespmem:$0x1290] =	vst v14  }
0x171: {  	[tilespmem:$0x1280] =	vst v15;
	v14 =	vadd.s32 v11, v16  }
0x172: {  	v15 =	vadd.s32 v10, v16;
	[tilespmem:$0x1270] =	vst v14  }
0x173: {  	v14 =	vadd.s32 v9, v16;
	[tilespmem:$0x1260] =	vst v15  }
0x174: {  	v15 =	vadd.s32 v8, v16;
	[tilespmem:$0x1250] =	vst v14  }
0x175: {  	v14 =	vadd.s32 v7, v16;
	[tilespmem:$0x1240] =	vst v15  }
0x176: {  	v15 =	vadd.s32 v6, v16;
	[tilespmem:$0x1230] =	vst v14  }
0x177: {  	v14 =	vadd.s32 v5, v16;
	[tilespmem:$0x1220] =	vst v15  }
0x178: {  	v15 =	vadd.s32 v4, v16;
	[tilespmem:$0x1210] =	vst v14  }
0x179: {  	v14 =	vadd.s32 v3, v16;
	[tilespmem:$0x1200] =	vst v15  }
0x17a: {  	v15 =	vadd.s32 v2, v16;
	[tilespmem:$0x11F0] =	vst v14  }
0x17b: {  	v14 =	vadd.s32 v1, v16;
	[tilespmem:$0x11E0] =	vst v15  }
0x17c: {  	v12 =	vbroadcast v12, $0x6;
	v15 =	vadd.s32 s28, v10;
	[tilespmem:$0x11D0] =	vst v14  }
0x17d: {  	v14 =	vadd.s32 v0, v16;
	[tilespmem:$0x1860] =	vst v15  }
0x17e: {  	v15 =	vadd.s32 v10, v12;
	[tilespmem:$0x11C0] =	vst v14  }
0x17f: {  	v14 =	vadd.s32 v11, v12;
	[tilespmem:$0x11A0] =	vst v15  }
0x180: {  	v15 =	vadd.s32 v8, v12;
	[tilespmem:$0x11B0] =	vst v14  }
0x181: {  	v14 =	vadd.s32 v9, v12;
	[tilespmem:$0x1180] =	vst v15  }
0x182: {  	v15 =	vadd.s32 v6, v12;
	[tilespmem:$0x1190] =	vst v14  }
0x183: {  	v14 =	vadd.s32 v7, v12;
	[tilespmem:$0x1160] =	vst v15  }
0x184: {  	v15 =	vadd.s32 v4, v12;
	[tilespmem:$0x1170] =	vst v14  }
0x185: {  	v14 =	vadd.s32 v5, v12;
	[tilespmem:$0x1140] =	vst v15  }
0x186: {  	v15 =	vadd.s32 v2, v12;
	[tilespmem:$0x1150] =	vst v14  }
0x187: {  	v14 =	vadd.s32 v3, v12;
	[tilespmem:$0x1120] =	vst v15  }
0x188: {  	[tilespmem:$0x1130] =	vst v14;
	v14 =	vadd.s32 v1, v12  }
0x189: {  	v12 =	vadd.s32 v0, v12;
	[tilespmem:$0x1110] =	vst v14  }
0x18a: {  	[tilespmem:$0x1100] =	vst v12;
	v12 =	vadd.s32 v11, v13  }
0x18b: {  	v14 =	vadd.s32 v10, v13;
	[tilespmem:$0x10F0] =	vst v12  }
0x18c: {  	[tilespmem:$0x10E0] =	vst v14;
	v12 =	vadd.s32 v9, v13  }
0x18d: {  	v14 =	vadd.s32 v8, v13;
	[tilespmem:$0x10D0] =	vst v12  }
0x18e: {  	[tilespmem:$0x10C0] =	vst v14;
	v12 =	vadd.s32 v7, v13  }
0x18f: {  	v14 =	vadd.s32 v6, v13;
	[tilespmem:$0x10B0] =	vst v12  }
0x190: {  	[tilespmem:$0x10A0] =	vst v14;
	v12 =	vadd.s32 v5, v13  }
0x191: {  	v14 =	vadd.s32 v4, v13;
	[tilespmem:$0x1090] =	vst v12  }
0x192: {  	[tilespmem:$0x1080] =	vst v14;
	v12 =	vadd.s32 v3, v13  }
0x193: {  	v13 =	vadd.s32 s28, v11;
	[tilespmem:$0x1070] =	vst v12  }
0x194: {  	[tilespmem:$0x1870] =	vst v13  }
0x195: {  	[tilespmem:s11], [sflag:$0x1] =	stream.indirect.gather [hbm4b:s3+s9], $0x1, s10, s9, $0xb8;
	[tilespmem:$0x3080] =	vst v63  }
0x196: {  	_ =	swait.ge [sflag:s12], $0x1800  }
0x197: {  	[sflag:s12] =	ssyncset.done $0x0  }
0x198: {  	s14 =	simm.s32 $0x18E0;
	[sflag:s12] =	ssyncadd.s32 $0xFFFFE800  }
0x199: {  	v13 =	vld [tilespmem:s14+$0xFFFFFFB0]  }
0x19a: {  	v15 =	vld [tilespmem:s14+$0xFFFFFFA0];
	_ =	sdelay $0x1  }
0x19b: {  	v14 =	vld [tilespmem:s14+$0xFFFFFFC0];
	_ =	sdelay $0x1  }
0x19c: {  	v16 =	vld [tilespmem:s14+$0xFFFFFFD0]  }
0x19d: {  	v12 =	vmul.f32 v15, v15;
	v18 =	vmul.f32 v13, v13  }
0x19e: {  	v17 =	vld [tilespmem:s14+$0xFFFFFFE0]  }
0x19f: {  	v20 =	vmul.f32 v14, v14;
	v12 =	vadd.f32 v18, v12  }
0x1a0: {  	v19 =	vld [tilespmem:s14+$0xFFFFFFF0]  }
0x1a1: {  	v18 =	vmul.f32 v16, v16;
	v12 =	vadd.f32 v20, v12  }
0x1a2: {  	v20 =	vld [tilespmem:s14+$0x0]  }
0x1a3: {  	v21 =	vmul.f32 v17, v17;
	v18 =	vadd.f32 v18, v12  }
0x1a4: {  	v12 =	vld [tilespmem:s14+$0x10]  }
0x1a5: {  	s15 =	sand.u32 $0x1FC0, s2;
	v22 =	vmul.f32 v19, v19;
	v18 =	vadd.f32 v21, v18  }
0x1a6: {  	v23 =	vld [tilespmem:s15+$0x1900]  }
0x1a7: {  	v21 =	vmul.f32 v20, v20;
	v22 =	vadd.f32 v22, v18  }
0x1a8: {  	v18 =	vld [tilespmem:s14+$0x30]  }
0x1a9: {  	v24 =	vmul.f32 v12, v12;
	v22 =	vadd.f32 v21, v22  }
0x1aa: {  	v21 =	vld [tilespmem:s14+$0x40]  }
0x1ab: {  	v23 =	vmul.f32 v23, v23;
	v24 =	vadd.f32 v24, v22  }
0x1ac: {  	v22 =	vld [tilespmem:s14+$0x50]  }
0x1ad: {  	v25 =	vmul.f32 v18, v18;
	v23 =	vadd.f32 v23, v24;
	_ =	sdelay $0x1  }
0x1ae: {  	v62 =	vmul.f32 v21, v21;
	v23 =	vadd.f32 v25, v23;
	_ =	sdelay $0x1  }
0x1af: {  	v63 =	vmul.f32 v22, v22;
	v23 =	vadd.f32 v62, v23;
	_ =	sdelay $0x1  }
0x1b0: {  	v23 =	vadd.f32 v63, v23;
	_ =	sdelay $0x1  }
0x1b1: {  	(v2sf) =	vpush v23, $0x1  }
0x1b2: {  	(v2sf) =	vpush v23, $0xB  }
0x1b3: {  	(v2sf) =	vpush v23, $0x4  }
0x1b4: {  	(v2sf) =	vpush v23, $0x5  }
0x1b5: {  	(v2sf) =	vpush v23, $0x8  }
0x1b6: {  	(v2sf) =	vpush v23, $0x3  }
0x1b7: {  	(v2sf) =	vpush v23, $0xA  }
0x1b8: {  	(v2sf) =	vpush v23, $0x0  }
0x1b9: {  	(v2sf) =	vpush v23, $0x6  }
0x1ba: {  	(v2sf) =	vpush v23, $0x2  }
0x1bb: {  	(v2sf) =	vpush v23, $0xD  }
0x1bc: {  	(v2sf) =	vpush v23, $0xC  }
0x1bd: {  	(v2sf) =	vpush v23, $0x7  }
0x1be: {  	(v2sf) =	vpush v23, $0xE  }
0x1bf: {  	(v2sf) =	vpush v23, $0x9  }
0x1c0: {  	s16 =	spop (v2sf)  }
0x1c1: {  	(v2sf) =	vpush v23, $0xF;
	s17 =	spop (v2sf)  }
0x1c2: {  	s18 =	spop (v2sf)  }
0x1c3: {  	s19 =	spop (v2sf)  }
0x1c4: {  	s20 =	spop (v2sf)  }
0x1c5: {  	s21 =	spop (v2sf)  }
0x1c6: {  	s22 =	spop (v2sf)  }
0x1c7: {  	s23 =	spop (v2sf)  }
0x1c8: {  	s18 =	sadd.f32 s19, s18;
	s29 =	spop (v2sf)  }
0x1c9: {  	s17 =	sadd.f32 s17, s22;
	s30 =	spop (v2sf)  }
0x1ca: {  	s16 =	sadd.f32 s16, s23;
	s31 =	spop (v2sf)  }
0x1cb: {  	s21 =	sadd.f32 s21, s30;
	s24 =	spop (v2sf)  }
0x1cc: {  	s22 =	sadd.f32 s31, s24;
	s25 =	spop (v2sf)  }
0x1cd: {  	s16 =	sadd.f32 s21, s16;
	s26 =	spop (v2sf)  }
0x1ce: {  	s19 =	sadd.f32 s25, s29;
	s28 =	spop (v2sf)  }
0x1cf: {  	s20 =	sadd.f32 s28, s20  }
0x1d0: {  	s29 =	spop (v2sf);
	s18 =	sadd.f32 s19, s18  }
0x1d1: {  	s21 =	sadd.f32 s29, s26  }
0x1d2: {  	s17 =	sadd.f32 s17, s20  }
0x1d3: {  	s30 =	sadd.f32 s21, s22  }
0x1d4: {  	s16 =	sadd.f32 s18, s16  }
0x1d5: {  	s17 =	sadd.f32 s30, s17;
	_ =	sdelay $0x1  }
0x1d6: {  	s19 =	sadd.f32 s17, s16;
	_ =	sdelay $0x1  }
0x1d7: {  	s16 =	sshrl.u32 s19, $0x1;
	s20 =	smul.f32 $5.000000000e-01, s19  }
0x1d8: {  	s16 =	ssub.s32 $0x5F3759DF, s16  }
0x1d9: {  	s31 =	smul.f32 s16, s20;
	_ =	sdelay $0x1  }
0x1da: {  	s17 =	smul.f32 s16, s31;
	_ =	sdelay $0x1  }
0x1db: {  	s17 =	ssub.f32 $1.500000000e+00, s17;
	_ =	sdelay $0x1  }
0x1dc: {  	s21 =	smul.f32 s16, s17;
	_ =	sdelay $0x1  }
0x1dd: {  	s16 =	smul.f32 s21, s20;
	_ =	sdelay $0x1  }
0x1de: {  	s17 =	simm.s32 $0xC0;
	s22 =	smul.f32 s16, s21;
	s16 =	simm.s32 $0x18E0  }
.LBB2_2:
0x1df: {  	p0 =	sne.s32 s17, $0x1740  }
0x1e0: {  	s14 =	sadd.s32 $0xC0, s14;
	s18 =	smov.u32 s17;
	s17 =	sadd.s32 $0xC0, s17  }
0x1e1: {  	s22 =	ssub.f32 $1.500000000e+00, s22;
	_ =	sdelay $0x1  }
0x1e2: {  	s21 =	smul.f32 s22, s21;
	_ =	sdelay $0x1  }
0x1e3: {  	s20 =	smul.f32 s21, s20;
	_ =	sdelay $0x1  }
0x1e4: {  	s20 =	smul.f32 s20, s21;
	_ =	sdelay $0x1  }
0x1e5: {  	s20 =	ssub.f32 $1.500000000e+00, s20;
	_ =	sdelay $0x1  }
0x1e6: {  	s20 =	smul.f32 s20, s21;
	_ =	sdelay $0x1  }
0x1e7: {  	s19 =	smul.f32 s20, s19;
	_ =	sdelay $0x1  }
0x1e8: {  	p1 =	sge.f32 s19, $1.000000010e-07;
	_ =	sdelay $0x1  }
0x1e9: {  	s20 =	simm.s32 @!p1 $0x4B189680  }
0x1ea: {  	v15 =	vmul.f32 s20, v15;
	v13 =	vmul.f32 s20, v13  }
0x1eb: {  	v14 =	vmul.f32 s20, v14;
	v16 =	vmul.f32 s20, v16  }
0x1ec: {  	[tilespmem:s16+$0xFFFFFFA0] =	vst v15;
	v15 =	vmul.f32 s20, v17;
	v17 =	vmul.f32 s20, v19  }
0x1ed: {  	v18 =	vmul.f32 s20, v18;
	[tilespmem:s16+$0xFFFFFFD0] =	vst v16;
	v16 =	vmul.f32 s20, v20  }
0x1ee: {  	v19 =	vmul.f32 s20, v22;
	[tilespmem:s16+$0xFFFFFFE0] =	vst v15;
	v15 =	vmul.f32 s20, v21  }
0x1ef: {  	[tilespmem:s16+$0xFFFFFFF0] =	vst v17  }
0x1f0: {  	[tilespmem:s16+$0x0] =	vst v16  }
0x1f1: {  	v12 =	vmul.f32 s20, v12;
	[tilespmem:s16+$0xFFFFFFC0] =	vst v14  }
0x1f2: {  	[tilespmem:s16+$0xFFFFFFB0] =	vst v13  }
0x1f3: {  	[tilespmem:s16+$0x10] =	vst v12  }
0x1f4: {  	v12 =	vld [tilespmem:s15+$0x1900];
	_ =	sdelay $0x4  }
0x1f5: {  	v12 =	vmul.f32 s20, v12;
	_ =	sdelay $0x1  }
0x1f6: {  	[tilespmem:s15+$0x1900] =	vst v12  }
0x1f7: {  	[tilespmem:s16+$0x30] =	vst v18  }
0x1f8: {  	[tilespmem:s16+$0x40] =	vst v15  }
0x1f9: {  	v13 =	vld [tilespmem:s14+$0xFFFFFFB0];
	[tilespmem:s16+$0x50] =	vst v19;
	s16 =	smov.u32 s14  }
0x1fa: {  	v15 =	vld [tilespmem:s14+$0xFFFFFFA0]  }
0x1fb: {  	v12 =	vld [tilespmem:s14+$0x10]  }
0x1fc: {  	v14 =	vld [tilespmem:s14+$0xFFFFFFC0]  }
0x1fd: {  	v16 =	vld [tilespmem:s14+$0xFFFFFFD0]  }
0x1fe: {  	s15 =	sand.u32 $0x1FC0, s18;
	v17 =	vld [tilespmem:s14+$0xFFFFFFE0]  }
0x1ff: {  	v22 =	vld [tilespmem:s15+$0x1900]  }
0x200: {  	v19 =	vld [tilespmem:s14+$0xFFFFFFF0]  }
0x201: {  	v23 =	vmul.f32 v15, v15;
	v18 =	vld [tilespmem:s14+$0x30]  }
0x202: {  	v24 =	vmul.f32 v13, v13;
	v25 =	vmul.f32 v12, v12;
	v20 =	vld [tilespmem:s14+$0x0]  }
0x203: {  	v26 =	vmul.f32 v14, v14;
	v27 =	vmul.f32 v16, v16;
	v21 =	vld [tilespmem:s14+$0x40]  }
0x204: {  	v23 =	vadd.f32 v24, v23;
	v24 =	vmul.f32 v17, v17;
	v28 =	vmul.f32 v22, v22  }
0x205: {  	v22 =	vld [tilespmem:s14+$0x50]  }
0x206: {  	v23 =	vadd.f32 v26, v23;
	v26 =	vmul.f32 v19, v19;
	v29 =	vmul.f32 v18, v18;
	_ =	sdelay $0x1  }
0x207: {  	v23 =	vadd.f32 v27, v23;
	v27 =	vmul.f32 v21, v21;
	_ =	sdelay $0x1  }
0x208: {  	v23 =	vadd.f32 v24, v23;
	v24 =	vmul.f32 v22, v22  }
0x209: {  	v30 =	vmul.f32 v20, v20  }
0x20a: {  	v23 =	vadd.f32 v26, v23;
	_ =	sdelay $0x1  }
0x20b: {  	v23 =	vadd.f32 v30, v23;
	_ =	sdelay $0x1  }
0x20c: {  	v23 =	vadd.f32 v25, v23;
	_ =	sdelay $0x1  }
0x20d: {  	v23 =	vadd.f32 v28, v23;
	_ =	sdelay $0x1  }
0x20e: {  	v23 =	vadd.f32 v29, v23;
	_ =	sdelay $0x1  }
0x20f: {  	v23 =	vadd.f32 v27, v23;
	_ =	sdelay $0x1  }
0x210: {  	v23 =	vadd.f32 v24, v23;
	_ =	sdelay $0x1  }
0x211: {  	(v2sf) =	vpush v23, $0x1  }
0x212: {  	(v2sf) =	vpush v23, $0xB  }
0x213: {  	(v2sf) =	vpush v23, $0x4  }
0x214: {  	(v2sf) =	vpush v23, $0x5  }
0x215: {  	(v2sf) =	vpush v23, $0x8  }
0x216: {  	(v2sf) =	vpush v23, $0x3  }
0x217: {  	(v2sf) =	vpush v23, $0xA  }
0x218: {  	(v2sf) =	vpush v23, $0x0  }
0x219: {  	(v2sf) =	vpush v23, $0x6  }
0x21a: {  	(v2sf) =	vpush v23, $0x2  }
0x21b: {  	(v2sf) =	vpush v23, $0xD  }
0x21c: {  	(v2sf) =	vpush v23, $0xC  }
0x21d: {  	(v2sf) =	vpush v23, $0x7  }
0x21e: {  	(v2sf) =	vpush v23, $0xE  }
0x21f: {  	(v2sf) =	vpush v23, $0x9  }
0x220: {  	s18 =	spop (v2sf);
	(v2sf) =	vpush v23, $0xF  }
0x221: {  	s19 =	spop (v2sf)  }
0x222: {  	s20 =	spop (v2sf)  }
0x223: {  	s21 =	spop (v2sf)  }
0x224: {  	s20 =	sadd.f32 s21, s20;
	s21 =	spop (v2sf)  }
0x225: {  	s22 =	spop (v2sf)  }
0x226: {  	s23 =	spop (v2sf)  }
0x227: {  	s19 =	sadd.f32 s19, s23;
	s23 =	spop (v2sf)  }
0x228: {  	s18 =	sadd.f32 s18, s23;
	s23 =	spop (v2sf)  }
0x229: {  	s24 =	spop (v2sf)  }
0x22a: {  	s22 =	sadd.f32 s22, s24;
	s24 =	spop (v2sf)  }
0x22b: {  	s25 =	spop (v2sf)  }
0x22c: {  	s24 =	sadd.f32 s24, s25;
	s25 =	spop (v2sf)  }
0x22d: {  	s23 =	sadd.f32 s25, s23;
	s25 =	spop (v2sf)  }
0x22e: {  	s18 =	sadd.f32 s22, s18;
	s22 =	spop (v2sf)  }
0x22f: {  	s21 =	sadd.f32 s22, s21  }
0x230: {  	s22 =	spop (v2sf);
	s20 =	sadd.f32 s23, s20  }
0x231: {  	s22 =	sadd.f32 s22, s25  }
0x232: {  	s19 =	sadd.f32 s19, s21  }
0x233: {  	s21 =	sadd.f32 s22, s24  }
0x234: {  	s18 =	sadd.f32 s20, s18  }
0x235: {  	s19 =	sadd.f32 s21, s19;
	_ =	sdelay $0x1  }
0x236: {  	s19 =	sadd.f32 s19, s18;
	_ =	sdelay $0x1  }
0x237: {  	s18 =	sshrl.u32 s19, $0x1;
	s20 =	smul.f32 $5.000000000e-01, s19  }
0x238: {  	s18 =	ssub.s32 $0x5F3759DF, s18  }
0x239: {  	s21 =	smul.f32 s18, s20;
	_ =	sdelay $0x1  }
0x23a: {  	s21 =	smul.f32 s18, s21;
	_ =	sdelay $0x1  }
0x23b: {  	s21 =	ssub.f32 $1.500000000e+00, s21;
	_ =	sdelay $0x1  }
0x23c: {  	s21 =	smul.f32 s18, s21  }
.Ltmp0:
0x23d: {  	(pc) =	sbr.rel @p0 .LBB2_2-.Ltmp0, $3  }
0x23e: {  	_ = 	snop  }
0x23f: {  	s18 =	smul.f32 s21, s20;
	_ =	sdelay $0x1  }
0x240: {  	s22 =	smul.f32 s18, s21  }
0x241: {  	_ = 	snop  }
0x242: {  	s14 =	ssub.f32 $1.500000000e+00, s22;
	_ =	sdelay $0x1  }
0x243: {  	s14 =	smul.f32 s14, s21;
	_ =	sdelay $0x1  }
0x244: {  	s17 =	smul.f32 s14, s20;
	_ =	sdelay $0x1  }
0x245: {  	s17 =	smul.f32 s17, s14;
	_ =	sdelay $0x1  }
0x246: {  	s17 =	ssub.f32 $1.500000000e+00, s17;
	_ =	sdelay $0x1  }
0x247: {  	s14 =	smul.f32 s17, s14;
	_ =	sdelay $0x1  }
0x248: {  	s17 =	smul.f32 s14, s19;
	_ =	sdelay $0x1  }
0x249: {  	p0 =	sge.f32 s17, $1.000000010e-07;
	_ =	sdelay $0x1  }
0x24a: {  	s14 =	simm.s32 @!p0 $0x4B189680  }
0x24b: {  	v15 =	vmul.f32 s14, v15  }
0x24c: {  	v16 =	vmul.f32 s14, v16  }
0x24d: {  	v58 =	vmul.f32 s14, v17;
	[tilespmem:s16+$0xFFFFFFA0] =	vst v15  }
0x24e: {  	v59 =	vmul.f32 s14, v19;
	[tilespmem:s16+$0xFFFFFFD0] =	vst v16  }
0x24f: {  	v60 =	vmul.f32 s14, v20;
	[tilespmem:s16+$0xFFFFFFE0] =	vst v58  }
0x250: {  	v14 =	vmul.f32 s14, v14;
	[tilespmem:s16+$0xFFFFFFF0] =	vst v59  }
0x251: {  	v13 =	vmul.f32 s14, v13;
	[tilespmem:s16+$0x0] =	vst v60  }
0x252: {  	v12 =	vmul.f32 s14, v12;
	[tilespmem:s16+$0xFFFFFFC0] =	vst v14  }
0x253: {  	[tilespmem:s16+$0xFFFFFFB0] =	vst v13  }
0x254: {  	[tilespmem:s16+$0x10] =	vst v12  }
0x255: {  	v12 =	vld [tilespmem:s15+$0x1900];
	_ =	sdelay $0x4  }
0x256: {  	v12 =	vmul.f32 s14, v12  }
0x257: {  	v61 =	vmul.f32 s14, v18  }
0x258: {  	v62 =	vmul.f32 s14, v21;
	[tilespmem:s15+$0x1900] =	vst v12  }
0x259: {  	s13 =	sadd.s32 $0x1, s13;
	v63 =	vmul.f32 s14, v22;
	[tilespmem:s16+$0x30] =	vst v61  }
0x25a: {  	p0 =	sne.s32 s13, s7;
	[tilespmem:s16+$0x40] =	vst v62  }
.Ltmp1:
0x25b: {  	[tilespmem:s16+$0x50] =	vst v63;
	(pc) =	sbr.rel @p0 .LBB2_1-.Ltmp1, $4  }
0x25c: {  	[hbm4b:s6+s2] =	stream.linear.scatter [tilespmem:s11], [sflag:$0x2], $0x1800, $0x38;
	[tilespmem:$0x3080] =	vst v63  }
0x25d: {  	_ =	swait.ge [sflag:s8], $0x1800  }
0x25e: {  	[sflag:s8] =	ssyncset.done $0x0  }
0x25f: {  	[sflag:s8] =	ssyncadd.s32 $0xFFFFE800  }
0x260: {  	_ =	sfence.sel $0x180000  }
0x261: {  	[bflag:$0x0] =	sbarrier.arrive $0xFFFF  }
0x262: {  	p0 =	sne.s32 s1, $0x0;
	_ =	strace $0x90000047  }
0x263: {  	s0 =	sadd.s32 @!p0 $0x100000, s0;
	[bflag:$0x2] =	sbarrier.arrive $0xFFFF  }
0x264: {  	[sflag:s0] =	ssyncadd.tile.s32 @!p0 $0x1;
	_ =	shalt  }
.Lfunc_end2:
_tile_overlayer_lowered:
.L_overlay_start_2:
0x265: {  	(tag) =	ssettag $0x2  }
0x266: {  	s0 =	rddreg [dreg:$0x0];
	s2 =	stileid.u32  }
0x267: {  	s1 =	rddreg [dreg:$0x1];
	p0 =	sne.s32 s2, $0x0  }
0x268: {  	s3 =	rddreg [dreg:$0x2];
	[bflag:$0x3] =	sbarrier.arrive $0xFFFF;
	s2 =	simm.s32 @!p0 $0x1C02  }
0x269: {  	[timem:s3], [sflag:s2] =	dma.local @!p0 [hbm:s0], s1  }
0x26a: {  	s0 =	simm.s32 @!p0 $0x2  }
0x26b: {  	_ =	swait.ge @!p0 [sflag:s0], s1  }
0x26c: {  	s1 =	ssub.s32 @!p0 $0x0, s1;
	[sflag:s0] =	ssyncset.done @!p0 $0x0  }
0x26d: {  	[sflag:s0] =	ssyncadd.s32 @!p0 s1  }
0x26e: {  	[bflag:$0x3] =	sbarrier.arrive $0xFFFF  }
0x26f: {  	_ =	shalt  }

</sc_bundles>
